<compile_context>
chip_gen: v7x
topology: tpu7x:2x2x1
jax: 0.10.2.dev20260603
libtpu: 0.0.44.dev20260713+nightly
codegen_flags: <defaults>
</compile_context>

<pallas_src>
import functools

import jax
import jax.numpy as jnp
from jax import lax
from jax.experimental import pallas as pl
from jax.experimental.pallas import tpu as pltpu
from jax.experimental.pallas import tpu_sc as plsc

H, W = 480, 640
P = H * W
FX, FY, CX, CY = 500.0, 500.0, 320.0, 240.0
NPTS = 2_000_000
PN = 2 ** 21
PAD = PN - NPTS
SENT = 2147483647

NSTRIP = 8
STRIP = P // NSTRIP
NCHUNK = 4
CPTS = PN // NCHUNK
CH = 16384
TS = 960
QUARTER = STRIP // NCHUNK

PROWS = PN // 128
OROWS = P // 128


def _prep_body(x_r, y_r, z_r, r_r, g_r, b_r, lin_r, key_r, c30_r):
    z = z_r[...] + 3.0
    u = jnp.round(FX * x_r[...] / z + CX).astype(jnp.int32)
    v = jnp.round(FY * y_r[...] / z + CY).astype(jnp.int32)
    valid = (z > 1e-6) & (u >= 0) & (u < W) & (v >= 0) & (v < H)
    lin_r[...] = jnp.where(valid, v * W + u, SENT)
    zb = lax.bitcast_convert_type(z, jnp.int32)
    key_r[...] = jnp.where(valid, zb, SENT)

    def q(c_ref):
        return jnp.clip((c_ref[...] * 1024.0).astype(jnp.int32), 0, 1023)

    c30_r[...] = (q(r_r) << 20) | (q(g_r) << 10) | q(b_r)


_sc_mesh = plsc.VectorSubcoreMesh(core_axis_name="c", subcore_axis_name="s")


@functools.partial(
    pl.kernel,
    out_type=(
        jax.ShapeDtypeStruct((P,), jnp.int32),
        jax.ShapeDtypeStruct((32 * STRIP,), jnp.int32),
        jax.ShapeDtypeStruct((32 * STRIP,), jnp.int32),
    ),
    mesh=_sc_mesh,
    compiler_params=pltpu.CompilerParams(needs_layout_passes=False),
    scratch_types=[
        pltpu.VMEM((STRIP,), jnp.int32),
        pltpu.VMEM((STRIP,), jnp.int32),
        pltpu.VMEM((CH,), jnp.int32),
        pltpu.VMEM((CH,), jnp.int32),
        pltpu.VMEM((CH,), jnp.int32),
    ],
)
def _sc_scatter(lin_hbm, key_hbm, c30_hbm, out_hbm, dpart_hbm, cpart_hbm,
                d_tile, c_tile, lin_b, key_b, c_b):
    cid = lax.axis_index("c")
    sid = lax.axis_index("s")
    strip = 4 * cid + sid // 4
    chunk = sid % 4
    strip_lo = strip * STRIP
    base = chunk * CPTS
    wid = cid * 16 + sid
    base_row = cid * 16 + (sid // 4) * 4

    maxv = jnp.full((16,), SENT, jnp.int32)
    negv = jnp.full((16,), -1, jnp.int32)

    def init_body(i, carry):
        d_tile[pl.ds(i * 16, 16)] = maxv
        c_tile[pl.ds(i * 16, 16)] = negv
        return carry

    lax.fori_loop(0, STRIP // 16, init_body, 0)

    def blk(b, carry):
        off = pl.multiple_of(base + b * CH, CH)
        pltpu.sync_copy(lin_hbm.at[pl.ds(off, CH)], lin_b)
        pltpu.sync_copy(key_hbm.at[pl.ds(off, CH)], key_b)
        pltpu.sync_copy(c30_hbm.at[pl.ds(off, CH)], c_b)

        def one(voff):
            l = lin_b[pl.ds(voff, 16)]
            k = key_b[pl.ds(voff, 16)]
            li = l - strip_lo
            m = (li >= 0) & (li < STRIP)
            lic = jnp.where(m, li, 0)
            d = plsc.load_gather(d_tile, [lic])
            need = m & (k < d)
            cnt = plsc.all_reduce_population_count(need)[0]

            @pl.when(cnt > 0)
            def _():
                c = c_b[pl.ds(voff, 16)]

                def step(mask):
                    plsc.store_scatter(d_tile, [lic], k, mask=mask)
                    d2 = plsc.load_gather(d_tile, [lic])
                    won = mask & (k == d2)
                    plsc.store_scatter(c_tile, [lic], c, mask=won)
                    return mask & (k < d2)

                def w_cond(mask):
                    return plsc.all_reduce_population_count(mask)[0] > 0

                lax.while_loop(w_cond, step, step(need))

        def vec(i, c2):
            voff = pl.multiple_of(i * 32, 32)
            one(voff)
            one(voff + 16)
            return c2

        lax.fori_loop(0, CH // 32, vec, 0)
        return carry

    lax.fori_loop(0, CPTS // CH, blk, 0)

    poff = pl.multiple_of(wid * STRIP, STRIP)
    pltpu.sync_copy(d_tile, dpart_hbm.at[pl.ds(poff, STRIP)])
    pltpu.sync_copy(c_tile, cpart_hbm.at[pl.ds(poff, STRIP)])
    plsc.subcore_barrier()

    qo = chunk * QUARTER
    for t in range(QUARTER // TS):
        for j in range(4):
            doff = pl.multiple_of((base_row + j) * STRIP + qo + t * TS, TS)
            pltpu.sync_copy(dpart_hbm.at[pl.ds(doff, TS)],
                            lin_b.at[pl.ds(j * TS, TS)])
            pltpu.sync_copy(cpart_hbm.at[pl.ds(doff, TS)],
                            key_b.at[pl.ds(j * TS, TS)])

        def mv(i, c2, _t=t):
            d0 = lin_b[pl.ds(0 * TS + i * 16, 16)]
            d1 = lin_b[pl.ds(1 * TS + i * 16, 16)]
            d2 = lin_b[pl.ds(2 * TS + i * 16, 16)]
            d3 = lin_b[pl.ds(3 * TS + i * 16, 16)]
            c0 = key_b[pl.ds(0 * TS + i * 16, 16)]
            c1 = key_b[pl.ds(1 * TS + i * 16, 16)]
            c2_ = key_b[pl.ds(2 * TS + i * 16, 16)]
            c3 = key_b[pl.ds(3 * TS + i * 16, 16)]
            d01 = jnp.minimum(d0, d1)
            c01 = jnp.where(d0 <= d1, c0, c1)
            d23 = jnp.minimum(d2, d3)
            c23 = jnp.where(d2 <= d3, c2_, c3)
            c_b[pl.ds(i * 16, 16)] = jnp.where(d01 <= d23, c01, c23)
            return c2

        lax.fori_loop(0, TS // 16, mv, 0)
        ooff = pl.multiple_of(strip_lo + qo + t * TS, TS)
        pltpu.sync_copy(c_b.at[pl.ds(0, TS)], out_hbm.at[pl.ds(ooff, TS)])


def _unpack_body(c_r, r_r, g_r, b_r):
    c = c_r[...]
    cov = c >= 0

    def ch(shift):
        q = (c >> shift) & 1023
        return jnp.where(cov, (q.astype(jnp.float32) + 0.5) * (1.0 / 1024.0),
                         0.0)

    r_r[...] = ch(20)
    g_r[...] = ch(10)
    b_r[...] = ch(0)


def kernel(points, colors):
    xs = jnp.pad(points[:, 0], (0, PAD)).reshape(PROWS, 128)
    ys = jnp.pad(points[:, 1], (0, PAD)).reshape(PROWS, 128)
    zs = jnp.pad(points[:, 2], (0, PAD),
                 constant_values=-3.0).reshape(PROWS, 128)
    rs = jnp.pad(colors[:, 0], (0, PAD)).reshape(PROWS, 128)
    gs = jnp.pad(colors[:, 1], (0, PAD)).reshape(PROWS, 128)
    bs = jnp.pad(colors[:, 2], (0, PAD)).reshape(PROWS, 128)
    lin, key, c30 = pl.pallas_call(
        _prep_body,
        grid=(16,),
        in_specs=[pl.BlockSpec((1024, 128), lambda i: (i, 0))] * 6,
        out_specs=[pl.BlockSpec((1024, 128), lambda i: (i, 0))] * 3,
        out_shape=[jax.ShapeDtypeStruct((PROWS, 128), jnp.int32)] * 3,
    )(xs, ys, zs, rs, gs, bs)
    c30m, _, _ = _sc_scatter(lin.reshape(PN), key.reshape(PN),
                             c30.reshape(PN))
    cr, cg, cb = pl.pallas_call(
        _unpack_body,
        out_shape=[jax.ShapeDtypeStruct((OROWS, 128), jnp.float32)] * 3,
    )(c30m.reshape(OROWS, 128))
    return jnp.stack([cr, cg, cb], axis=-1).reshape(H, W, 3)

# --- scband reference (transcript-rebuilt; emitter-appended) ---
"""Pipeline reference for scband-projector-31456340475936 (READ-ONLY COPY).

The authoritative reference and input builder live on the scoring server;
editing this copy changes nothing except your own understanding.
"""

import jax, jax.numpy as jnp
import numpy as np

HEIGHT, WIDTH = 480, 640
FX, FY, CX, CY = 500.0, 500.0, 320.0, 240.0


def setup_inputs(seed: int = 0) -> dict:
    key = jax.random.key(seed)
    k1, k2 = jax.random.split(key)
    points = jax.random.normal(k1, (2000000, 3), dtype=jnp.float32)
    colors = jax.random.uniform(k2, (2000000, 3), dtype=jnp.float32)
    return {"points": points, "colors": colors}


def reference(points, colors):
    # pcd2depth: pinhole projection of 3D points into pixel coords with depth sort.
    x = points[:, 0]
    y = points[:, 1]
    z = points[:, 2] + 3.0  # shift cloud in front of camera
    u = jnp.round(FX * x / z + CX).astype(jnp.int32)
    v = jnp.round(FY * y / z + CY).astype(jnp.int32)
    valid = (z > 1e-6) & (u >= 0) & (u < WIDTH) & (v >= 0) & (v < HEIGHT)
    # invalid points routed to an extra dump row (index H*W), discarded after scatter
    lin = jnp.where(valid, v * WIDTH + u, HEIGHT * WIDTH)
    # depth_sort=True: write far-to-near so the nearest point wins each pixel
    order = jnp.argsort(-z)
    lin_s = jnp.take(lin, order, axis=0)
    col_s = jnp.take(colors, order, axis=0)
    buf = jnp.zeros((HEIGHT * WIDTH + 1, 3), dtype=jnp.float32)
    buf = buf.at[lin_s].set(col_s)  # scatter-overwrite: out[y, x] = colors[valid_indices]
    out = buf[: HEIGHT * WIDTH].reshape(HEIGHT, WIDTH, 3)
    return out

if __name__ == "__main__":
    import jax
    _d = setup_inputs()
    print(jax.jit(kernel)(*tuple(_d.values())))

</pallas_src>

<mosaic_0001>
#map = affine_map<(d0, d1) -> (0)>
module attributes {stable_mosaic.version = 14 : i64} {
  func.func @_sc_scatter(%arg0: i32, %arg1: i32, %arg2: memref<2097152xi32, #tpu.memory_space<hbm>>, %arg3: memref<2097152xi32, #tpu.memory_space<hbm>>, %arg4: memref<2097152xi32, #tpu.memory_space<hbm>>, %arg5: memref<307200xi32, #tpu.memory_space<hbm>>, %arg6: memref<1228800xi32, #tpu.memory_space<hbm>>, %arg7: memref<1228800xi32, #tpu.memory_space<hbm>>, %arg8: memref<38400xi32, #tpu.memory_space<vmem>>, %arg9: memref<38400xi32, #tpu.memory_space<vmem>>, %arg10: memref<16384xi32, #tpu.memory_space<vmem>>, %arg11: memref<16384xi32, #tpu.memory_space<vmem>>, %arg12: memref<16384xi32, #tpu.memory_space<vmem>>) attributes {dimension_semantics = [#tpu.dimension_semantics<core_parallel>, #tpu.dimension_semantics<subcore_parallel>], iteration_bounds = array<i64: 2, 16>, scalar_prefetch = 0 : i64, scratch_operands = 5 : i64, tpu.core_type = #tpu.core_type<sc_vector_subcore>, window_params = [{transform_indices = #map}, {transform_indices = #map}, {transform_indices = #map}, {transform_indices = #map}, {transform_indices = #map}, {transform_indices = #map}]} {
    %mul3A = arith.constant 4 : i32
    %mul3A_0 = arith.muli %mul3A, %arg0 : i32
    %jit3A = arith.constant 4 : i32
    %div3A = arith.divsi %arg1, %jit3A : i32
    %sign3A = arith.constant 0 : i32
    %sign3A_1 = arith.cmpi sgt, %arg1, %sign3A : i32
    %sign3A_2 = arith.extui %sign3A_1 : i1 to i32
    %sign3A_3 = arith.constant 0 : i32
    %sign3A_4 = arith.cmpi slt, %arg1, %sign3A_3 : i32
    %sign3A_5 = arith.extui %sign3A_4 : i1 to i32
    %sign3A_6 = arith.subi %sign3A_2, %sign3A_5 : i32
    %sign3A_7 = arith.constant 0 : i32
    %sign3A_8 = arith.cmpi sgt, %jit3A, %sign3A_7 : i32
    %sign3A_9 = arith.extui %sign3A_8 : i1 to i32
    %sign3A_10 = arith.constant 0 : i32
    %sign3A_11 = arith.cmpi slt, %jit3A, %sign3A_10 : i32
    %sign3A_12 = arith.extui %sign3A_11 : i1 to i32
    %sign3A_13 = arith.subi %sign3A_9, %sign3A_12 : i32
    %ne3A = arith.cmpi ne, %sign3A_6, %sign3A_13 : i32
    %rem3A = arith.remsi %arg1, %jit3A : i32
    %ne3A_14 = arith.constant 0 : i32
    %ne3A_15 = arith.cmpi ne, %rem3A, %ne3A_14 : i32
    %and3A = arith.andi %ne3A, %ne3A_15 : i1
    %sub3A = arith.constant 1 : i32
    %sub3A_16 = arith.subi %div3A, %sub3A : i32
    %select_n3A = arith.select %and3A, %sub3A_16, %div3A : i32
    %add3A = arith.addi %mul3A_0, %select_n3A : i32
    %jit3A_17 = arith.constant 4 : i32
    %eq3A = arith.constant 0 : i32
    %eq3A_18 = arith.cmpi eq, %jit3A_17, %eq3A : i32
    %jit3A_19 = arith.constant 1 : i32
    %select_n3A_20 = arith.select %eq3A_18, %jit3A_19, %jit3A_17 : i32
    %rem3A_21 = arith.remsi %arg1, %select_n3A_20 : i32
    %ne3A_22 = arith.constant 0 : i32
    %ne3A_23 = arith.cmpi ne, %rem3A_21, %ne3A_22 : i32
    %lt3A = arith.constant 0 : i32
    %lt3A_24 = arith.cmpi slt, %rem3A_21, %lt3A : i32
    %lt3A_25 = arith.constant 0 : i32
    %lt3A_26 = arith.cmpi slt, %select_n3A_20, %lt3A_25 : i32
    %ne3A_27 = arith.xori %lt3A_24, %lt3A_26 : i1
    %and3A_28 = arith.andi %ne3A_27, %ne3A_23 : i1
    %add3A_29 = arith.addi %rem3A_21, %select_n3A_20 : i32
    %select_n3A_30 = arith.select %and3A_28, %add3A_29, %rem3A_21 : i32
    %mul3A_31 = arith.constant 38400 : i32
    %mul3A_32 = arith.muli %add3A, %mul3A_31 : i32
    %mul3A_33 = arith.constant 524288 : i32
    %mul3A_34 = arith.muli %select_n3A_30, %mul3A_33 : i32
    %mul3A_35 = arith.constant 16 : i32
    %mul3A_36 = arith.muli %arg0, %mul3A_35 : i32
    %add3A_37 = arith.addi %mul3A_36, %arg1 : i32
    %mul3A_38 = arith.constant 16 : i32
    %mul3A_39 = arith.muli %arg0, %mul3A_38 : i32
    %jit3A_40 = arith.constant 4 : i32
    %div3A_41 = arith.divsi %arg1, %jit3A_40 : i32
    %sign3A_42 = arith.constant 0 : i32
    %sign3A_43 = arith.cmpi sgt, %arg1, %sign3A_42 : i32
    %sign3A_44 = arith.extui %sign3A_43 : i1 to i32
    %sign3A_45 = arith.constant 0 : i32
    %sign3A_46 = arith.cmpi slt, %arg1, %sign3A_45 : i32
    %sign3A_47 = arith.extui %sign3A_46 : i1 to i32
    %sign3A_48 = arith.subi %sign3A_44, %sign3A_47 : i32
    %sign3A_49 = arith.constant 0 : i32
    %sign3A_50 = arith.cmpi sgt, %jit3A_40, %sign3A_49 : i32
    %sign3A_51 = arith.extui %sign3A_50 : i1 to i32
    %sign3A_52 = arith.constant 0 : i32
    %sign3A_53 = arith.cmpi slt, %jit3A_40, %sign3A_52 : i32
    %sign3A_54 = arith.extui %sign3A_53 : i1 to i32
    %sign3A_55 = arith.subi %sign3A_51, %sign3A_54 : i32
    %ne3A_56 = arith.cmpi ne, %sign3A_48, %sign3A_55 : i32
    %rem3A_57 = arith.remsi %arg1, %jit3A_40 : i32
    %ne3A_58 = arith.constant 0 : i32
    %ne3A_59 = arith.cmpi ne, %rem3A_57, %ne3A_58 : i32
    %and3A_60 = arith.andi %ne3A_56, %ne3A_59 : i1
    %sub3A_61 = arith.constant 1 : i32
    %sub3A_62 = arith.subi %div3A_41, %sub3A_61 : i32
    %select_n3A_63 = arith.select %and3A_60, %sub3A_62, %div3A_41 : i32
    %mul3A_64 = arith.constant 4 : i32
    %mul3A_65 = arith.muli %select_n3A_63, %mul3A_64 : i32
    %add3A_66 = arith.addi %mul3A_39, %mul3A_65 : i32
    %broadcast_in_dim3A = arith.constant 2147483647 : i32
    %broadcast_in_dim3A_67 = vector.broadcast %broadcast_in_dim3A : i32 to vector<16xi32>
    %broadcast_in_dim3A_68 = arith.constant -1 : i32
    %broadcast_in_dim3A_69 = vector.broadcast %broadcast_in_dim3A_68 : i32 to vector<16xi32>
    %scan3A = arith.constant 0 : i32
    %scan3A_70 = arith.constant 0 : i32
    %scan3A_71 = arith.constant 2400 : i32
    %scan3A_72 = arith.addi %scan3A_70, %scan3A_71 : i32
    %scan3A_73 = arith.constant 1 : i32
    scf.for %scan3A_505 = %scan3A_70 to %scan3A_72 step %scan3A_73  : i32 {
      %mul3A_506 = arith.constant 16 : i32
      %mul3A_507 = arith.muli %scan3A_505, %mul3A_506 : i32
      %swap3A = arith.index_cast %mul3A_507 : i32 to index
      %swap3A_508 = tpu.vector_load %arg8[%swap3A] {strides = array<i32>} : memref<38400xi32, #tpu.memory_space<vmem>>, vector<16xi32>,
      tpu.vector_store %arg8[%swap3A], %broadcast_in_dim3A_67 {strides = array<i32>} : memref<38400xi32, #tpu.memory_space<vmem>>, vector<16xi32>,
      %mul3A_509 = arith.constant 16 : i32
      %mul3A_510 = arith.muli %scan3A_505, %mul3A_509 : i32
      %swap3A_511 = arith.index_cast %mul3A_510 : i32 to index
      %swap3A_512 = tpu.vector_load %arg9[%swap3A_511] {strides = array<i32>} : memref<38400xi32, #tpu.memory_space<vmem>>, vector<16xi32>,
      tpu.vector_store %arg9[%swap3A_511], %broadcast_in_dim3A_69 {strides = array<i32>} : memref<38400xi32, #tpu.memory_space<vmem>>, vector<16xi32>,
    }
    %scan3A_74 = arith.constant 2400 : i32
    %scan3A_75 = arith.constant 0 : i32
    %scan3A_76 = arith.constant 0 : i32
    %scan3A_77 = arith.constant 32 : i32
    %scan3A_78 = arith.addi %scan3A_76, %scan3A_77 : i32
    %scan3A_79 = arith.constant 1 : i32
    scf.for %scan3A_505 = %scan3A_76 to %scan3A_78 step %scan3A_79  : i32 {
      %mul3A_506 = arith.constant 16384 : i32
      %mul3A_507 = arith.muli %scan3A_505, %mul3A_506 : i32
      %add3A_508 = arith.addi %mul3A_34, %mul3A_507 : i32
      %multiple_of3A_509 = tpu.assume_multiple %add3A_508, 16384 : i32
      "tpu.region"() ({
        %run_scoped3A = tpu.sem_alloc : memref<!tpu.dma_semaphore, #tpu.memory_space<semaphore_mem>>
        %dma_start3A = tpu.memref_slice %arg2[%multiple_of3A_509] : memref<2097152xi32, #tpu.memory_space<hbm>> -> memref<16384xi32, #tpu.memory_space<hbm>>
        %dma_start3A_516 = tpu.memref_slice %arg2[%multiple_of3A_509] : memref<2097152xi32, #tpu.memory_space<hbm>> -> memref<16384xi32, #tpu.memory_space<hbm>>
        tpu.enqueue_dma source(%dma_start3A_516 : memref<16384xi32, #tpu.memory_space<hbm>>) target(%arg10 : memref<16384xi32, #tpu.memory_space<vmem>>) target_semaphore(%run_scoped3A : memref<!tpu.dma_semaphore, #tpu.memory_space<semaphore_mem>>)
        %dma_wait3A = tpu.memref_slice %arg2[%multiple_of3A_509] : memref<2097152xi32, #tpu.memory_space<hbm>> -> memref<16384xi32, #tpu.memory_space<hbm>>
        %dma_wait3A_517 = tpu.memref_slice %arg2[%multiple_of3A_509] : memref<2097152xi32, #tpu.memory_space<hbm>> -> memref<16384xi32, #tpu.memory_space<hbm>>
        tpu.wait_dma2 semaphore(%run_scoped3A : memref<!tpu.dma_semaphore, #tpu.memory_space<semaphore_mem>>) src(%dma_wait3A_517 : memref<16384xi32, #tpu.memory_space<hbm>>) dst(%arg10 : memref<16384xi32, #tpu.memory_space<vmem>>)
        tpu.yield
      }) : () -> ()
      "tpu.region"() ({
        %run_scoped3A = tpu.sem_alloc : memref<!tpu.dma_semaphore, #tpu.memory_space<semaphore_mem>>
        %dma_start3A = tpu.memref_slice %arg3[%multiple_of3A_509] : memref<2097152xi32, #tpu.memory_space<hbm>> -> memref<16384xi32, #tpu.memory_space<hbm>>
        %dma_start3A_516 = tpu.memref_slice %arg3[%multiple_of3A_509] : memref<2097152xi32, #tpu.memory_space<hbm>> -> memref<16384xi32, #tpu.memory_space<hbm>>
        tpu.enqueue_dma source(%dma_start3A_516 : memref<16384xi32, #tpu.memory_space<hbm>>) target(%arg11 : memref<16384xi32, #tpu.memory_space<vmem>>) target_semaphore(%run_scoped3A : memref<!tpu.dma_semaphore, #tpu.memory_space<semaphore_mem>>)
        %dma_wait3A = tpu.memref_slice %arg3[%multiple_of3A_509] : memref<2097152xi32, #tpu.memory_space<hbm>> -> memref<16384xi32, #tpu.memory_space<hbm>>
        %dma_wait3A_517 = tpu.memref_slice %arg3[%multiple_of3A_509] : memref<2097152xi32, #tpu.memory_space<hbm>> -> memref<16384xi32, #tpu.memory_space<hbm>>
        tpu.wait_dma2 semaphore(%run_scoped3A : memref<!tpu.dma_semaphore, #tpu.memory_space<semaphore_mem>>) src(%dma_wait3A_517 : memref<16384xi32, #tpu.memory_space<hbm>>) dst(%arg11 : memref<16384xi32, #tpu.memory_space<vmem>>)
        tpu.yield
      }) : () -> ()
      "tpu.region"() ({
        %run_scoped3A = tpu.sem_alloc : memref<!tpu.dma_semaphore, #tpu.memory_space<semaphore_mem>>
        %dma_start3A = tpu.memref_slice %arg4[%multiple_of3A_509] : memref<2097152xi32, #tpu.memory_space<hbm>> -> memref<16384xi32, #tpu.memory_space<hbm>>
        %dma_start3A_516 = tpu.memref_slice %arg4[%multiple_of3A_509] : memref<2097152xi32, #tpu.memory_space<hbm>> -> memref<16384xi32, #tpu.memory_space<hbm>>
        tpu.enqueue_dma source(%dma_start3A_516 : memref<16384xi32, #tpu.memory_space<hbm>>) target(%arg12 : memref<16384xi32, #tpu.memory_space<vmem>>) target_semaphore(%run_scoped3A : memref<!tpu.dma_semaphore, #tpu.memory_space<semaphore_mem>>)
        %dma_wait3A = tpu.memref_slice %arg4[%multiple_of3A_509] : memref<2097152xi32, #tpu.memory_space<hbm>> -> memref<16384xi32, #tpu.memory_space<hbm>>
        %dma_wait3A_517 = tpu.memref_slice %arg4[%multiple_of3A_509] : memref<2097152xi32, #tpu.memory_space<hbm>> -> memref<16384xi32, #tpu.memory_space<hbm>>
        tpu.wait_dma2 semaphore(%run_scoped3A : memref<!tpu.dma_semaphore, #tpu.memory_space<semaphore_mem>>) src(%dma_wait3A_517 : memref<16384xi32, #tpu.memory_space<hbm>>) dst(%arg12 : memref<16384xi32, #tpu.memory_space<vmem>>)
        tpu.yield
      }) : () -> ()
      %scan3A_510 = arith.constant 0 : i32
      %scan3A_511 = arith.constant 0 : i32
      %scan3A_512 = arith.constant 512 : i32
      %scan3A_513 = arith.addi %scan3A_511, %scan3A_512 : i32
      %scan3A_514 = arith.constant 1 : i32
      scf.for %scan3A_516 = %scan3A_511 to %scan3A_513 step %scan3A_514  : i32 {
        %mul3A_517 = arith.constant 32 : i32
        %mul3A_518 = arith.muli %scan3A_516, %mul3A_517 : i32
        %multiple_of3A_519 = tpu.assume_multiple %mul3A_518, 32 : i32
        %get3A = arith.index_cast %multiple_of3A_519 : i32 to index
        %get3A_520 = tpu.vector_load %arg10[%get3A] {strides = array<i32>} : memref<16384xi32, #tpu.memory_space<vmem>>, vector<16xi32>,
        %get3A_521 = arith.index_cast %multiple_of3A_519 : i32 to index
        %get3A_522 = tpu.vector_load %arg11[%get3A_521] {strides = array<i32>} : memref<16384xi32, #tpu.memory_space<vmem>>, vector<16xi32>,
        %sub3A_523 = vector.broadcast %mul3A_32 : i32 to vector<16xi32>
        %sub3A_524 = arith.subi %get3A_520, %sub3A_523 : vector<16xi32>
        %ge3A = arith.constant 0 : i32
        %ge3A_525 = vector.broadcast %ge3A : i32 to vector<16xi32>
        %ge3A_526 = arith.cmpi sge, %sub3A_524, %ge3A_525 : vector<16xi32>
        %lt3A_527 = arith.constant 38400 : i32
        %lt3A_528 = vector.broadcast %lt3A_527 : i32 to vector<16xi32>
        %lt3A_529 = arith.cmpi slt, %sub3A_524, %lt3A_528 : vector<16xi32>
        %and3A_530 = arith.andi %ge3A_526, %lt3A_529 : vector<16xi1>
        %jit3A_531 = arith.constant 0 : i32
        %broadcast_in_dim3A_532 = vector.broadcast %jit3A_531 : i32 to vector<16xi32>
        %select_n3A_533 = arith.select %and3A_530, %sub3A_524, %broadcast_in_dim3A_532 : vector<16xi1>, vector<16xi32>
        %gather3A = tpu.vector_load_idx %arg8[%select_n3A_533] : memref<38400xi32, #tpu.memory_space<vmem>>[vector<16xi32>], vector<16xi32>,
        %lt3A_534 = arith.cmpi slt, %get3A_522, %gather3A : vector<16xi32>
        %and3A_535 = arith.andi %and3A_530, %lt3A_534 : vector<16xi1>
        %all_reduce_population_count3A = tpu.all_reduce %and3A_535 {dim = 0 : i64, kind = #tpu.reduction_kind<sum>} : vector<16xi1> -> vector<16xi32>
        %slice3A = vector.extract_strided_slice %all_reduce_population_count3A {offsets = [0], sizes = [1], strides = [1]} : vector<16xi32> to vector<1xi32>
        %squeeze3A = vector.extract %slice3A[0] : i32 from vector<1xi32>
        %gt3A = arith.constant 0 : i32
        %gt3A_536 = arith.cmpi sgt, %squeeze3A, %gt3A : i32
        %convert_element_type3A = arith.extui %gt3A_536 : i1 to i32
        %cond3A = arith.constant 0 : i32
        %cond3A_537 = arith.cmpi ne, %convert_element_type3A, %cond3A : i32
        scf.if %cond3A_537 {
          %get3A_567 = arith.index_cast %multiple_of3A_519 : i32 to index
          %get3A_568 = tpu.vector_load %arg12[%get3A_567] {strides = array<i32>} : memref<16384xi32, #tpu.memory_space<vmem>>, vector<16xi32>,
          tpu.vector_store_idx %arg8[%select_n3A_533], %get3A_522 masked %and3A_535 : memref<38400xi32, #tpu.memory_space<vmem>>[vector<16xi32>], vector<16xi32>, vector<16xi1>
          %gather3A_569 = tpu.vector_load_idx %arg8[%select_n3A_533] : memref<38400xi32, #tpu.memory_space<vmem>>[vector<16xi32>], vector<16xi32>,
          %eq3A_570 = arith.cmpi eq, %get3A_522, %gather3A_569 : vector<16xi32>
          %and3A_571 = arith.andi %and3A_535, %eq3A_570 : vector<16xi1>
          tpu.vector_store_idx %arg9[%select_n3A_533], %get3A_568 masked %and3A_571 : memref<38400xi32, #tpu.memory_space<vmem>>[vector<16xi32>], vector<16xi32>, vector<16xi1>
          %lt3A_572 = arith.cmpi slt, %get3A_522, %gather3A_569 : vector<16xi32>
          %and3A_573 = arith.andi %and3A_535, %lt3A_572 : vector<16xi1>
          %while3A = scf.while (%while3A_574 = %and3A_573) : (vector<16xi1>) -> vector<16xi1> {
            %all_reduce_population_count3A_575 = tpu.all_reduce %while3A_574 {dim = 0 : i64, kind = #tpu.reduction_kind<sum>} : vector<16xi1> -> vector<16xi32>
            %slice3A_576 = vector.extract_strided_slice %all_reduce_population_count3A_575 {offsets = [0], sizes = [1], strides = [1]} : vector<16xi32> to vector<1xi32>
            %squeeze3A_577 = vector.extract %slice3A_576[0] : i32 from vector<1xi32>
            %gt3A_578 = arith.constant 0 : i32
            %gt3A_579 = arith.cmpi sgt, %squeeze3A_577, %gt3A_578 : i32
            scf.condition(%gt3A_579) %while3A_574 : vector<16xi1>
          } do {
          ^bb0(%while3A_574: vector<16xi1>):
            tpu.vector_store_idx %arg8[%select_n3A_533], %get3A_522 masked %while3A_574 : memref<38400xi32, #tpu.memory_space<vmem>>[vector<16xi32>], vector<16xi32>, vector<16xi1>
            %gather3A_575 = tpu.vector_load_idx %arg8[%select_n3A_533] : memref<38400xi32, #tpu.memory_space<vmem>>[vector<16xi32>], vector<16xi32>,
            %eq3A_576 = arith.cmpi eq, %get3A_522, %gather3A_575 : vector<16xi32>
            %and3A_577 = arith.andi %while3A_574, %eq3A_576 : vector<16xi1>
            tpu.vector_store_idx %arg9[%select_n3A_533], %get3A_568 masked %and3A_577 : memref<38400xi32, #tpu.memory_space<vmem>>[vector<16xi32>], vector<16xi32>, vector<16xi1>
            %lt3A_578 = arith.cmpi slt, %get3A_522, %gather3A_575 : vector<16xi32>
            %and3A_579 = arith.andi %while3A_574, %lt3A_578 : vector<16xi1>
            scf.yield %and3A_579 : vector<16xi1>
          }
        } else {
        }
        %add3A_538 = arith.constant 16 : i32
        %add3A_539 = arith.addi %multiple_of3A_519, %add3A_538 : i32
        %get3A_540 = arith.index_cast %add3A_539 : i32 to index
        %get3A_541 = tpu.vector_load %arg10[%get3A_540] {strides = array<i32>} : memref<16384xi32, #tpu.memory_space<vmem>>, vector<16xi32>,
        %get3A_542 = arith.index_cast %add3A_539 : i32 to index
        %get3A_543 = tpu.vector_load %arg11[%get3A_542] {strides = array<i32>} : memref<16384xi32, #tpu.memory_space<vmem>>, vector<16xi32>,
        %sub3A_544 = vector.broadcast %mul3A_32 : i32 to vector<16xi32>
        %sub3A_545 = arith.subi %get3A_541, %sub3A_544 : vector<16xi32>
        %ge3A_546 = arith.constant 0 : i32
        %ge3A_547 = vector.broadcast %ge3A_546 : i32 to vector<16xi32>
        %ge3A_548 = arith.cmpi sge, %sub3A_545, %ge3A_547 : vector<16xi32>
        %lt3A_549 = arith.constant 38400 : i32
        %lt3A_550 = vector.broadcast %lt3A_549 : i32 to vector<16xi32>
        %lt3A_551 = arith.cmpi slt, %sub3A_545, %lt3A_550 : vector<16xi32>
        %and3A_552 = arith.andi %ge3A_548, %lt3A_551 : vector<16xi1>
        %jit3A_553 = arith.constant 0 : i32
        %broadcast_in_dim3A_554 = vector.broadcast %jit3A_553 : i32 to vector<16xi32>
        %select_n3A_555 = arith.select %and3A_552, %sub3A_545, %broadcast_in_dim3A_554 : vector<16xi1>, vector<16xi32>
        %gather3A_556 = tpu.vector_load_idx %arg8[%select_n3A_555] : memref<38400xi32, #tpu.memory_space<vmem>>[vector<16xi32>], vector<16xi32>,
        %lt3A_557 = arith.cmpi slt, %get3A_543, %gather3A_556 : vector<16xi32>
        %and3A_558 = arith.andi %and3A_552, %lt3A_557 : vector<16xi1>
        %all_reduce_population_count3A_559 = tpu.all_reduce %and3A_558 {dim = 0 : i64, kind = #tpu.reduction_kind<sum>} : vector<16xi1> -> vector<16xi32>
        %slice3A_560 = vector.extract_strided_slice %all_reduce_population_count3A_559 {offsets = [0], sizes = [1], strides = [1]} : vector<16xi32> to vector<1xi32>
        %squeeze3A_561 = vector.extract %slice3A_560[0] : i32 from vector<1xi32>
        %gt3A_562 = arith.constant 0 : i32
        %gt3A_563 = arith.cmpi sgt, %squeeze3A_561, %gt3A_562 : i32
        %convert_element_type3A_564 = arith.extui %gt3A_563 : i1 to i32
        %cond3A_565 = arith.constant 0 : i32
        %cond3A_566 = arith.cmpi ne, %convert_element_type3A_564, %cond3A_565 : i32
        scf.if %cond3A_566 {
          %get3A_567 = arith.index_cast %add3A_539 : i32 to index
          %get3A_568 = tpu.vector_load %arg12[%get3A_567] {strides = array<i32>} : memref<16384xi32, #tpu.memory_space<vmem>>, vector<16xi32>,
          tpu.vector_store_idx %arg8[%select_n3A_555], %get3A_543 masked %and3A_558 : memref<38400xi32, #tpu.memory_space<vmem>>[vector<16xi32>], vector<16xi32>, vector<16xi1>
          %gather3A_569 = tpu.vector_load_idx %arg8[%select_n3A_555] : memref<38400xi32, #tpu.memory_space<vmem>>[vector<16xi32>], vector<16xi32>,
          %eq3A_570 = arith.cmpi eq, %get3A_543, %gather3A_569 : vector<16xi32>
          %and3A_571 = arith.andi %and3A_558, %eq3A_570 : vector<16xi1>
          tpu.vector_store_idx %arg9[%select_n3A_555], %get3A_568 masked %and3A_571 : memref<38400xi32, #tpu.memory_space<vmem>>[vector<16xi32>], vector<16xi32>, vector<16xi1>
          %lt3A_572 = arith.cmpi slt, %get3A_543, %gather3A_569 : vector<16xi32>
          %and3A_573 = arith.andi %and3A_558, %lt3A_572 : vector<16xi1>
          %while3A = scf.while (%while3A_574 = %and3A_573) : (vector<16xi1>) -> vector<16xi1> {
            %all_reduce_population_count3A_575 = tpu.all_reduce %while3A_574 {dim = 0 : i64, kind = #tpu.reduction_kind<sum>} : vector<16xi1> -> vector<16xi32>
            %slice3A_576 = vector.extract_strided_slice %all_reduce_population_count3A_575 {offsets = [0], sizes = [1], strides = [1]} : vector<16xi32> to vector<1xi32>
            %squeeze3A_577 = vector.extract %slice3A_576[0] : i32 from vector<1xi32>
            %gt3A_578 = arith.constant 0 : i32
            %gt3A_579 = arith.cmpi sgt, %squeeze3A_577, %gt3A_578 : i32
            scf.condition(%gt3A_579) %while3A_574 : vector<16xi1>
          } do {
          ^bb0(%while3A_574: vector<16xi1>):
            tpu.vector_store_idx %arg8[%select_n3A_555], %get3A_543 masked %while3A_574 : memref<38400xi32, #tpu.memory_space<vmem>>[vector<16xi32>], vector<16xi32>, vector<16xi1>
            %gather3A_575 = tpu.vector_load_idx %arg8[%select_n3A_555] : memref<38400xi32, #tpu.memory_space<vmem>>[vector<16xi32>], vector<16xi32>,
            %eq3A_576 = arith.cmpi eq, %get3A_543, %gather3A_575 : vector<16xi32>
            %and3A_577 = arith.andi %while3A_574, %eq3A_576 : vector<16xi1>
            tpu.vector_store_idx %arg9[%select_n3A_555], %get3A_568 masked %and3A_577 : memref<38400xi32, #tpu.memory_space<vmem>>[vector<16xi32>], vector<16xi32>, vector<16xi1>
            %lt3A_578 = arith.cmpi slt, %get3A_543, %gather3A_575 : vector<16xi32>
            %and3A_579 = arith.andi %while3A_574, %lt3A_578 : vector<16xi1>
            scf.yield %and3A_579 : vector<16xi1>
          }
        } else {
        }
      }
      %scan3A_515 = arith.constant 512 : i32
    }
    %scan3A_80 = arith.constant 32 : i32
    %mul3A_81 = arith.constant 38400 : i32
    %mul3A_82 = arith.muli %add3A_37, %mul3A_81 : i32
    %multiple_of3A = tpu.assume_multiple %mul3A_82, 38400 : i32
    "tpu.region"() ({
      %run_scoped3A = tpu.sem_alloc : memref<!tpu.dma_semaphore, #tpu.memory_space<semaphore_mem>>
      %dma_start3A = tpu.memref_slice %arg6[%multiple_of3A] : memref<1228800xi32, #tpu.memory_space<hbm>> -> memref<38400xi32, #tpu.memory_space<hbm>>
      %dma_start3A_505 = tpu.memref_slice %arg6[%multiple_of3A] : memref<1228800xi32, #tpu.memory_space<hbm>> -> memref<38400xi32, #tpu.memory_space<hbm>>
      tpu.enqueue_dma source(%arg8 : memref<38400xi32, #tpu.memory_space<vmem>>) target(%dma_start3A_505 : memref<38400xi32, #tpu.memory_space<hbm>>) target_semaphore(%run_scoped3A : memref<!tpu.dma_semaphore, #tpu.memory_space<semaphore_mem>>)
      %dma_wait3A = tpu.memref_slice %arg6[%multiple_of3A] : memref<1228800xi32, #tpu.memory_space<hbm>> -> memref<38400xi32, #tpu.memory_space<hbm>>
      %dma_wait3A_506 = tpu.memref_slice %arg6[%multiple_of3A] : memref<1228800xi32, #tpu.memory_space<hbm>> -> memref<38400xi32, #tpu.memory_space<hbm>>
      tpu.wait_dma2 semaphore(%run_scoped3A : memref<!tpu.dma_semaphore, #tpu.memory_space<semaphore_mem>>) src(%arg8 : memref<38400xi32, #tpu.memory_space<vmem>>) dst(%dma_wait3A_506 : memref<38400xi32, #tpu.memory_space<hbm>>)
      tpu.yield
    }) : () -> ()
    "tpu.region"() ({
      %run_scoped3A = tpu.sem_alloc : memref<!tpu.dma_semaphore, #tpu.memory_space<semaphore_mem>>
      %dma_start3A = tpu.memref_slice %arg7[%multiple_of3A] : memref<1228800xi32, #tpu.memory_space<hbm>> -> memref<38400xi32, #tpu.memory_space<hbm>>
      %dma_start3A_505 = tpu.memref_slice %arg7[%multiple_of3A] : memref<1228800xi32, #tpu.memory_space<hbm>> -> memref<38400xi32, #tpu.memory_space<hbm>>
      tpu.enqueue_dma source(%arg9 : memref<38400xi32, #tpu.memory_space<vmem>>) target(%dma_start3A_505 : memref<38400xi32, #tpu.memory_space<hbm>>) target_semaphore(%run_scoped3A : memref<!tpu.dma_semaphore, #tpu.memory_space<semaphore_mem>>)
      %dma_wait3A = tpu.memref_slice %arg7[%multiple_of3A] : memref<1228800xi32, #tpu.memory_space<hbm>> -> memref<38400xi32, #tpu.memory_space<hbm>>
      %dma_wait3A_506 = tpu.memref_slice %arg7[%multiple_of3A] : memref<1228800xi32, #tpu.memory_space<hbm>> -> memref<38400xi32, #tpu.memory_space<hbm>>
      tpu.wait_dma2 semaphore(%run_scoped3A : memref<!tpu.dma_semaphore, #tpu.memory_space<semaphore_mem>>) src(%arg9 : memref<38400xi32, #tpu.memory_space<vmem>>) dst(%dma_wait3A_506 : memref<38400xi32, #tpu.memory_space<hbm>>)
      tpu.yield
    }) : () -> ()
    %barrier3A = arith.constant 0 : index
    tpu.barrier barrier_id(%barrier3A)
    %mul3A_83 = arith.constant 9600 : i32
    %mul3A_84 = arith.muli %select_n3A_30, %mul3A_83 : i32
    %add3A_85 = arith.constant 0 : i32
    %add3A_86 = arith.addi %add3A_66, %add3A_85 : i32
    %mul3A_87 = arith.constant 38400 : i32
    %mul3A_88 = arith.muli %add3A_86, %mul3A_87 : i32
    %add3A_89 = arith.addi %mul3A_88, %mul3A_84 : i32
    %add3A_90 = arith.constant 0 : i32
    %add3A_91 = arith.addi %add3A_89, %add3A_90 : i32
    %multiple_of3A_92 = tpu.assume_multiple %add3A_91, 960 : i32
    "tpu.region"() ({
      %run_scoped3A = tpu.sem_alloc : memref<!tpu.dma_semaphore, #tpu.memory_space<semaphore_mem>>
      %dma_start3A = arith.constant 0 : i32
      %dma_start3A_505 = tpu.memref_slice %arg10[%dma_start3A] : memref<16384xi32, #tpu.memory_space<vmem>> -> memref<960xi32, #tpu.memory_space<vmem>>
      %dma_start3A_506 = tpu.memref_slice %arg6[%multiple_of3A_92] : memref<1228800xi32, #tpu.memory_space<hbm>> -> memref<960xi32, #tpu.memory_space<hbm>>
      %dma_start3A_507 = arith.constant 0 : i32
      %dma_start3A_508 = tpu.memref_slice %arg10[%dma_start3A_507] : memref<16384xi32, #tpu.memory_space<vmem>> -> memref<960xi32, #tpu.memory_space<vmem>>
      %dma_start3A_509 = tpu.memref_slice %arg6[%multiple_of3A_92] : memref<1228800xi32, #tpu.memory_space<hbm>> -> memref<960xi32, #tpu.memory_space<hbm>>
      tpu.enqueue_dma source(%dma_start3A_509 : memref<960xi32, #tpu.memory_space<hbm>>) target(%dma_start3A_508 : memref<960xi32, #tpu.memory_space<vmem>>) target_semaphore(%run_scoped3A : memref<!tpu.dma_semaphore, #tpu.memory_space<semaphore_mem>>)
      %dma_wait3A = arith.constant 0 : i32
      %dma_wait3A_510 = tpu.memref_slice %arg10[%dma_wait3A] : memref<16384xi32, #tpu.memory_space<vmem>> -> memref<960xi32, #tpu.memory_space<vmem>>
      %dma_wait3A_511 = tpu.memref_slice %arg6[%multiple_of3A_92] : memref<1228800xi32, #tpu.memory_space<hbm>> -> memref<960xi32, #tpu.memory_space<hbm>>
      %dma_wait3A_512 = arith.constant 0 : i32
      %dma_wait3A_513 = tpu.memref_slice %arg10[%dma_wait3A_512] : memref<16384xi32, #tpu.memory_space<vmem>> -> memref<960xi32, #tpu.memory_space<vmem>>
      %dma_wait3A_514 = tpu.memref_slice %arg6[%multiple_of3A_92] : memref<1228800xi32, #tpu.memory_space<hbm>> -> memref<960xi32, #tpu.memory_space<hbm>>
      tpu.wait_dma2 semaphore(%run_scoped3A : memref<!tpu.dma_semaphore, #tpu.memory_space<semaphore_mem>>) src(%dma_wait3A_514 : memref<960xi32, #tpu.memory_space<hbm>>) dst(%dma_wait3A_513 : memref<960xi32, #tpu.memory_space<vmem>>)
      tpu.yield
    }) : () -> ()
    "tpu.region"() ({
      %run_scoped3A = tpu.sem_alloc : memref<!tpu.dma_semaphore, #tpu.memory_space<semaphore_mem>>
      %dma_start3A = arith.constant 0 : i32
      %dma_start3A_505 = tpu.memref_slice %arg11[%dma_start3A] : memref<16384xi32, #tpu.memory_space<vmem>> -> memref<960xi32, #tpu.memory_space<vmem>>
      %dma_start3A_506 = tpu.memref_slice %arg7[%multiple_of3A_92] : memref<1228800xi32, #tpu.memory_space<hbm>> -> memref<960xi32, #tpu.memory_space<hbm>>
      %dma_start3A_507 = arith.constant 0 : i32
      %dma_start3A_508 = tpu.memref_slice %arg11[%dma_start3A_507] : memref<16384xi32, #tpu.memory_space<vmem>> -> memref<960xi32, #tpu.memory_space<vmem>>
      %dma_start3A_509 = tpu.memref_slice %arg7[%multiple_of3A_92] : memref<1228800xi32, #tpu.memory_space<hbm>> -> memref<960xi32, #tpu.memory_space<hbm>>
      tpu.enqueue_dma source(%dma_start3A_509 : memref<960xi32, #tpu.memory_space<hbm>>) target(%dma_start3A_508 : memref<960xi32, #tpu.memory_space<vmem>>) target_semaphore(%run_scoped3A : memref<!tpu.dma_semaphore, #tpu.memory_space<semaphore_mem>>)
      %dma_wait3A = arith.constant 0 : i32
      %dma_wait3A_510 = tpu.memref_slice %arg11[%dma_wait3A] : memref<16384xi32, #tpu.memory_space<vmem>> -> memref<960xi32, #tpu.memory_space<vmem>>
      %dma_wait3A_511 = tpu.memref_slice %arg7[%multiple_of3A_92] : memref<1228800xi32, #tpu.memory_space<hbm>> -> memref<960xi32, #tpu.memory_space<hbm>>
      %dma_wait3A_512 = arith.constant 0 : i32
      %dma_wait3A_513 = tpu.memref_slice %arg11[%dma_wait3A_512] : memref<16384xi32, #tpu.memory_space<vmem>> -> memref<960xi32, #tpu.memory_space<vmem>>
      %dma_wait3A_514 = tpu.memref_slice %arg7[%multiple_of3A_92] : memref<1228800xi32, #tpu.memory_space<hbm>> -> memref<960xi32, #tpu.memory_space<hbm>>
      tpu.wait_dma2 semaphore(%run_scoped3A : memref<!tpu.dma_semaphore, #tpu.memory_space<semaphore_mem>>) src(%dma_wait3A_514 : memref<960xi32, #tpu.memory_space<hbm>>) dst(%dma_wait3A_513 : memref<960xi32, #tpu.memory_space<vmem>>)
      tpu.yield
    }) : () -> ()
    %add3A_93 = arith.constant 1 : i32
    %add3A_94 = arith.addi %add3A_66, %add3A_93 : i32
    %mul3A_95 = arith.constant 38400 : i32
    %mul3A_96 = arith.muli %add3A_94, %mul3A_95 : i32
    %add3A_97 = arith.addi %mul3A_96, %mul3A_84 : i32
    %add3A_98 = arith.constant 0 : i32
    %add3A_99 = arith.addi %add3A_97, %add3A_98 : i32
    %multiple_of3A_100 = tpu.assume_multiple %add3A_99, 960 : i32
    "tpu.region"() ({
      %run_scoped3A = tpu.sem_alloc : memref<!tpu.dma_semaphore, #tpu.memory_space<semaphore_mem>>
      %dma_start3A = arith.constant 960 : i32
      %dma_start3A_505 = tpu.memref_slice %arg10[%dma_start3A] : memref<16384xi32, #tpu.memory_space<vmem>> -> memref<960xi32, #tpu.memory_space<vmem>>
      %dma_start3A_506 = tpu.memref_slice %arg6[%multiple_of3A_100] : memref<1228800xi32, #tpu.memory_space<hbm>> -> memref<960xi32, #tpu.memory_space<hbm>>
      %dma_start3A_507 = arith.constant 960 : i32
      %dma_start3A_508 = tpu.memref_slice %arg10[%dma_start3A_507] : memref<16384xi32, #tpu.memory_space<vmem>> -> memref<960xi32, #tpu.memory_space<vmem>>
      %dma_start3A_509 = tpu.memref_slice %arg6[%multiple_of3A_100] : memref<1228800xi32, #tpu.memory_space<hbm>> -> memref<960xi32, #tpu.memory_space<hbm>>
      tpu.enqueue_dma source(%dma_start3A_509 : memref<960xi32, #tpu.memory_space<hbm>>) target(%dma_start3A_508 : memref<960xi32, #tpu.memory_space<vmem>>) target_semaphore(%run_scoped3A : memref<!tpu.dma_semaphore, #tpu.memory_space<semaphore_mem>>)
      %dma_wait3A = arith.constant 960 : i32
      %dma_wait3A_510 = tpu.memref_slice %arg10[%dma_wait3A] : memref<16384xi32, #tpu.memory_space<vmem>> -> memref<960xi32, #tpu.memory_space<vmem>>
      %dma_wait3A_511 = tpu.memref_slice %arg6[%multiple_of3A_100] : memref<1228800xi32, #tpu.memory_space<hbm>> -> memref<960xi32, #tpu.memory_space<hbm>>
      %dma_wait3A_512 = arith.constant 960 : i32
      %dma_wait3A_513 = tpu.memref_slice %arg10[%dma_wait3A_512] : memref<16384xi32, #tpu.memory_space<vmem>> -> memref<960xi32, #tpu.memory_space<vmem>>
      %dma_wait3A_514 = tpu.memref_slice %arg6[%multiple_of3A_100] : memref<1228800xi32, #tpu.memory_space<hbm>> -> memref<960xi32, #tpu.memory_space<hbm>>
      tpu.wait_dma2 semaphore(%run_scoped3A : memref<!tpu.dma_semaphore, #tpu.memory_space<semaphore_mem>>) src(%dma_wait3A_514 : memref<960xi32, #tpu.memory_space<hbm>>) dst(%dma_wait3A_513 : memref<960xi32, #tpu.memory_space<vmem>>)
      tpu.yield
    }) : () -> ()
    "tpu.region"() ({
      %run_scoped3A = tpu.sem_alloc : memref<!tpu.dma_semaphore, #tpu.memory_space<semaphore_mem>>
      %dma_start3A = arith.constant 960 : i32
      %dma_start3A_505 = tpu.memref_slice %arg11[%dma_start3A] : memref<16384xi32, #tpu.memory_space<vmem>> -> memref<960xi32, #tpu.memory_space<vmem>>
      %dma_start3A_506 = tpu.memref_slice %arg7[%multiple_of3A_100] : memref<1228800xi32, #tpu.memory_space<hbm>> -> memref<960xi32, #tpu.memory_space<hbm>>
      %dma_start3A_507 = arith.constant 960 : i32
      %dma_start3A_508 = tpu.memref_slice %arg11[%dma_start3A_507] : memref<16384xi32, #tpu.memory_space<vmem>> -> memref<960xi32, #tpu.memory_space<vmem>>
      %dma_start3A_509 = tpu.memref_slice %arg7[%multiple_of3A_100] : memref<1228800xi32, #tpu.memory_space<hbm>> -> memref<960xi32, #tpu.memory_space<hbm>>
      tpu.enqueue_dma source(%dma_start3A_509 : memref<960xi32, #tpu.memory_space<hbm>>) target(%dma_start3A_508 : memref<960xi32, #tpu.memory_space<vmem>>) target_semaphore(%run_scoped3A : memref<!tpu.dma_semaphore, #tpu.memory_space<semaphore_mem>>)
      %dma_wait3A = arith.constant 960 : i32
      %dma_wait3A_510 = tpu.memref_slice %arg11[%dma_wait3A] : memref<16384xi32, #tpu.memory_space<vmem>> -> memref<960xi32, #tpu.memory_space<vmem>>
      %dma_wait3A_511 = tpu.memref_slice %arg7[%multiple_of3A_100] : memref<1228800xi32, #tpu.memory_space<hbm>> -> memref<960xi32, #tpu.memory_space<hbm>>
      %dma_wait3A_512 = arith.constant 960 : i32
      %dma_wait3A_513 = tpu.memref_slice %arg11[%dma_wait3A_512] : memref<16384xi32, #tpu.memory_space<vmem>> -> memref<960xi32, #tpu.memory_space<vmem>>
      %dma_wait3A_514 = tpu.memref_slice %arg7[%multiple_of3A_100] : memref<1228800xi32, #tpu.memory_space<hbm>> -> memref<960xi32, #tpu.memory_space<hbm>>
      tpu.wait_dma2 semaphore(%run_scoped3A : memref<!tpu.dma_semaphore, #tpu.memory_space<semaphore_mem>>) src(%dma_wait3A_514 : memref<960xi32, #tpu.memory_space<hbm>>) dst(%dma_wait3A_513 : memref<960xi32, #tpu.memory_space<vmem>>)
      tpu.yield
    }) : () -> ()
    %add3A_101 = arith.constant 2 : i32
    %add3A_102 = arith.addi %add3A_66, %add3A_101 : i32
    %mul3A_103 = arith.constant 38400 : i32
    %mul3A_104 = arith.muli %add3A_102, %mul3A_103 : i32
    %add3A_105 = arith.addi %mul3A_104, %mul3A_84 : i32
    %add3A_106 = arith.constant 0 : i32
    %add3A_107 = arith.addi %add3A_105, %add3A_106 : i32
    %multiple_of3A_108 = tpu.assume_multiple %add3A_107, 960 : i32
    "tpu.region"() ({
      %run_scoped3A = tpu.sem_alloc : memref<!tpu.dma_semaphore, #tpu.memory_space<semaphore_mem>>
      %dma_start3A = arith.constant 1920 : i32
      %dma_start3A_505 = tpu.memref_slice %arg10[%dma_start3A] : memref<16384xi32, #tpu.memory_space<vmem>> -> memref<960xi32, #tpu.memory_space<vmem>>
      %dma_start3A_506 = tpu.memref_slice %arg6[%multiple_of3A_108] : memref<1228800xi32, #tpu.memory_space<hbm>> -> memref<960xi32, #tpu.memory_space<hbm>>
      %dma_start3A_507 = arith.constant 1920 : i32
      %dma_start3A_508 = tpu.memref_slice %arg10[%dma_start3A_507] : memref<16384xi32, #tpu.memory_space<vmem>> -> memref<960xi32, #tpu.memory_space<vmem>>
      %dma_start3A_509 = tpu.memref_slice %arg6[%multiple_of3A_108] : memref<1228800xi32, #tpu.memory_space<hbm>> -> memref<960xi32, #tpu.memory_space<hbm>>
      tpu.enqueue_dma source(%dma_start3A_509 : memref<960xi32, #tpu.memory_space<hbm>>) target(%dma_start3A_508 : memref<960xi32, #tpu.memory_space<vmem>>) target_semaphore(%run_scoped3A : memref<!tpu.dma_semaphore, #tpu.memory_space<semaphore_mem>>)
      %dma_wait3A = arith.constant 1920 : i32
      %dma_wait3A_510 = tpu.memref_slice %arg10[%dma_wait3A] : memref<16384xi32, #tpu.memory_space<vmem>> -> memref<960xi32, #tpu.memory_space<vmem>>
      %dma_wait3A_511 = tpu.memref_slice %arg6[%multiple_of3A_108] : memref<1228800xi32, #tpu.memory_space<hbm>> -> memref<960xi32, #tpu.memory_space<hbm>>
      %dma_wait3A_512 = arith.constant 1920 : i32
      %dma_wait3A_513 = tpu.memref_slice %arg10[%dma_wait3A_512] : memref<16384xi32, #tpu.memory_space<vmem>> -> memref<960xi32, #tpu.memory_space<vmem>>
      %dma_wait3A_514 = tpu.memref_slice %arg6[%multiple_of3A_108] : memref<1228800xi32, #tpu.memory_space<hbm>> -> memref<960xi32, #tpu.memory_space<hbm>>
      tpu.wait_dma2 semaphore(%run_scoped3A : memref<!tpu.dma_semaphore, #tpu.memory_space<semaphore_mem>>) src(%dma_wait3A_514 : memref<960xi32, #tpu.memory_space<hbm>>) dst(%dma_wait3A_513 : memref<960xi32, #tpu.memory_space<vmem>>)
      tpu.yield
    }) : () -> ()
    "tpu.region"() ({
      %run_scoped3A = tpu.sem_alloc : memref<!tpu.dma_semaphore, #tpu.memory_space<semaphore_mem>>
      %dma_start3A = arith.constant 1920 : i32
      %dma_start3A_505 = tpu.memref_slice %arg11[%dma_start3A] : memref<16384xi32, #tpu.memory_space<vmem>> -> memref<960xi32, #tpu.memory_space<vmem>>
      %dma_start3A_506 = tpu.memref_slice %arg7[%multiple_of3A_108] : memref<1228800xi32, #tpu.memory_space<hbm>> -> memref<960xi32, #tpu.memory_space<hbm>>
      %dma_start3A_507 = arith.constant 1920 : i32
      %dma_start3A_508 = tpu.memref_slice %arg11[%dma_start3A_507] : memref<16384xi32, #tpu.memory_space<vmem>> -> memref<960xi32, #tpu.memory_space<vmem>>
      %dma_start3A_509 = tpu.memref_slice %arg7[%multiple_of3A_108] : memref<1228800xi32, #tpu.memory_space<hbm>> -> memref<960xi32, #tpu.memory_space<hbm>>
      tpu.enqueue_dma source(%dma_start3A_509 : memref<960xi32, #tpu.memory_space<hbm>>) target(%dma_start3A_508 : memref<960xi32, #tpu.memory_space<vmem>>) target_semaphore(%run_scoped3A : memref<!tpu.dma_semaphore, #tpu.memory_space<semaphore_mem>>)
      %dma_wait3A = arith.constant 1920 : i32
      %dma_wait3A_510 = tpu.memref_slice %arg11[%dma_wait3A] : memref<16384xi32, #tpu.memory_space<vmem>> -> memref<960xi32, #tpu.memory_space<vmem>>
      %dma_wait3A_511 = tpu.memref_slice %arg7[%multiple_of3A_108] : memref<1228800xi32, #tpu.memory_space<hbm>> -> memref<960xi32, #tpu.memory_space<hbm>>
      %dma_wait3A_512 = arith.constant 1920 : i32
      %dma_wait3A_513 = tpu.memref_slice %arg11[%dma_wait3A_512] : memref<16384xi32, #tpu.memory_space<vmem>> -> memref<960xi32, #tpu.memory_space<vmem>>
      %dma_wait3A_514 = tpu.memref_slice %arg7[%multiple_of3A_108] : memref<1228800xi32, #tpu.memory_space<hbm>> -> memref<960xi32, #tpu.memory_space<hbm>>
      tpu.wait_dma2 semaphore(%run_scoped3A : memref<!tpu.dma_semaphore, #tpu.memory_space<semaphore_mem>>) src(%dma_wait3A_514 : memref<960xi32, #tpu.memory_space<hbm>>) dst(%dma_wait3A_513 : memref<960xi32, #tpu.memory_space<vmem>>)
      tpu.yield
    }) : () -> ()
    %add3A_109 = arith.constant 3 : i32
    %add3A_110 = arith.addi %add3A_66, %add3A_109 : i32
    %mul3A_111 = arith.constant 38400 : i32
    %mul3A_112 = arith.muli %add3A_110, %mul3A_111 : i32
    %add3A_113 = arith.addi %mul3A_112, %mul3A_84 : i32
    %add3A_114 = arith.constant 0 : i32
    %add3A_115 = arith.addi %add3A_113, %add3A_114 : i32
    %multiple_of3A_116 = tpu.assume_multiple %add3A_115, 960 : i32
    "tpu.region"() ({
      %run_scoped3A = tpu.sem_alloc : memref<!tpu.dma_semaphore, #tpu.memory_space<semaphore_mem>>
      %dma_start3A = arith.constant 2880 : i32
      %dma_start3A_505 = tpu.memref_slice %arg10[%dma_start3A] : memref<16384xi32, #tpu.memory_space<vmem>> -> memref<960xi32, #tpu.memory_space<vmem>>
      %dma_start3A_506 = tpu.memref_slice %arg6[%multiple_of3A_116] : memref<1228800xi32, #tpu.memory_space<hbm>> -> memref<960xi32, #tpu.memory_space<hbm>>
      %dma_start3A_507 = arith.constant 2880 : i32
      %dma_start3A_508 = tpu.memref_slice %arg10[%dma_start3A_507] : memref<16384xi32, #tpu.memory_space<vmem>> -> memref<960xi32, #tpu.memory_space<vmem>>
      %dma_start3A_509 = tpu.memref_slice %arg6[%multiple_of3A_116] : memref<1228800xi32, #tpu.memory_space<hbm>> -> memref<960xi32, #tpu.memory_space<hbm>>
      tpu.enqueue_dma source(%dma_start3A_509 : memref<960xi32, #tpu.memory_space<hbm>>) target(%dma_start3A_508 : memref<960xi32, #tpu.memory_space<vmem>>) target_semaphore(%run_scoped3A : memref<!tpu.dma_semaphore, #tpu.memory_space<semaphore_mem>>)
      %dma_wait3A = arith.constant 2880 : i32
      %dma_wait3A_510 = tpu.memref_slice %arg10[%dma_wait3A] : memref<16384xi32, #tpu.memory_space<vmem>> -> memref<960xi32, #tpu.memory_space<vmem>>
      %dma_wait3A_511 = tpu.memref_slice %arg6[%multiple_of3A_116] : memref<1228800xi32, #tpu.memory_space<hbm>> -> memref<960xi32, #tpu.memory_space<hbm>>
      %dma_wait3A_512 = arith.constant 2880 : i32
      %dma_wait3A_513 = tpu.memref_slice %arg10[%dma_wait3A_512] : memref<16384xi32, #tpu.memory_space<vmem>> -> memref<960xi32, #tpu.memory_space<vmem>>
      %dma_wait3A_514 = tpu.memref_slice %arg6[%multiple_of3A_116] : memref<1228800xi32, #tpu.memory_space<hbm>> -> memref<960xi32, #tpu.memory_space<hbm>>
      tpu.wait_dma2 semaphore(%run_scoped3A : memref<!tpu.dma_semaphore, #tpu.memory_space<semaphore_mem>>) src(%dma_wait3A_514 : memref<960xi32, #tpu.memory_space<hbm>>) dst(%dma_wait3A_513 : memref<960xi32, #tpu.memory_space<vmem>>)
      tpu.yield
    }) : () -> ()
    "tpu.region"() ({
      %run_scoped3A = tpu.sem_alloc : memref<!tpu.dma_semaphore, #tpu.memory_space<semaphore_mem>>
      %dma_start3A = arith.constant 2880 : i32
      %dma_start3A_505 = tpu.memref_slice %arg11[%dma_start3A] : memref<16384xi32, #tpu.memory_space<vmem>> -> memref<960xi32, #tpu.memory_space<vmem>>
      %dma_start3A_506 = tpu.memref_slice %arg7[%multiple_of3A_116] : memref<1228800xi32, #tpu.memory_space<hbm>> -> memref<960xi32, #tpu.memory_space<hbm>>
      %dma_start3A_507 = arith.constant 2880 : i32
      %dma_start3A_508 = tpu.memref_slice %arg11[%dma_start3A_507] : memref<16384xi32, #tpu.memory_space<vmem>> -> memref<960xi32, #tpu.memory_space<vmem>>
      %dma_start3A_509 = tpu.memref_slice %arg7[%multiple_of3A_116] : memref<1228800xi32, #tpu.memory_space<hbm>> -> memref<960xi32, #tpu.memory_space<hbm>>
      tpu.enqueue_dma source(%dma_start3A_509 : memref<960xi32, #tpu.memory_space<hbm>>) target(%dma_start3A_508 : memref<960xi32, #tpu.memory_space<vmem>>) target_semaphore(%run_scoped3A : memref<!tpu.dma_semaphore, #tpu.memory_space<semaphore_mem>>)
      %dma_wait3A = arith.constant 2880 : i32
      %dma_wait3A_510 = tpu.memref_slice %arg11[%dma_wait3A] : memref<16384xi32, #tpu.memory_space<vmem>> -> memref<960xi32, #tpu.memory_space<vmem>>
      %dma_wait3A_511 = tpu.memref_slice %arg7[%multiple_of3A_116] : memref<1228800xi32, #tpu.memory_space<hbm>> -> memref<960xi32, #tpu.memory_space<hbm>>
      %dma_wait3A_512 = arith.constant 2880 : i32
      %dma_wait3A_513 = tpu.memref_slice %arg11[%dma_wait3A_512] : memref<16384xi32, #tpu.memory_space<vmem>> -> memref<960xi32, #tpu.memory_space<vmem>>
      %dma_wait3A_514 = tpu.memref_slice %arg7[%multiple_of3A_116] : memref<1228800xi32, #tpu.memory_space<hbm>> -> memref<960xi32, #tpu.memory_space<hbm>>
      tpu.wait_dma2 semaphore(%run_scoped3A : memref<!tpu.dma_semaphore, #tpu.memory_space<semaphore_mem>>) src(%dma_wait3A_514 : memref<960xi32, #tpu.memory_space<hbm>>) dst(%dma_wait3A_513 : memref<960xi32, #tpu.memory_space<vmem>>)
      tpu.yield
    }) : () -> ()
    %scan3A_117 = arith.constant 0 : i32
    %scan3A_118 = arith.constant 0 : i32
    %scan3A_119 = arith.constant 60 : i32
    %scan3A_120 = arith.addi %scan3A_118, %scan3A_119 : i32
    %scan3A_121 = arith.constant 1 : i32
    scf.for %scan3A_505 = %scan3A_118 to %scan3A_120 step %scan3A_121  : i32 {
      %mul3A_506 = arith.constant 16 : i32
      %mul3A_507 = arith.muli %scan3A_505, %mul3A_506 : i32
      %add3A_508 = arith.constant 0 : i32
      %add3A_509 = arith.addi %add3A_508, %mul3A_507 : i32
      %get3A = arith.index_cast %add3A_509 : i32 to index
      %get3A_510 = tpu.vector_load %arg10[%get3A] {strides = array<i32>} : memref<16384xi32, #tpu.memory_space<vmem>>, vector<16xi32>,
      %mul3A_511 = arith.constant 16 : i32
      %mul3A_512 = arith.muli %scan3A_505, %mul3A_511 : i32
      %add3A_513 = arith.constant 960 : i32
      %add3A_514 = arith.addi %add3A_513, %mul3A_512 : i32
      %get3A_515 = arith.index_cast %add3A_514 : i32 to index
      %get3A_516 = tpu.vector_load %arg10[%get3A_515] {strides = array<i32>} : memref<16384xi32, #tpu.memory_space<vmem>>, vector<16xi32>,
      %mul3A_517 = arith.constant 16 : i32
      %mul3A_518 = arith.muli %scan3A_505, %mul3A_517 : i32
      %add3A_519 = arith.constant 1920 : i32
      %add3A_520 = arith.addi %add3A_519, %mul3A_518 : i32
      %get3A_521 = arith.index_cast %add3A_520 : i32 to index
      %get3A_522 = tpu.vector_load %arg10[%get3A_521] {strides = array<i32>} : memref<16384xi32, #tpu.memory_space<vmem>>, vector<16xi32>,
      %mul3A_523 = arith.constant 16 : i32
      %mul3A_524 = arith.muli %scan3A_505, %mul3A_523 : i32
      %add3A_525 = arith.constant 2880 : i32
      %add3A_526 = arith.addi %add3A_525, %mul3A_524 : i32
      %get3A_527 = arith.index_cast %add3A_526 : i32 to index
      %get3A_528 = tpu.vector_load %arg10[%get3A_527] {strides = array<i32>} : memref<16384xi32, #tpu.memory_space<vmem>>, vector<16xi32>,
      %mul3A_529 = arith.constant 16 : i32
      %mul3A_530 = arith.muli %scan3A_505, %mul3A_529 : i32
      %add3A_531 = arith.constant 0 : i32
      %add3A_532 = arith.addi %add3A_531, %mul3A_530 : i32
      %get3A_533 = arith.index_cast %add3A_532 : i32 to index
      %get3A_534 = tpu.vector_load %arg11[%get3A_533] {strides = array<i32>} : memref<16384xi32, #tpu.memory_space<vmem>>, vector<16xi32>,
      %mul3A_535 = arith.constant 16 : i32
      %mul3A_536 = arith.muli %scan3A_505, %mul3A_535 : i32
      %add3A_537 = arith.constant 960 : i32
      %add3A_538 = arith.addi %add3A_537, %mul3A_536 : i32
      %get3A_539 = arith.index_cast %add3A_538 : i32 to index
      %get3A_540 = tpu.vector_load %arg11[%get3A_539] {strides = array<i32>} : memref<16384xi32, #tpu.memory_space<vmem>>, vector<16xi32>,
      %mul3A_541 = arith.constant 16 : i32
      %mul3A_542 = arith.muli %scan3A_505, %mul3A_541 : i32
      %add3A_543 = arith.constant 1920 : i32
      %add3A_544 = arith.addi %add3A_543, %mul3A_542 : i32
      %get3A_545 = arith.index_cast %add3A_544 : i32 to index
      %get3A_546 = tpu.vector_load %arg11[%get3A_545] {strides = array<i32>} : memref<16384xi32, #tpu.memory_space<vmem>>, vector<16xi32>,
      %mul3A_547 = arith.constant 16 : i32
      %mul3A_548 = arith.muli %scan3A_505, %mul3A_547 : i32
      %add3A_549 = arith.constant 2880 : i32
      %add3A_550 = arith.addi %add3A_549, %mul3A_548 : i32
      %get3A_551 = arith.index_cast %add3A_550 : i32 to index
      %get3A_552 = tpu.vector_load %arg11[%get3A_551] {strides = array<i32>} : memref<16384xi32, #tpu.memory_space<vmem>>, vector<16xi32>,
      %min3A = arith.minsi %get3A_510, %get3A_516 : vector<16xi32>
      %le3A = arith.cmpi sle, %get3A_510, %get3A_516 : vector<16xi32>
      %select_n3A_553 = arith.select %le3A, %get3A_534, %get3A_540 : vector<16xi1>, vector<16xi32>
      %min3A_554 = arith.minsi %get3A_522, %get3A_528 : vector<16xi32>
      %le3A_555 = arith.cmpi sle, %get3A_522, %get3A_528 : vector<16xi32>
      %select_n3A_556 = arith.select %le3A_555, %get3A_546, %get3A_552 : vector<16xi1>, vector<16xi32>
      %le3A_557 = arith.cmpi sle, %min3A, %min3A_554 : vector<16xi32>
      %select_n3A_558 = arith.select %le3A_557, %select_n3A_553, %select_n3A_556 : vector<16xi1>, vector<16xi32>
      %mul3A_559 = arith.constant 16 : i32
      %mul3A_560 = arith.muli %scan3A_505, %mul3A_559 : i32
      %swap3A = arith.index_cast %mul3A_560 : i32 to index
      %swap3A_561 = tpu.vector_load %arg12[%swap3A] {strides = array<i32>} : memref<16384xi32, #tpu.memory_space<vmem>>, vector<16xi32>,
      tpu.vector_store %arg12[%swap3A], %select_n3A_558 {strides = array<i32>} : memref<16384xi32, #tpu.memory_space<vmem>>, vector<16xi32>,
    }
    %scan3A_122 = arith.constant 60 : i32
    %add3A_123 = arith.addi %mul3A_32, %mul3A_84 : i32
    %add3A_124 = arith.constant 0 : i32
    %add3A_125 = arith.addi %add3A_123, %add3A_124 : i32
    %multiple_of3A_126 = tpu.assume_multiple %add3A_125, 960 : i32
    "tpu.region"() ({
      %run_scoped3A = tpu.sem_alloc : memref<!tpu.dma_semaphore, #tpu.memory_space<semaphore_mem>>
      %dma_start3A = arith.constant 0 : i32
      %dma_start3A_505 = tpu.memref_slice %arg12[%dma_start3A] : memref<16384xi32, #tpu.memory_space<vmem>> -> memref<960xi32, #tpu.memory_space<vmem>>
      %dma_start3A_506 = tpu.memref_slice %arg5[%multiple_of3A_126] : memref<307200xi32, #tpu.memory_space<hbm>> -> memref<960xi32, #tpu.memory_space<hbm>>
      %dma_start3A_507 = tpu.memref_slice %arg5[%multiple_of3A_126] : memref<307200xi32, #tpu.memory_space<hbm>> -> memref<960xi32, #tpu.memory_space<hbm>>
      %dma_start3A_508 = arith.constant 0 : i32
      %dma_start3A_509 = tpu.memref_slice %arg12[%dma_start3A_508] : memref<16384xi32, #tpu.memory_space<vmem>> -> memref<960xi32, #tpu.memory_space<vmem>>
      tpu.enqueue_dma source(%dma_start3A_509 : memref<960xi32, #tpu.memory_space<vmem>>) target(%dma_start3A_507 : memref<960xi32, #tpu.memory_space<hbm>>) target_semaphore(%run_scoped3A : memref<!tpu.dma_semaphore, #tpu.memory_space<semaphore_mem>>)
      %dma_wait3A = arith.constant 0 : i32
      %dma_wait3A_510 = tpu.memref_slice %arg12[%dma_wait3A] : memref<16384xi32, #tpu.memory_space<vmem>> -> memref<960xi32, #tpu.memory_space<vmem>>
      %dma_wait3A_511 = tpu.memref_slice %arg5[%multiple_of3A_126] : memref<307200xi32, #tpu.memory_space<hbm>> -> memref<960xi32, #tpu.memory_space<hbm>>
      %dma_wait3A_512 = tpu.memref_slice %arg5[%multiple_of3A_126] : memref<307200xi32, #tpu.memory_space<hbm>> -> memref<960xi32, #tpu.memory_space<hbm>>
      %dma_wait3A_513 = arith.constant 0 : i32
      %dma_wait3A_514 = tpu.memref_slice %arg12[%dma_wait3A_513] : memref<16384xi32, #tpu.memory_space<vmem>> -> memref<960xi32, #tpu.memory_space<vmem>>
      tpu.wait_dma2 semaphore(%run_scoped3A : memref<!tpu.dma_semaphore, #tpu.memory_space<semaphore_mem>>) src(%dma_wait3A_514 : memref<960xi32, #tpu.memory_space<vmem>>) dst(%dma_wait3A_512 : memref<960xi32, #tpu.memory_space<hbm>>)
      tpu.yield
    }) : () -> ()
    %add3A_127 = arith.constant 0 : i32
    %add3A_128 = arith.addi %add3A_66, %add3A_127 : i32
    %mul3A_129 = arith.constant 38400 : i32
    %mul3A_130 = arith.muli %add3A_128, %mul3A_129 : i32
    %add3A_131 = arith.addi %mul3A_130, %mul3A_84 : i32
    %add3A_132 = arith.constant 960 : i32
    %add3A_133 = arith.addi %add3A_131, %add3A_132 : i32
    %multiple_of3A_134 = tpu.assume_multiple %add3A_133, 960 : i32
    "tpu.region"() ({
      %run_scoped3A = tpu.sem_alloc : memref<!tpu.dma_semaphore, #tpu.memory_space<semaphore_mem>>
      %dma_start3A = arith.constant 0 : i32
      %dma_start3A_505 = tpu.memref_slice %arg10[%dma_start3A] : memref<16384xi32, #tpu.memory_space<vmem>> -> memref<960xi32, #tpu.memory_space<vmem>>
      %dma_start3A_506 = tpu.memref_slice %arg6[%multiple_of3A_134] : memref<1228800xi32, #tpu.memory_space<hbm>> -> memref<960xi32, #tpu.memory_space<hbm>>
      %dma_start3A_507 = arith.constant 0 : i32
      %dma_start3A_508 = tpu.memref_slice %arg10[%dma_start3A_507] : memref<16384xi32, #tpu.memory_space<vmem>> -> memref<960xi32, #tpu.memory_space<vmem>>
      %dma_start3A_509 = tpu.memref_slice %arg6[%multiple_of3A_134] : memref<1228800xi32, #tpu.memory_space<hbm>> -> memref<960xi32, #tpu.memory_space<hbm>>
      tpu.enqueue_dma source(%dma_start3A_509 : memref<960xi32, #tpu.memory_space<hbm>>) target(%dma_start3A_508 : memref<960xi32, #tpu.memory_space<vmem>>) target_semaphore(%run_scoped3A : memref<!tpu.dma_semaphore, #tpu.memory_space<semaphore_mem>>)
      %dma_wait3A = arith.constant 0 : i32
      %dma_wait3A_510 = tpu.memref_slice %arg10[%dma_wait3A] : memref<16384xi32, #tpu.memory_space<vmem>> -> memref<960xi32, #tpu.memory_space<vmem>>
      %dma_wait3A_511 = tpu.memref_slice %arg6[%multiple_of3A_134] : memref<1228800xi32, #tpu.memory_space<hbm>> -> memref<960xi32, #tpu.memory_space<hbm>>
      %dma_wait3A_512 = arith.constant 0 : i32
      %dma_wait3A_513 = tpu.memref_slice %arg10[%dma_wait3A_512] : memref<16384xi32, #tpu.memory_space<vmem>> -> memref<960xi32, #tpu.memory_space<vmem>>
      %dma_wait3A_514 = tpu.memref_slice %arg6[%multiple_of3A_134] : memref<1228800xi32, #tpu.memory_space<hbm>> -> memref<960xi32, #tpu.memory_space<hbm>>
      tpu.wait_dma2 semaphore(%run_scoped3A : memref<!tpu.dma_semaphore, #tpu.memory_space<semaphore_mem>>) src(%dma_wait3A_514 : memref<960xi32, #tpu.memory_space<hbm>>) dst(%dma_wait3A_513 : memref<960xi32, #tpu.memory_space<vmem>>)
      tpu.yield
    }) : () -> ()
    "tpu.region"() ({
      %run_scoped3A = tpu.sem_alloc : memref<!tpu.dma_semaphore, #tpu.memory_space<semaphore_mem>>
      %dma_start3A = arith.constant 0 : i32
      %dma_start3A_505 = tpu.memref_slice %arg11[%dma_start3A] : memref<16384xi32, #tpu.memory_space<vmem>> -> memref<960xi32, #tpu.memory_space<vmem>>
      %dma_start3A_506 = tpu.memref_slice %arg7[%multiple_of3A_134] : memref<1228800xi32, #tpu.memory_space<hbm>> -> memref<960xi32, #tpu.memory_space<hbm>>
      %dma_start3A_507 = arith.constant 0 : i32
      %dma_start3A_508 = tpu.memref_slice %arg11[%dma_start3A_507] : memref<16384xi32, #tpu.memory_space<vmem>> -> memref<960xi32, #tpu.memory_space<vmem>>
      %dma_start3A_509 = tpu.memref_slice %arg7[%multiple_of3A_134] : memref<1228800xi32, #tpu.memory_space<hbm>> -> memref<960xi32, #tpu.memory_space<hbm>>
      tpu.enqueue_dma source(%dma_start3A_509 : memref<960xi32, #tpu.memory_space<hbm>>) target(%dma_start3A_508 : memref<960xi32, #tpu.memory_space<vmem>>) target_semaphore(%run_scoped3A : memref<!tpu.dma_semaphore, #tpu.memory_space<semaphore_mem>>)
      %dma_wait3A = arith.constant 0 : i32
      %dma_wait3A_510 = tpu.memref_slice %arg11[%dma_wait3A] : memref<16384xi32, #tpu.memory_space<vmem>> -> memref<960xi32, #tpu.memory_space<vmem>>
      %dma_wait3A_511 = tpu.memref_slice %arg7[%multiple_of3A_134] : memref<1228800xi32, #tpu.memory_space<hbm>> -> memref<960xi32, #tpu.memory_space<hbm>>
      %dma_wait3A_512 = arith.constant 0 : i32
      %dma_wait3A_513 = tpu.memref_slice %arg11[%dma_wait3A_512] : memref<16384xi32, #tpu.memory_space<vmem>> -> memref<960xi32, #tpu.memory_space<vmem>>
      %dma_wait3A_514 = tpu.memref_slice %arg7[%multiple_of3A_134] : memref<1228800xi32, #tpu.memory_space<hbm>> -> memref<960xi32, #tpu.memory_space<hbm>>
      tpu.wait_dma2 semaphore(%run_scoped3A : memref<!tpu.dma_semaphore, #tpu.memory_space<semaphore_mem>>) src(%dma_wait3A_514 : memref<960xi32, #tpu.memory_space<hbm>>) dst(%dma_wait3A_513 : memref<960xi32, #tpu.memory_space<vmem>>)
      tpu.yield
    }) : () -> ()
    %add3A_135 = arith.constant 1 : i32
    %add3A_136 = arith.addi %add3A_66, %add3A_135 : i32
    %mul3A_137 = arith.constant 38400 : i32
    %mul3A_138 = arith.muli %add3A_136, %mul3A_137 : i32
    %add3A_139 = arith.addi %mul3A_138, %mul3A_84 : i32
    %add3A_140 = arith.constant 960 : i32
    %add3A_141 = arith.addi %add3A_139, %add3A_140 : i32
    %multiple_of3A_142 = tpu.assume_multiple %add3A_141, 960 : i32
    "tpu.region"() ({
      %run_scoped3A = tpu.sem_alloc : memref<!tpu.dma_semaphore, #tpu.memory_space<semaphore_mem>>
      %dma_start3A = arith.constant 960 : i32
      %dma_start3A_505 = tpu.memref_slice %arg10[%dma_start3A] : memref<16384xi32, #tpu.memory_space<vmem>> -> memref<960xi32, #tpu.memory_space<vmem>>
      %dma_start3A_506 = tpu.memref_slice %arg6[%multiple_of3A_142] : memref<1228800xi32, #tpu.memory_space<hbm>> -> memref<960xi32, #tpu.memory_space<hbm>>
      %dma_start3A_507 = arith.constant 960 : i32
      %dma_start3A_508 = tpu.memref_slice %arg10[%dma_start3A_507] : memref<16384xi32, #tpu.memory_space<vmem>> -> memref<960xi32, #tpu.memory_space<vmem>>
      %dma_start3A_509 = tpu.memref_slice %arg6[%multiple_of3A_142] : memref<1228800xi32, #tpu.memory_space<hbm>> -> memref<960xi32, #tpu.memory_space<hbm>>
      tpu.enqueue_dma source(%dma_start3A_509 : memref<960xi32, #tpu.memory_space<hbm>>) target(%dma_start3A_508 : memref<960xi32, #tpu.memory_space<vmem>>) target_semaphore(%run_scoped3A : memref<!tpu.dma_semaphore, #tpu.memory_space<semaphore_mem>>)
      %dma_wait3A = arith.constant 960 : i32
      %dma_wait3A_510 = tpu.memref_slice %arg10[%dma_wait3A] : memref<16384xi32, #tpu.memory_space<vmem>> -> memref<960xi32, #tpu.memory_space<vmem>>
      %dma_wait3A_511 = tpu.memref_slice %arg6[%multiple_of3A_142] : memref<1228800xi32, #tpu.memory_space<hbm>> -> memref<960xi32, #tpu.memory_space<hbm>>
      %dma_wait3A_512 = arith.constant 960 : i32
      %dma_wait3A_513 = tpu.memref_slice %arg10[%dma_wait3A_512] : memref<16384xi32, #tpu.memory_space<vmem>> -> memref<960xi32, #tpu.memory_space<vmem>>
      %dma_wait3A_514 = tpu.memref_slice %arg6[%multiple_of3A_142] : memref<1228800xi32, #tpu.memory_space<hbm>> -> memref<960xi32, #tpu.memory_space<hbm>>
      tpu.wait_dma2 semaphore(%run_scoped3A : memref<!tpu.dma_semaphore, #tpu.memory_space<semaphore_mem>>) src(%dma_wait3A_514 : memref<960xi32, #tpu.memory_space<hbm>>) dst(%dma_wait3A_513 : memref<960xi32, #tpu.memory_space<vmem>>)
      tpu.yield
    }) : () -> ()
    "tpu.region"() ({
      %run_scoped3A = tpu.sem_alloc : memref<!tpu.dma_semaphore, #tpu.memory_space<semaphore_mem>>
      %dma_start3A = arith.constant 960 : i32
      %dma_start3A_505 = tpu.memref_slice %arg11[%dma_start3A] : memref<16384xi32, #tpu.memory_space<vmem>> -> memref<960xi32, #tpu.memory_space<vmem>>
      %dma_start3A_506 = tpu.memref_slice %arg7[%multiple_of3A_142] : memref<1228800xi32, #tpu.memory_space<hbm>> -> memref<960xi32, #tpu.memory_space<hbm>>
      %dma_start3A_507 = arith.constant 960 : i32
      %dma_start3A_508 = tpu.memref_slice %arg11[%dma_start3A_507] : memref<16384xi32, #tpu.memory_space<vmem>> -> memref<960xi32, #tpu.memory_space<vmem>>
      %dma_start3A_509 = tpu.memref_slice %arg7[%multiple_of3A_142] : memref<1228800xi32, #tpu.memory_space<hbm>> -> memref<960xi32, #tpu.memory_space<hbm>>
      tpu.enqueue_dma source(%dma_start3A_509 : memref<960xi32, #tpu.memory_space<hbm>>) target(%dma_start3A_508 : memref<960xi32, #tpu.memory_space<vmem>>) target_semaphore(%run_scoped3A : memref<!tpu.dma_semaphore, #tpu.memory_space<semaphore_mem>>)
      %dma_wait3A = arith.constant 960 : i32
      %dma_wait3A_510 = tpu.memref_slice %arg11[%dma_wait3A] : memref<16384xi32, #tpu.memory_space<vmem>> -> memref<960xi32, #tpu.memory_space<vmem>>
      %dma_wait3A_511 = tpu.memref_slice %arg7[%multiple_of3A_142] : memref<1228800xi32, #tpu.memory_space<hbm>> -> memref<960xi32, #tpu.memory_space<hbm>>
      %dma_wait3A_512 = arith.constant 960 : i32
      %dma_wait3A_513 = tpu.memref_slice %arg11[%dma_wait3A_512] : memref<16384xi32, #tpu.memory_space<vmem>> -> memref<960xi32, #tpu.memory_space<vmem>>
      %dma_wait3A_514 = tpu.memref_slice %arg7[%multiple_of3A_142] : memref<1228800xi32, #tpu.memory_space<hbm>> -> memref<960xi32, #tpu.memory_space<hbm>>
      tpu.wait_dma2 semaphore(%run_scoped3A : memref<!tpu.dma_semaphore, #tpu.memory_space<semaphore_mem>>) src(%dma_wait3A_514 : memref<960xi32, #tpu.memory_space<hbm>>) dst(%dma_wait3A_513 : memref<960xi32, #tpu.memory_space<vmem>>)
      tpu.yield
    }) : () -> ()
    %add3A_143 = arith.constant 2 : i32
    %add3A_144 = arith.addi %add3A_66, %add3A_143 : i32
    %mul3A_145 = arith.constant 38400 : i32
    %mul3A_146 = arith.muli %add3A_144, %mul3A_145 : i32
    %add3A_147 = arith.addi %mul3A_146, %mul3A_84 : i32
    %add3A_148 = arith.constant 960 : i32
    %add3A_149 = arith.addi %add3A_147, %add3A_148 : i32
    %multiple_of3A_150 = tpu.assume_multiple %add3A_149, 960 : i32
    "tpu.region"() ({
      %run_scoped3A = tpu.sem_alloc : memref<!tpu.dma_semaphore, #tpu.memory_space<semaphore_mem>>
      %dma_start3A = arith.constant 1920 : i32
      %dma_start3A_505 = tpu.memref_slice %arg10[%dma_start3A] : memref<16384xi32, #tpu.memory_space<vmem>> -> memref<960xi32, #tpu.memory_space<vmem>>
      %dma_start3A_506 = tpu.memref_slice %arg6[%multiple_of3A_150] : memref<1228800xi32, #tpu.memory_space<hbm>> -> memref<960xi32, #tpu.memory_space<hbm>>
      %dma_start3A_507 = arith.constant 1920 : i32
      %dma_start3A_508 = tpu.memref_slice %arg10[%dma_start3A_507] : memref<16384xi32, #tpu.memory_space<vmem>> -> memref<960xi32, #tpu.memory_space<vmem>>
      %dma_start3A_509 = tpu.memref_slice %arg6[%multiple_of3A_150] : memref<1228800xi32, #tpu.memory_space<hbm>> -> memref<960xi32, #tpu.memory_space<hbm>>
      tpu.enqueue_dma source(%dma_start3A_509 : memref<960xi32, #tpu.memory_space<hbm>>) target(%dma_start3A_508 : memref<960xi32, #tpu.memory_space<vmem>>) target_semaphore(%run_scoped3A : memref<!tpu.dma_semaphore, #tpu.memory_space<semaphore_mem>>)
      %dma_wait3A = arith.constant 1920 : i32
      %dma_wait3A_510 = tpu.memref_slice %arg10[%dma_wait3A] : memref<16384xi32, #tpu.memory_space<vmem>> -> memref<960xi32, #tpu.memory_space<vmem>>
      %dma_wait3A_511 = tpu.memref_slice %arg6[%multiple_of3A_150] : memref<1228800xi32, #tpu.memory_space<hbm>> -> memref<960xi32, #tpu.memory_space<hbm>>
      %dma_wait3A_512 = arith.constant 1920 : i32
      %dma_wait3A_513 = tpu.memref_slice %arg10[%dma_wait3A_512] : memref<16384xi32, #tpu.memory_space<vmem>> -> memref<960xi32, #tpu.memory_space<vmem>>
      %dma_wait3A_514 = tpu.memref_slice %arg6[%multiple_of3A_150] : memref<1228800xi32, #tpu.memory_space<hbm>> -> memref<960xi32, #tpu.memory_space<hbm>>
      tpu.wait_dma2 semaphore(%run_scoped3A : memref<!tpu.dma_semaphore, #tpu.memory_space<semaphore_mem>>) src(%dma_wait3A_514 : memref<960xi32, #tpu.memory_space<hbm>>) dst(%dma_wait3A_513 : memref<960xi32, #tpu.memory_space<vmem>>)
      tpu.yield
    }) : () -> ()
    "tpu.region"() ({
      %run_scoped3A = tpu.sem_alloc : memref<!tpu.dma_semaphore, #tpu.memory_space<semaphore_mem>>
      %dma_start3A = arith.constant 1920 : i32
      %dma_start3A_505 = tpu.memref_slice %arg11[%dma_start3A] : memref<16384xi32, #tpu.memory_space<vmem>> -> memref<960xi32, #tpu.memory_space<vmem>>
      %dma_start3A_506 = tpu.memref_slice %arg7[%multiple_of3A_150] : memref<1228800xi32, #tpu.memory_space<hbm>> -> memref<960xi32, #tpu.memory_space<hbm>>
      %dma_start3A_507 = arith.constant 1920 : i32
      %dma_start3A_508 = tpu.memref_slice %arg11[%dma_start3A_507] : memref<16384xi32, #tpu.memory_space<vmem>> -> memref<960xi32, #tpu.memory_space<vmem>>
      %dma_start3A_509 = tpu.memref_slice %arg7[%multiple_of3A_150] : memref<1228800xi32, #tpu.memory_space<hbm>> -> memref<960xi32, #tpu.memory_space<hbm>>
      tpu.enqueue_dma source(%dma_start3A_509 : memref<960xi32, #tpu.memory_space<hbm>>) target(%dma_start3A_508 : memref<960xi32, #tpu.memory_space<vmem>>) target_semaphore(%run_scoped3A : memref<!tpu.dma_semaphore, #tpu.memory_space<semaphore_mem>>)
      %dma_wait3A = arith.constant 1920 : i32
      %dma_wait3A_510 = tpu.memref_slice %arg11[%dma_wait3A] : memref<16384xi32, #tpu.memory_space<vmem>> -> memref<960xi32, #tpu.memory_space<vmem>>
      %dma_wait3A_511 = tpu.memref_slice %arg7[%multiple_of3A_150] : memref<1228800xi32, #tpu.memory_space<hbm>> -> memref<960xi32, #tpu.memory_space<hbm>>
      %dma_wait3A_512 = arith.constant 1920 : i32
      %dma_wait3A_513 = tpu.memref_slice %arg11[%dma_wait3A_512] : memref<16384xi32, #tpu.memory_space<vmem>> -> memref<960xi32, #tpu.memory_space<vmem>>
      %dma_wait3A_514 = tpu.memref_slice %arg7[%multiple_of3A_150] : memref<1228800xi32, #tpu.memory_space<hbm>> -> memref<960xi32, #tpu.memory_space<hbm>>
      tpu.wait_dma2 semaphore(%run_scoped3A : memref<!tpu.dma_semaphore, #tpu.memory_space<semaphore_mem>>) src(%dma_wait3A_514 : memref<960xi32, #tpu.memory_space<hbm>>) dst(%dma_wait3A_513 : memref<960xi32, #tpu.memory_space<vmem>>)
      tpu.yield
    }) : () -> ()
    %add3A_151 = arith.constant 3 : i32
    %add3A_152 = arith.addi %add3A_66, %add3A_151 : i32
    %mul3A_153 = arith.constant 38400 : i32
    %mul3A_154 = arith.muli %add3A_152, %mul3A_153 : i32
    %add3A_155 = arith.addi %mul3A_154, %mul3A_84 : i32
    %add3A_156 = arith.constant 960 : i32
    %add3A_157 = arith.addi %add3A_155, %add3A_156 : i32
    %multiple_of3A_158 = tpu.assume_multiple %add3A_157, 960 : i32
    "tpu.region"() ({
      %run_scoped3A = tpu.sem_alloc : memref<!tpu.dma_semaphore, #tpu.memory_space<semaphore_mem>>
      %dma_start3A = arith.constant 2880 : i32
      %dma_start3A_505 = tpu.memref_slice %arg10[%dma_start3A] : memref<16384xi32, #tpu.memory_space<vmem>> -> memref<960xi32, #tpu.memory_space<vmem>>
      %dma_start3A_506 = tpu.memref_slice %arg6[%multiple_of3A_158] : memref<1228800xi32, #tpu.memory_space<hbm>> -> memref<960xi32, #tpu.memory_space<hbm>>
      %dma_start3A_507 = arith.constant 2880 : i32
      %dma_start3A_508 = tpu.memref_slice %arg10[%dma_start3A_507] : memref<16384xi32, #tpu.memory_space<vmem>> -> memref<960xi32, #tpu.memory_space<vmem>>
      %dma_start3A_509 = tpu.memref_slice %arg6[%multiple_of3A_158] : memref<1228800xi32, #tpu.memory_space<hbm>> -> memref<960xi32, #tpu.memory_space<hbm>>
      tpu.enqueue_dma source(%dma_start3A_509 : memref<960xi32, #tpu.memory_space<hbm>>) target(%dma_start3A_508 : memref<960xi32, #tpu.memory_space<vmem>>) target_semaphore(%run_scoped3A : memref<!tpu.dma_semaphore, #tpu.memory_space<semaphore_mem>>)
      %dma_wait3A = arith.constant 2880 : i32
      %dma_wait3A_510 = tpu.memref_slice %arg10[%dma_wait3A] : memref<16384xi32, #tpu.memory_space<vmem>> -> memref<960xi32, #tpu.memory_space<vmem>>
      %dma_wait3A_511 = tpu.memref_slice %arg6[%multiple_of3A_158] : memref<1228800xi32, #tpu.memory_space<hbm>> -> memref<960xi32, #tpu.memory_space<hbm>>
      %dma_wait3A_512 = arith.constant 2880 : i32
      %dma_wait3A_513 = tpu.memref_slice %arg10[%dma_wait3A_512] : memref<16384xi32, #tpu.memory_space<vmem>> -> memref<960xi32, #tpu.memory_space<vmem>>
      %dma_wait3A_514 = tpu.memref_slice %arg6[%multiple_of3A_158] : memref<1228800xi32, #tpu.memory_space<hbm>> -> memref<960xi32, #tpu.memory_space<hbm>>
      tpu.wait_dma2 semaphore(%run_scoped3A : memref<!tpu.dma_semaphore, #tpu.memory_space<semaphore_mem>>) src(%dma_wait3A_514 : memref<960xi32, #tpu.memory_space<hbm>>) dst(%dma_wait3A_513 : memref<960xi32, #tpu.memory_space<vmem>>)
      tpu.yield
    }) : () -> ()
    "tpu.region"() ({
      %run_scoped3A = tpu.sem_alloc : memref<!tpu.dma_semaphore, #tpu.memory_space<semaphore_mem>>
      %dma_start3A = arith.constant 2880 : i32
      %dma_start3A_505 = tpu.memref_slice %arg11[%dma_start3A] : memref<16384xi32, #tpu.memory_space<vmem>> -> memref<960xi32, #tpu.memory_space<vmem>>
      %dma_start3A_506 = tpu.memref_slice %arg7[%multiple_of3A_158] : memref<1228800xi32, #tpu.memory_space<hbm>> -> memref<960xi32, #tpu.memory_space<hbm>>
      %dma_start3A_507 = arith.constant 2880 : i32
      %dma_start3A_508 = tpu.memref_slice %arg11[%dma_start3A_507] : memref<16384xi32, #tpu.memory_space<vmem>> -> memref<960xi32, #tpu.memory_space<vmem>>
      %dma_start3A_509 = tpu.memref_slice %arg7[%multiple_of3A_158] : memref<1228800xi32, #tpu.memory_space<hbm>> -> memref<960xi32, #tpu.memory_space<hbm>>
      tpu.enqueue_dma source(%dma_start3A_509 : memref<960xi32, #tpu.memory_space<hbm>>) target(%dma_start3A_508 : memref<960xi32, #tpu.memory_space<vmem>>) target_semaphore(%run_scoped3A : memref<!tpu.dma_semaphore, #tpu.memory_space<semaphore_mem>>)
      %dma_wait3A = arith.constant 2880 : i32
      %dma_wait3A_510 = tpu.memref_slice %arg11[%dma_wait3A] : memref<16384xi32, #tpu.memory_space<vmem>> -> memref<960xi32, #tpu.memory_space<vmem>>
      %dma_wait3A_511 = tpu.memref_slice %arg7[%multiple_of3A_158] : memref<1228800xi32, #tpu.memory_space<hbm>> -> memref<960xi32, #tpu.memory_space<hbm>>
      %dma_wait3A_512 = arith.constant 2880 : i32
      %dma_wait3A_513 = tpu.memref_slice %arg11[%dma_wait3A_512] : memref<16384xi32, #tpu.memory_space<vmem>> -> memref<960xi32, #tpu.memory_space<vmem>>
      %dma_wait3A_514 = tpu.memref_slice %arg7[%multiple_of3A_158] : memref<1228800xi32, #tpu.memory_space<hbm>> -> memref<960xi32, #tpu.memory_space<hbm>>
      tpu.wait_dma2 semaphore(%run_scoped3A : memref<!tpu.dma_semaphore, #tpu.memory_space<semaphore_mem>>) src(%dma_wait3A_514 : memref<960xi32, #tpu.memory_space<hbm>>) dst(%dma_wait3A_513 : memref<960xi32, #tpu.memory_space<vmem>>)
      tpu.yield
    }) : () -> ()
    %scan3A_159 = arith.constant 0 : i32
    %scan3A_160 = arith.constant 0 : i32
    %scan3A_161 = arith.constant 60 : i32
    %scan3A_162 = arith.addi %scan3A_160, %scan3A_161 : i32
    %scan3A_163 = arith.constant 1 : i32
    scf.for %scan3A_505 = %scan3A_160 to %scan3A_162 step %scan3A_163  : i32 {
      %mul3A_506 = arith.constant 16 : i32
      %mul3A_507 = arith.muli %scan3A_505, %mul3A_506 : i32
      %add3A_508 = arith.constant 0 : i32
      %add3A_509 = arith.addi %add3A_508, %mul3A_507 : i32
      %get3A = arith.index_cast %add3A_509 : i32 to index
      %get3A_510 = tpu.vector_load %arg10[%get3A] {strides = array<i32>} : memref<16384xi32, #tpu.memory_space<vmem>>, vector<16xi32>,
      %mul3A_511 = arith.constant 16 : i32
      %mul3A_512 = arith.muli %scan3A_505, %mul3A_511 : i32
      %add3A_513 = arith.constant 960 : i32
      %add3A_514 = arith.addi %add3A_513, %mul3A_512 : i32
      %get3A_515 = arith.index_cast %add3A_514 : i32 to index
      %get3A_516 = tpu.vector_load %arg10[%get3A_515] {strides = array<i32>} : memref<16384xi32, #tpu.memory_space<vmem>>, vector<16xi32>,
      %mul3A_517 = arith.constant 16 : i32
      %mul3A_518 = arith.muli %scan3A_505, %mul3A_517 : i32
      %add3A_519 = arith.constant 1920 : i32
      %add3A_520 = arith.addi %add3A_519, %mul3A_518 : i32
      %get3A_521 = arith.index_cast %add3A_520 : i32 to index
      %get3A_522 = tpu.vector_load %arg10[%get3A_521] {strides = array<i32>} : memref<16384xi32, #tpu.memory_space<vmem>>, vector<16xi32>,
      %mul3A_523 = arith.constant 16 : i32
      %mul3A_524 = arith.muli %scan3A_505, %mul3A_523 : i32
      %add3A_525 = arith.constant 2880 : i32
      %add3A_526 = arith.addi %add3A_525, %mul3A_524 : i32
      %get3A_527 = arith.index_cast %add3A_526 : i32 to index
      %get3A_528 = tpu.vector_load %arg10[%get3A_527] {strides = array<i32>} : memref<16384xi32, #tpu.memory_space<vmem>>, vector<16xi32>,
      %mul3A_529 = arith.constant 16 : i32
      %mul3A_530 = arith.muli %scan3A_505, %mul3A_529 : i32
      %add3A_531 = arith.constant 0 : i32
      %add3A_532 = arith.addi %add3A_531, %mul3A_530 : i32
      %get3A_533 = arith.index_cast %add3A_532 : i32 to index
      %get3A_534 = tpu.vector_load %arg11[%get3A_533] {strides = array<i32>} : memref<16384xi32, #tpu.memory_space<vmem>>, vector<16xi32>,
      %mul3A_535 = arith.constant 16 : i32
      %mul3A_536 = arith.muli %scan3A_505, %mul3A_535 : i32
      %add3A_537 = arith.constant 960 : i32
      %add3A_538 = arith.addi %add3A_537, %mul3A_536 : i32
      %get3A_539 = arith.index_cast %add3A_538 : i32 to index
      %get3A_540 = tpu.vector_load %arg11[%get3A_539] {strides = array<i32>} : memref<16384xi32, #tpu.memory_space<vmem>>, vector<16xi32>,
      %mul3A_541 = arith.constant 16 : i32
      %mul3A_542 = arith.muli %scan3A_505, %mul3A_541 : i32
      %add3A_543 = arith.constant 1920 : i32
      %add3A_544 = arith.addi %add3A_543, %mul3A_542 : i32
      %get3A_545 = arith.index_cast %add3A_544 : i32 to index
      %get3A_546 = tpu.vector_load %arg11[%get3A_545] {strides = array<i32>} : memref<16384xi32, #tpu.memory_space<vmem>>, vector<16xi32>,
      %mul3A_547 = arith.constant 16 : i32
      %mul3A_548 = arith.muli %scan3A_505, %mul3A_547 : i32
      %add3A_549 = arith.constant 2880 : i32
      %add3A_550 = arith.addi %add3A_549, %mul3A_548 : i32
      %get3A_551 = arith.index_cast %add3A_550 : i32 to index
      %get3A_552 = tpu.vector_load %arg11[%get3A_551] {strides = array<i32>} : memref<16384xi32, #tpu.memory_space<vmem>>, vector<16xi32>,
      %min3A = arith.minsi %get3A_510, %get3A_516 : vector<16xi32>
      %le3A = arith.cmpi sle, %get3A_510, %get3A_516 : vector<16xi32>
      %select_n3A_553 = arith.select %le3A, %get3A_534, %get3A_540 : vector<16xi1>, vector<16xi32>
      %min3A_554 = arith.minsi %get3A_522, %get3A_528 : vector<16xi32>
      %le3A_555 = arith.cmpi sle, %get3A_522, %get3A_528 : vector<16xi32>
      %select_n3A_556 = arith.select %le3A_555, %get3A_546, %get3A_552 : vector<16xi1>, vector<16xi32>
      %le3A_557 = arith.cmpi sle, %min3A, %min3A_554 : vector<16xi32>
      %select_n3A_558 = arith.select %le3A_557, %select_n3A_553, %select_n3A_556 : vector<16xi1>, vector<16xi32>
      %mul3A_559 = arith.constant 16 : i32
      %mul3A_560 = arith.muli %scan3A_505, %mul3A_559 : i32
      %swap3A = arith.index_cast %mul3A_560 : i32 to index
      %swap3A_561 = tpu.vector_load %arg12[%swap3A] {strides = array<i32>} : memref<16384xi32, #tpu.memory_space<vmem>>, vector<16xi32>,
      tpu.vector_store %arg12[%swap3A], %select_n3A_558 {strides = array<i32>} : memref<16384xi32, #tpu.memory_space<vmem>>, vector<16xi32>,
    }
    %scan3A_164 = arith.constant 60 : i32
    %add3A_165 = arith.addi %mul3A_32, %mul3A_84 : i32
    %add3A_166 = arith.constant 960 : i32
    %add3A_167 = arith.addi %add3A_165, %add3A_166 : i32
    %multiple_of3A_168 = tpu.assume_multiple %add3A_167, 960 : i32
    "tpu.region"() ({
      %run_scoped3A = tpu.sem_alloc : memref<!tpu.dma_semaphore, #tpu.memory_space<semaphore_mem>>
      %dma_start3A = arith.constant 0 : i32
      %dma_start3A_505 = tpu.memref_slice %arg12[%dma_start3A] : memref<16384xi32, #tpu.memory_space<vmem>> -> memref<960xi32, #tpu.memory_space<vmem>>
      %dma_start3A_506 = tpu.memref_slice %arg5[%multiple_of3A_168] : memref<307200xi32, #tpu.memory_space<hbm>> -> memref<960xi32, #tpu.memory_space<hbm>>
      %dma_start3A_507 = tpu.memref_slice %arg5[%multiple_of3A_168] : memref<307200xi32, #tpu.memory_space<hbm>> -> memref<960xi32, #tpu.memory_space<hbm>>
      %dma_start3A_508 = arith.constant 0 : i32
      %dma_start3A_509 = tpu.memref_slice %arg12[%dma_start3A_508] : memref<16384xi32, #tpu.memory_space<vmem>> -> memref<960xi32, #tpu.memory_space<vmem>>
      tpu.enqueue_dma source(%dma_start3A_509 : memref<960xi32, #tpu.memory_space<vmem>>) target(%dma_start3A_507 : memref<960xi32, #tpu.memory_space<hbm>>) target_semaphore(%run_scoped3A : memref<!tpu.dma_semaphore, #tpu.memory_space<semaphore_mem>>)
      %dma_wait3A = arith.constant 0 : i32
      %dma_wait3A_510 = tpu.memref_slice %arg12[%dma_wait3A] : memref<16384xi32, #tpu.memory_space<vmem>> -> memref<960xi32, #tpu.memory_space<vmem>>
      %dma_wait3A_511 = tpu.memref_slice %arg5[%multiple_of3A_168] : memref<307200xi32, #tpu.memory_space<hbm>> -> memref<960xi32, #tpu.memory_space<hbm>>
      %dma_wait3A_512 = tpu.memref_slice %arg5[%multiple_of3A_168] : memref<307200xi32, #tpu.memory_space<hbm>> -> memref<960xi32, #tpu.memory_space<hbm>>
      %dma_wait3A_513 = arith.constant 0 : i32
      %dma_wait3A_514 = tpu.memref_slice %arg12[%dma_wait3A_513] : memref<16384xi32, #tpu.memory_space<vmem>> -> memref<960xi32, #tpu.memory_space<vmem>>
      tpu.wait_dma2 semaphore(%run_scoped3A : memref<!tpu.dma_semaphore, #tpu.memory_space<semaphore_mem>>) src(%dma_wait3A_514 : memref<960xi32, #tpu.memory_space<vmem>>) dst(%dma_wait3A_512 : memref<960xi32, #tpu.memory_space<hbm>>)
      tpu.yield
    }) : () -> ()
    %add3A_169 = arith.constant 0 : i32
    %add3A_170 = arith.addi %add3A_66, %add3A_169 : i32
    %mul3A_171 = arith.constant 38400 : i32
    %mul3A_172 = arith.muli %add3A_170, %mul3A_171 : i32
    %add3A_173 = arith.addi %mul3A_172, %mul3A_84 : i32
    %add3A_174 = arith.constant 1920 : i32
    %add3A_175 = arith.addi %add3A_173, %add3A_174 : i32
    %multiple_of3A_176 = tpu.assume_multiple %add3A_175, 960 : i32
    "tpu.region"() ({
      %run_scoped3A = tpu.sem_alloc : memref<!tpu.dma_semaphore, #tpu.memory_space<semaphore_mem>>
      %dma_start3A = arith.constant 0 : i32
      %dma_start3A_505 = tpu.memref_slice %arg10[%dma_start3A] : memref<16384xi32, #tpu.memory_space<vmem>> -> memref<960xi32, #tpu.memory_space<vmem>>
      %dma_start3A_506 = tpu.memref_slice %arg6[%multiple_of3A_176] : memref<1228800xi32, #tpu.memory_space<hbm>> -> memref<960xi32, #tpu.memory_space<hbm>>
      %dma_start3A_507 = arith.constant 0 : i32
      %dma_start3A_508 = tpu.memref_slice %arg10[%dma_start3A_507] : memref<16384xi32, #tpu.memory_space<vmem>> -> memref<960xi32, #tpu.memory_space<vmem>>
      %dma_start3A_509 = tpu.memref_slice %arg6[%multiple_of3A_176] : memref<1228800xi32, #tpu.memory_space<hbm>> -> memref<960xi32, #tpu.memory_space<hbm>>
      tpu.enqueue_dma source(%dma_start3A_509 : memref<960xi32, #tpu.memory_space<hbm>>) target(%dma_start3A_508 : memref<960xi32, #tpu.memory_space<vmem>>) target_semaphore(%run_scoped3A : memref<!tpu.dma_semaphore, #tpu.memory_space<semaphore_mem>>)
      %dma_wait3A = arith.constant 0 : i32
      %dma_wait3A_510 = tpu.memref_slice %arg10[%dma_wait3A] : memref<16384xi32, #tpu.memory_space<vmem>> -> memref<960xi32, #tpu.memory_space<vmem>>
      %dma_wait3A_511 = tpu.memref_slice %arg6[%multiple_of3A_176] : memref<1228800xi32, #tpu.memory_space<hbm>> -> memref<960xi32, #tpu.memory_space<hbm>>
      %dma_wait3A_512 = arith.constant 0 : i32
      %dma_wait3A_513 = tpu.memref_slice %arg10[%dma_wait3A_512] : memref<16384xi32, #tpu.memory_space<vmem>> -> memref<960xi32, #tpu.memory_space<vmem>>
      %dma_wait3A_514 = tpu.memref_slice %arg6[%multiple_of3A_176] : memref<1228800xi32, #tpu.memory_space<hbm>> -> memref<960xi32, #tpu.memory_space<hbm>>
      tpu.wait_dma2 semaphore(%run_scoped3A : memref<!tpu.dma_semaphore, #tpu.memory_space<semaphore_mem>>) src(%dma_wait3A_514 : memref<960xi32, #tpu.memory_space<hbm>>) dst(%dma_wait3A_513 : memref<960xi32, #tpu.memory_space<vmem>>)
      tpu.yield
    }) : () -> ()
    "tpu.region"() ({
      %run_scoped3A = tpu.sem_alloc : memref<!tpu.dma_semaphore, #tpu.memory_space<semaphore_mem>>
      %dma_start3A = arith.constant 0 : i32
      %dma_start3A_505 = tpu.memref_slice %arg11[%dma_start3A] : memref<16384xi32, #tpu.memory_space<vmem>> -> memref<960xi32, #tpu.memory_space<vmem>>
      %dma_start3A_506 = tpu.memref_slice %arg7[%multiple_of3A_176] : memref<1228800xi32, #tpu.memory_space<hbm>> -> memref<960xi32, #tpu.memory_space<hbm>>
      %dma_start3A_507 = arith.constant 0 : i32
      %dma_start3A_508 = tpu.memref_slice %arg11[%dma_start3A_507] : memref<16384xi32, #tpu.memory_space<vmem>> -> memref<960xi32, #tpu.memory_space<vmem>>
      %dma_start3A_509 = tpu.memref_slice %arg7[%multiple_of3A_176] : memref<1228800xi32, #tpu.memory_space<hbm>> -> memref<960xi32, #tpu.memory_space<hbm>>
      tpu.enqueue_dma source(%dma_start3A_509 : memref<960xi32, #tpu.memory_space<hbm>>) target(%dma_start3A_508 : memref<960xi32, #tpu.memory_space<vmem>>) target_semaphore(%run_scoped3A : memref<!tpu.dma_semaphore, #tpu.memory_space<semaphore_mem>>)
      %dma_wait3A = arith.constant 0 : i32
      %dma_wait3A_510 = tpu.memref_slice %arg11[%dma_wait3A] : memref<16384xi32, #tpu.memory_space<vmem>> -> memref<960xi32, #tpu.memory_space<vmem>>
      %dma_wait3A_511 = tpu.memref_slice %arg7[%multiple_of3A_176] : memref<1228800xi32, #tpu.memory_space<hbm>> -> memref<960xi32, #tpu.memory_space<hbm>>
      %dma_wait3A_512 = arith.constant 0 : i32
      %dma_wait3A_513 = tpu.memref_slice %arg11[%dma_wait3A_512] : memref<16384xi32, #tpu.memory_space<vmem>> -> memref<960xi32, #tpu.memory_space<vmem>>
      %dma_wait3A_514 = tpu.memref_slice %arg7[%multiple_of3A_176] : memref<1228800xi32, #tpu.memory_space<hbm>> -> memref<960xi32, #tpu.memory_space<hbm>>
      tpu.wait_dma2 semaphore(%run_scoped3A : memref<!tpu.dma_semaphore, #tpu.memory_space<semaphore_mem>>) src(%dma_wait3A_514 : memref<960xi32, #tpu.memory_space<hbm>>) dst(%dma_wait3A_513 : memref<960xi32, #tpu.memory_space<vmem>>)
      tpu.yield
    }) : () -> ()
    %add3A_177 = arith.constant 1 : i32
    %add3A_178 = arith.addi %add3A_66, %add3A_177 : i32
    %mul3A_179 = arith.constant 38400 : i32
    %mul3A_180 = arith.muli %add3A_178, %mul3A_179 : i32
    %add3A_181 = arith.addi %mul3A_180, %mul3A_84 : i32
    %add3A_182 = arith.constant 1920 : i32
    %add3A_183 = arith.addi %add3A_181, %add3A_182 : i32
    %multiple_of3A_184 = tpu.assume_multiple %add3A_183, 960 : i32
    "tpu.region"() ({
      %run_scoped3A = tpu.sem_alloc : memref<!tpu.dma_semaphore, #tpu.memory_space<semaphore_mem>>
      %dma_start3A = arith.constant 960 : i32
      %dma_start3A_505 = tpu.memref_slice %arg10[%dma_start3A] : memref<16384xi32, #tpu.memory_space<vmem>> -> memref<960xi32, #tpu.memory_space<vmem>>
      %dma_start3A_506 = tpu.memref_slice %arg6[%multiple_of3A_184] : memref<1228800xi32, #tpu.memory_space<hbm>> -> memref<960xi32, #tpu.memory_space<hbm>>
      %dma_start3A_507 = arith.constant 960 : i32
      %dma_start3A_508 = tpu.memref_slice %arg10[%dma_start3A_507] : memref<16384xi32, #tpu.memory_space<vmem>> -> memref<960xi32, #tpu.memory_space<vmem>>
      %dma_start3A_509 = tpu.memref_slice %arg6[%multiple_of3A_184] : memref<1228800xi32, #tpu.memory_space<hbm>> -> memref<960xi32, #tpu.memory_space<hbm>>
      tpu.enqueue_dma source(%dma_start3A_509 : memref<960xi32, #tpu.memory_space<hbm>>) target(%dma_start3A_508 : memref<960xi32, #tpu.memory_space<vmem>>) target_semaphore(%run_scoped3A : memref<!tpu.dma_semaphore, #tpu.memory_space<semaphore_mem>>)
      %dma_wait3A = arith.constant 960 : i32
      %dma_wait3A_510 = tpu.memref_slice %arg10[%dma_wait3A] : memref<16384xi32, #tpu.memory_space<vmem>> -> memref<960xi32, #tpu.memory_space<vmem>>
      %dma_wait3A_511 = tpu.memref_slice %arg6[%multiple_of3A_184] : memref<1228800xi32, #tpu.memory_space<hbm>> -> memref<960xi32, #tpu.memory_space<hbm>>
      %dma_wait3A_512 = arith.constant 960 : i32
      %dma_wait3A_513 = tpu.memref_slice %arg10[%dma_wait3A_512] : memref<16384xi32, #tpu.memory_space<vmem>> -> memref<960xi32, #tpu.memory_space<vmem>>
      %dma_wait3A_514 = tpu.memref_slice %arg6[%multiple_of3A_184] : memref<1228800xi32, #tpu.memory_space<hbm>> -> memref<960xi32, #tpu.memory_space<hbm>>
      tpu.wait_dma2 semaphore(%run_scoped3A : memref<!tpu.dma_semaphore, #tpu.memory_space<semaphore_mem>>) src(%dma_wait3A_514 : memref<960xi32, #tpu.memory_space<hbm>>) dst(%dma_wait3A_513 : memref<960xi32, #tpu.memory_space<vmem>>)
      tpu.yield
    }) : () -> ()
    "tpu.region"() ({
      %run_scoped3A = tpu.sem_alloc : memref<!tpu.dma_semaphore, #tpu.memory_space<semaphore_mem>>
      %dma_start3A = arith.constant 960 : i32
      %dma_start3A_505 = tpu.memref_slice %arg11[%dma_start3A] : memref<16384xi32, #tpu.memory_space<vmem>> -> memref<960xi32, #tpu.memory_space<vmem>>
      %dma_start3A_506 = tpu.memref_slice %arg7[%multiple_of3A_184] : memref<1228800xi32, #tpu.memory_space<hbm>> -> memref<960xi32, #tpu.memory_space<hbm>>
      %dma_start3A_507 = arith.constant 960 : i32
      %dma_start3A_508 = tpu.memref_slice %arg11[%dma_start3A_507] : memref<16384xi32, #tpu.memory_space<vmem>> -> memref<960xi32, #tpu.memory_space<vmem>>
      %dma_start3A_509 = tpu.memref_slice %arg7[%multiple_of3A_184] : memref<1228800xi32, #tpu.memory_space<hbm>> -> memref<960xi32, #tpu.memory_space<hbm>>
      tpu.enqueue_dma source(%dma_start3A_509 : memref<960xi32, #tpu.memory_space<hbm>>) target(%dma_start3A_508 : memref<960xi32, #tpu.memory_space<vmem>>) target_semaphore(%run_scoped3A : memref<!tpu.dma_semaphore, #tpu.memory_space<semaphore_mem>>)
      %dma_wait3A = arith.constant 960 : i32
      %dma_wait3A_510 = tpu.memref_slice %arg11[%dma_wait3A] : memref<16384xi32, #tpu.memory_space<vmem>> -> memref<960xi32, #tpu.memory_space<vmem>>
      %dma_wait3A_511 = tpu.memref_slice %arg7[%multiple_of3A_184] : memref<1228800xi32, #tpu.memory_space<hbm>> -> memref<960xi32, #tpu.memory_space<hbm>>
      %dma_wait3A_512 = arith.constant 960 : i32
      %dma_wait3A_513 = tpu.memref_slice %arg11[%dma_wait3A_512] : memref<16384xi32, #tpu.memory_space<vmem>> -> memref<960xi32, #tpu.memory_space<vmem>>
      %dma_wait3A_514 = tpu.memref_slice %arg7[%multiple_of3A_184] : memref<1228800xi32, #tpu.memory_space<hbm>> -> memref<960xi32, #tpu.memory_space<hbm>>
      tpu.wait_dma2 semaphore(%run_scoped3A : memref<!tpu.dma_semaphore, #tpu.memory_space<semaphore_mem>>) src(%dma_wait3A_514 : memref<960xi32, #tpu.memory_space<hbm>>) dst(%dma_wait3A_513 : memref<960xi32, #tpu.memory_space<vmem>>)
      tpu.yield
    }) : () -> ()
    %add3A_185 = arith.constant 2 : i32
    %add3A_186 = arith.addi %add3A_66, %add3A_185 : i32
    %mul3A_187 = arith.constant 38400 : i32
    %mul3A_188 = arith.muli %add3A_186, %mul3A_187 : i32
    %add3A_189 = arith.addi %mul3A_188, %mul3A_84 : i32
    %add3A_190 = arith.constant 1920 : i32
    %add3A_191 = arith.addi %add3A_189, %add3A_190 : i32
    %multiple_of3A_192 = tpu.assume_multiple %add3A_191, 960 : i32
    "tpu.region"() ({
      %run_scoped3A = tpu.sem_alloc : memref<!tpu.dma_semaphore, #tpu.memory_space<semaphore_mem>>
      %dma_start3A = arith.constant 1920 : i32
      %dma_start3A_505 = tpu.memref_slice %arg10[%dma_start3A] : memref<16384xi32, #tpu.memory_space<vmem>> -> memref<960xi32, #tpu.memory_space<vmem>>
      %dma_start3A_506 = tpu.memref_slice %arg6[%multiple_of3A_192] : memref<1228800xi32, #tpu.memory_space<hbm>> -> memref<960xi32, #tpu.memory_space<hbm>>
      %dma_start3A_507 = arith.constant 1920 : i32
      %dma_start3A_508 = tpu.memref_slice %arg10[%dma_start3A_507] : memref<16384xi32, #tpu.memory_space<vmem>> -> memref<960xi32, #tpu.memory_space<vmem>>
      %dma_start3A_509 = tpu.memref_slice %arg6[%multiple_of3A_192] : memref<1228800xi32, #tpu.memory_space<hbm>> -> memref<960xi32, #tpu.memory_space<hbm>>
      tpu.enqueue_dma source(%dma_start3A_509 : memref<960xi32, #tpu.memory_space<hbm>>) target(%dma_start3A_508 : memref<960xi32, #tpu.memory_space<vmem>>) target_semaphore(%run_scoped3A : memref<!tpu.dma_semaphore, #tpu.memory_space<semaphore_mem>>)
      %dma_wait3A = arith.constant 1920 : i32
      %dma_wait3A_510 = tpu.memref_slice %arg10[%dma_wait3A] : memref<16384xi32, #tpu.memory_space<vmem>> -> memref<960xi32, #tpu.memory_space<vmem>>
      %dma_wait3A_511 = tpu.memref_slice %arg6[%multiple_of3A_192] : memref<1228800xi32, #tpu.memory_space<hbm>> -> memref<960xi32, #tpu.memory_space<hbm>>
      %dma_wait3A_512 = arith.constant 1920 : i32
      %dma_wait3A_513 = tpu.memref_slice %arg10[%dma_wait3A_512] : memref<16384xi32, #tpu.memory_space<vmem>> -> memref<960xi32, #tpu.memory_space<vmem>>
      %dma_wait3A_514 = tpu.memref_slice %arg6[%multiple_of3A_192] : memref<1228800xi32, #tpu.memory_space<hbm>> -> memref<960xi32, #tpu.memory_space<hbm>>
      tpu.wait_dma2 semaphore(%run_scoped3A : memref<!tpu.dma_semaphore, #tpu.memory_space<semaphore_mem>>) src(%dma_wait3A_514 : memref<960xi32, #tpu.memory_space<hbm>>) dst(%dma_wait3A_513 : memref<960xi32, #tpu.memory_space<vmem>>)
      tpu.yield
    }) : () -> ()
    "tpu.region"() ({
      %run_scoped3A = tpu.sem_alloc : memref<!tpu.dma_semaphore, #tpu.memory_space<semaphore_mem>>
      %dma_start3A = arith.constant 1920 : i32
      %dma_start3A_505 = tpu.memref_slice %arg11[%dma_start3A] : memref<16384xi32, #tpu.memory_space<vmem>> -> memref<960xi32, #tpu.memory_space<vmem>>
      %dma_start3A_506 = tpu.memref_slice %arg7[%multiple_of3A_192] : memref<1228800xi32, #tpu.memory_space<hbm>> -> memref<960xi32, #tpu.memory_space<hbm>>
      %dma_start3A_507 = arith.constant 1920 : i32
      %dma_start3A_508 = tpu.memref_slice %arg11[%dma_start3A_507] : memref<16384xi32, #tpu.memory_space<vmem>> -> memref<960xi32, #tpu.memory_space<vmem>>
      %dma_start3A_509 = tpu.memref_slice %arg7[%multiple_of3A_192] : memref<1228800xi32, #tpu.memory_space<hbm>> -> memref<960xi32, #tpu.memory_space<hbm>>
      tpu.enqueue_dma source(%dma_start3A_509 : memref<960xi32, #tpu.memory_space<hbm>>) target(%dma_start3A_508 : memref<960xi32, #tpu.memory_space<vmem>>) target_semaphore(%run_scoped3A : memref<!tpu.dma_semaphore, #tpu.memory_space<semaphore_mem>>)
      %dma_wait3A = arith.constant 1920 : i32
      %dma_wait3A_510 = tpu.memref_slice %arg11[%dma_wait3A] : memref<16384xi32, #tpu.memory_space<vmem>> -> memref<960xi32, #tpu.memory_space<vmem>>
      %dma_wait3A_511 = tpu.memref_slice %arg7[%multiple_of3A_192] : memref<1228800xi32, #tpu.memory_space<hbm>> -> memref<960xi32, #tpu.memory_space<hbm>>
      %dma_wait3A_512 = arith.constant 1920 : i32
      %dma_wait3A_513 = tpu.memref_slice %arg11[%dma_wait3A_512] : memref<16384xi32, #tpu.memory_space<vmem>> -> memref<960xi32, #tpu.memory_space<vmem>>
      %dma_wait3A_514 = tpu.memref_slice %arg7[%multiple_of3A_192] : memref<1228800xi32, #tpu.memory_space<hbm>> -> memref<960xi32, #tpu.memory_space<hbm>>
      tpu.wait_dma2 semaphore(%run_scoped3A : memref<!tpu.dma_semaphore, #tpu.memory_space<semaphore_mem>>) src(%dma_wait3A_514 : memref<960xi32, #tpu.memory_space<hbm>>) dst(%dma_wait3A_513 : memref<960xi32, #tpu.memory_space<vmem>>)
      tpu.yield
    }) : () -> ()
    %add3A_193 = arith.constant 3 : i32
    %add3A_194 = arith.addi %add3A_66, %add3A_193 : i32
    %mul3A_195 = arith.constant 38400 : i32
    %mul3A_196 = arith.muli %add3A_194, %mul3A_195 : i32
    %add3A_197 = arith.addi %mul3A_196, %mul3A_84 : i32
    %add3A_198 = arith.constant 1920 : i32
    %add3A_199 = arith.addi %add3A_197, %add3A_198 : i32
    %multiple_of3A_200 = tpu.assume_multiple %add3A_199, 960 : i32
    "tpu.region"() ({
      %run_scoped3A = tpu.sem_alloc : memref<!tpu.dma_semaphore, #tpu.memory_space<semaphore_mem>>
      %dma_start3A = arith.constant 2880 : i32
      %dma_start3A_505 = tpu.memref_slice %arg10[%dma_start3A] : memref<16384xi32, #tpu.memory_space<vmem>> -> memref<960xi32, #tpu.memory_space<vmem>>
      %dma_start3A_506 = tpu.memref_slice %arg6[%multiple_of3A_200] : memref<1228800xi32, #tpu.memory_space<hbm>> -> memref<960xi32, #tpu.memory_space<hbm>>
      %dma_start3A_507 = arith.constant 2880 : i32
      %dma_start3A_508 = tpu.memref_slice %arg10[%dma_start3A_507] : memref<16384xi32, #tpu.memory_space<vmem>> -> memref<960xi32, #tpu.memory_space<vmem>>
      %dma_start3A_509 = tpu.memref_slice %arg6[%multiple_of3A_200] : memref<1228800xi32, #tpu.memory_space<hbm>> -> memref<960xi32, #tpu.memory_space<hbm>>
      tpu.enqueue_dma source(%dma_start3A_509 : memref<960xi32, #tpu.memory_space<hbm>>) target(%dma_start3A_508 : memref<960xi32, #tpu.memory_space<vmem>>) target_semaphore(%run_scoped3A : memref<!tpu.dma_semaphore, #tpu.memory_space<semaphore_mem>>)
      %dma_wait3A = arith.constant 2880 : i32
      %dma_wait3A_510 = tpu.memref_slice %arg10[%dma_wait3A] : memref<16384xi32, #tpu.memory_space<vmem>> -> memref<960xi32, #tpu.memory_space<vmem>>
      %dma_wait3A_511 = tpu.memref_slice %arg6[%multiple_of3A_200] : memref<1228800xi32, #tpu.memory_space<hbm>> -> memref<960xi32, #tpu.memory_space<hbm>>
      %dma_wait3A_512 = arith.constant 2880 : i32
      %dma_wait3A_513 = tpu.memref_slice %arg10[%dma_wait3A_512] : memref<16384xi32, #tpu.memory_space<vmem>> -> memref<960xi32, #tpu.memory_space<vmem>>
      %dma_wait3A_514 = tpu.memref_slice %arg6[%multiple_of3A_200] : memref<1228800xi32, #tpu.memory_space<hbm>> -> memref<960xi32, #tpu.memory_space<hbm>>
      tpu.wait_dma2 semaphore(%run_scoped3A : memref<!tpu.dma_semaphore, #tpu.memory_space<semaphore_mem>>) src(%dma_wait3A_514 : memref<960xi32, #tpu.memory_space<hbm>>) dst(%dma_wait3A_513 : memref<960xi32, #tpu.memory_space<vmem>>)
      tpu.yield
    }) : () -> ()
    "tpu.region"() ({
      %run_scoped3A = tpu.sem_alloc : memref<!tpu.dma_semaphore, #tpu.memory_space<semaphore_mem>>
      %dma_start3A = arith.constant 2880 : i32
      %dma_start3A_505 = tpu.memref_slice %arg11[%dma_start3A] : memref<16384xi32, #tpu.memory_space<vmem>> -> memref<960xi32, #tpu.memory_space<vmem>>
      %dma_start3A_506 = tpu.memref_slice %arg7[%multiple_of3A_200] : memref<1228800xi32, #tpu.memory_space<hbm>> -> memref<960xi32, #tpu.memory_space<hbm>>
      %dma_start3A_507 = arith.constant 2880 : i32
      %dma_start3A_508 = tpu.memref_slice %arg11[%dma_start3A_507] : memref<16384xi32, #tpu.memory_space<vmem>> -> memref<960xi32, #tpu.memory_space<vmem>>
      %dma_start3A_509 = tpu.memref_slice %arg7[%multiple_of3A_200] : memref<1228800xi32, #tpu.memory_space<hbm>> -> memref<960xi32, #tpu.memory_space<hbm>>
      tpu.enqueue_dma source(%dma_start3A_509 : memref<960xi32, #tpu.memory_space<hbm>>) target(%dma_start3A_508 : memref<960xi32, #tpu.memory_space<vmem>>) target_semaphore(%run_scoped3A : memref<!tpu.dma_semaphore, #tpu.memory_space<semaphore_mem>>)
      %dma_wait3A = arith.constant 2880 : i32
      %dma_wait3A_510 = tpu.memref_slice %arg11[%dma_wait3A] : memref<16384xi32, #tpu.memory_space<vmem>> -> memref<960xi32, #tpu.memory_space<vmem>>
      %dma_wait3A_511 = tpu.memref_slice %arg7[%multiple_of3A_200] : memref<1228800xi32, #tpu.memory_space<hbm>> -> memref<960xi32, #tpu.memory_space<hbm>>
      %dma_wait3A_512 = arith.constant 2880 : i32
      %dma_wait3A_513 = tpu.memref_slice %arg11[%dma_wait3A_512] : memref<16384xi32, #tpu.memory_space<vmem>> -> memref<960xi32, #tpu.memory_space<vmem>>
      %dma_wait3A_514 = tpu.memref_slice %arg7[%multiple_of3A_200] : memref<1228800xi32, #tpu.memory_space<hbm>> -> memref<960xi32, #tpu.memory_space<hbm>>
      tpu.wait_dma2 semaphore(%run_scoped3A : memref<!tpu.dma_semaphore, #tpu.memory_space<semaphore_mem>>) src(%dma_wait3A_514 : memref<960xi32, #tpu.memory_space<hbm>>) dst(%dma_wait3A_513 : memref<960xi32, #tpu.memory_space<vmem>>)
      tpu.yield
    }) : () -> ()
    %scan3A_201 = arith.constant 0 : i32
    %scan3A_202 = arith.constant 0 : i32
    %scan3A_203 = arith.constant 60 : i32
    %scan3A_204 = arith.addi %scan3A_202, %scan3A_203 : i32
    %scan3A_205 = arith.constant 1 : i32
    scf.for %scan3A_505 = %scan3A_202 to %scan3A_204 step %scan3A_205  : i32 {
      %mul3A_506 = arith.constant 16 : i32
      %mul3A_507 = arith.muli %scan3A_505, %mul3A_506 : i32
      %add3A_508 = arith.constant 0 : i32
      %add3A_509 = arith.addi %add3A_508, %mul3A_507 : i32
      %get3A = arith.index_cast %add3A_509 : i32 to index
      %get3A_510 = tpu.vector_load %arg10[%get3A] {strides = array<i32>} : memref<16384xi32, #tpu.memory_space<vmem>>, vector<16xi32>,
      %mul3A_511 = arith.constant 16 : i32
      %mul3A_512 = arith.muli %scan3A_505, %mul3A_511 : i32
      %add3A_513 = arith.constant 960 : i32
      %add3A_514 = arith.addi %add3A_513, %mul3A_512 : i32
      %get3A_515 = arith.index_cast %add3A_514 : i32 to index
      %get3A_516 = tpu.vector_load %arg10[%get3A_515] {strides = array<i32>} : memref<16384xi32, #tpu.memory_space<vmem>>, vector<16xi32>,
      %mul3A_517 = arith.constant 16 : i32
      %mul3A_518 = arith.muli %scan3A_505, %mul3A_517 : i32
      %add3A_519 = arith.constant 1920 : i32
      %add3A_520 = arith.addi %add3A_519, %mul3A_518 : i32
      %get3A_521 = arith.index_cast %add3A_520 : i32 to index
      %get3A_522 = tpu.vector_load %arg10[%get3A_521] {strides = array<i32>} : memref<16384xi32, #tpu.memory_space<vmem>>, vector<16xi32>,
      %mul3A_523 = arith.constant 16 : i32
      %mul3A_524 = arith.muli %scan3A_505, %mul3A_523 : i32
      %add3A_525 = arith.constant 2880 : i32
      %add3A_526 = arith.addi %add3A_525, %mul3A_524 : i32
      %get3A_527 = arith.index_cast %add3A_526 : i32 to index
      %get3A_528 = tpu.vector_load %arg10[%get3A_527] {strides = array<i32>} : memref<16384xi32, #tpu.memory_space<vmem>>, vector<16xi32>,
      %mul3A_529 = arith.constant 16 : i32
      %mul3A_530 = arith.muli %scan3A_505, %mul3A_529 : i32
      %add3A_531 = arith.constant 0 : i32
      %add3A_532 = arith.addi %add3A_531, %mul3A_530 : i32
      %get3A_533 = arith.index_cast %add3A_532 : i32 to index
      %get3A_534 = tpu.vector_load %arg11[%get3A_533] {strides = array<i32>} : memref<16384xi32, #tpu.memory_space<vmem>>, vector<16xi32>,
      %mul3A_535 = arith.constant 16 : i32
      %mul3A_536 = arith.muli %scan3A_505, %mul3A_535 : i32
      %add3A_537 = arith.constant 960 : i32
      %add3A_538 = arith.addi %add3A_537, %mul3A_536 : i32
      %get3A_539 = arith.index_cast %add3A_538 : i32 to index
      %get3A_540 = tpu.vector_load %arg11[%get3A_539] {strides = array<i32>} : memref<16384xi32, #tpu.memory_space<vmem>>, vector<16xi32>,
      %mul3A_541 = arith.constant 16 : i32
      %mul3A_542 = arith.muli %scan3A_505, %mul3A_541 : i32
      %add3A_543 = arith.constant 1920 : i32
      %add3A_544 = arith.addi %add3A_543, %mul3A_542 : i32
      %get3A_545 = arith.index_cast %add3A_544 : i32 to index
      %get3A_546 = tpu.vector_load %arg11[%get3A_545] {strides = array<i32>} : memref<16384xi32, #tpu.memory_space<vmem>>, vector<16xi32>,
      %mul3A_547 = arith.constant 16 : i32
      %mul3A_548 = arith.muli %scan3A_505, %mul3A_547 : i32
      %add3A_549 = arith.constant 2880 : i32
      %add3A_550 = arith.addi %add3A_549, %mul3A_548 : i32
      %get3A_551 = arith.index_cast %add3A_550 : i32 to index
      %get3A_552 = tpu.vector_load %arg11[%get3A_551] {strides = array<i32>} : memref<16384xi32, #tpu.memory_space<vmem>>, vector<16xi32>,
      %min3A = arith.minsi %get3A_510, %get3A_516 : vector<16xi32>
      %le3A = arith.cmpi sle, %get3A_510, %get3A_516 : vector<16xi32>
      %select_n3A_553 = arith.select %le3A, %get3A_534, %get3A_540 : vector<16xi1>, vector<16xi32>
      %min3A_554 = arith.minsi %get3A_522, %get3A_528 : vector<16xi32>
      %le3A_555 = arith.cmpi sle, %get3A_522, %get3A_528 : vector<16xi32>
      %select_n3A_556 = arith.select %le3A_555, %get3A_546, %get3A_552 : vector<16xi1>, vector<16xi32>
      %le3A_557 = arith.cmpi sle, %min3A, %min3A_554 : vector<16xi32>
      %select_n3A_558 = arith.select %le3A_557, %select_n3A_553, %select_n3A_556 : vector<16xi1>, vector<16xi32>
      %mul3A_559 = arith.constant 16 : i32
      %mul3A_560 = arith.muli %scan3A_505, %mul3A_559 : i32
      %swap3A = arith.index_cast %mul3A_560 : i32 to index
      %swap3A_561 = tpu.vector_load %arg12[%swap3A] {strides = array<i32>} : memref<16384xi32, #tpu.memory_space<vmem>>, vector<16xi32>,
      tpu.vector_store %arg12[%swap3A], %select_n3A_558 {strides = array<i32>} : memref<16384xi32, #tpu.memory_space<vmem>>, vector<16xi32>,
    }
    %scan3A_206 = arith.constant 60 : i32
    %add3A_207 = arith.addi %mul3A_32, %mul3A_84 : i32
    %add3A_208 = arith.constant 1920 : i32
    %add3A_209 = arith.addi %add3A_207, %add3A_208 : i32
    %multiple_of3A_210 = tpu.assume_multiple %add3A_209, 960 : i32
    "tpu.region"() ({
      %run_scoped3A = tpu.sem_alloc : memref<!tpu.dma_semaphore, #tpu.memory_space<semaphore_mem>>
      %dma_start3A = arith.constant 0 : i32
      %dma_start3A_505 = tpu.memref_slice %arg12[%dma_start3A] : memref<16384xi32, #tpu.memory_space<vmem>> -> memref<960xi32, #tpu.memory_space<vmem>>
      %dma_start3A_506 = tpu.memref_slice %arg5[%multiple_of3A_210] : memref<307200xi32, #tpu.memory_space<hbm>> -> memref<960xi32, #tpu.memory_space<hbm>>
      %dma_start3A_507 = tpu.memref_slice %arg5[%multiple_of3A_210] : memref<307200xi32, #tpu.memory_space<hbm>> -> memref<960xi32, #tpu.memory_space<hbm>>
      %dma_start3A_508 = arith.constant 0 : i32
      %dma_start3A_509 = tpu.memref_slice %arg12[%dma_start3A_508] : memref<16384xi32, #tpu.memory_space<vmem>> -> memref<960xi32, #tpu.memory_space<vmem>>
      tpu.enqueue_dma source(%dma_start3A_509 : memref<960xi32, #tpu.memory_space<vmem>>) target(%dma_start3A_507 : memref<960xi32, #tpu.memory_space<hbm>>) target_semaphore(%run_scoped3A : memref<!tpu.dma_semaphore, #tpu.memory_space<semaphore_mem>>)
      %dma_wait3A = arith.constant 0 : i32
      %dma_wait3A_510 = tpu.memref_slice %arg12[%dma_wait3A] : memref<16384xi32, #tpu.memory_space<vmem>> -> memref<960xi32, #tpu.memory_space<vmem>>
      %dma_wait3A_511 = tpu.memref_slice %arg5[%multiple_of3A_210] : memref<307200xi32, #tpu.memory_space<hbm>> -> memref<960xi32, #tpu.memory_space<hbm>>
      %dma_wait3A_512 = tpu.memref_slice %arg5[%multiple_of3A_210] : memref<307200xi32, #tpu.memory_space<hbm>> -> memref<960xi32, #tpu.memory_space<hbm>>
      %dma_wait3A_513 = arith.constant 0 : i32
      %dma_wait3A_514 = tpu.memref_slice %arg12[%dma_wait3A_513] : memref<16384xi32, #tpu.memory_space<vmem>> -> memref<960xi32, #tpu.memory_space<vmem>>
      tpu.wait_dma2 semaphore(%run_scoped3A : memref<!tpu.dma_semaphore, #tpu.memory_space<semaphore_mem>>) src(%dma_wait3A_514 : memref<960xi32, #tpu.memory_space<vmem>>) dst(%dma_wait3A_512 : memref<960xi32, #tpu.memory_space<hbm>>)
      tpu.yield
    }) : () -> ()
    %add3A_211 = arith.constant 0 : i32
    %add3A_212 = arith.addi %add3A_66, %add3A_211 : i32
    %mul3A_213 = arith.constant 38400 : i32
    %mul3A_214 = arith.muli %add3A_212, %mul3A_213 : i32
    %add3A_215 = arith.addi %mul3A_214, %mul3A_84 : i32
    %add3A_216 = arith.constant 2880 : i32
    %add3A_217 = arith.addi %add3A_215, %add3A_216 : i32
    %multiple_of3A_218 = tpu.assume_multiple %add3A_217, 960 : i32
    "tpu.region"() ({
      %run_scoped3A = tpu.sem_alloc : memref<!tpu.dma_semaphore, #tpu.memory_space<semaphore_mem>>
      %dma_start3A = arith.constant 0 : i32
      %dma_start3A_505 = tpu.memref_slice %arg10[%dma_start3A] : memref<16384xi32, #tpu.memory_space<vmem>> -> memref<960xi32, #tpu.memory_space<vmem>>
      %dma_start3A_506 = tpu.memref_slice %arg6[%multiple_of3A_218] : memref<1228800xi32, #tpu.memory_space<hbm>> -> memref<960xi32, #tpu.memory_space<hbm>>
      %dma_start3A_507 = arith.constant 0 : i32
      %dma_start3A_508 = tpu.memref_slice %arg10[%dma_start3A_507] : memref<16384xi32, #tpu.memory_space<vmem>> -> memref<960xi32, #tpu.memory_space<vmem>>
      %dma_start3A_509 = tpu.memref_slice %arg6[%multiple_of3A_218] : memref<1228800xi32, #tpu.memory_space<hbm>> -> memref<960xi32, #tpu.memory_space<hbm>>
      tpu.enqueue_dma source(%dma_start3A_509 : memref<960xi32, #tpu.memory_space<hbm>>) target(%dma_start3A_508 : memref<960xi32, #tpu.memory_space<vmem>>) target_semaphore(%run_scoped3A : memref<!tpu.dma_semaphore, #tpu.memory_space<semaphore_mem>>)
      %dma_wait3A = arith.constant 0 : i32
      %dma_wait3A_510 = tpu.memref_slice %arg10[%dma_wait3A] : memref<16384xi32, #tpu.memory_space<vmem>> -> memref<960xi32, #tpu.memory_space<vmem>>
      %dma_wait3A_511 = tpu.memref_slice %arg6[%multiple_of3A_218] : memref<1228800xi32, #tpu.memory_space<hbm>> -> memref<960xi32, #tpu.memory_space<hbm>>
      %dma_wait3A_512 = arith.constant 0 : i32
      %dma_wait3A_513 = tpu.memref_slice %arg10[%dma_wait3A_512] : memref<16384xi32, #tpu.memory_space<vmem>> -> memref<960xi32, #tpu.memory_space<vmem>>
      %dma_wait3A_514 = tpu.memref_slice %arg6[%multiple_of3A_218] : memref<1228800xi32, #tpu.memory_space<hbm>> -> memref<960xi32, #tpu.memory_space<hbm>>
      tpu.wait_dma2 semaphore(%run_scoped3A : memref<!tpu.dma_semaphore, #tpu.memory_space<semaphore_mem>>) src(%dma_wait3A_514 : memref<960xi32, #tpu.memory_space<hbm>>) dst(%dma_wait3A_513 : memref<960xi32, #tpu.memory_space<vmem>>)
      tpu.yield
    }) : () -> ()
    "tpu.region"() ({
      %run_scoped3A = tpu.sem_alloc : memref<!tpu.dma_semaphore, #tpu.memory_space<semaphore_mem>>
      %dma_start3A = arith.constant 0 : i32
      %dma_start3A_505 = tpu.memref_slice %arg11[%dma_start3A] : memref<16384xi32, #tpu.memory_space<vmem>> -> memref<960xi32, #tpu.memory_space<vmem>>
      %dma_start3A_506 = tpu.memref_slice %arg7[%multiple_of3A_218] : memref<1228800xi32, #tpu.memory_space<hbm>> -> memref<960xi32, #tpu.memory_space<hbm>>
      %dma_start3A_507 = arith.constant 0 : i32
      %dma_start3A_508 = tpu.memref_slice %arg11[%dma_start3A_507] : memref<16384xi32, #tpu.memory_space<vmem>> -> memref<960xi32, #tpu.memory_space<vmem>>
      %dma_start3A_509 = tpu.memref_slice %arg7[%multiple_of3A_218] : memref<1228800xi32, #tpu.memory_space<hbm>> -> memref<960xi32, #tpu.memory_space<hbm>>
      tpu.enqueue_dma source(%dma_start3A_509 : memref<960xi32, #tpu.memory_space<hbm>>) target(%dma_start3A_508 : memref<960xi32, #tpu.memory_space<vmem>>) target_semaphore(%run_scoped3A : memref<!tpu.dma_semaphore, #tpu.memory_space<semaphore_mem>>)
      %dma_wait3A = arith.constant 0 : i32
      %dma_wait3A_510 = tpu.memref_slice %arg11[%dma_wait3A] : memref<16384xi32, #tpu.memory_space<vmem>> -> memref<960xi32, #tpu.memory_space<vmem>>
      %dma_wait3A_511 = tpu.memref_slice %arg7[%multiple_of3A_218] : memref<1228800xi32, #tpu.memory_space<hbm>> -> memref<960xi32, #tpu.memory_space<hbm>>
      %dma_wait3A_512 = arith.constant 0 : i32
      %dma_wait3A_513 = tpu.memref_slice %arg11[%dma_wait3A_512] : memref<16384xi32, #tpu.memory_space<vmem>> -> memref<960xi32, #tpu.memory_space<vmem>>
      %dma_wait3A_514 = tpu.memref_slice %arg7[%multiple_of3A_218] : memref<1228800xi32, #tpu.memory_space<hbm>> -> memref<960xi32, #tpu.memory_space<hbm>>
      tpu.wait_dma2 semaphore(%run_scoped3A : memref<!tpu.dma_semaphore, #tpu.memory_space<semaphore_mem>>) src(%dma_wait3A_514 : memref<960xi32, #tpu.memory_space<hbm>>) dst(%dma_wait3A_513 : memref<960xi32, #tpu.memory_space<vmem>>)
      tpu.yield
    }) : () -> ()
    %add3A_219 = arith.constant 1 : i32
    %add3A_220 = arith.addi %add3A_66, %add3A_219 : i32
    %mul3A_221 = arith.constant 38400 : i32
    %mul3A_222 = arith.muli %add3A_220, %mul3A_221 : i32
    %add3A_223 = arith.addi %mul3A_222, %mul3A_84 : i32
    %add3A_224 = arith.constant 2880 : i32
    %add3A_225 = arith.addi %add3A_223, %add3A_224 : i32
    %multiple_of3A_226 = tpu.assume_multiple %add3A_225, 960 : i32
    "tpu.region"() ({
      %run_scoped3A = tpu.sem_alloc : memref<!tpu.dma_semaphore, #tpu.memory_space<semaphore_mem>>
      %dma_start3A = arith.constant 960 : i32
      %dma_start3A_505 = tpu.memref_slice %arg10[%dma_start3A] : memref<16384xi32, #tpu.memory_space<vmem>> -> memref<960xi32, #tpu.memory_space<vmem>>
      %dma_start3A_506 = tpu.memref_slice %arg6[%multiple_of3A_226] : memref<1228800xi32, #tpu.memory_space<hbm>> -> memref<960xi32, #tpu.memory_space<hbm>>
      %dma_start3A_507 = arith.constant 960 : i32
      %dma_start3A_508 = tpu.memref_slice %arg10[%dma_start3A_507] : memref<16384xi32, #tpu.memory_space<vmem>> -> memref<960xi32, #tpu.memory_space<vmem>>
      %dma_start3A_509 = tpu.memref_slice %arg6[%multiple_of3A_226] : memref<1228800xi32, #tpu.memory_space<hbm>> -> memref<960xi32, #tpu.memory_space<hbm>>
      tpu.enqueue_dma source(%dma_start3A_509 : memref<960xi32, #tpu.memory_space<hbm>>) target(%dma_start3A_508 : memref<960xi32, #tpu.memory_space<vmem>>) target_semaphore(%run_scoped3A : memref<!tpu.dma_semaphore, #tpu.memory_space<semaphore_mem>>)
      %dma_wait3A = arith.constant 960 : i32
      %dma_wait3A_510 = tpu.memref_slice %arg10[%dma_wait3A] : memref<16384xi32, #tpu.memory_space<vmem>> -> memref<960xi32, #tpu.memory_space<vmem>>
      %dma_wait3A_511 = tpu.memref_slice %arg6[%multiple_of3A_226] : memref<1228800xi32, #tpu.memory_space<hbm>> -> memref<960xi32, #tpu.memory_space<hbm>>
      %dma_wait3A_512 = arith.constant 960 : i32
      %dma_wait3A_513 = tpu.memref_slice %arg10[%dma_wait3A_512] : memref<16384xi32, #tpu.memory_space<vmem>> -> memref<960xi32, #tpu.memory_space<vmem>>
      %dma_wait3A_514 = tpu.memref_slice %arg6[%multiple_of3A_226] : memref<1228800xi32, #tpu.memory_space<hbm>> -> memref<960xi32, #tpu.memory_space<hbm>>
      tpu.wait_dma2 semaphore(%run_scoped3A : memref<!tpu.dma_semaphore, #tpu.memory_space<semaphore_mem>>) src(%dma_wait3A_514 : memref<960xi32, #tpu.memory_space<hbm>>) dst(%dma_wait3A_513 : memref<960xi32, #tpu.memory_space<vmem>>)
      tpu.yield
    }) : () -> ()
    "tpu.region"() ({
      %run_scoped3A = tpu.sem_alloc : memref<!tpu.dma_semaphore, #tpu.memory_space<semaphore_mem>>
      %dma_start3A = arith.constant 960 : i32
      %dma_start3A_505 = tpu.memref_slice %arg11[%dma_start3A] : memref<16384xi32, #tpu.memory_space<vmem>> -> memref<960xi32, #tpu.memory_space<vmem>>
      %dma_start3A_506 = tpu.memref_slice %arg7[%multiple_of3A_226] : memref<1228800xi32, #tpu.memory_space<hbm>> -> memref<960xi32, #tpu.memory_space<hbm>>
      %dma_start3A_507 = arith.constant 960 : i32
      %dma_start3A_508 = tpu.memref_slice %arg11[%dma_start3A_507] : memref<16384xi32, #tpu.memory_space<vmem>> -> memref<960xi32, #tpu.memory_space<vmem>>
      %dma_start3A_509 = tpu.memref_slice %arg7[%multiple_of3A_226] : memref<1228800xi32, #tpu.memory_space<hbm>> -> memref<960xi32, #tpu.memory_space<hbm>>
      tpu.enqueue_dma source(%dma_start3A_509 : memref<960xi32, #tpu.memory_space<hbm>>) target(%dma_start3A_508 : memref<960xi32, #tpu.memory_space<vmem>>) target_semaphore(%run_scoped3A : memref<!tpu.dma_semaphore, #tpu.memory_space<semaphore_mem>>)
      %dma_wait3A = arith.constant 960 : i32
      %dma_wait3A_510 = tpu.memref_slice %arg11[%dma_wait3A] : memref<16384xi32, #tpu.memory_space<vmem>> -> memref<960xi32, #tpu.memory_space<vmem>>
      %dma_wait3A_511 = tpu.memref_slice %arg7[%multiple_of3A_226] : memref<1228800xi32, #tpu.memory_space<hbm>> -> memref<960xi32, #tpu.memory_space<hbm>>
      %dma_wait3A_512 = arith.constant 960 : i32
      %dma_wait3A_513 = tpu.memref_slice %arg11[%dma_wait3A_512] : memref<16384xi32, #tpu.memory_space<vmem>> -> memref<960xi32, #tpu.memory_space<vmem>>
      %dma_wait3A_514 = tpu.memref_slice %arg7[%multiple_of3A_226] : memref<1228800xi32, #tpu.memory_space<hbm>> -> memref<960xi32, #tpu.memory_space<hbm>>
      tpu.wait_dma2 semaphore(%run_scoped3A : memref<!tpu.dma_semaphore, #tpu.memory_space<semaphore_mem>>) src(%dma_wait3A_514 : memref<960xi32, #tpu.memory_space<hbm>>) dst(%dma_wait3A_513 : memref<960xi32, #tpu.memory_space<vmem>>)
      tpu.yield
    }) : () -> ()
    %add3A_227 = arith.constant 2 : i32
    %add3A_228 = arith.addi %add3A_66, %add3A_227 : i32
    %mul3A_229 = arith.constant 38400 : i32
    %mul3A_230 = arith.muli %add3A_228, %mul3A_229 : i32
    %add3A_231 = arith.addi %mul3A_230, %mul3A_84 : i32
    %add3A_232 = arith.constant 2880 : i32
    %add3A_233 = arith.addi %add3A_231, %add3A_232 : i32
    %multiple_of3A_234 = tpu.assume_multiple %add3A_233, 960 : i32
    "tpu.region"() ({
      %run_scoped3A = tpu.sem_alloc : memref<!tpu.dma_semaphore, #tpu.memory_space<semaphore_mem>>
      %dma_start3A = arith.constant 1920 : i32
      %dma_start3A_505 = tpu.memref_slice %arg10[%dma_start3A] : memref<16384xi32, #tpu.memory_space<vmem>> -> memref<960xi32, #tpu.memory_space<vmem>>
      %dma_start3A_506 = tpu.memref_slice %arg6[%multiple_of3A_234] : memref<1228800xi32, #tpu.memory_space<hbm>> -> memref<960xi32, #tpu.memory_space<hbm>>
      %dma_start3A_507 = arith.constant 1920 : i32
      %dma_start3A_508 = tpu.memref_slice %arg10[%dma_start3A_507] : memref<16384xi32, #tpu.memory_space<vmem>> -> memref<960xi32, #tpu.memory_space<vmem>>
      %dma_start3A_509 = tpu.memref_slice %arg6[%multiple_of3A_234] : memref<1228800xi32, #tpu.memory_space<hbm>> -> memref<960xi32, #tpu.memory_space<hbm>>
      tpu.enqueue_dma source(%dma_start3A_509 : memref<960xi32, #tpu.memory_space<hbm>>) target(%dma_start3A_508 : memref<960xi32, #tpu.memory_space<vmem>>) target_semaphore(%run_scoped3A : memref<!tpu.dma_semaphore, #tpu.memory_space<semaphore_mem>>)
      %dma_wait3A = arith.constant 1920 : i32
      %dma_wait3A_510 = tpu.memref_slice %arg10[%dma_wait3A] : memref<16384xi32, #tpu.memory_space<vmem>> -> memref<960xi32, #tpu.memory_space<vmem>>
      %dma_wait3A_511 = tpu.memref_slice %arg6[%multiple_of3A_234] : memref<1228800xi32, #tpu.memory_space<hbm>> -> memref<960xi32, #tpu.memory_space<hbm>>
      %dma_wait3A_512 = arith.constant 1920 : i32
      %dma_wait3A_513 = tpu.memref_slice %arg10[%dma_wait3A_512] : memref<16384xi32, #tpu.memory_space<vmem>> -> memref<960xi32, #tpu.memory_space<vmem>>
      %dma_wait3A_514 = tpu.memref_slice %arg6[%multiple_of3A_234] : memref<1228800xi32, #tpu.memory_space<hbm>> -> memref<960xi32, #tpu.memory_space<hbm>>
      tpu.wait_dma2 semaphore(%run_scoped3A : memref<!tpu.dma_semaphore, #tpu.memory_space<semaphore_mem>>) src(%dma_wait3A_514 : memref<960xi32, #tpu.memory_space<hbm>>) dst(%dma_wait3A_513 : memref<960xi32, #tpu.memory_space<vmem>>)
      tpu.yield
    }) : () -> ()
    "tpu.region"() ({
      %run_scoped3A = tpu.sem_alloc : memref<!tpu.dma_semaphore, #tpu.memory_space<semaphore_mem>>
      %dma_start3A = arith.constant 1920 : i32
      %dma_start3A_505 = tpu.memref_slice %arg11[%dma_start3A] : memref<16384xi32, #tpu.memory_space<vmem>> -> memref<960xi32, #tpu.memory_space<vmem>>
      %dma_start3A_506 = tpu.memref_slice %arg7[%multiple_of3A_234] : memref<1228800xi32, #tpu.memory_space<hbm>> -> memref<960xi32, #tpu.memory_space<hbm>>
      %dma_start3A_507 = arith.constant 1920 : i32
      %dma_start3A_508 = tpu.memref_slice %arg11[%dma_start3A_507] : memref<16384xi32, #tpu.memory_space<vmem>> -> memref<960xi32, #tpu.memory_space<vmem>>
      %dma_start3A_509 = tpu.memref_slice %arg7[%multiple_of3A_234] : memref<1228800xi32, #tpu.memory_space<hbm>> -> memref<960xi32, #tpu.memory_space<hbm>>
      tpu.enqueue_dma source(%dma_start3A_509 : memref<960xi32, #tpu.memory_space<hbm>>) target(%dma_start3A_508 : memref<960xi32, #tpu.memory_space<vmem>>) target_semaphore(%run_scoped3A : memref<!tpu.dma_semaphore, #tpu.memory_space<semaphore_mem>>)
      %dma_wait3A = arith.constant 1920 : i32
      %dma_wait3A_510 = tpu.memref_slice %arg11[%dma_wait3A] : memref<16384xi32, #tpu.memory_space<vmem>> -> memref<960xi32, #tpu.memory_space<vmem>>
      %dma_wait3A_511 = tpu.memref_slice %arg7[%multiple_of3A_234] : memref<1228800xi32, #tpu.memory_space<hbm>> -> memref<960xi32, #tpu.memory_space<hbm>>
      %dma_wait3A_512 = arith.constant 1920 : i32
      %dma_wait3A_513 = tpu.memref_slice %arg11[%dma_wait3A_512] : memref<16384xi32, #tpu.memory_space<vmem>> -> memref<960xi32, #tpu.memory_space<vmem>>
      %dma_wait3A_514 = tpu.memref_slice %arg7[%multiple_of3A_234] : memref<1228800xi32, #tpu.memory_space<hbm>> -> memref<960xi32, #tpu.memory_space<hbm>>
      tpu.wait_dma2 semaphore(%run_scoped3A : memref<!tpu.dma_semaphore, #tpu.memory_space<semaphore_mem>>) src(%dma_wait3A_514 : memref<960xi32, #tpu.memory_space<hbm>>) dst(%dma_wait3A_513 : memref<960xi32, #tpu.memory_space<vmem>>)
      tpu.yield
    }) : () -> ()
    %add3A_235 = arith.constant 3 : i32
    %add3A_236 = arith.addi %add3A_66, %add3A_235 : i32
    %mul3A_237 = arith.constant 38400 : i32
    %mul3A_238 = arith.muli %add3A_236, %mul3A_237 : i32
    %add3A_239 = arith.addi %mul3A_238, %mul3A_84 : i32
    %add3A_240 = arith.constant 2880 : i32
    %add3A_241 = arith.addi %add3A_239, %add3A_240 : i32
    %multiple_of3A_242 = tpu.assume_multiple %add3A_241, 960 : i32
    "tpu.region"() ({
      %run_scoped3A = tpu.sem_alloc : memref<!tpu.dma_semaphore, #tpu.memory_space<semaphore_mem>>
      %dma_start3A = arith.constant 2880 : i32
      %dma_start3A_505 = tpu.memref_slice %arg10[%dma_start3A] : memref<16384xi32, #tpu.memory_space<vmem>> -> memref<960xi32, #tpu.memory_space<vmem>>
      %dma_start3A_506 = tpu.memref_slice %arg6[%multiple_of3A_242] : memref<1228800xi32, #tpu.memory_space<hbm>> -> memref<960xi32, #tpu.memory_space<hbm>>
      %dma_start3A_507 = arith.constant 2880 : i32
      %dma_start3A_508 = tpu.memref_slice %arg10[%dma_start3A_507] : memref<16384xi32, #tpu.memory_space<vmem>> -> memref<960xi32, #tpu.memory_space<vmem>>
      %dma_start3A_509 = tpu.memref_slice %arg6[%multiple_of3A_242] : memref<1228800xi32, #tpu.memory_space<hbm>> -> memref<960xi32, #tpu.memory_space<hbm>>
      tpu.enqueue_dma source(%dma_start3A_509 : memref<960xi32, #tpu.memory_space<hbm>>) target(%dma_start3A_508 : memref<960xi32, #tpu.memory_space<vmem>>) target_semaphore(%run_scoped3A : memref<!tpu.dma_semaphore, #tpu.memory_space<semaphore_mem>>)
      %dma_wait3A = arith.constant 2880 : i32
      %dma_wait3A_510 = tpu.memref_slice %arg10[%dma_wait3A] : memref<16384xi32, #tpu.memory_space<vmem>> -> memref<960xi32, #tpu.memory_space<vmem>>
      %dma_wait3A_511 = tpu.memref_slice %arg6[%multiple_of3A_242] : memref<1228800xi32, #tpu.memory_space<hbm>> -> memref<960xi32, #tpu.memory_space<hbm>>
      %dma_wait3A_512 = arith.constant 2880 : i32
      %dma_wait3A_513 = tpu.memref_slice %arg10[%dma_wait3A_512] : memref<16384xi32, #tpu.memory_space<vmem>> -> memref<960xi32, #tpu.memory_space<vmem>>
      %dma_wait3A_514 = tpu.memref_slice %arg6[%multiple_of3A_242] : memref<1228800xi32, #tpu.memory_space<hbm>> -> memref<960xi32, #tpu.memory_space<hbm>>
      tpu.wait_dma2 semaphore(%run_scoped3A : memref<!tpu.dma_semaphore, #tpu.memory_space<semaphore_mem>>) src(%dma_wait3A_514 : memref<960xi32, #tpu.memory_space<hbm>>) dst(%dma_wait3A_513 : memref<960xi32, #tpu.memory_space<vmem>>)
      tpu.yield
    }) : () -> ()
    "tpu.region"() ({
      %run_scoped3A = tpu.sem_alloc : memref<!tpu.dma_semaphore, #tpu.memory_space<semaphore_mem>>
      %dma_start3A = arith.constant 2880 : i32
      %dma_start3A_505 = tpu.memref_slice %arg11[%dma_start3A] : memref<16384xi32, #tpu.memory_space<vmem>> -> memref<960xi32, #tpu.memory_space<vmem>>
      %dma_start3A_506 = tpu.memref_slice %arg7[%multiple_of3A_242] : memref<1228800xi32, #tpu.memory_space<hbm>> -> memref<960xi32, #tpu.memory_space<hbm>>
      %dma_start3A_507 = arith.constant 2880 : i32
      %dma_start3A_508 = tpu.memref_slice %arg11[%dma_start3A_507] : memref<16384xi32, #tpu.memory_space<vmem>> -> memref<960xi32, #tpu.memory_space<vmem>>
      %dma_start3A_509 = tpu.memref_slice %arg7[%multiple_of3A_242] : memref<1228800xi32, #tpu.memory_space<hbm>> -> memref<960xi32, #tpu.memory_space<hbm>>
      tpu.enqueue_dma source(%dma_start3A_509 : memref<960xi32, #tpu.memory_space<hbm>>) target(%dma_start3A_508 : memref<960xi32, #tpu.memory_space<vmem>>) target_semaphore(%run_scoped3A : memref<!tpu.dma_semaphore, #tpu.memory_space<semaphore_mem>>)
      %dma_wait3A = arith.constant 2880 : i32
      %dma_wait3A_510 = tpu.memref_slice %arg11[%dma_wait3A] : memref<16384xi32, #tpu.memory_space<vmem>> -> memref<960xi32, #tpu.memory_space<vmem>>
      %dma_wait3A_511 = tpu.memref_slice %arg7[%multiple_of3A_242] : memref<1228800xi32, #tpu.memory_space<hbm>> -> memref<960xi32, #tpu.memory_space<hbm>>
      %dma_wait3A_512 = arith.constant 2880 : i32
      %dma_wait3A_513 = tpu.memref_slice %arg11[%dma_wait3A_512] : memref<16384xi32, #tpu.memory_space<vmem>> -> memref<960xi32, #tpu.memory_space<vmem>>
      %dma_wait3A_514 = tpu.memref_slice %arg7[%multiple_of3A_242] : memref<1228800xi32, #tpu.memory_space<hbm>> -> memref<960xi32, #tpu.memory_space<hbm>>
      tpu.wait_dma2 semaphore(%run_scoped3A : memref<!tpu.dma_semaphore, #tpu.memory_space<semaphore_mem>>) src(%dma_wait3A_514 : memref<960xi32, #tpu.memory_space<hbm>>) dst(%dma_wait3A_513 : memref<960xi32, #tpu.memory_space<vmem>>)
      tpu.yield
    }) : () -> ()
    %scan3A_243 = arith.constant 0 : i32
    %scan3A_244 = arith.constant 0 : i32
    %scan3A_245 = arith.constant 60 : i32
    %scan3A_246 = arith.addi %scan3A_244, %scan3A_245 : i32
    %scan3A_247 = arith.constant 1 : i32
    scf.for %scan3A_505 = %scan3A_244 to %scan3A_246 step %scan3A_247  : i32 {
      %mul3A_506 = arith.constant 16 : i32
      %mul3A_507 = arith.muli %scan3A_505, %mul3A_506 : i32
      %add3A_508 = arith.constant 0 : i32
      %add3A_509 = arith.addi %add3A_508, %mul3A_507 : i32
      %get3A = arith.index_cast %add3A_509 : i32 to index
      %get3A_510 = tpu.vector_load %arg10[%get3A] {strides = array<i32>} : memref<16384xi32, #tpu.memory_space<vmem>>, vector<16xi32>,
      %mul3A_511 = arith.constant 16 : i32
      %mul3A_512 = arith.muli %scan3A_505, %mul3A_511 : i32
      %add3A_513 = arith.constant 960 : i32
      %add3A_514 = arith.addi %add3A_513, %mul3A_512 : i32
      %get3A_515 = arith.index_cast %add3A_514 : i32 to index
      %get3A_516 = tpu.vector_load %arg10[%get3A_515] {strides = array<i32>} : memref<16384xi32, #tpu.memory_space<vmem>>, vector<16xi32>,
      %mul3A_517 = arith.constant 16 : i32
      %mul3A_518 = arith.muli %scan3A_505, %mul3A_517 : i32
      %add3A_519 = arith.constant 1920 : i32
      %add3A_520 = arith.addi %add3A_519, %mul3A_518 : i32
      %get3A_521 = arith.index_cast %add3A_520 : i32 to index
      %get3A_522 = tpu.vector_load %arg10[%get3A_521] {strides = array<i32>} : memref<16384xi32, #tpu.memory_space<vmem>>, vector<16xi32>,
      %mul3A_523 = arith.constant 16 : i32
      %mul3A_524 = arith.muli %scan3A_505, %mul3A_523 : i32
      %add3A_525 = arith.constant 2880 : i32
      %add3A_526 = arith.addi %add3A_525, %mul3A_524 : i32
      %get3A_527 = arith.index_cast %add3A_526 : i32 to index
      %get3A_528 = tpu.vector_load %arg10[%get3A_527] {strides = array<i32>} : memref<16384xi32, #tpu.memory_space<vmem>>, vector<16xi32>,
      %mul3A_529 = arith.constant 16 : i32
      %mul3A_530 = arith.muli %scan3A_505, %mul3A_529 : i32
      %add3A_531 = arith.constant 0 : i32
      %add3A_532 = arith.addi %add3A_531, %mul3A_530 : i32
      %get3A_533 = arith.index_cast %add3A_532 : i32 to index
      %get3A_534 = tpu.vector_load %arg11[%get3A_533] {strides = array<i32>} : memref<16384xi32, #tpu.memory_space<vmem>>, vector<16xi32>,
      %mul3A_535 = arith.constant 16 : i32
      %mul3A_536 = arith.muli %scan3A_505, %mul3A_535 : i32
      %add3A_537 = arith.constant 960 : i32
      %add3A_538 = arith.addi %add3A_537, %mul3A_536 : i32
      %get3A_539 = arith.index_cast %add3A_538 : i32 to index
      %get3A_540 = tpu.vector_load %arg11[%get3A_539] {strides = array<i32>} : memref<16384xi32, #tpu.memory_space<vmem>>, vector<16xi32>,
      %mul3A_541 = arith.constant 16 : i32
      %mul3A_542 = arith.muli %scan3A_505, %mul3A_541 : i32
      %add3A_543 = arith.constant 1920 : i32
      %add3A_544 = arith.addi %add3A_543, %mul3A_542 : i32
      %get3A_545 = arith.index_cast %add3A_544 : i32 to index
      %get3A_546 = tpu.vector_load %arg11[%get3A_545] {strides = array<i32>} : memref<16384xi32, #tpu.memory_space<vmem>>, vector<16xi32>,
      %mul3A_547 = arith.constant 16 : i32
      %mul3A_548 = arith.muli %scan3A_505, %mul3A_547 : i32
      %add3A_549 = arith.constant 2880 : i32
      %add3A_550 = arith.addi %add3A_549, %mul3A_548 : i32
      %get3A_551 = arith.index_cast %add3A_550 : i32 to index
      %get3A_552 = tpu.vector_load %arg11[%get3A_551] {strides = array<i32>} : memref<16384xi32, #tpu.memory_space<vmem>>, vector<16xi32>,
      %min3A = arith.minsi %get3A_510, %get3A_516 : vector<16xi32>
      %le3A = arith.cmpi sle, %get3A_510, %get3A_516 : vector<16xi32>
      %select_n3A_553 = arith.select %le3A, %get3A_534, %get3A_540 : vector<16xi1>, vector<16xi32>
      %min3A_554 = arith.minsi %get3A_522, %get3A_528 : vector<16xi32>
      %le3A_555 = arith.cmpi sle, %get3A_522, %get3A_528 : vector<16xi32>
      %select_n3A_556 = arith.select %le3A_555, %get3A_546, %get3A_552 : vector<16xi1>, vector<16xi32>
      %le3A_557 = arith.cmpi sle, %min3A, %min3A_554 : vector<16xi32>
      %select_n3A_558 = arith.select %le3A_557, %select_n3A_553, %select_n3A_556 : vector<16xi1>, vector<16xi32>
      %mul3A_559 = arith.constant 16 : i32
      %mul3A_560 = arith.muli %scan3A_505, %mul3A_559 : i32
      %swap3A = arith.index_cast %mul3A_560 : i32 to index
      %swap3A_561 = tpu.vector_load %arg12[%swap3A] {strides = array<i32>} : memref<16384xi32, #tpu.memory_space<vmem>>, vector<16xi32>,
      tpu.vector_store %arg12[%swap3A], %select_n3A_558 {strides = array<i32>} : memref<16384xi32, #tpu.memory_space<vmem>>, vector<16xi32>,
    }
    %scan3A_248 = arith.constant 60 : i32
    %add3A_249 = arith.addi %mul3A_32, %mul3A_84 : i32
    %add3A_250 = arith.constant 2880 : i32
    %add3A_251 = arith.addi %add3A_249, %add3A_250 : i32
    %multiple_of3A_252 = tpu.assume_multiple %add3A_251, 960 : i32
    "tpu.region"() ({
      %run_scoped3A = tpu.sem_alloc : memref<!tpu.dma_semaphore, #tpu.memory_space<semaphore_mem>>
      %dma_start3A = arith.constant 0 : i32
      %dma_start3A_505 = tpu.memref_slice %arg12[%dma_start3A] : memref<16384xi32, #tpu.memory_space<vmem>> -> memref<960xi32, #tpu.memory_space<vmem>>
      %dma_start3A_506 = tpu.memref_slice %arg5[%multiple_of3A_252] : memref<307200xi32, #tpu.memory_space<hbm>> -> memref<960xi32, #tpu.memory_space<hbm>>
      %dma_start3A_507 = tpu.memref_slice %arg5[%multiple_of3A_252] : memref<307200xi32, #tpu.memory_space<hbm>> -> memref<960xi32, #tpu.memory_space<hbm>>
      %dma_start3A_508 = arith.constant 0 : i32
      %dma_start3A_509 = tpu.memref_slice %arg12[%dma_start3A_508] : memref<16384xi32, #tpu.memory_space<vmem>> -> memref<960xi32, #tpu.memory_space<vmem>>
      tpu.enqueue_dma source(%dma_start3A_509 : memref<960xi32, #tpu.memory_space<vmem>>) target(%dma_start3A_507 : memref<960xi32, #tpu.memory_space<hbm>>) target_semaphore(%run_scoped3A : memref<!tpu.dma_semaphore, #tpu.memory_space<semaphore_mem>>)
      %dma_wait3A = arith.constant 0 : i32
      %dma_wait3A_510 = tpu.memref_slice %arg12[%dma_wait3A] : memref<16384xi32, #tpu.memory_space<vmem>> -> memref<960xi32, #tpu.memory_space<vmem>>
      %dma_wait3A_511 = tpu.memref_slice %arg5[%multiple_of3A_252] : memref<307200xi32, #tpu.memory_space<hbm>> -> memref<960xi32, #tpu.memory_space<hbm>>
      %dma_wait3A_512 = tpu.memref_slice %arg5[%multiple_of3A_252] : memref<307200xi32, #tpu.memory_space<hbm>> -> memref<960xi32, #tpu.memory_space<hbm>>
      %dma_wait3A_513 = arith.constant 0 : i32
      %dma_wait3A_514 = tpu.memref_slice %arg12[%dma_wait3A_513] : memref<16384xi32, #tpu.memory_space<vmem>> -> memref<960xi32, #tpu.memory_space<vmem>>
      tpu.wait_dma2 semaphore(%run_scoped3A : memref<!tpu.dma_semaphore, #tpu.memory_space<semaphore_mem>>) src(%dma_wait3A_514 : memref<960xi32, #tpu.memory_space<vmem>>) dst(%dma_wait3A_512 : memref<960xi32, #tpu.memory_space<hbm>>)
      tpu.yield
    }) : () -> ()
    %add3A_253 = arith.constant 0 : i32
    %add3A_254 = arith.addi %add3A_66, %add3A_253 : i32
    %mul3A_255 = arith.constant 38400 : i32
    %mul3A_256 = arith.muli %add3A_254, %mul3A_255 : i32
    %add3A_257 = arith.addi %mul3A_256, %mul3A_84 : i32
    %add3A_258 = arith.constant 3840 : i32
    %add3A_259 = arith.addi %add3A_257, %add3A_258 : i32
    %multiple_of3A_260 = tpu.assume_multiple %add3A_259, 960 : i32
    "tpu.region"() ({
      %run_scoped3A = tpu.sem_alloc : memref<!tpu.dma_semaphore, #tpu.memory_space<semaphore_mem>>
      %dma_start3A = arith.constant 0 : i32
      %dma_start3A_505 = tpu.memref_slice %arg10[%dma_start3A] : memref<16384xi32, #tpu.memory_space<vmem>> -> memref<960xi32, #tpu.memory_space<vmem>>
      %dma_start3A_506 = tpu.memref_slice %arg6[%multiple_of3A_260] : memref<1228800xi32, #tpu.memory_space<hbm>> -> memref<960xi32, #tpu.memory_space<hbm>>
      %dma_start3A_507 = arith.constant 0 : i32
      %dma_start3A_508 = tpu.memref_slice %arg10[%dma_start3A_507] : memref<16384xi32, #tpu.memory_space<vmem>> -> memref<960xi32, #tpu.memory_space<vmem>>
      %dma_start3A_509 = tpu.memref_slice %arg6[%multiple_of3A_260] : memref<1228800xi32, #tpu.memory_space<hbm>> -> memref<960xi32, #tpu.memory_space<hbm>>
      tpu.enqueue_dma source(%dma_start3A_509 : memref<960xi32, #tpu.memory_space<hbm>>) target(%dma_start3A_508 : memref<960xi32, #tpu.memory_space<vmem>>) target_semaphore(%run_scoped3A : memref<!tpu.dma_semaphore, #tpu.memory_space<semaphore_mem>>)
      %dma_wait3A = arith.constant 0 : i32
      %dma_wait3A_510 = tpu.memref_slice %arg10[%dma_wait3A] : memref<16384xi32, #tpu.memory_space<vmem>> -> memref<960xi32, #tpu.memory_space<vmem>>
      %dma_wait3A_511 = tpu.memref_slice %arg6[%multiple_of3A_260] : memref<1228800xi32, #tpu.memory_space<hbm>> -> memref<960xi32, #tpu.memory_space<hbm>>
      %dma_wait3A_512 = arith.constant 0 : i32
      %dma_wait3A_513 = tpu.memref_slice %arg10[%dma_wait3A_512] : memref<16384xi32, #tpu.memory_space<vmem>> -> memref<960xi32, #tpu.memory_space<vmem>>
      %dma_wait3A_514 = tpu.memref_slice %arg6[%multiple_of3A_260] : memref<1228800xi32, #tpu.memory_space<hbm>> -> memref<960xi32, #tpu.memory_space<hbm>>
      tpu.wait_dma2 semaphore(%run_scoped3A : memref<!tpu.dma_semaphore, #tpu.memory_space<semaphore_mem>>) src(%dma_wait3A_514 : memref<960xi32, #tpu.memory_space<hbm>>) dst(%dma_wait3A_513 : memref<960xi32, #tpu.memory_space<vmem>>)
      tpu.yield
    }) : () -> ()
    "tpu.region"() ({
      %run_scoped3A = tpu.sem_alloc : memref<!tpu.dma_semaphore, #tpu.memory_space<semaphore_mem>>
      %dma_start3A = arith.constant 0 : i32
      %dma_start3A_505 = tpu.memref_slice %arg11[%dma_start3A] : memref<16384xi32, #tpu.memory_space<vmem>> -> memref<960xi32, #tpu.memory_space<vmem>>
      %dma_start3A_506 = tpu.memref_slice %arg7[%multiple_of3A_260] : memref<1228800xi32, #tpu.memory_space<hbm>> -> memref<960xi32, #tpu.memory_space<hbm>>
      %dma_start3A_507 = arith.constant 0 : i32
      %dma_start3A_508 = tpu.memref_slice %arg11[%dma_start3A_507] : memref<16384xi32, #tpu.memory_space<vmem>> -> memref<960xi32, #tpu.memory_space<vmem>>
      %dma_start3A_509 = tpu.memref_slice %arg7[%multiple_of3A_260] : memref<1228800xi32, #tpu.memory_space<hbm>> -> memref<960xi32, #tpu.memory_space<hbm>>
      tpu.enqueue_dma source(%dma_start3A_509 : memref<960xi32, #tpu.memory_space<hbm>>) target(%dma_start3A_508 : memref<960xi32, #tpu.memory_space<vmem>>) target_semaphore(%run_scoped3A : memref<!tpu.dma_semaphore, #tpu.memory_space<semaphore_mem>>)
      %dma_wait3A = arith.constant 0 : i32
      %dma_wait3A_510 = tpu.memref_slice %arg11[%dma_wait3A] : memref<16384xi32, #tpu.memory_space<vmem>> -> memref<960xi32, #tpu.memory_space<vmem>>
      %dma_wait3A_511 = tpu.memref_slice %arg7[%multiple_of3A_260] : memref<1228800xi32, #tpu.memory_space<hbm>> -> memref<960xi32, #tpu.memory_space<hbm>>
      %dma_wait3A_512 = arith.constant 0 : i32
      %dma_wait3A_513 = tpu.memref_slice %arg11[%dma_wait3A_512] : memref<16384xi32, #tpu.memory_space<vmem>> -> memref<960xi32, #tpu.memory_space<vmem>>
      %dma_wait3A_514 = tpu.memref_slice %arg7[%multiple_of3A_260] : memref<1228800xi32, #tpu.memory_space<hbm>> -> memref<960xi32, #tpu.memory_space<hbm>>
      tpu.wait_dma2 semaphore(%run_scoped3A : memref<!tpu.dma_semaphore, #tpu.memory_space<semaphore_mem>>) src(%dma_wait3A_514 : memref<960xi32, #tpu.memory_space<hbm>>) dst(%dma_wait3A_513 : memref<960xi32, #tpu.memory_space<vmem>>)
      tpu.yield
    }) : () -> ()
    %add3A_261 = arith.constant 1 : i32
    %add3A_262 = arith.addi %add3A_66, %add3A_261 : i32
    %mul3A_263 = arith.constant 38400 : i32
    %mul3A_264 = arith.muli %add3A_262, %mul3A_263 : i32
    %add3A_265 = arith.addi %mul3A_264, %mul3A_84 : i32
    %add3A_266 = arith.constant 3840 : i32
    %add3A_267 = arith.addi %add3A_265, %add3A_266 : i32
    %multiple_of3A_268 = tpu.assume_multiple %add3A_267, 960 : i32
    "tpu.region"() ({
      %run_scoped3A = tpu.sem_alloc : memref<!tpu.dma_semaphore, #tpu.memory_space<semaphore_mem>>
      %dma_start3A = arith.constant 960 : i32
      %dma_start3A_505 = tpu.memref_slice %arg10[%dma_start3A] : memref<16384xi32, #tpu.memory_space<vmem>> -> memref<960xi32, #tpu.memory_space<vmem>>
      %dma_start3A_506 = tpu.memref_slice %arg6[%multiple_of3A_268] : memref<1228800xi32, #tpu.memory_space<hbm>> -> memref<960xi32, #tpu.memory_space<hbm>>
      %dma_start3A_507 = arith.constant 960 : i32
      %dma_start3A_508 = tpu.memref_slice %arg10[%dma_start3A_507] : memref<16384xi32, #tpu.memory_space<vmem>> -> memref<960xi32, #tpu.memory_space<vmem>>
      %dma_start3A_509 = tpu.memref_slice %arg6[%multiple_of3A_268] : memref<1228800xi32, #tpu.memory_space<hbm>> -> memref<960xi32, #tpu.memory_space<hbm>>
      tpu.enqueue_dma source(%dma_start3A_509 : memref<960xi32, #tpu.memory_space<hbm>>) target(%dma_start3A_508 : memref<960xi32, #tpu.memory_space<vmem>>) target_semaphore(%run_scoped3A : memref<!tpu.dma_semaphore, #tpu.memory_space<semaphore_mem>>)
      %dma_wait3A = arith.constant 960 : i32
      %dma_wait3A_510 = tpu.memref_slice %arg10[%dma_wait3A] : memref<16384xi32, #tpu.memory_space<vmem>> -> memref<960xi32, #tpu.memory_space<vmem>>
      %dma_wait3A_511 = tpu.memref_slice %arg6[%multiple_of3A_268] : memref<1228800xi32, #tpu.memory_space<hbm>> -> memref<960xi32, #tpu.memory_space<hbm>>
      %dma_wait3A_512 = arith.constant 960 : i32
      %dma_wait3A_513 = tpu.memref_slice %arg10[%dma_wait3A_512] : memref<16384xi32, #tpu.memory_space<vmem>> -> memref<960xi32, #tpu.memory_space<vmem>>
      %dma_wait3A_514 = tpu.memref_slice %arg6[%multiple_of3A_268] : memref<1228800xi32, #tpu.memory_space<hbm>> -> memref<960xi32, #tpu.memory_space<hbm>>
      tpu.wait_dma2 semaphore(%run_scoped3A : memref<!tpu.dma_semaphore, #tpu.memory_space<semaphore_mem>>) src(%dma_wait3A_514 : memref<960xi32, #tpu.memory_space<hbm>>) dst(%dma_wait3A_513 : memref<960xi32, #tpu.memory_space<vmem>>)
      tpu.yield
    }) : () -> ()
    "tpu.region"() ({
      %run_scoped3A = tpu.sem_alloc : memref<!tpu.dma_semaphore, #tpu.memory_space<semaphore_mem>>
      %dma_start3A = arith.constant 960 : i32
      %dma_start3A_505 = tpu.memref_slice %arg11[%dma_start3A] : memref<16384xi32, #tpu.memory_space<vmem>> -> memref<960xi32, #tpu.memory_space<vmem>>
      %dma_start3A_506 = tpu.memref_slice %arg7[%multiple_of3A_268] : memref<1228800xi32, #tpu.memory_space<hbm>> -> memref<960xi32, #tpu.memory_space<hbm>>
      %dma_start3A_507 = arith.constant 960 : i32
      %dma_start3A_508 = tpu.memref_slice %arg11[%dma_start3A_507] : memref<16384xi32, #tpu.memory_space<vmem>> -> memref<960xi32, #tpu.memory_space<vmem>>
      %dma_start3A_509 = tpu.memref_slice %arg7[%multiple_of3A_268] : memref<1228800xi32, #tpu.memory_space<hbm>> -> memref<960xi32, #tpu.memory_space<hbm>>
      tpu.enqueue_dma source(%dma_start3A_509 : memref<960xi32, #tpu.memory_space<hbm>>) target(%dma_start3A_508 : memref<960xi32, #tpu.memory_space<vmem>>) target_semaphore(%run_scoped3A : memref<!tpu.dma_semaphore, #tpu.memory_space<semaphore_mem>>)
      %dma_wait3A = arith.constant 960 : i32
      %dma_wait3A_510 = tpu.memref_slice %arg11[%dma_wait3A] : memref<16384xi32, #tpu.memory_space<vmem>> -> memref<960xi32, #tpu.memory_space<vmem>>
      %dma_wait3A_511 = tpu.memref_slice %arg7[%multiple_of3A_268] : memref<1228800xi32, #tpu.memory_space<hbm>> -> memref<960xi32, #tpu.memory_space<hbm>>
      %dma_wait3A_512 = arith.constant 960 : i32
      %dma_wait3A_513 = tpu.memref_slice %arg11[%dma_wait3A_512] : memref<16384xi32, #tpu.memory_space<vmem>> -> memref<960xi32, #tpu.memory_space<vmem>>
      %dma_wait3A_514 = tpu.memref_slice %arg7[%multiple_of3A_268] : memref<1228800xi32, #tpu.memory_space<hbm>> -> memref<960xi32, #tpu.memory_space<hbm>>
      tpu.wait_dma2 semaphore(%run_scoped3A : memref<!tpu.dma_semaphore, #tpu.memory_space<semaphore_mem>>) src(%dma_wait3A_514 : memref<960xi32, #tpu.memory_space<hbm>>) dst(%dma_wait3A_513 : memref<960xi32, #tpu.memory_space<vmem>>)
      tpu.yield
    }) : () -> ()
    %add3A_269 = arith.constant 2 : i32
    %add3A_270 = arith.addi %add3A_66, %add3A_269 : i32
    %mul3A_271 = arith.constant 38400 : i32
    %mul3A_272 = arith.muli %add3A_270, %mul3A_271 : i32
    %add3A_273 = arith.addi %mul3A_272, %mul3A_84 : i32
    %add3A_274 = arith.constant 3840 : i32
    %add3A_275 = arith.addi %add3A_273, %add3A_274 : i32
    %multiple_of3A_276 = tpu.assume_multiple %add3A_275, 960 : i32
    "tpu.region"() ({
      %run_scoped3A = tpu.sem_alloc : memref<!tpu.dma_semaphore, #tpu.memory_space<semaphore_mem>>
      %dma_start3A = arith.constant 1920 : i32
      %dma_start3A_505 = tpu.memref_slice %arg10[%dma_start3A] : memref<16384xi32, #tpu.memory_space<vmem>> -> memref<960xi32, #tpu.memory_space<vmem>>
      %dma_start3A_506 = tpu.memref_slice %arg6[%multiple_of3A_276] : memref<1228800xi32, #tpu.memory_space<hbm>> -> memref<960xi32, #tpu.memory_space<hbm>>
      %dma_start3A_507 = arith.constant 1920 : i32
      %dma_start3A_508 = tpu.memref_slice %arg10[%dma_start3A_507] : memref<16384xi32, #tpu.memory_space<vmem>> -> memref<960xi32, #tpu.memory_space<vmem>>
      %dma_start3A_509 = tpu.memref_slice %arg6[%multiple_of3A_276] : memref<1228800xi32, #tpu.memory_space<hbm>> -> memref<960xi32, #tpu.memory_space<hbm>>
      tpu.enqueue_dma source(%dma_start3A_509 : memref<960xi32, #tpu.memory_space<hbm>>) target(%dma_start3A_508 : memref<960xi32, #tpu.memory_space<vmem>>) target_semaphore(%run_scoped3A : memref<!tpu.dma_semaphore, #tpu.memory_space<semaphore_mem>>)
      %dma_wait3A = arith.constant 1920 : i32
      %dma_wait3A_510 = tpu.memref_slice %arg10[%dma_wait3A] : memref<16384xi32, #tpu.memory_space<vmem>> -> memref<960xi32, #tpu.memory_space<vmem>>
      %dma_wait3A_511 = tpu.memref_slice %arg6[%multiple_of3A_276] : memref<1228800xi32, #tpu.memory_space<hbm>> -> memref<960xi32, #tpu.memory_space<hbm>>
      %dma_wait3A_512 = arith.constant 1920 : i32
      %dma_wait3A_513 = tpu.memref_slice %arg10[%dma_wait3A_512] : memref<16384xi32, #tpu.memory_space<vmem>> -> memref<960xi32, #tpu.memory_space<vmem>>
      %dma_wait3A_514 = tpu.memref_slice %arg6[%multiple_of3A_276] : memref<1228800xi32, #tpu.memory_space<hbm>> -> memref<960xi32, #tpu.memory_space<hbm>>
      tpu.wait_dma2 semaphore(%run_scoped3A : memref<!tpu.dma_semaphore, #tpu.memory_space<semaphore_mem>>) src(%dma_wait3A_514 : memref<960xi32, #tpu.memory_space<hbm>>) dst(%dma_wait3A_513 : memref<960xi32, #tpu.memory_space<vmem>>)
      tpu.yield
    }) : () -> ()
    "tpu.region"() ({
      %run_scoped3A = tpu.sem_alloc : memref<!tpu.dma_semaphore, #tpu.memory_space<semaphore_mem>>
      %dma_start3A = arith.constant 1920 : i32
      %dma_start3A_505 = tpu.memref_slice %arg11[%dma_start3A] : memref<16384xi32, #tpu.memory_space<vmem>> -> memref<960xi32, #tpu.memory_space<vmem>>
      %dma_start3A_506 = tpu.memref_slice %arg7[%multiple_of3A_276] : memref<1228800xi32, #tpu.memory_space<hbm>> -> memref<960xi32, #tpu.memory_space<hbm>>
      %dma_start3A_507 = arith.constant 1920 : i32
      %dma_start3A_508 = tpu.memref_slice %arg11[%dma_start3A_507] : memref<16384xi32, #tpu.memory_space<vmem>> -> memref<960xi32, #tpu.memory_space<vmem>>
      %dma_start3A_509 = tpu.memref_slice %arg7[%multiple_of3A_276] : memref<1228800xi32, #tpu.memory_space<hbm>> -> memref<960xi32, #tpu.memory_space<hbm>>
      tpu.enqueue_dma source(%dma_start3A_509 : memref<960xi32, #tpu.memory_space<hbm>>) target(%dma_start3A_508 : memref<960xi32, #tpu.memory_space<vmem>>) target_semaphore(%run_scoped3A : memref<!tpu.dma_semaphore, #tpu.memory_space<semaphore_mem>>)
      %dma_wait3A = arith.constant 1920 : i32
      %dma_wait3A_510 = tpu.memref_slice %arg11[%dma_wait3A] : memref<16384xi32, #tpu.memory_space<vmem>> -> memref<960xi32, #tpu.memory_space<vmem>>
      %dma_wait3A_511 = tpu.memref_slice %arg7[%multiple_of3A_276] : memref<1228800xi32, #tpu.memory_space<hbm>> -> memref<960xi32, #tpu.memory_space<hbm>>
      %dma_wait3A_512 = arith.constant 1920 : i32
      %dma_wait3A_513 = tpu.memref_slice %arg11[%dma_wait3A_512] : memref<16384xi32, #tpu.memory_space<vmem>> -> memref<960xi32, #tpu.memory_space<vmem>>
      %dma_wait3A_514 = tpu.memref_slice %arg7[%multiple_of3A_276] : memref<1228800xi32, #tpu.memory_space<hbm>> -> memref<960xi32, #tpu.memory_space<hbm>>
      tpu.wait_dma2 semaphore(%run_scoped3A : memref<!tpu.dma_semaphore, #tpu.memory_space<semaphore_mem>>) src(%dma_wait3A_514 : memref<960xi32, #tpu.memory_space<hbm>>) dst(%dma_wait3A_513 : memref<960xi32, #tpu.memory_space<vmem>>)
      tpu.yield
    }) : () -> ()
    %add3A_277 = arith.constant 3 : i32
    %add3A_278 = arith.addi %add3A_66, %add3A_277 : i32
    %mul3A_279 = arith.constant 38400 : i32
    %mul3A_280 = arith.muli %add3A_278, %mul3A_279 : i32
    %add3A_281 = arith.addi %mul3A_280, %mul3A_84 : i32
    %add3A_282 = arith.constant 3840 : i32
    %add3A_283 = arith.addi %add3A_281, %add3A_282 : i32
    %multiple_of3A_284 = tpu.assume_multiple %add3A_283, 960 : i32
    "tpu.region"() ({
      %run_scoped3A = tpu.sem_alloc : memref<!tpu.dma_semaphore, #tpu.memory_space<semaphore_mem>>
      %dma_start3A = arith.constant 2880 : i32
      %dma_start3A_505 = tpu.memref_slice %arg10[%dma_start3A] : memref<16384xi32, #tpu.memory_space<vmem>> -> memref<960xi32, #tpu.memory_space<vmem>>
      %dma_start3A_506 = tpu.memref_slice %arg6[%multiple_of3A_284] : memref<1228800xi32, #tpu.memory_space<hbm>> -> memref<960xi32, #tpu.memory_space<hbm>>
      %dma_start3A_507 = arith.constant 2880 : i32
      %dma_start3A_508 = tpu.memref_slice %arg10[%dma_start3A_507] : memref<16384xi32, #tpu.memory_space<vmem>> -> memref<960xi32, #tpu.memory_space<vmem>>
      %dma_start3A_509 = tpu.memref_slice %arg6[%multiple_of3A_284] : memref<1228800xi32, #tpu.memory_space<hbm>> -> memref<960xi32, #tpu.memory_space<hbm>>
      tpu.enqueue_dma source(%dma_start3A_509 : memref<960xi32, #tpu.memory_space<hbm>>) target(%dma_start3A_508 : memref<960xi32, #tpu.memory_space<vmem>>) target_semaphore(%run_scoped3A : memref<!tpu.dma_semaphore, #tpu.memory_space<semaphore_mem>>)
      %dma_wait3A = arith.constant 2880 : i32
      %dma_wait3A_510 = tpu.memref_slice %arg10[%dma_wait3A] : memref<16384xi32, #tpu.memory_space<vmem>> -> memref<960xi32, #tpu.memory_space<vmem>>
      %dma_wait3A_511 = tpu.memref_slice %arg6[%multiple_of3A_284] : memref<1228800xi32, #tpu.memory_space<hbm>> -> memref<960xi32, #tpu.memory_space<hbm>>
      %dma_wait3A_512 = arith.constant 2880 : i32
      %dma_wait3A_513 = tpu.memref_slice %arg10[%dma_wait3A_512] : memref<16384xi32, #tpu.memory_space<vmem>> -> memref<960xi32, #tpu.memory_space<vmem>>
      %dma_wait3A_514 = tpu.memref_slice %arg6[%multiple_of3A_284] : memref<1228800xi32, #tpu.memory_space<hbm>> -> memref<960xi32, #tpu.memory_space<hbm>>
      tpu.wait_dma2 semaphore(%run_scoped3A : memref<!tpu.dma_semaphore, #tpu.memory_space<semaphore_mem>>) src(%dma_wait3A_514 : memref<960xi32, #tpu.memory_space<hbm>>) dst(%dma_wait3A_513 : memref<960xi32, #tpu.memory_space<vmem>>)
      tpu.yield
    }) : () -> ()
    "tpu.region"() ({
      %run_scoped3A = tpu.sem_alloc : memref<!tpu.dma_semaphore, #tpu.memory_space<semaphore_mem>>
      %dma_start3A = arith.constant 2880 : i32
      %dma_start3A_505 = tpu.memref_slice %arg11[%dma_start3A] : memref<16384xi32, #tpu.memory_space<vmem>> -> memref<960xi32, #tpu.memory_space<vmem>>
      %dma_start3A_506 = tpu.memref_slice %arg7[%multiple_of3A_284] : memref<1228800xi32, #tpu.memory_space<hbm>> -> memref<960xi32, #tpu.memory_space<hbm>>
      %dma_start3A_507 = arith.constant 2880 : i32
      %dma_start3A_508 = tpu.memref_slice %arg11[%dma_start3A_507] : memref<16384xi32, #tpu.memory_space<vmem>> -> memref<960xi32, #tpu.memory_space<vmem>>
      %dma_start3A_509 = tpu.memref_slice %arg7[%multiple_of3A_284] : memref<1228800xi32, #tpu.memory_space<hbm>> -> memref<960xi32, #tpu.memory_space<hbm>>
      tpu.enqueue_dma source(%dma_start3A_509 : memref<960xi32, #tpu.memory_space<hbm>>) target(%dma_start3A_508 : memref<960xi32, #tpu.memory_space<vmem>>) target_semaphore(%run_scoped3A : memref<!tpu.dma_semaphore, #tpu.memory_space<semaphore_mem>>)
      %dma_wait3A = arith.constant 2880 : i32
      %dma_wait3A_510 = tpu.memref_slice %arg11[%dma_wait3A] : memref<16384xi32, #tpu.memory_space<vmem>> -> memref<960xi32, #tpu.memory_space<vmem>>
      %dma_wait3A_511 = tpu.memref_slice %arg7[%multiple_of3A_284] : memref<1228800xi32, #tpu.memory_space<hbm>> -> memref<960xi32, #tpu.memory_space<hbm>>
      %dma_wait3A_512 = arith.constant 2880 : i32
      %dma_wait3A_513 = tpu.memref_slice %arg11[%dma_wait3A_512] : memref<16384xi32, #tpu.memory_space<vmem>> -> memref<960xi32, #tpu.memory_space<vmem>>
      %dma_wait3A_514 = tpu.memref_slice %arg7[%multiple_of3A_284] : memref<1228800xi32, #tpu.memory_space<hbm>> -> memref<960xi32, #tpu.memory_space<hbm>>
      tpu.wait_dma2 semaphore(%run_scoped3A : memref<!tpu.dma_semaphore, #tpu.memory_space<semaphore_mem>>) src(%dma_wait3A_514 : memref<960xi32, #tpu.memory_space<hbm>>) dst(%dma_wait3A_513 : memref<960xi32, #tpu.memory_space<vmem>>)
      tpu.yield
    }) : () -> ()
    %scan3A_285 = arith.constant 0 : i32
    %scan3A_286 = arith.constant 0 : i32
    %scan3A_287 = arith.constant 60 : i32
    %scan3A_288 = arith.addi %scan3A_286, %scan3A_287 : i32
    %scan3A_289 = arith.constant 1 : i32
    scf.for %scan3A_505 = %scan3A_286 to %scan3A_288 step %scan3A_289  : i32 {
      %mul3A_506 = arith.constant 16 : i32
      %mul3A_507 = arith.muli %scan3A_505, %mul3A_506 : i32
      %add3A_508 = arith.constant 0 : i32
      %add3A_509 = arith.addi %add3A_508, %mul3A_507 : i32
      %get3A = arith.index_cast %add3A_509 : i32 to index
      %get3A_510 = tpu.vector_load %arg10[%get3A] {strides = array<i32>} : memref<16384xi32, #tpu.memory_space<vmem>>, vector<16xi32>,
      %mul3A_511 = arith.constant 16 : i32
      %mul3A_512 = arith.muli %scan3A_505, %mul3A_511 : i32
      %add3A_513 = arith.constant 960 : i32
      %add3A_514 = arith.addi %add3A_513, %mul3A_512 : i32
      %get3A_515 = arith.index_cast %add3A_514 : i32 to index
      %get3A_516 = tpu.vector_load %arg10[%get3A_515] {strides = array<i32>} : memref<16384xi32, #tpu.memory_space<vmem>>, vector<16xi32>,
      %mul3A_517 = arith.constant 16 : i32
      %mul3A_518 = arith.muli %scan3A_505, %mul3A_517 : i32
      %add3A_519 = arith.constant 1920 : i32
      %add3A_520 = arith.addi %add3A_519, %mul3A_518 : i32
      %get3A_521 = arith.index_cast %add3A_520 : i32 to index
      %get3A_522 = tpu.vector_load %arg10[%get3A_521] {strides = array<i32>} : memref<16384xi32, #tpu.memory_space<vmem>>, vector<16xi32>,
      %mul3A_523 = arith.constant 16 : i32
      %mul3A_524 = arith.muli %scan3A_505, %mul3A_523 : i32
      %add3A_525 = arith.constant 2880 : i32
      %add3A_526 = arith.addi %add3A_525, %mul3A_524 : i32
      %get3A_527 = arith.index_cast %add3A_526 : i32 to index
      %get3A_528 = tpu.vector_load %arg10[%get3A_527] {strides = array<i32>} : memref<16384xi32, #tpu.memory_space<vmem>>, vector<16xi32>,
      %mul3A_529 = arith.constant 16 : i32
      %mul3A_530 = arith.muli %scan3A_505, %mul3A_529 : i32
      %add3A_531 = arith.constant 0 : i32
      %add3A_532 = arith.addi %add3A_531, %mul3A_530 : i32
      %get3A_533 = arith.index_cast %add3A_532 : i32 to index
      %get3A_534 = tpu.vector_load %arg11[%get3A_533] {strides = array<i32>} : memref<16384xi32, #tpu.memory_space<vmem>>, vector<16xi32>,
      %mul3A_535 = arith.constant 16 : i32
      %mul3A_536 = arith.muli %scan3A_505, %mul3A_535 : i32
      %add3A_537 = arith.constant 960 : i32
      %add3A_538 = arith.addi %add3A_537, %mul3A_536 : i32
      %get3A_539 = arith.index_cast %add3A_538 : i32 to index
      %get3A_540 = tpu.vector_load %arg11[%get3A_539] {strides = array<i32>} : memref<16384xi32, #tpu.memory_space<vmem>>, vector<16xi32>,
      %mul3A_541 = arith.constant 16 : i32
      %mul3A_542 = arith.muli %scan3A_505, %mul3A_541 : i32
      %add3A_543 = arith.constant 1920 : i32
      %add3A_544 = arith.addi %add3A_543, %mul3A_542 : i32
      %get3A_545 = arith.index_cast %add3A_544 : i32 to index
      %get3A_546 = tpu.vector_load %arg11[%get3A_545] {strides = array<i32>} : memref<16384xi32, #tpu.memory_space<vmem>>, vector<16xi32>,
      %mul3A_547 = arith.constant 16 : i32
      %mul3A_548 = arith.muli %scan3A_505, %mul3A_547 : i32
      %add3A_549 = arith.constant 2880 : i32
      %add3A_550 = arith.addi %add3A_549, %mul3A_548 : i32
      %get3A_551 = arith.index_cast %add3A_550 : i32 to index
      %get3A_552 = tpu.vector_load %arg11[%get3A_551] {strides = array<i32>} : memref<16384xi32, #tpu.memory_space<vmem>>, vector<16xi32>,
      %min3A = arith.minsi %get3A_510, %get3A_516 : vector<16xi32>
      %le3A = arith.cmpi sle, %get3A_510, %get3A_516 : vector<16xi32>
      %select_n3A_553 = arith.select %le3A, %get3A_534, %get3A_540 : vector<16xi1>, vector<16xi32>
      %min3A_554 = arith.minsi %get3A_522, %get3A_528 : vector<16xi32>
      %le3A_555 = arith.cmpi sle, %get3A_522, %get3A_528 : vector<16xi32>
      %select_n3A_556 = arith.select %le3A_555, %get3A_546, %get3A_552 : vector<16xi1>, vector<16xi32>
      %le3A_557 = arith.cmpi sle, %min3A, %min3A_554 : vector<16xi32>
      %select_n3A_558 = arith.select %le3A_557, %select_n3A_553, %select_n3A_556 : vector<16xi1>, vector<16xi32>
      %mul3A_559 = arith.constant 16 : i32
      %mul3A_560 = arith.muli %scan3A_505, %mul3A_559 : i32
      %swap3A = arith.index_cast %mul3A_560 : i32 to index
      %swap3A_561 = tpu.vector_load %arg12[%swap3A] {strides = array<i32>} : memref<16384xi32, #tpu.memory_space<vmem>>, vector<16xi32>,
      tpu.vector_store %arg12[%swap3A], %select_n3A_558 {strides = array<i32>} : memref<16384xi32, #tpu.memory_space<vmem>>, vector<16xi32>,
    }
    %scan3A_290 = arith.constant 60 : i32
    %add3A_291 = arith.addi %mul3A_32, %mul3A_84 : i32
    %add3A_292 = arith.constant 3840 : i32
    %add3A_293 = arith.addi %add3A_291, %add3A_292 : i32
    %multiple_of3A_294 = tpu.assume_multiple %add3A_293, 960 : i32
    "tpu.region"() ({
      %run_scoped3A = tpu.sem_alloc : memref<!tpu.dma_semaphore, #tpu.memory_space<semaphore_mem>>
      %dma_start3A = arith.constant 0 : i32
      %dma_start3A_505 = tpu.memref_slice %arg12[%dma_start3A] : memref<16384xi32, #tpu.memory_space<vmem>> -> memref<960xi32, #tpu.memory_space<vmem>>
      %dma_start3A_506 = tpu.memref_slice %arg5[%multiple_of3A_294] : memref<307200xi32, #tpu.memory_space<hbm>> -> memref<960xi32, #tpu.memory_space<hbm>>
      %dma_start3A_507 = tpu.memref_slice %arg5[%multiple_of3A_294] : memref<307200xi32, #tpu.memory_space<hbm>> -> memref<960xi32, #tpu.memory_space<hbm>>
      %dma_start3A_508 = arith.constant 0 : i32
      %dma_start3A_509 = tpu.memref_slice %arg12[%dma_start3A_508] : memref<16384xi32, #tpu.memory_space<vmem>> -> memref<960xi32, #tpu.memory_space<vmem>>
      tpu.enqueue_dma source(%dma_start3A_509 : memref<960xi32, #tpu.memory_space<vmem>>) target(%dma_start3A_507 : memref<960xi32, #tpu.memory_space<hbm>>) target_semaphore(%run_scoped3A : memref<!tpu.dma_semaphore, #tpu.memory_space<semaphore_mem>>)
      %dma_wait3A = arith.constant 0 : i32
      %dma_wait3A_510 = tpu.memref_slice %arg12[%dma_wait3A] : memref<16384xi32, #tpu.memory_space<vmem>> -> memref<960xi32, #tpu.memory_space<vmem>>
      %dma_wait3A_511 = tpu.memref_slice %arg5[%multiple_of3A_294] : memref<307200xi32, #tpu.memory_space<hbm>> -> memref<960xi32, #tpu.memory_space<hbm>>
      %dma_wait3A_512 = tpu.memref_slice %arg5[%multiple_of3A_294] : memref<307200xi32, #tpu.memory_space<hbm>> -> memref<960xi32, #tpu.memory_space<hbm>>
      %dma_wait3A_513 = arith.constant 0 : i32
      %dma_wait3A_514 = tpu.memref_slice %arg12[%dma_wait3A_513] : memref<16384xi32, #tpu.memory_space<vmem>> -> memref<960xi32, #tpu.memory_space<vmem>>
      tpu.wait_dma2 semaphore(%run_scoped3A : memref<!tpu.dma_semaphore, #tpu.memory_space<semaphore_mem>>) src(%dma_wait3A_514 : memref<960xi32, #tpu.memory_space<vmem>>) dst(%dma_wait3A_512 : memref<960xi32, #tpu.memory_space<hbm>>)
      tpu.yield
    }) : () -> ()
    %add3A_295 = arith.constant 0 : i32
    %add3A_296 = arith.addi %add3A_66, %add3A_295 : i32
    %mul3A_297 = arith.constant 38400 : i32
    %mul3A_298 = arith.muli %add3A_296, %mul3A_297 : i32
    %add3A_299 = arith.addi %mul3A_298, %mul3A_84 : i32
    %add3A_300 = arith.constant 4800 : i32
    %add3A_301 = arith.addi %add3A_299, %add3A_300 : i32
    %multiple_of3A_302 = tpu.assume_multiple %add3A_301, 960 : i32
    "tpu.region"() ({
      %run_scoped3A = tpu.sem_alloc : memref<!tpu.dma_semaphore, #tpu.memory_space<semaphore_mem>>
      %dma_start3A = arith.constant 0 : i32
      %dma_start3A_505 = tpu.memref_slice %arg10[%dma_start3A] : memref<16384xi32, #tpu.memory_space<vmem>> -> memref<960xi32, #tpu.memory_space<vmem>>
      %dma_start3A_506 = tpu.memref_slice %arg6[%multiple_of3A_302] : memref<1228800xi32, #tpu.memory_space<hbm>> -> memref<960xi32, #tpu.memory_space<hbm>>
      %dma_start3A_507 = arith.constant 0 : i32
      %dma_start3A_508 = tpu.memref_slice %arg10[%dma_start3A_507] : memref<16384xi32, #tpu.memory_space<vmem>> -> memref<960xi32, #tpu.memory_space<vmem>>
      %dma_start3A_509 = tpu.memref_slice %arg6[%multiple_of3A_302] : memref<1228800xi32, #tpu.memory_space<hbm>> -> memref<960xi32, #tpu.memory_space<hbm>>
      tpu.enqueue_dma source(%dma_start3A_509 : memref<960xi32, #tpu.memory_space<hbm>>) target(%dma_start3A_508 : memref<960xi32, #tpu.memory_space<vmem>>) target_semaphore(%run_scoped3A : memref<!tpu.dma_semaphore, #tpu.memory_space<semaphore_mem>>)
      %dma_wait3A = arith.constant 0 : i32
      %dma_wait3A_510 = tpu.memref_slice %arg10[%dma_wait3A] : memref<16384xi32, #tpu.memory_space<vmem>> -> memref<960xi32, #tpu.memory_space<vmem>>
      %dma_wait3A_511 = tpu.memref_slice %arg6[%multiple_of3A_302] : memref<1228800xi32, #tpu.memory_space<hbm>> -> memref<960xi32, #tpu.memory_space<hbm>>
      %dma_wait3A_512 = arith.constant 0 : i32
      %dma_wait3A_513 = tpu.memref_slice %arg10[%dma_wait3A_512] : memref<16384xi32, #tpu.memory_space<vmem>> -> memref<960xi32, #tpu.memory_space<vmem>>
      %dma_wait3A_514 = tpu.memref_slice %arg6[%multiple_of3A_302] : memref<1228800xi32, #tpu.memory_space<hbm>> -> memref<960xi32, #tpu.memory_space<hbm>>
      tpu.wait_dma2 semaphore(%run_scoped3A : memref<!tpu.dma_semaphore, #tpu.memory_space<semaphore_mem>>) src(%dma_wait3A_514 : memref<960xi32, #tpu.memory_space<hbm>>) dst(%dma_wait3A_513 : memref<960xi32, #tpu.memory_space<vmem>>)
      tpu.yield
    }) : () -> ()
    "tpu.region"() ({
      %run_scoped3A = tpu.sem_alloc : memref<!tpu.dma_semaphore, #tpu.memory_space<semaphore_mem>>
      %dma_start3A = arith.constant 0 : i32
      %dma_start3A_505 = tpu.memref_slice %arg11[%dma_start3A] : memref<16384xi32, #tpu.memory_space<vmem>> -> memref<960xi32, #tpu.memory_space<vmem>>
      %dma_start3A_506 = tpu.memref_slice %arg7[%multiple_of3A_302] : memref<1228800xi32, #tpu.memory_space<hbm>> -> memref<960xi32, #tpu.memory_space<hbm>>
      %dma_start3A_507 = arith.constant 0 : i32
      %dma_start3A_508 = tpu.memref_slice %arg11[%dma_start3A_507] : memref<16384xi32, #tpu.memory_space<vmem>> -> memref<960xi32, #tpu.memory_space<vmem>>
      %dma_start3A_509 = tpu.memref_slice %arg7[%multiple_of3A_302] : memref<1228800xi32, #tpu.memory_space<hbm>> -> memref<960xi32, #tpu.memory_space<hbm>>
      tpu.enqueue_dma source(%dma_start3A_509 : memref<960xi32, #tpu.memory_space<hbm>>) target(%dma_start3A_508 : memref<960xi32, #tpu.memory_space<vmem>>) target_semaphore(%run_scoped3A : memref<!tpu.dma_semaphore, #tpu.memory_space<semaphore_mem>>)
      %dma_wait3A = arith.constant 0 : i32
      %dma_wait3A_510 = tpu.memref_slice %arg11[%dma_wait3A] : memref<16384xi32, #tpu.memory_space<vmem>> -> memref<960xi32, #tpu.memory_space<vmem>>
      %dma_wait3A_511 = tpu.memref_slice %arg7[%multiple_of3A_302] : memref<1228800xi32, #tpu.memory_space<hbm>> -> memref<960xi32, #tpu.memory_space<hbm>>
      %dma_wait3A_512 = arith.constant 0 : i32
      %dma_wait3A_513 = tpu.memref_slice %arg11[%dma_wait3A_512] : memref<16384xi32, #tpu.memory_space<vmem>> -> memref<960xi32, #tpu.memory_space<vmem>>
      %dma_wait3A_514 = tpu.memref_slice %arg7[%multiple_of3A_302] : memref<1228800xi32, #tpu.memory_space<hbm>> -> memref<960xi32, #tpu.memory_space<hbm>>
      tpu.wait_dma2 semaphore(%run_scoped3A : memref<!tpu.dma_semaphore, #tpu.memory_space<semaphore_mem>>) src(%dma_wait3A_514 : memref<960xi32, #tpu.memory_space<hbm>>) dst(%dma_wait3A_513 : memref<960xi32, #tpu.memory_space<vmem>>)
      tpu.yield
    }) : () -> ()
    %add3A_303 = arith.constant 1 : i32
    %add3A_304 = arith.addi %add3A_66, %add3A_303 : i32
    %mul3A_305 = arith.constant 38400 : i32
    %mul3A_306 = arith.muli %add3A_304, %mul3A_305 : i32
    %add3A_307 = arith.addi %mul3A_306, %mul3A_84 : i32
    %add3A_308 = arith.constant 4800 : i32
    %add3A_309 = arith.addi %add3A_307, %add3A_308 : i32
    %multiple_of3A_310 = tpu.assume_multiple %add3A_309, 960 : i32
    "tpu.region"() ({
      %run_scoped3A = tpu.sem_alloc : memref<!tpu.dma_semaphore, #tpu.memory_space<semaphore_mem>>
      %dma_start3A = arith.constant 960 : i32
      %dma_start3A_505 = tpu.memref_slice %arg10[%dma_start3A] : memref<16384xi32, #tpu.memory_space<vmem>> -> memref<960xi32, #tpu.memory_space<vmem>>
      %dma_start3A_506 = tpu.memref_slice %arg6[%multiple_of3A_310] : memref<1228800xi32, #tpu.memory_space<hbm>> -> memref<960xi32, #tpu.memory_space<hbm>>
      %dma_start3A_507 = arith.constant 960 : i32
      %dma_start3A_508 = tpu.memref_slice %arg10[%dma_start3A_507] : memref<16384xi32, #tpu.memory_space<vmem>> -> memref<960xi32, #tpu.memory_space<vmem>>
      %dma_start3A_509 = tpu.memref_slice %arg6[%multiple_of3A_310] : memref<1228800xi32, #tpu.memory_space<hbm>> -> memref<960xi32, #tpu.memory_space<hbm>>
      tpu.enqueue_dma source(%dma_start3A_509 : memref<960xi32, #tpu.memory_space<hbm>>) target(%dma_start3A_508 : memref<960xi32, #tpu.memory_space<vmem>>) target_semaphore(%run_scoped3A : memref<!tpu.dma_semaphore, #tpu.memory_space<semaphore_mem>>)
      %dma_wait3A = arith.constant 960 : i32
      %dma_wait3A_510 = tpu.memref_slice %arg10[%dma_wait3A] : memref<16384xi32, #tpu.memory_space<vmem>> -> memref<960xi32, #tpu.memory_space<vmem>>
      %dma_wait3A_511 = tpu.memref_slice %arg6[%multiple_of3A_310] : memref<1228800xi32, #tpu.memory_space<hbm>> -> memref<960xi32, #tpu.memory_space<hbm>>
      %dma_wait3A_512 = arith.constant 960 : i32
      %dma_wait3A_513 = tpu.memref_slice %arg10[%dma_wait3A_512] : memref<16384xi32, #tpu.memory_space<vmem>> -> memref<960xi32, #tpu.memory_space<vmem>>
      %dma_wait3A_514 = tpu.memref_slice %arg6[%multiple_of3A_310] : memref<1228800xi32, #tpu.memory_space<hbm>> -> memref<960xi32, #tpu.memory_space<hbm>>
      tpu.wait_dma2 semaphore(%run_scoped3A : memref<!tpu.dma_semaphore, #tpu.memory_space<semaphore_mem>>) src(%dma_wait3A_514 : memref<960xi32, #tpu.memory_space<hbm>>) dst(%dma_wait3A_513 : memref<960xi32, #tpu.memory_space<vmem>>)
      tpu.yield
    }) : () -> ()
    "tpu.region"() ({
      %run_scoped3A = tpu.sem_alloc : memref<!tpu.dma_semaphore, #tpu.memory_space<semaphore_mem>>
      %dma_start3A = arith.constant 960 : i32
      %dma_start3A_505 = tpu.memref_slice %arg11[%dma_start3A] : memref<16384xi32, #tpu.memory_space<vmem>> -> memref<960xi32, #tpu.memory_space<vmem>>
      %dma_start3A_506 = tpu.memref_slice %arg7[%multiple_of3A_310] : memref<1228800xi32, #tpu.memory_space<hbm>> -> memref<960xi32, #tpu.memory_space<hbm>>
      %dma_start3A_507 = arith.constant 960 : i32
      %dma_start3A_508 = tpu.memref_slice %arg11[%dma_start3A_507] : memref<16384xi32, #tpu.memory_space<vmem>> -> memref<960xi32, #tpu.memory_space<vmem>>
      %dma_start3A_509 = tpu.memref_slice %arg7[%multiple_of3A_310] : memref<1228800xi32, #tpu.memory_space<hbm>> -> memref<960xi32, #tpu.memory_space<hbm>>
      tpu.enqueue_dma source(%dma_start3A_509 : memref<960xi32, #tpu.memory_space<hbm>>) target(%dma_start3A_508 : memref<960xi32, #tpu.memory_space<vmem>>) target_semaphore(%run_scoped3A : memref<!tpu.dma_semaphore, #tpu.memory_space<semaphore_mem>>)
      %dma_wait3A = arith.constant 960 : i32
      %dma_wait3A_510 = tpu.memref_slice %arg11[%dma_wait3A] : memref<16384xi32, #tpu.memory_space<vmem>> -> memref<960xi32, #tpu.memory_space<vmem>>
      %dma_wait3A_511 = tpu.memref_slice %arg7[%multiple_of3A_310] : memref<1228800xi32, #tpu.memory_space<hbm>> -> memref<960xi32, #tpu.memory_space<hbm>>
      %dma_wait3A_512 = arith.constant 960 : i32
      %dma_wait3A_513 = tpu.memref_slice %arg11[%dma_wait3A_512] : memref<16384xi32, #tpu.memory_space<vmem>> -> memref<960xi32, #tpu.memory_space<vmem>>
      %dma_wait3A_514 = tpu.memref_slice %arg7[%multiple_of3A_310] : memref<1228800xi32, #tpu.memory_space<hbm>> -> memref<960xi32, #tpu.memory_space<hbm>>
      tpu.wait_dma2 semaphore(%run_scoped3A : memref<!tpu.dma_semaphore, #tpu.memory_space<semaphore_mem>>) src(%dma_wait3A_514 : memref<960xi32, #tpu.memory_space<hbm>>) dst(%dma_wait3A_513 : memref<960xi32, #tpu.memory_space<vmem>>)
      tpu.yield
    }) : () -> ()
    %add3A_311 = arith.constant 2 : i32
    %add3A_312 = arith.addi %add3A_66, %add3A_311 : i32
    %mul3A_313 = arith.constant 38400 : i32
    %mul3A_314 = arith.muli %add3A_312, %mul3A_313 : i32
    %add3A_315 = arith.addi %mul3A_314, %mul3A_84 : i32
    %add3A_316 = arith.constant 4800 : i32
    %add3A_317 = arith.addi %add3A_315, %add3A_316 : i32
    %multiple_of3A_318 = tpu.assume_multiple %add3A_317, 960 : i32
    "tpu.region"() ({
      %run_scoped3A = tpu.sem_alloc : memref<!tpu.dma_semaphore, #tpu.memory_space<semaphore_mem>>
      %dma_start3A = arith.constant 1920 : i32
      %dma_start3A_505 = tpu.memref_slice %arg10[%dma_start3A] : memref<16384xi32, #tpu.memory_space<vmem>> -> memref<960xi32, #tpu.memory_space<vmem>>
      %dma_start3A_506 = tpu.memref_slice %arg6[%multiple_of3A_318] : memref<1228800xi32, #tpu.memory_space<hbm>> -> memref<960xi32, #tpu.memory_space<hbm>>
      %dma_start3A_507 = arith.constant 1920 : i32
      %dma_start3A_508 = tpu.memref_slice %arg10[%dma_start3A_507] : memref<16384xi32, #tpu.memory_space<vmem>> -> memref<960xi32, #tpu.memory_space<vmem>>
      %dma_start3A_509 = tpu.memref_slice %arg6[%multiple_of3A_318] : memref<1228800xi32, #tpu.memory_space<hbm>> -> memref<960xi32, #tpu.memory_space<hbm>>
      tpu.enqueue_dma source(%dma_start3A_509 : memref<960xi32, #tpu.memory_space<hbm>>) target(%dma_start3A_508 : memref<960xi32, #tpu.memory_space<vmem>>) target_semaphore(%run_scoped3A : memref<!tpu.dma_semaphore, #tpu.memory_space<semaphore_mem>>)
      %dma_wait3A = arith.constant 1920 : i32
      %dma_wait3A_510 = tpu.memref_slice %arg10[%dma_wait3A] : memref<16384xi32, #tpu.memory_space<vmem>> -> memref<960xi32, #tpu.memory_space<vmem>>
      %dma_wait3A_511 = tpu.memref_slice %arg6[%multiple_of3A_318] : memref<1228800xi32, #tpu.memory_space<hbm>> -> memref<960xi32, #tpu.memory_space<hbm>>
      %dma_wait3A_512 = arith.constant 1920 : i32
      %dma_wait3A_513 = tpu.memref_slice %arg10[%dma_wait3A_512] : memref<16384xi32, #tpu.memory_space<vmem>> -> memref<960xi32, #tpu.memory_space<vmem>>
      %dma_wait3A_514 = tpu.memref_slice %arg6[%multiple_of3A_318] : memref<1228800xi32, #tpu.memory_space<hbm>> -> memref<960xi32, #tpu.memory_space<hbm>>
      tpu.wait_dma2 semaphore(%run_scoped3A : memref<!tpu.dma_semaphore, #tpu.memory_space<semaphore_mem>>) src(%dma_wait3A_514 : memref<960xi32, #tpu.memory_space<hbm>>) dst(%dma_wait3A_513 : memref<960xi32, #tpu.memory_space<vmem>>)
      tpu.yield
    }) : () -> ()
    "tpu.region"() ({
      %run_scoped3A = tpu.sem_alloc : memref<!tpu.dma_semaphore, #tpu.memory_space<semaphore_mem>>
      %dma_start3A = arith.constant 1920 : i32
      %dma_start3A_505 = tpu.memref_slice %arg11[%dma_start3A] : memref<16384xi32, #tpu.memory_space<vmem>> -> memref<960xi32, #tpu.memory_space<vmem>>
      %dma_start3A_506 = tpu.memref_slice %arg7[%multiple_of3A_318] : memref<1228800xi32, #tpu.memory_space<hbm>> -> memref<960xi32, #tpu.memory_space<hbm>>
      %dma_start3A_507 = arith.constant 1920 : i32
      %dma_start3A_508 = tpu.memref_slice %arg11[%dma_start3A_507] : memref<16384xi32, #tpu.memory_space<vmem>> -> memref<960xi32, #tpu.memory_space<vmem>>
      %dma_start3A_509 = tpu.memref_slice %arg7[%multiple_of3A_318] : memref<1228800xi32, #tpu.memory_space<hbm>> -> memref<960xi32, #tpu.memory_space<hbm>>
      tpu.enqueue_dma source(%dma_start3A_509 : memref<960xi32, #tpu.memory_space<hbm>>) target(%dma_start3A_508 : memref<960xi32, #tpu.memory_space<vmem>>) target_semaphore(%run_scoped3A : memref<!tpu.dma_semaphore, #tpu.memory_space<semaphore_mem>>)
      %dma_wait3A = arith.constant 1920 : i32
      %dma_wait3A_510 = tpu.memref_slice %arg11[%dma_wait3A] : memref<16384xi32, #tpu.memory_space<vmem>> -> memref<960xi32, #tpu.memory_space<vmem>>
      %dma_wait3A_511 = tpu.memref_slice %arg7[%multiple_of3A_318] : memref<1228800xi32, #tpu.memory_space<hbm>> -> memref<960xi32, #tpu.memory_space<hbm>>
      %dma_wait3A_512 = arith.constant 1920 : i32
      %dma_wait3A_513 = tpu.memref_slice %arg11[%dma_wait3A_512] : memref<16384xi32, #tpu.memory_space<vmem>> -> memref<960xi32, #tpu.memory_space<vmem>>
      %dma_wait3A_514 = tpu.memref_slice %arg7[%multiple_of3A_318] : memref<1228800xi32, #tpu.memory_space<hbm>> -> memref<960xi32, #tpu.memory_space<hbm>>
      tpu.wait_dma2 semaphore(%run_scoped3A : memref<!tpu.dma_semaphore, #tpu.memory_space<semaphore_mem>>) src(%dma_wait3A_514 : memref<960xi32, #tpu.memory_space<hbm>>) dst(%dma_wait3A_513 : memref<960xi32, #tpu.memory_space<vmem>>)
      tpu.yield
    }) : () -> ()
    %add3A_319 = arith.constant 3 : i32
    %add3A_320 = arith.addi %add3A_66, %add3A_319 : i32
    %mul3A_321 = arith.constant 38400 : i32
    %mul3A_322 = arith.muli %add3A_320, %mul3A_321 : i32
    %add3A_323 = arith.addi %mul3A_322, %mul3A_84 : i32
    %add3A_324 = arith.constant 4800 : i32
    %add3A_325 = arith.addi %add3A_323, %add3A_324 : i32
    %multiple_of3A_326 = tpu.assume_multiple %add3A_325, 960 : i32
    "tpu.region"() ({
      %run_scoped3A = tpu.sem_alloc : memref<!tpu.dma_semaphore, #tpu.memory_space<semaphore_mem>>
      %dma_start3A = arith.constant 2880 : i32
      %dma_start3A_505 = tpu.memref_slice %arg10[%dma_start3A] : memref<16384xi32, #tpu.memory_space<vmem>> -> memref<960xi32, #tpu.memory_space<vmem>>
      %dma_start3A_506 = tpu.memref_slice %arg6[%multiple_of3A_326] : memref<1228800xi32, #tpu.memory_space<hbm>> -> memref<960xi32, #tpu.memory_space<hbm>>
      %dma_start3A_507 = arith.constant 2880 : i32
      %dma_start3A_508 = tpu.memref_slice %arg10[%dma_start3A_507] : memref<16384xi32, #tpu.memory_space<vmem>> -> memref<960xi32, #tpu.memory_space<vmem>>
      %dma_start3A_509 = tpu.memref_slice %arg6[%multiple_of3A_326] : memref<1228800xi32, #tpu.memory_space<hbm>> -> memref<960xi32, #tpu.memory_space<hbm>>
      tpu.enqueue_dma source(%dma_start3A_509 : memref<960xi32, #tpu.memory_space<hbm>>) target(%dma_start3A_508 : memref<960xi32, #tpu.memory_space<vmem>>) target_semaphore(%run_scoped3A : memref<!tpu.dma_semaphore, #tpu.memory_space<semaphore_mem>>)
      %dma_wait3A = arith.constant 2880 : i32
      %dma_wait3A_510 = tpu.memref_slice %arg10[%dma_wait3A] : memref<16384xi32, #tpu.memory_space<vmem>> -> memref<960xi32, #tpu.memory_space<vmem>>
      %dma_wait3A_511 = tpu.memref_slice %arg6[%multiple_of3A_326] : memref<1228800xi32, #tpu.memory_space<hbm>> -> memref<960xi32, #tpu.memory_space<hbm>>
      %dma_wait3A_512 = arith.constant 2880 : i32
      %dma_wait3A_513 = tpu.memref_slice %arg10[%dma_wait3A_512] : memref<16384xi32, #tpu.memory_space<vmem>> -> memref<960xi32, #tpu.memory_space<vmem>>
      %dma_wait3A_514 = tpu.memref_slice %arg6[%multiple_of3A_326] : memref<1228800xi32, #tpu.memory_space<hbm>> -> memref<960xi32, #tpu.memory_space<hbm>>
      tpu.wait_dma2 semaphore(%run_scoped3A : memref<!tpu.dma_semaphore, #tpu.memory_space<semaphore_mem>>) src(%dma_wait3A_514 : memref<960xi32, #tpu.memory_space<hbm>>) dst(%dma_wait3A_513 : memref<960xi32, #tpu.memory_space<vmem>>)
      tpu.yield
    }) : () -> ()
    "tpu.region"() ({
      %run_scoped3A = tpu.sem_alloc : memref<!tpu.dma_semaphore, #tpu.memory_space<semaphore_mem>>
      %dma_start3A = arith.constant 2880 : i32
      %dma_start3A_505 = tpu.memref_slice %arg11[%dma_start3A] : memref<16384xi32, #tpu.memory_space<vmem>> -> memref<960xi32, #tpu.memory_space<vmem>>
      %dma_start3A_506 = tpu.memref_slice %arg7[%multiple_of3A_326] : memref<1228800xi32, #tpu.memory_space<hbm>> -> memref<960xi32, #tpu.memory_space<hbm>>
      %dma_start3A_507 = arith.constant 2880 : i32
      %dma_start3A_508 = tpu.memref_slice %arg11[%dma_start3A_507] : memref<16384xi32, #tpu.memory_space<vmem>> -> memref<960xi32, #tpu.memory_space<vmem>>
      %dma_start3A_509 = tpu.memref_slice %arg7[%multiple_of3A_326] : memref<1228800xi32, #tpu.memory_space<hbm>> -> memref<960xi32, #tpu.memory_space<hbm>>
      tpu.enqueue_dma source(%dma_start3A_509 : memref<960xi32, #tpu.memory_space<hbm>>) target(%dma_start3A_508 : memref<960xi32, #tpu.memory_space<vmem>>) target_semaphore(%run_scoped3A : memref<!tpu.dma_semaphore, #tpu.memory_space<semaphore_mem>>)
      %dma_wait3A = arith.constant 2880 : i32
      %dma_wait3A_510 = tpu.memref_slice %arg11[%dma_wait3A] : memref<16384xi32, #tpu.memory_space<vmem>> -> memref<960xi32, #tpu.memory_space<vmem>>
      %dma_wait3A_511 = tpu.memref_slice %arg7[%multiple_of3A_326] : memref<1228800xi32, #tpu.memory_space<hbm>> -> memref<960xi32, #tpu.memory_space<hbm>>
      %dma_wait3A_512 = arith.constant 2880 : i32
      %dma_wait3A_513 = tpu.memref_slice %arg11[%dma_wait3A_512] : memref<16384xi32, #tpu.memory_space<vmem>> -> memref<960xi32, #tpu.memory_space<vmem>>
      %dma_wait3A_514 = tpu.memref_slice %arg7[%multiple_of3A_326] : memref<1228800xi32, #tpu.memory_space<hbm>> -> memref<960xi32, #tpu.memory_space<hbm>>
      tpu.wait_dma2 semaphore(%run_scoped3A : memref<!tpu.dma_semaphore, #tpu.memory_space<semaphore_mem>>) src(%dma_wait3A_514 : memref<960xi32, #tpu.memory_space<hbm>>) dst(%dma_wait3A_513 : memref<960xi32, #tpu.memory_space<vmem>>)
      tpu.yield
    }) : () -> ()
    %scan3A_327 = arith.constant 0 : i32
    %scan3A_328 = arith.constant 0 : i32
    %scan3A_329 = arith.constant 60 : i32
    %scan3A_330 = arith.addi %scan3A_328, %scan3A_329 : i32
    %scan3A_331 = arith.constant 1 : i32
    scf.for %scan3A_505 = %scan3A_328 to %scan3A_330 step %scan3A_331  : i32 {
      %mul3A_506 = arith.constant 16 : i32
      %mul3A_507 = arith.muli %scan3A_505, %mul3A_506 : i32
      %add3A_508 = arith.constant 0 : i32
      %add3A_509 = arith.addi %add3A_508, %mul3A_507 : i32
      %get3A = arith.index_cast %add3A_509 : i32 to index
      %get3A_510 = tpu.vector_load %arg10[%get3A] {strides = array<i32>} : memref<16384xi32, #tpu.memory_space<vmem>>, vector<16xi32>,
      %mul3A_511 = arith.constant 16 : i32
      %mul3A_512 = arith.muli %scan3A_505, %mul3A_511 : i32
      %add3A_513 = arith.constant 960 : i32
      %add3A_514 = arith.addi %add3A_513, %mul3A_512 : i32
      %get3A_515 = arith.index_cast %add3A_514 : i32 to index
      %get3A_516 = tpu.vector_load %arg10[%get3A_515] {strides = array<i32>} : memref<16384xi32, #tpu.memory_space<vmem>>, vector<16xi32>,
      %mul3A_517 = arith.constant 16 : i32
      %mul3A_518 = arith.muli %scan3A_505, %mul3A_517 : i32
      %add3A_519 = arith.constant 1920 : i32
      %add3A_520 = arith.addi %add3A_519, %mul3A_518 : i32
      %get3A_521 = arith.index_cast %add3A_520 : i32 to index
      %get3A_522 = tpu.vector_load %arg10[%get3A_521] {strides = array<i32>} : memref<16384xi32, #tpu.memory_space<vmem>>, vector<16xi32>,
      %mul3A_523 = arith.constant 16 : i32
      %mul3A_524 = arith.muli %scan3A_505, %mul3A_523 : i32
      %add3A_525 = arith.constant 2880 : i32
      %add3A_526 = arith.addi %add3A_525, %mul3A_524 : i32
      %get3A_527 = arith.index_cast %add3A_526 : i32 to index
      %get3A_528 = tpu.vector_load %arg10[%get3A_527] {strides = array<i32>} : memref<16384xi32, #tpu.memory_space<vmem>>, vector<16xi32>,
      %mul3A_529 = arith.constant 16 : i32
      %mul3A_530 = arith.muli %scan3A_505, %mul3A_529 : i32
      %add3A_531 = arith.constant 0 : i32
      %add3A_532 = arith.addi %add3A_531, %mul3A_530 : i32
      %get3A_533 = arith.index_cast %add3A_532 : i32 to index
      %get3A_534 = tpu.vector_load %arg11[%get3A_533] {strides = array<i32>} : memref<16384xi32, #tpu.memory_space<vmem>>, vector<16xi32>,
      %mul3A_535 = arith.constant 16 : i32
      %mul3A_536 = arith.muli %scan3A_505, %mul3A_535 : i32
      %add3A_537 = arith.constant 960 : i32
      %add3A_538 = arith.addi %add3A_537, %mul3A_536 : i32
      %get3A_539 = arith.index_cast %add3A_538 : i32 to index
      %get3A_540 = tpu.vector_load %arg11[%get3A_539] {strides = array<i32>} : memref<16384xi32, #tpu.memory_space<vmem>>, vector<16xi32>,
      %mul3A_541 = arith.constant 16 : i32
      %mul3A_542 = arith.muli %scan3A_505, %mul3A_541 : i32
      %add3A_543 = arith.constant 1920 : i32
      %add3A_544 = arith.addi %add3A_543, %mul3A_542 : i32
      %get3A_545 = arith.index_cast %add3A_544 : i32 to index
      %get3A_546 = tpu.vector_load %arg11[%get3A_545] {strides = array<i32>} : memref<16384xi32, #tpu.memory_space<vmem>>, vector<16xi32>,
      %mul3A_547 = arith.constant 16 : i32
      %mul3A_548 = arith.muli %scan3A_505, %mul3A_547 : i32
      %add3A_549 = arith.constant 2880 : i32
      %add3A_550 = arith.addi %add3A_549, %mul3A_548 : i32
      %get3A_551 = arith.index_cast %add3A_550 : i32 to index
      %get3A_552 = tpu.vector_load %arg11[%get3A_551] {strides = array<i32>} : memref<16384xi32, #tpu.memory_space<vmem>>, vector<16xi32>,
      %min3A = arith.minsi %get3A_510, %get3A_516 : vector<16xi32>
      %le3A = arith.cmpi sle, %get3A_510, %get3A_516 : vector<16xi32>
      %select_n3A_553 = arith.select %le3A, %get3A_534, %get3A_540 : vector<16xi1>, vector<16xi32>
      %min3A_554 = arith.minsi %get3A_522, %get3A_528 : vector<16xi32>
      %le3A_555 = arith.cmpi sle, %get3A_522, %get3A_528 : vector<16xi32>
      %select_n3A_556 = arith.select %le3A_555, %get3A_546, %get3A_552 : vector<16xi1>, vector<16xi32>
      %le3A_557 = arith.cmpi sle, %min3A, %min3A_554 : vector<16xi32>
      %select_n3A_558 = arith.select %le3A_557, %select_n3A_553, %select_n3A_556 : vector<16xi1>, vector<16xi32>
      %mul3A_559 = arith.constant 16 : i32
      %mul3A_560 = arith.muli %scan3A_505, %mul3A_559 : i32
      %swap3A = arith.index_cast %mul3A_560 : i32 to index
      %swap3A_561 = tpu.vector_load %arg12[%swap3A] {strides = array<i32>} : memref<16384xi32, #tpu.memory_space<vmem>>, vector<16xi32>,
      tpu.vector_store %arg12[%swap3A], %select_n3A_558 {strides = array<i32>} : memref<16384xi32, #tpu.memory_space<vmem>>, vector<16xi32>,
    }
    %scan3A_332 = arith.constant 60 : i32
    %add3A_333 = arith.addi %mul3A_32, %mul3A_84 : i32
    %add3A_334 = arith.constant 4800 : i32
    %add3A_335 = arith.addi %add3A_333, %add3A_334 : i32
    %multiple_of3A_336 = tpu.assume_multiple %add3A_335, 960 : i32
    "tpu.region"() ({
      %run_scoped3A = tpu.sem_alloc : memref<!tpu.dma_semaphore, #tpu.memory_space<semaphore_mem>>
      %dma_start3A = arith.constant 0 : i32
      %dma_start3A_505 = tpu.memref_slice %arg12[%dma_start3A] : memref<16384xi32, #tpu.memory_space<vmem>> -> memref<960xi32, #tpu.memory_space<vmem>>
      %dma_start3A_506 = tpu.memref_slice %arg5[%multiple_of3A_336] : memref<307200xi32, #tpu.memory_space<hbm>> -> memref<960xi32, #tpu.memory_space<hbm>>
      %dma_start3A_507 = tpu.memref_slice %arg5[%multiple_of3A_336] : memref<307200xi32, #tpu.memory_space<hbm>> -> memref<960xi32, #tpu.memory_space<hbm>>
      %dma_start3A_508 = arith.constant 0 : i32
      %dma_start3A_509 = tpu.memref_slice %arg12[%dma_start3A_508] : memref<16384xi32, #tpu.memory_space<vmem>> -> memref<960xi32, #tpu.memory_space<vmem>>
      tpu.enqueue_dma source(%dma_start3A_509 : memref<960xi32, #tpu.memory_space<vmem>>) target(%dma_start3A_507 : memref<960xi32, #tpu.memory_space<hbm>>) target_semaphore(%run_scoped3A : memref<!tpu.dma_semaphore, #tpu.memory_space<semaphore_mem>>)
      %dma_wait3A = arith.constant 0 : i32
      %dma_wait3A_510 = tpu.memref_slice %arg12[%dma_wait3A] : memref<16384xi32, #tpu.memory_space<vmem>> -> memref<960xi32, #tpu.memory_space<vmem>>
      %dma_wait3A_511 = tpu.memref_slice %arg5[%multiple_of3A_336] : memref<307200xi32, #tpu.memory_space<hbm>> -> memref<960xi32, #tpu.memory_space<hbm>>
      %dma_wait3A_512 = tpu.memref_slice %arg5[%multiple_of3A_336] : memref<307200xi32, #tpu.memory_space<hbm>> -> memref<960xi32, #tpu.memory_space<hbm>>
      %dma_wait3A_513 = arith.constant 0 : i32
      %dma_wait3A_514 = tpu.memref_slice %arg12[%dma_wait3A_513] : memref<16384xi32, #tpu.memory_space<vmem>> -> memref<960xi32, #tpu.memory_space<vmem>>
      tpu.wait_dma2 semaphore(%run_scoped3A : memref<!tpu.dma_semaphore, #tpu.memory_space<semaphore_mem>>) src(%dma_wait3A_514 : memref<960xi32, #tpu.memory_space<vmem>>) dst(%dma_wait3A_512 : memref<960xi32, #tpu.memory_space<hbm>>)
      tpu.yield
    }) : () -> ()
    %add3A_337 = arith.constant 0 : i32
    %add3A_338 = arith.addi %add3A_66, %add3A_337 : i32
    %mul3A_339 = arith.constant 38400 : i32
    %mul3A_340 = arith.muli %add3A_338, %mul3A_339 : i32
    %add3A_341 = arith.addi %mul3A_340, %mul3A_84 : i32
    %add3A_342 = arith.constant 5760 : i32
    %add3A_343 = arith.addi %add3A_341, %add3A_342 : i32
    %multiple_of3A_344 = tpu.assume_multiple %add3A_343, 960 : i32
    "tpu.region"() ({
      %run_scoped3A = tpu.sem_alloc : memref<!tpu.dma_semaphore, #tpu.memory_space<semaphore_mem>>
      %dma_start3A = arith.constant 0 : i32
      %dma_start3A_505 = tpu.memref_slice %arg10[%dma_start3A] : memref<16384xi32, #tpu.memory_space<vmem>> -> memref<960xi32, #tpu.memory_space<vmem>>
      %dma_start3A_506 = tpu.memref_slice %arg6[%multiple_of3A_344] : memref<1228800xi32, #tpu.memory_space<hbm>> -> memref<960xi32, #tpu.memory_space<hbm>>
      %dma_start3A_507 = arith.constant 0 : i32
      %dma_start3A_508 = tpu.memref_slice %arg10[%dma_start3A_507] : memref<16384xi32, #tpu.memory_space<vmem>> -> memref<960xi32, #tpu.memory_space<vmem>>
      %dma_start3A_509 = tpu.memref_slice %arg6[%multiple_of3A_344] : memref<1228800xi32, #tpu.memory_space<hbm>> -> memref<960xi32, #tpu.memory_space<hbm>>
      tpu.enqueue_dma source(%dma_start3A_509 : memref<960xi32, #tpu.memory_space<hbm>>) target(%dma_start3A_508 : memref<960xi32, #tpu.memory_space<vmem>>) target_semaphore(%run_scoped3A : memref<!tpu.dma_semaphore, #tpu.memory_space<semaphore_mem>>)
      %dma_wait3A = arith.constant 0 : i32
      %dma_wait3A_510 = tpu.memref_slice %arg10[%dma_wait3A] : memref<16384xi32, #tpu.memory_space<vmem>> -> memref<960xi32, #tpu.memory_space<vmem>>
      %dma_wait3A_511 = tpu.memref_slice %arg6[%multiple_of3A_344] : memref<1228800xi32, #tpu.memory_space<hbm>> -> memref<960xi32, #tpu.memory_space<hbm>>
      %dma_wait3A_512 = arith.constant 0 : i32
      %dma_wait3A_513 = tpu.memref_slice %arg10[%dma_wait3A_512] : memref<16384xi32, #tpu.memory_space<vmem>> -> memref<960xi32, #tpu.memory_space<vmem>>
      %dma_wait3A_514 = tpu.memref_slice %arg6[%multiple_of3A_344] : memref<1228800xi32, #tpu.memory_space<hbm>> -> memref<960xi32, #tpu.memory_space<hbm>>
      tpu.wait_dma2 semaphore(%run_scoped3A : memref<!tpu.dma_semaphore, #tpu.memory_space<semaphore_mem>>) src(%dma_wait3A_514 : memref<960xi32, #tpu.memory_space<hbm>>) dst(%dma_wait3A_513 : memref<960xi32, #tpu.memory_space<vmem>>)
      tpu.yield
    }) : () -> ()
    "tpu.region"() ({
      %run_scoped3A = tpu.sem_alloc : memref<!tpu.dma_semaphore, #tpu.memory_space<semaphore_mem>>
      %dma_start3A = arith.constant 0 : i32
      %dma_start3A_505 = tpu.memref_slice %arg11[%dma_start3A] : memref<16384xi32, #tpu.memory_space<vmem>> -> memref<960xi32, #tpu.memory_space<vmem>>
      %dma_start3A_506 = tpu.memref_slice %arg7[%multiple_of3A_344] : memref<1228800xi32, #tpu.memory_space<hbm>> -> memref<960xi32, #tpu.memory_space<hbm>>
      %dma_start3A_507 = arith.constant 0 : i32
      %dma_start3A_508 = tpu.memref_slice %arg11[%dma_start3A_507] : memref<16384xi32, #tpu.memory_space<vmem>> -> memref<960xi32, #tpu.memory_space<vmem>>
      %dma_start3A_509 = tpu.memref_slice %arg7[%multiple_of3A_344] : memref<1228800xi32, #tpu.memory_space<hbm>> -> memref<960xi32, #tpu.memory_space<hbm>>
      tpu.enqueue_dma source(%dma_start3A_509 : memref<960xi32, #tpu.memory_space<hbm>>) target(%dma_start3A_508 : memref<960xi32, #tpu.memory_space<vmem>>) target_semaphore(%run_scoped3A : memref<!tpu.dma_semaphore, #tpu.memory_space<semaphore_mem>>)
      %dma_wait3A = arith.constant 0 : i32
      %dma_wait3A_510 = tpu.memref_slice %arg11[%dma_wait3A] : memref<16384xi32, #tpu.memory_space<vmem>> -> memref<960xi32, #tpu.memory_space<vmem>>
      %dma_wait3A_511 = tpu.memref_slice %arg7[%multiple_of3A_344] : memref<1228800xi32, #tpu.memory_space<hbm>> -> memref<960xi32, #tpu.memory_space<hbm>>
      %dma_wait3A_512 = arith.constant 0 : i32
      %dma_wait3A_513 = tpu.memref_slice %arg11[%dma_wait3A_512] : memref<16384xi32, #tpu.memory_space<vmem>> -> memref<960xi32, #tpu.memory_space<vmem>>
      %dma_wait3A_514 = tpu.memref_slice %arg7[%multiple_of3A_344] : memref<1228800xi32, #tpu.memory_space<hbm>> -> memref<960xi32, #tpu.memory_space<hbm>>
      tpu.wait_dma2 semaphore(%run_scoped3A : memref<!tpu.dma_semaphore, #tpu.memory_space<semaphore_mem>>) src(%dma_wait3A_514 : memref<960xi32, #tpu.memory_space<hbm>>) dst(%dma_wait3A_513 : memref<960xi32, #tpu.memory_space<vmem>>)
      tpu.yield
    }) : () -> ()
    %add3A_345 = arith.constant 1 : i32
    %add3A_346 = arith.addi %add3A_66, %add3A_345 : i32
    %mul3A_347 = arith.constant 38400 : i32
    %mul3A_348 = arith.muli %add3A_346, %mul3A_347 : i32
    %add3A_349 = arith.addi %mul3A_348, %mul3A_84 : i32
    %add3A_350 = arith.constant 5760 : i32
    %add3A_351 = arith.addi %add3A_349, %add3A_350 : i32
    %multiple_of3A_352 = tpu.assume_multiple %add3A_351, 960 : i32
    "tpu.region"() ({
      %run_scoped3A = tpu.sem_alloc : memref<!tpu.dma_semaphore, #tpu.memory_space<semaphore_mem>>
      %dma_start3A = arith.constant 960 : i32
      %dma_start3A_505 = tpu.memref_slice %arg10[%dma_start3A] : memref<16384xi32, #tpu.memory_space<vmem>> -> memref<960xi32, #tpu.memory_space<vmem>>
      %dma_start3A_506 = tpu.memref_slice %arg6[%multiple_of3A_352] : memref<1228800xi32, #tpu.memory_space<hbm>> -> memref<960xi32, #tpu.memory_space<hbm>>
      %dma_start3A_507 = arith.constant 960 : i32
      %dma_start3A_508 = tpu.memref_slice %arg10[%dma_start3A_507] : memref<16384xi32, #tpu.memory_space<vmem>> -> memref<960xi32, #tpu.memory_space<vmem>>
      %dma_start3A_509 = tpu.memref_slice %arg6[%multiple_of3A_352] : memref<1228800xi32, #tpu.memory_space<hbm>> -> memref<960xi32, #tpu.memory_space<hbm>>
      tpu.enqueue_dma source(%dma_start3A_509 : memref<960xi32, #tpu.memory_space<hbm>>) target(%dma_start3A_508 : memref<960xi32, #tpu.memory_space<vmem>>) target_semaphore(%run_scoped3A : memref<!tpu.dma_semaphore, #tpu.memory_space<semaphore_mem>>)
      %dma_wait3A = arith.constant 960 : i32
      %dma_wait3A_510 = tpu.memref_slice %arg10[%dma_wait3A] : memref<16384xi32, #tpu.memory_space<vmem>> -> memref<960xi32, #tpu.memory_space<vmem>>
      %dma_wait3A_511 = tpu.memref_slice %arg6[%multiple_of3A_352] : memref<1228800xi32, #tpu.memory_space<hbm>> -> memref<960xi32, #tpu.memory_space<hbm>>
      %dma_wait3A_512 = arith.constant 960 : i32
      %dma_wait3A_513 = tpu.memref_slice %arg10[%dma_wait3A_512] : memref<16384xi32, #tpu.memory_space<vmem>> -> memref<960xi32, #tpu.memory_space<vmem>>
      %dma_wait3A_514 = tpu.memref_slice %arg6[%multiple_of3A_352] : memref<1228800xi32, #tpu.memory_space<hbm>> -> memref<960xi32, #tpu.memory_space<hbm>>
      tpu.wait_dma2 semaphore(%run_scoped3A : memref<!tpu.dma_semaphore, #tpu.memory_space<semaphore_mem>>) src(%dma_wait3A_514 : memref<960xi32, #tpu.memory_space<hbm>>) dst(%dma_wait3A_513 : memref<960xi32, #tpu.memory_space<vmem>>)
      tpu.yield
    }) : () -> ()
    "tpu.region"() ({
      %run_scoped3A = tpu.sem_alloc : memref<!tpu.dma_semaphore, #tpu.memory_space<semaphore_mem>>
      %dma_start3A = arith.constant 960 : i32
      %dma_start3A_505 = tpu.memref_slice %arg11[%dma_start3A] : memref<16384xi32, #tpu.memory_space<vmem>> -> memref<960xi32, #tpu.memory_space<vmem>>
      %dma_start3A_506 = tpu.memref_slice %arg7[%multiple_of3A_352] : memref<1228800xi32, #tpu.memory_space<hbm>> -> memref<960xi32, #tpu.memory_space<hbm>>
      %dma_start3A_507 = arith.constant 960 : i32
      %dma_start3A_508 = tpu.memref_slice %arg11[%dma_start3A_507] : memref<16384xi32, #tpu.memory_space<vmem>> -> memref<960xi32, #tpu.memory_space<vmem>>
      %dma_start3A_509 = tpu.memref_slice %arg7[%multiple_of3A_352] : memref<1228800xi32, #tpu.memory_space<hbm>> -> memref<960xi32, #tpu.memory_space<hbm>>
      tpu.enqueue_dma source(%dma_start3A_509 : memref<960xi32, #tpu.memory_space<hbm>>) target(%dma_start3A_508 : memref<960xi32, #tpu.memory_space<vmem>>) target_semaphore(%run_scoped3A : memref<!tpu.dma_semaphore, #tpu.memory_space<semaphore_mem>>)
      %dma_wait3A = arith.constant 960 : i32
      %dma_wait3A_510 = tpu.memref_slice %arg11[%dma_wait3A] : memref<16384xi32, #tpu.memory_space<vmem>> -> memref<960xi32, #tpu.memory_space<vmem>>
      %dma_wait3A_511 = tpu.memref_slice %arg7[%multiple_of3A_352] : memref<1228800xi32, #tpu.memory_space<hbm>> -> memref<960xi32, #tpu.memory_space<hbm>>
      %dma_wait3A_512 = arith.constant 960 : i32
      %dma_wait3A_513 = tpu.memref_slice %arg11[%dma_wait3A_512] : memref<16384xi32, #tpu.memory_space<vmem>> -> memref<960xi32, #tpu.memory_space<vmem>>
      %dma_wait3A_514 = tpu.memref_slice %arg7[%multiple_of3A_352] : memref<1228800xi32, #tpu.memory_space<hbm>> -> memref<960xi32, #tpu.memory_space<hbm>>
      tpu.wait_dma2 semaphore(%run_scoped3A : memref<!tpu.dma_semaphore, #tpu.memory_space<semaphore_mem>>) src(%dma_wait3A_514 : memref<960xi32, #tpu.memory_space<hbm>>) dst(%dma_wait3A_513 : memref<960xi32, #tpu.memory_space<vmem>>)
      tpu.yield
    }) : () -> ()
    %add3A_353 = arith.constant 2 : i32
    %add3A_354 = arith.addi %add3A_66, %add3A_353 : i32
    %mul3A_355 = arith.constant 38400 : i32
    %mul3A_356 = arith.muli %add3A_354, %mul3A_355 : i32
    %add3A_357 = arith.addi %mul3A_356, %mul3A_84 : i32
    %add3A_358 = arith.constant 5760 : i32
    %add3A_359 = arith.addi %add3A_357, %add3A_358 : i32
    %multiple_of3A_360 = tpu.assume_multiple %add3A_359, 960 : i32
    "tpu.region"() ({
      %run_scoped3A = tpu.sem_alloc : memref<!tpu.dma_semaphore, #tpu.memory_space<semaphore_mem>>
      %dma_start3A = arith.constant 1920 : i32
      %dma_start3A_505 = tpu.memref_slice %arg10[%dma_start3A] : memref<16384xi32, #tpu.memory_space<vmem>> -> memref<960xi32, #tpu.memory_space<vmem>>
      %dma_start3A_506 = tpu.memref_slice %arg6[%multiple_of3A_360] : memref<1228800xi32, #tpu.memory_space<hbm>> -> memref<960xi32, #tpu.memory_space<hbm>>
      %dma_start3A_507 = arith.constant 1920 : i32
      %dma_start3A_508 = tpu.memref_slice %arg10[%dma_start3A_507] : memref<16384xi32, #tpu.memory_space<vmem>> -> memref<960xi32, #tpu.memory_space<vmem>>
      %dma_start3A_509 = tpu.memref_slice %arg6[%multiple_of3A_360] : memref<1228800xi32, #tpu.memory_space<hbm>> -> memref<960xi32, #tpu.memory_space<hbm>>
      tpu.enqueue_dma source(%dma_start3A_509 : memref<960xi32, #tpu.memory_space<hbm>>) target(%dma_start3A_508 : memref<960xi32, #tpu.memory_space<vmem>>) target_semaphore(%run_scoped3A : memref<!tpu.dma_semaphore, #tpu.memory_space<semaphore_mem>>)
      %dma_wait3A = arith.constant 1920 : i32
      %dma_wait3A_510 = tpu.memref_slice %arg10[%dma_wait3A] : memref<16384xi32, #tpu.memory_space<vmem>> -> memref<960xi32, #tpu.memory_space<vmem>>
      %dma_wait3A_511 = tpu.memref_slice %arg6[%multiple_of3A_360] : memref<1228800xi32, #tpu.memory_space<hbm>> -> memref<960xi32, #tpu.memory_space<hbm>>
      %dma_wait3A_512 = arith.constant 1920 : i32
      %dma_wait3A_513 = tpu.memref_slice %arg10[%dma_wait3A_512] : memref<16384xi32, #tpu.memory_space<vmem>> -> memref<960xi32, #tpu.memory_space<vmem>>
      %dma_wait3A_514 = tpu.memref_slice %arg6[%multiple_of3A_360] : memref<1228800xi32, #tpu.memory_space<hbm>> -> memref<960xi32, #tpu.memory_space<hbm>>
      tpu.wait_dma2 semaphore(%run_scoped3A : memref<!tpu.dma_semaphore, #tpu.memory_space<semaphore_mem>>) src(%dma_wait3A_514 : memref<960xi32, #tpu.memory_space<hbm>>) dst(%dma_wait3A_513 : memref<960xi32, #tpu.memory_space<vmem>>)
      tpu.yield
    }) : () -> ()
    "tpu.region"() ({
      %run_scoped3A = tpu.sem_alloc : memref<!tpu.dma_semaphore, #tpu.memory_space<semaphore_mem>>
      %dma_start3A = arith.constant 1920 : i32
      %dma_start3A_505 = tpu.memref_slice %arg11[%dma_start3A] : memref<16384xi32, #tpu.memory_space<vmem>> -> memref<960xi32, #tpu.memory_space<vmem>>
      %dma_start3A_506 = tpu.memref_slice %arg7[%multiple_of3A_360] : memref<1228800xi32, #tpu.memory_space<hbm>> -> memref<960xi32, #tpu.memory_space<hbm>>
      %dma_start3A_507 = arith.constant 1920 : i32
      %dma_start3A_508 = tpu.memref_slice %arg11[%dma_start3A_507] : memref<16384xi32, #tpu.memory_space<vmem>> -> memref<960xi32, #tpu.memory_space<vmem>>
      %dma_start3A_509 = tpu.memref_slice %arg7[%multiple_of3A_360] : memref<1228800xi32, #tpu.memory_space<hbm>> -> memref<960xi32, #tpu.memory_space<hbm>>
      tpu.enqueue_dma source(%dma_start3A_509 : memref<960xi32, #tpu.memory_space<hbm>>) target(%dma_start3A_508 : memref<960xi32, #tpu.memory_space<vmem>>) target_semaphore(%run_scoped3A : memref<!tpu.dma_semaphore, #tpu.memory_space<semaphore_mem>>)
      %dma_wait3A = arith.constant 1920 : i32
      %dma_wait3A_510 = tpu.memref_slice %arg11[%dma_wait3A] : memref<16384xi32, #tpu.memory_space<vmem>> -> memref<960xi32, #tpu.memory_space<vmem>>
      %dma_wait3A_511 = tpu.memref_slice %arg7[%multiple_of3A_360] : memref<1228800xi32, #tpu.memory_space<hbm>> -> memref<960xi32, #tpu.memory_space<hbm>>
      %dma_wait3A_512 = arith.constant 1920 : i32
      %dma_wait3A_513 = tpu.memref_slice %arg11[%dma_wait3A_512] : memref<16384xi32, #tpu.memory_space<vmem>> -> memref<960xi32, #tpu.memory_space<vmem>>
      %dma_wait3A_514 = tpu.memref_slice %arg7[%multiple_of3A_360] : memref<1228800xi32, #tpu.memory_space<hbm>> -> memref<960xi32, #tpu.memory_space<hbm>>
      tpu.wait_dma2 semaphore(%run_scoped3A : memref<!tpu.dma_semaphore, #tpu.memory_space<semaphore_mem>>) src(%dma_wait3A_514 : memref<960xi32, #tpu.memory_space<hbm>>) dst(%dma_wait3A_513 : memref<960xi32, #tpu.memory_space<vmem>>)
      tpu.yield
    }) : () -> ()
    %add3A_361 = arith.constant 3 : i32
    %add3A_362 = arith.addi %add3A_66, %add3A_361 : i32
    %mul3A_363 = arith.constant 38400 : i32
    %mul3A_364 = arith.muli %add3A_362, %mul3A_363 : i32
    %add3A_365 = arith.addi %mul3A_364, %mul3A_84 : i32
    %add3A_366 = arith.constant 5760 : i32
    %add3A_367 = arith.addi %add3A_365, %add3A_366 : i32
    %multiple_of3A_368 = tpu.assume_multiple %add3A_367, 960 : i32
    "tpu.region"() ({
      %run_scoped3A = tpu.sem_alloc : memref<!tpu.dma_semaphore, #tpu.memory_space<semaphore_mem>>
      %dma_start3A = arith.constant 2880 : i32
      %dma_start3A_505 = tpu.memref_slice %arg10[%dma_start3A] : memref<16384xi32, #tpu.memory_space<vmem>> -> memref<960xi32, #tpu.memory_space<vmem>>
      %dma_start3A_506 = tpu.memref_slice %arg6[%multiple_of3A_368] : memref<1228800xi32, #tpu.memory_space<hbm>> -> memref<960xi32, #tpu.memory_space<hbm>>
      %dma_start3A_507 = arith.constant 2880 : i32
      %dma_start3A_508 = tpu.memref_slice %arg10[%dma_start3A_507] : memref<16384xi32, #tpu.memory_space<vmem>> -> memref<960xi32, #tpu.memory_space<vmem>>
      %dma_start3A_509 = tpu.memref_slice %arg6[%multiple_of3A_368] : memref<1228800xi32, #tpu.memory_space<hbm>> -> memref<960xi32, #tpu.memory_space<hbm>>
      tpu.enqueue_dma source(%dma_start3A_509 : memref<960xi32, #tpu.memory_space<hbm>>) target(%dma_start3A_508 : memref<960xi32, #tpu.memory_space<vmem>>) target_semaphore(%run_scoped3A : memref<!tpu.dma_semaphore, #tpu.memory_space<semaphore_mem>>)
      %dma_wait3A = arith.constant 2880 : i32
      %dma_wait3A_510 = tpu.memref_slice %arg10[%dma_wait3A] : memref<16384xi32, #tpu.memory_space<vmem>> -> memref<960xi32, #tpu.memory_space<vmem>>
      %dma_wait3A_511 = tpu.memref_slice %arg6[%multiple_of3A_368] : memref<1228800xi32, #tpu.memory_space<hbm>> -> memref<960xi32, #tpu.memory_space<hbm>>
      %dma_wait3A_512 = arith.constant 2880 : i32
      %dma_wait3A_513 = tpu.memref_slice %arg10[%dma_wait3A_512] : memref<16384xi32, #tpu.memory_space<vmem>> -> memref<960xi32, #tpu.memory_space<vmem>>
      %dma_wait3A_514 = tpu.memref_slice %arg6[%multiple_of3A_368] : memref<1228800xi32, #tpu.memory_space<hbm>> -> memref<960xi32, #tpu.memory_space<hbm>>
      tpu.wait_dma2 semaphore(%run_scoped3A : memref<!tpu.dma_semaphore, #tpu.memory_space<semaphore_mem>>) src(%dma_wait3A_514 : memref<960xi32, #tpu.memory_space<hbm>>) dst(%dma_wait3A_513 : memref<960xi32, #tpu.memory_space<vmem>>)
      tpu.yield
    }) : () -> ()
    "tpu.region"() ({
      %run_scoped3A = tpu.sem_alloc : memref<!tpu.dma_semaphore, #tpu.memory_space<semaphore_mem>>
      %dma_start3A = arith.constant 2880 : i32
      %dma_start3A_505 = tpu.memref_slice %arg11[%dma_start3A] : memref<16384xi32, #tpu.memory_space<vmem>> -> memref<960xi32, #tpu.memory_space<vmem>>
      %dma_start3A_506 = tpu.memref_slice %arg7[%multiple_of3A_368] : memref<1228800xi32, #tpu.memory_space<hbm>> -> memref<960xi32, #tpu.memory_space<hbm>>
      %dma_start3A_507 = arith.constant 2880 : i32
      %dma_start3A_508 = tpu.memref_slice %arg11[%dma_start3A_507] : memref<16384xi32, #tpu.memory_space<vmem>> -> memref<960xi32, #tpu.memory_space<vmem>>
      %dma_start3A_509 = tpu.memref_slice %arg7[%multiple_of3A_368] : memref<1228800xi32, #tpu.memory_space<hbm>> -> memref<960xi32, #tpu.memory_space<hbm>>
      tpu.enqueue_dma source(%dma_start3A_509 : memref<960xi32, #tpu.memory_space<hbm>>) target(%dma_start3A_508 : memref<960xi32, #tpu.memory_space<vmem>>) target_semaphore(%run_scoped3A : memref<!tpu.dma_semaphore, #tpu.memory_space<semaphore_mem>>)
      %dma_wait3A = arith.constant 2880 : i32
      %dma_wait3A_510 = tpu.memref_slice %arg11[%dma_wait3A] : memref<16384xi32, #tpu.memory_space<vmem>> -> memref<960xi32, #tpu.memory_space<vmem>>
      %dma_wait3A_511 = tpu.memref_slice %arg7[%multiple_of3A_368] : memref<1228800xi32, #tpu.memory_space<hbm>> -> memref<960xi32, #tpu.memory_space<hbm>>
      %dma_wait3A_512 = arith.constant 2880 : i32
      %dma_wait3A_513 = tpu.memref_slice %arg11[%dma_wait3A_512] : memref<16384xi32, #tpu.memory_space<vmem>> -> memref<960xi32, #tpu.memory_space<vmem>>
      %dma_wait3A_514 = tpu.memref_slice %arg7[%multiple_of3A_368] : memref<1228800xi32, #tpu.memory_space<hbm>> -> memref<960xi32, #tpu.memory_space<hbm>>
      tpu.wait_dma2 semaphore(%run_scoped3A : memref<!tpu.dma_semaphore, #tpu.memory_space<semaphore_mem>>) src(%dma_wait3A_514 : memref<960xi32, #tpu.memory_space<hbm>>) dst(%dma_wait3A_513 : memref<960xi32, #tpu.memory_space<vmem>>)
      tpu.yield
    }) : () -> ()
    %scan3A_369 = arith.constant 0 : i32
    %scan3A_370 = arith.constant 0 : i32
    %scan3A_371 = arith.constant 60 : i32
    %scan3A_372 = arith.addi %scan3A_370, %scan3A_371 : i32
    %scan3A_373 = arith.constant 1 : i32
    scf.for %scan3A_505 = %scan3A_370 to %scan3A_372 step %scan3A_373  : i32 {
      %mul3A_506 = arith.constant 16 : i32
      %mul3A_507 = arith.muli %scan3A_505, %mul3A_506 : i32
      %add3A_508 = arith.constant 0 : i32
      %add3A_509 = arith.addi %add3A_508, %mul3A_507 : i32
      %get3A = arith.index_cast %add3A_509 : i32 to index
      %get3A_510 = tpu.vector_load %arg10[%get3A] {strides = array<i32>} : memref<16384xi32, #tpu.memory_space<vmem>>, vector<16xi32>,
      %mul3A_511 = arith.constant 16 : i32
      %mul3A_512 = arith.muli %scan3A_505, %mul3A_511 : i32
      %add3A_513 = arith.constant 960 : i32
      %add3A_514 = arith.addi %add3A_513, %mul3A_512 : i32
      %get3A_515 = arith.index_cast %add3A_514 : i32 to index
      %get3A_516 = tpu.vector_load %arg10[%get3A_515] {strides = array<i32>} : memref<16384xi32, #tpu.memory_space<vmem>>, vector<16xi32>,
      %mul3A_517 = arith.constant 16 : i32
      %mul3A_518 = arith.muli %scan3A_505, %mul3A_517 : i32
      %add3A_519 = arith.constant 1920 : i32
      %add3A_520 = arith.addi %add3A_519, %mul3A_518 : i32
      %get3A_521 = arith.index_cast %add3A_520 : i32 to index
      %get3A_522 = tpu.vector_load %arg10[%get3A_521] {strides = array<i32>} : memref<16384xi32, #tpu.memory_space<vmem>>, vector<16xi32>,
      %mul3A_523 = arith.constant 16 : i32
      %mul3A_524 = arith.muli %scan3A_505, %mul3A_523 : i32
      %add3A_525 = arith.constant 2880 : i32
      %add3A_526 = arith.addi %add3A_525, %mul3A_524 : i32
      %get3A_527 = arith.index_cast %add3A_526 : i32 to index
      %get3A_528 = tpu.vector_load %arg10[%get3A_527] {strides = array<i32>} : memref<16384xi32, #tpu.memory_space<vmem>>, vector<16xi32>,
      %mul3A_529 = arith.constant 16 : i32
      %mul3A_530 = arith.muli %scan3A_505, %mul3A_529 : i32
      %add3A_531 = arith.constant 0 : i32
      %add3A_532 = arith.addi %add3A_531, %mul3A_530 : i32
      %get3A_533 = arith.index_cast %add3A_532 : i32 to index
      %get3A_534 = tpu.vector_load %arg11[%get3A_533] {strides = array<i32>} : memref<16384xi32, #tpu.memory_space<vmem>>, vector<16xi32>,
      %mul3A_535 = arith.constant 16 : i32
      %mul3A_536 = arith.muli %scan3A_505, %mul3A_535 : i32
      %add3A_537 = arith.constant 960 : i32
      %add3A_538 = arith.addi %add3A_537, %mul3A_536 : i32
      %get3A_539 = arith.index_cast %add3A_538 : i32 to index
      %get3A_540 = tpu.vector_load %arg11[%get3A_539] {strides = array<i32>} : memref<16384xi32, #tpu.memory_space<vmem>>, vector<16xi32>,
      %mul3A_541 = arith.constant 16 : i32
      %mul3A_542 = arith.muli %scan3A_505, %mul3A_541 : i32
      %add3A_543 = arith.constant 1920 : i32
      %add3A_544 = arith.addi %add3A_543, %mul3A_542 : i32
      %get3A_545 = arith.index_cast %add3A_544 : i32 to index
      %get3A_546 = tpu.vector_load %arg11[%get3A_545] {strides = array<i32>} : memref<16384xi32, #tpu.memory_space<vmem>>, vector<16xi32>,
      %mul3A_547 = arith.constant 16 : i32
      %mul3A_548 = arith.muli %scan3A_505, %mul3A_547 : i32
      %add3A_549 = arith.constant 2880 : i32
      %add3A_550 = arith.addi %add3A_549, %mul3A_548 : i32
      %get3A_551 = arith.index_cast %add3A_550 : i32 to index
      %get3A_552 = tpu.vector_load %arg11[%get3A_551] {strides = array<i32>} : memref<16384xi32, #tpu.memory_space<vmem>>, vector<16xi32>,
      %min3A = arith.minsi %get3A_510, %get3A_516 : vector<16xi32>
      %le3A = arith.cmpi sle, %get3A_510, %get3A_516 : vector<16xi32>
      %select_n3A_553 = arith.select %le3A, %get3A_534, %get3A_540 : vector<16xi1>, vector<16xi32>
      %min3A_554 = arith.minsi %get3A_522, %get3A_528 : vector<16xi32>
      %le3A_555 = arith.cmpi sle, %get3A_522, %get3A_528 : vector<16xi32>
      %select_n3A_556 = arith.select %le3A_555, %get3A_546, %get3A_552 : vector<16xi1>, vector<16xi32>
      %le3A_557 = arith.cmpi sle, %min3A, %min3A_554 : vector<16xi32>
      %select_n3A_558 = arith.select %le3A_557, %select_n3A_553, %select_n3A_556 : vector<16xi1>, vector<16xi32>
      %mul3A_559 = arith.constant 16 : i32
      %mul3A_560 = arith.muli %scan3A_505, %mul3A_559 : i32
      %swap3A = arith.index_cast %mul3A_560 : i32 to index
      %swap3A_561 = tpu.vector_load %arg12[%swap3A] {strides = array<i32>} : memref<16384xi32, #tpu.memory_space<vmem>>, vector<16xi32>,
      tpu.vector_store %arg12[%swap3A], %select_n3A_558 {strides = array<i32>} : memref<16384xi32, #tpu.memory_space<vmem>>, vector<16xi32>,
    }
    %scan3A_374 = arith.constant 60 : i32
    %add3A_375 = arith.addi %mul3A_32, %mul3A_84 : i32
    %add3A_376 = arith.constant 5760 : i32
    %add3A_377 = arith.addi %add3A_375, %add3A_376 : i32
    %multiple_of3A_378 = tpu.assume_multiple %add3A_377, 960 : i32
    "tpu.region"() ({
      %run_scoped3A = tpu.sem_alloc : memref<!tpu.dma_semaphore, #tpu.memory_space<semaphore_mem>>
      %dma_start3A = arith.constant 0 : i32
      %dma_start3A_505 = tpu.memref_slice %arg12[%dma_start3A] : memref<16384xi32, #tpu.memory_space<vmem>> -> memref<960xi32, #tpu.memory_space<vmem>>
      %dma_start3A_506 = tpu.memref_slice %arg5[%multiple_of3A_378] : memref<307200xi32, #tpu.memory_space<hbm>> -> memref<960xi32, #tpu.memory_space<hbm>>
      %dma_start3A_507 = tpu.memref_slice %arg5[%multiple_of3A_378] : memref<307200xi32, #tpu.memory_space<hbm>> -> memref<960xi32, #tpu.memory_space<hbm>>
      %dma_start3A_508 = arith.constant 0 : i32
      %dma_start3A_509 = tpu.memref_slice %arg12[%dma_start3A_508] : memref<16384xi32, #tpu.memory_space<vmem>> -> memref<960xi32, #tpu.memory_space<vmem>>
      tpu.enqueue_dma source(%dma_start3A_509 : memref<960xi32, #tpu.memory_space<vmem>>) target(%dma_start3A_507 : memref<960xi32, #tpu.memory_space<hbm>>) target_semaphore(%run_scoped3A : memref<!tpu.dma_semaphore, #tpu.memory_space<semaphore_mem>>)
      %dma_wait3A = arith.constant 0 : i32
      %dma_wait3A_510 = tpu.memref_slice %arg12[%dma_wait3A] : memref<16384xi32, #tpu.memory_space<vmem>> -> memref<960xi32, #tpu.memory_space<vmem>>
      %dma_wait3A_511 = tpu.memref_slice %arg5[%multiple_of3A_378] : memref<307200xi32, #tpu.memory_space<hbm>> -> memref<960xi32, #tpu.memory_space<hbm>>
      %dma_wait3A_512 = tpu.memref_slice %arg5[%multiple_of3A_378] : memref<307200xi32, #tpu.memory_space<hbm>> -> memref<960xi32, #tpu.memory_space<hbm>>
      %dma_wait3A_513 = arith.constant 0 : i32
      %dma_wait3A_514 = tpu.memref_slice %arg12[%dma_wait3A_513] : memref<16384xi32, #tpu.memory_space<vmem>> -> memref<960xi32, #tpu.memory_space<vmem>>
      tpu.wait_dma2 semaphore(%run_scoped3A : memref<!tpu.dma_semaphore, #tpu.memory_space<semaphore_mem>>) src(%dma_wait3A_514 : memref<960xi32, #tpu.memory_space<vmem>>) dst(%dma_wait3A_512 : memref<960xi32, #tpu.memory_space<hbm>>)
      tpu.yield
    }) : () -> ()
    %add3A_379 = arith.constant 0 : i32
    %add3A_380 = arith.addi %add3A_66, %add3A_379 : i32
    %mul3A_381 = arith.constant 38400 : i32
    %mul3A_382 = arith.muli %add3A_380, %mul3A_381 : i32
    %add3A_383 = arith.addi %mul3A_382, %mul3A_84 : i32
    %add3A_384 = arith.constant 6720 : i32
    %add3A_385 = arith.addi %add3A_383, %add3A_384 : i32
    %multiple_of3A_386 = tpu.assume_multiple %add3A_385, 960 : i32
    "tpu.region"() ({
      %run_scoped3A = tpu.sem_alloc : memref<!tpu.dma_semaphore, #tpu.memory_space<semaphore_mem>>
      %dma_start3A = arith.constant 0 : i32
      %dma_start3A_505 = tpu.memref_slice %arg10[%dma_start3A] : memref<16384xi32, #tpu.memory_space<vmem>> -> memref<960xi32, #tpu.memory_space<vmem>>
      %dma_start3A_506 = tpu.memref_slice %arg6[%multiple_of3A_386] : memref<1228800xi32, #tpu.memory_space<hbm>> -> memref<960xi32, #tpu.memory_space<hbm>>
      %dma_start3A_507 = arith.constant 0 : i32
      %dma_start3A_508 = tpu.memref_slice %arg10[%dma_start3A_507] : memref<16384xi32, #tpu.memory_space<vmem>> -> memref<960xi32, #tpu.memory_space<vmem>>
      %dma_start3A_509 = tpu.memref_slice %arg6[%multiple_of3A_386] : memref<1228800xi32, #tpu.memory_space<hbm>> -> memref<960xi32, #tpu.memory_space<hbm>>
      tpu.enqueue_dma source(%dma_start3A_509 : memref<960xi32, #tpu.memory_space<hbm>>) target(%dma_start3A_508 : memref<960xi32, #tpu.memory_space<vmem>>) target_semaphore(%run_scoped3A : memref<!tpu.dma_semaphore, #tpu.memory_space<semaphore_mem>>)
      %dma_wait3A = arith.constant 0 : i32
      %dma_wait3A_510 = tpu.memref_slice %arg10[%dma_wait3A] : memref<16384xi32, #tpu.memory_space<vmem>> -> memref<960xi32, #tpu.memory_space<vmem>>
      %dma_wait3A_511 = tpu.memref_slice %arg6[%multiple_of3A_386] : memref<1228800xi32, #tpu.memory_space<hbm>> -> memref<960xi32, #tpu.memory_space<hbm>>
      %dma_wait3A_512 = arith.constant 0 : i32
      %dma_wait3A_513 = tpu.memref_slice %arg10[%dma_wait3A_512] : memref<16384xi32, #tpu.memory_space<vmem>> -> memref<960xi32, #tpu.memory_space<vmem>>
      %dma_wait3A_514 = tpu.memref_slice %arg6[%multiple_of3A_386] : memref<1228800xi32, #tpu.memory_space<hbm>> -> memref<960xi32, #tpu.memory_space<hbm>>
      tpu.wait_dma2 semaphore(%run_scoped3A : memref<!tpu.dma_semaphore, #tpu.memory_space<semaphore_mem>>) src(%dma_wait3A_514 : memref<960xi32, #tpu.memory_space<hbm>>) dst(%dma_wait3A_513 : memref<960xi32, #tpu.memory_space<vmem>>)
      tpu.yield
    }) : () -> ()
    "tpu.region"() ({
      %run_scoped3A = tpu.sem_alloc : memref<!tpu.dma_semaphore, #tpu.memory_space<semaphore_mem>>
      %dma_start3A = arith.constant 0 : i32
      %dma_start3A_505 = tpu.memref_slice %arg11[%dma_start3A] : memref<16384xi32, #tpu.memory_space<vmem>> -> memref<960xi32, #tpu.memory_space<vmem>>
      %dma_start3A_506 = tpu.memref_slice %arg7[%multiple_of3A_386] : memref<1228800xi32, #tpu.memory_space<hbm>> -> memref<960xi32, #tpu.memory_space<hbm>>
      %dma_start3A_507 = arith.constant 0 : i32
      %dma_start3A_508 = tpu.memref_slice %arg11[%dma_start3A_507] : memref<16384xi32, #tpu.memory_space<vmem>> -> memref<960xi32, #tpu.memory_space<vmem>>
      %dma_start3A_509 = tpu.memref_slice %arg7[%multiple_of3A_386] : memref<1228800xi32, #tpu.memory_space<hbm>> -> memref<960xi32, #tpu.memory_space<hbm>>
      tpu.enqueue_dma source(%dma_start3A_509 : memref<960xi32, #tpu.memory_space<hbm>>) target(%dma_start3A_508 : memref<960xi32, #tpu.memory_space<vmem>>) target_semaphore(%run_scoped3A : memref<!tpu.dma_semaphore, #tpu.memory_space<semaphore_mem>>)
      %dma_wait3A = arith.constant 0 : i32
      %dma_wait3A_510 = tpu.memref_slice %arg11[%dma_wait3A] : memref<16384xi32, #tpu.memory_space<vmem>> -> memref<960xi32, #tpu.memory_space<vmem>>
      %dma_wait3A_511 = tpu.memref_slice %arg7[%multiple_of3A_386] : memref<1228800xi32, #tpu.memory_space<hbm>> -> memref<960xi32, #tpu.memory_space<hbm>>
      %dma_wait3A_512 = arith.constant 0 : i32
      %dma_wait3A_513 = tpu.memref_slice %arg11[%dma_wait3A_512] : memref<16384xi32, #tpu.memory_space<vmem>> -> memref<960xi32, #tpu.memory_space<vmem>>
      %dma_wait3A_514 = tpu.memref_slice %arg7[%multiple_of3A_386] : memref<1228800xi32, #tpu.memory_space<hbm>> -> memref<960xi32, #tpu.memory_space<hbm>>
      tpu.wait_dma2 semaphore(%run_scoped3A : memref<!tpu.dma_semaphore, #tpu.memory_space<semaphore_mem>>) src(%dma_wait3A_514 : memref<960xi32, #tpu.memory_space<hbm>>) dst(%dma_wait3A_513 : memref<960xi32, #tpu.memory_space<vmem>>)
      tpu.yield
    }) : () -> ()
    %add3A_387 = arith.constant 1 : i32
    %add3A_388 = arith.addi %add3A_66, %add3A_387 : i32
    %mul3A_389 = arith.constant 38400 : i32
    %mul3A_390 = arith.muli %add3A_388, %mul3A_389 : i32
    %add3A_391 = arith.addi %mul3A_390, %mul3A_84 : i32
    %add3A_392 = arith.constant 6720 : i32
    %add3A_393 = arith.addi %add3A_391, %add3A_392 : i32
    %multiple_of3A_394 = tpu.assume_multiple %add3A_393, 960 : i32
    "tpu.region"() ({
      %run_scoped3A = tpu.sem_alloc : memref<!tpu.dma_semaphore, #tpu.memory_space<semaphore_mem>>
      %dma_start3A = arith.constant 960 : i32
      %dma_start3A_505 = tpu.memref_slice %arg10[%dma_start3A] : memref<16384xi32, #tpu.memory_space<vmem>> -> memref<960xi32, #tpu.memory_space<vmem>>
      %dma_start3A_506 = tpu.memref_slice %arg6[%multiple_of3A_394] : memref<1228800xi32, #tpu.memory_space<hbm>> -> memref<960xi32, #tpu.memory_space<hbm>>
      %dma_start3A_507 = arith.constant 960 : i32
      %dma_start3A_508 = tpu.memref_slice %arg10[%dma_start3A_507] : memref<16384xi32, #tpu.memory_space<vmem>> -> memref<960xi32, #tpu.memory_space<vmem>>
      %dma_start3A_509 = tpu.memref_slice %arg6[%multiple_of3A_394] : memref<1228800xi32, #tpu.memory_space<hbm>> -> memref<960xi32, #tpu.memory_space<hbm>>
      tpu.enqueue_dma source(%dma_start3A_509 : memref<960xi32, #tpu.memory_space<hbm>>) target(%dma_start3A_508 : memref<960xi32, #tpu.memory_space<vmem>>) target_semaphore(%run_scoped3A : memref<!tpu.dma_semaphore, #tpu.memory_space<semaphore_mem>>)
      %dma_wait3A = arith.constant 960 : i32
      %dma_wait3A_510 = tpu.memref_slice %arg10[%dma_wait3A] : memref<16384xi32, #tpu.memory_space<vmem>> -> memref<960xi32, #tpu.memory_space<vmem>>
      %dma_wait3A_511 = tpu.memref_slice %arg6[%multiple_of3A_394] : memref<1228800xi32, #tpu.memory_space<hbm>> -> memref<960xi32, #tpu.memory_space<hbm>>
      %dma_wait3A_512 = arith.constant 960 : i32
      %dma_wait3A_513 = tpu.memref_slice %arg10[%dma_wait3A_512] : memref<16384xi32, #tpu.memory_space<vmem>> -> memref<960xi32, #tpu.memory_space<vmem>>
      %dma_wait3A_514 = tpu.memref_slice %arg6[%multiple_of3A_394] : memref<1228800xi32, #tpu.memory_space<hbm>> -> memref<960xi32, #tpu.memory_space<hbm>>
      tpu.wait_dma2 semaphore(%run_scoped3A : memref<!tpu.dma_semaphore, #tpu.memory_space<semaphore_mem>>) src(%dma_wait3A_514 : memref<960xi32, #tpu.memory_space<hbm>>) dst(%dma_wait3A_513 : memref<960xi32, #tpu.memory_space<vmem>>)
      tpu.yield
    }) : () -> ()
    "tpu.region"() ({
      %run_scoped3A = tpu.sem_alloc : memref<!tpu.dma_semaphore, #tpu.memory_space<semaphore_mem>>
      %dma_start3A = arith.constant 960 : i32
      %dma_start3A_505 = tpu.memref_slice %arg11[%dma_start3A] : memref<16384xi32, #tpu.memory_space<vmem>> -> memref<960xi32, #tpu.memory_space<vmem>>
      %dma_start3A_506 = tpu.memref_slice %arg7[%multiple_of3A_394] : memref<1228800xi32, #tpu.memory_space<hbm>> -> memref<960xi32, #tpu.memory_space<hbm>>
      %dma_start3A_507 = arith.constant 960 : i32
      %dma_start3A_508 = tpu.memref_slice %arg11[%dma_start3A_507] : memref<16384xi32, #tpu.memory_space<vmem>> -> memref<960xi32, #tpu.memory_space<vmem>>
      %dma_start3A_509 = tpu.memref_slice %arg7[%multiple_of3A_394] : memref<1228800xi32, #tpu.memory_space<hbm>> -> memref<960xi32, #tpu.memory_space<hbm>>
      tpu.enqueue_dma source(%dma_start3A_509 : memref<960xi32, #tpu.memory_space<hbm>>) target(%dma_start3A_508 : memref<960xi32, #tpu.memory_space<vmem>>) target_semaphore(%run_scoped3A : memref<!tpu.dma_semaphore, #tpu.memory_space<semaphore_mem>>)
      %dma_wait3A = arith.constant 960 : i32
      %dma_wait3A_510 = tpu.memref_slice %arg11[%dma_wait3A] : memref<16384xi32, #tpu.memory_space<vmem>> -> memref<960xi32, #tpu.memory_space<vmem>>
      %dma_wait3A_511 = tpu.memref_slice %arg7[%multiple_of3A_394] : memref<1228800xi32, #tpu.memory_space<hbm>> -> memref<960xi32, #tpu.memory_space<hbm>>
      %dma_wait3A_512 = arith.constant 960 : i32
      %dma_wait3A_513 = tpu.memref_slice %arg11[%dma_wait3A_512] : memref<16384xi32, #tpu.memory_space<vmem>> -> memref<960xi32, #tpu.memory_space<vmem>>
      %dma_wait3A_514 = tpu.memref_slice %arg7[%multiple_of3A_394] : memref<1228800xi32, #tpu.memory_space<hbm>> -> memref<960xi32, #tpu.memory_space<hbm>>
      tpu.wait_dma2 semaphore(%run_scoped3A : memref<!tpu.dma_semaphore, #tpu.memory_space<semaphore_mem>>) src(%dma_wait3A_514 : memref<960xi32, #tpu.memory_space<hbm>>) dst(%dma_wait3A_513 : memref<960xi32, #tpu.memory_space<vmem>>)
      tpu.yield
    }) : () -> ()
    %add3A_395 = arith.constant 2 : i32
    %add3A_396 = arith.addi %add3A_66, %add3A_395 : i32
    %mul3A_397 = arith.constant 38400 : i32
    %mul3A_398 = arith.muli %add3A_396, %mul3A_397 : i32
    %add3A_399 = arith.addi %mul3A_398, %mul3A_84 : i32
    %add3A_400 = arith.constant 6720 : i32
    %add3A_401 = arith.addi %add3A_399, %add3A_400 : i32
    %multiple_of3A_402 = tpu.assume_multiple %add3A_401, 960 : i32
    "tpu.region"() ({
      %run_scoped3A = tpu.sem_alloc : memref<!tpu.dma_semaphore, #tpu.memory_space<semaphore_mem>>
      %dma_start3A = arith.constant 1920 : i32
      %dma_start3A_505 = tpu.memref_slice %arg10[%dma_start3A] : memref<16384xi32, #tpu.memory_space<vmem>> -> memref<960xi32, #tpu.memory_space<vmem>>
      %dma_start3A_506 = tpu.memref_slice %arg6[%multiple_of3A_402] : memref<1228800xi32, #tpu.memory_space<hbm>> -> memref<960xi32, #tpu.memory_space<hbm>>
      %dma_start3A_507 = arith.constant 1920 : i32
      %dma_start3A_508 = tpu.memref_slice %arg10[%dma_start3A_507] : memref<16384xi32, #tpu.memory_space<vmem>> -> memref<960xi32, #tpu.memory_space<vmem>>
      %dma_start3A_509 = tpu.memref_slice %arg6[%multiple_of3A_402] : memref<1228800xi32, #tpu.memory_space<hbm>> -> memref<960xi32, #tpu.memory_space<hbm>>
      tpu.enqueue_dma source(%dma_start3A_509 : memref<960xi32, #tpu.memory_space<hbm>>) target(%dma_start3A_508 : memref<960xi32, #tpu.memory_space<vmem>>) target_semaphore(%run_scoped3A : memref<!tpu.dma_semaphore, #tpu.memory_space<semaphore_mem>>)
      %dma_wait3A = arith.constant 1920 : i32
      %dma_wait3A_510 = tpu.memref_slice %arg10[%dma_wait3A] : memref<16384xi32, #tpu.memory_space<vmem>> -> memref<960xi32, #tpu.memory_space<vmem>>
      %dma_wait3A_511 = tpu.memref_slice %arg6[%multiple_of3A_402] : memref<1228800xi32, #tpu.memory_space<hbm>> -> memref<960xi32, #tpu.memory_space<hbm>>
      %dma_wait3A_512 = arith.constant 1920 : i32
      %dma_wait3A_513 = tpu.memref_slice %arg10[%dma_wait3A_512] : memref<16384xi32, #tpu.memory_space<vmem>> -> memref<960xi32, #tpu.memory_space<vmem>>
      %dma_wait3A_514 = tpu.memref_slice %arg6[%multiple_of3A_402] : memref<1228800xi32, #tpu.memory_space<hbm>> -> memref<960xi32, #tpu.memory_space<hbm>>
      tpu.wait_dma2 semaphore(%run_scoped3A : memref<!tpu.dma_semaphore, #tpu.memory_space<semaphore_mem>>) src(%dma_wait3A_514 : memref<960xi32, #tpu.memory_space<hbm>>) dst(%dma_wait3A_513 : memref<960xi32, #tpu.memory_space<vmem>>)
      tpu.yield
    }) : () -> ()
    "tpu.region"() ({
      %run_scoped3A = tpu.sem_alloc : memref<!tpu.dma_semaphore, #tpu.memory_space<semaphore_mem>>
      %dma_start3A = arith.constant 1920 : i32
      %dma_start3A_505 = tpu.memref_slice %arg11[%dma_start3A] : memref<16384xi32, #tpu.memory_space<vmem>> -> memref<960xi32, #tpu.memory_space<vmem>>
      %dma_start3A_506 = tpu.memref_slice %arg7[%multiple_of3A_402] : memref<1228800xi32, #tpu.memory_space<hbm>> -> memref<960xi32, #tpu.memory_space<hbm>>
      %dma_start3A_507 = arith.constant 1920 : i32
      %dma_start3A_508 = tpu.memref_slice %arg11[%dma_start3A_507] : memref<16384xi32, #tpu.memory_space<vmem>> -> memref<960xi32, #tpu.memory_space<vmem>>
      %dma_start3A_509 = tpu.memref_slice %arg7[%multiple_of3A_402] : memref<1228800xi32, #tpu.memory_space<hbm>> -> memref<960xi32, #tpu.memory_space<hbm>>
      tpu.enqueue_dma source(%dma_start3A_509 : memref<960xi32, #tpu.memory_space<hbm>>) target(%dma_start3A_508 : memref<960xi32, #tpu.memory_space<vmem>>) target_semaphore(%run_scoped3A : memref<!tpu.dma_semaphore, #tpu.memory_space<semaphore_mem>>)
      %dma_wait3A = arith.constant 1920 : i32
      %dma_wait3A_510 = tpu.memref_slice %arg11[%dma_wait3A] : memref<16384xi32, #tpu.memory_space<vmem>> -> memref<960xi32, #tpu.memory_space<vmem>>
      %dma_wait3A_511 = tpu.memref_slice %arg7[%multiple_of3A_402] : memref<1228800xi32, #tpu.memory_space<hbm>> -> memref<960xi32, #tpu.memory_space<hbm>>
      %dma_wait3A_512 = arith.constant 1920 : i32
      %dma_wait3A_513 = tpu.memref_slice %arg11[%dma_wait3A_512] : memref<16384xi32, #tpu.memory_space<vmem>> -> memref<960xi32, #tpu.memory_space<vmem>>
      %dma_wait3A_514 = tpu.memref_slice %arg7[%multiple_of3A_402] : memref<1228800xi32, #tpu.memory_space<hbm>> -> memref<960xi32, #tpu.memory_space<hbm>>
      tpu.wait_dma2 semaphore(%run_scoped3A : memref<!tpu.dma_semaphore, #tpu.memory_space<semaphore_mem>>) src(%dma_wait3A_514 : memref<960xi32, #tpu.memory_space<hbm>>) dst(%dma_wait3A_513 : memref<960xi32, #tpu.memory_space<vmem>>)
      tpu.yield
    }) : () -> ()
    %add3A_403 = arith.constant 3 : i32
    %add3A_404 = arith.addi %add3A_66, %add3A_403 : i32
    %mul3A_405 = arith.constant 38400 : i32
    %mul3A_406 = arith.muli %add3A_404, %mul3A_405 : i32
    %add3A_407 = arith.addi %mul3A_406, %mul3A_84 : i32
    %add3A_408 = arith.constant 6720 : i32
    %add3A_409 = arith.addi %add3A_407, %add3A_408 : i32
    %multiple_of3A_410 = tpu.assume_multiple %add3A_409, 960 : i32
    "tpu.region"() ({
      %run_scoped3A = tpu.sem_alloc : memref<!tpu.dma_semaphore, #tpu.memory_space<semaphore_mem>>
      %dma_start3A = arith.constant 2880 : i32
      %dma_start3A_505 = tpu.memref_slice %arg10[%dma_start3A] : memref<16384xi32, #tpu.memory_space<vmem>> -> memref<960xi32, #tpu.memory_space<vmem>>
      %dma_start3A_506 = tpu.memref_slice %arg6[%multiple_of3A_410] : memref<1228800xi32, #tpu.memory_space<hbm>> -> memref<960xi32, #tpu.memory_space<hbm>>
      %dma_start3A_507 = arith.constant 2880 : i32
      %dma_start3A_508 = tpu.memref_slice %arg10[%dma_start3A_507] : memref<16384xi32, #tpu.memory_space<vmem>> -> memref<960xi32, #tpu.memory_space<vmem>>
      %dma_start3A_509 = tpu.memref_slice %arg6[%multiple_of3A_410] : memref<1228800xi32, #tpu.memory_space<hbm>> -> memref<960xi32, #tpu.memory_space<hbm>>
      tpu.enqueue_dma source(%dma_start3A_509 : memref<960xi32, #tpu.memory_space<hbm>>) target(%dma_start3A_508 : memref<960xi32, #tpu.memory_space<vmem>>) target_semaphore(%run_scoped3A : memref<!tpu.dma_semaphore, #tpu.memory_space<semaphore_mem>>)
      %dma_wait3A = arith.constant 2880 : i32
      %dma_wait3A_510 = tpu.memref_slice %arg10[%dma_wait3A] : memref<16384xi32, #tpu.memory_space<vmem>> -> memref<960xi32, #tpu.memory_space<vmem>>
      %dma_wait3A_511 = tpu.memref_slice %arg6[%multiple_of3A_410] : memref<1228800xi32, #tpu.memory_space<hbm>> -> memref<960xi32, #tpu.memory_space<hbm>>
      %dma_wait3A_512 = arith.constant 2880 : i32
      %dma_wait3A_513 = tpu.memref_slice %arg10[%dma_wait3A_512] : memref<16384xi32, #tpu.memory_space<vmem>> -> memref<960xi32, #tpu.memory_space<vmem>>
      %dma_wait3A_514 = tpu.memref_slice %arg6[%multiple_of3A_410] : memref<1228800xi32, #tpu.memory_space<hbm>> -> memref<960xi32, #tpu.memory_space<hbm>>
      tpu.wait_dma2 semaphore(%run_scoped3A : memref<!tpu.dma_semaphore, #tpu.memory_space<semaphore_mem>>) src(%dma_wait3A_514 : memref<960xi32, #tpu.memory_space<hbm>>) dst(%dma_wait3A_513 : memref<960xi32, #tpu.memory_space<vmem>>)
      tpu.yield
    }) : () -> ()
    "tpu.region"() ({
      %run_scoped3A = tpu.sem_alloc : memref<!tpu.dma_semaphore, #tpu.memory_space<semaphore_mem>>
      %dma_start3A = arith.constant 2880 : i32
      %dma_start3A_505 = tpu.memref_slice %arg11[%dma_start3A] : memref<16384xi32, #tpu.memory_space<vmem>> -> memref<960xi32, #tpu.memory_space<vmem>>
      %dma_start3A_506 = tpu.memref_slice %arg7[%multiple_of3A_410] : memref<1228800xi32, #tpu.memory_space<hbm>> -> memref<960xi32, #tpu.memory_space<hbm>>
      %dma_start3A_507 = arith.constant 2880 : i32
      %dma_start3A_508 = tpu.memref_slice %arg11[%dma_start3A_507] : memref<16384xi32, #tpu.memory_space<vmem>> -> memref<960xi32, #tpu.memory_space<vmem>>
      %dma_start3A_509 = tpu.memref_slice %arg7[%multiple_of3A_410] : memref<1228800xi32, #tpu.memory_space<hbm>> -> memref<960xi32, #tpu.memory_space<hbm>>
      tpu.enqueue_dma source(%dma_start3A_509 : memref<960xi32, #tpu.memory_space<hbm>>) target(%dma_start3A_508 : memref<960xi32, #tpu.memory_space<vmem>>) target_semaphore(%run_scoped3A : memref<!tpu.dma_semaphore, #tpu.memory_space<semaphore_mem>>)
      %dma_wait3A = arith.constant 2880 : i32
      %dma_wait3A_510 = tpu.memref_slice %arg11[%dma_wait3A] : memref<16384xi32, #tpu.memory_space<vmem>> -> memref<960xi32, #tpu.memory_space<vmem>>
      %dma_wait3A_511 = tpu.memref_slice %arg7[%multiple_of3A_410] : memref<1228800xi32, #tpu.memory_space<hbm>> -> memref<960xi32, #tpu.memory_space<hbm>>
      %dma_wait3A_512 = arith.constant 2880 : i32
      %dma_wait3A_513 = tpu.memref_slice %arg11[%dma_wait3A_512] : memref<16384xi32, #tpu.memory_space<vmem>> -> memref<960xi32, #tpu.memory_space<vmem>>
      %dma_wait3A_514 = tpu.memref_slice %arg7[%multiple_of3A_410] : memref<1228800xi32, #tpu.memory_space<hbm>> -> memref<960xi32, #tpu.memory_space<hbm>>
      tpu.wait_dma2 semaphore(%run_scoped3A : memref<!tpu.dma_semaphore, #tpu.memory_space<semaphore_mem>>) src(%dma_wait3A_514 : memref<960xi32, #tpu.memory_space<hbm>>) dst(%dma_wait3A_513 : memref<960xi32, #tpu.memory_space<vmem>>)
      tpu.yield
    }) : () -> ()
    %scan3A_411 = arith.constant 0 : i32
    %scan3A_412 = arith.constant 0 : i32
    %scan3A_413 = arith.constant 60 : i32
    %scan3A_414 = arith.addi %scan3A_412, %scan3A_413 : i32
    %scan3A_415 = arith.constant 1 : i32
    scf.for %scan3A_505 = %scan3A_412 to %scan3A_414 step %scan3A_415  : i32 {
      %mul3A_506 = arith.constant 16 : i32
      %mul3A_507 = arith.muli %scan3A_505, %mul3A_506 : i32
      %add3A_508 = arith.constant 0 : i32
      %add3A_509 = arith.addi %add3A_508, %mul3A_507 : i32
      %get3A = arith.index_cast %add3A_509 : i32 to index
      %get3A_510 = tpu.vector_load %arg10[%get3A] {strides = array<i32>} : memref<16384xi32, #tpu.memory_space<vmem>>, vector<16xi32>,
      %mul3A_511 = arith.constant 16 : i32
      %mul3A_512 = arith.muli %scan3A_505, %mul3A_511 : i32
      %add3A_513 = arith.constant 960 : i32
      %add3A_514 = arith.addi %add3A_513, %mul3A_512 : i32
      %get3A_515 = arith.index_cast %add3A_514 : i32 to index
      %get3A_516 = tpu.vector_load %arg10[%get3A_515] {strides = array<i32>} : memref<16384xi32, #tpu.memory_space<vmem>>, vector<16xi32>,
      %mul3A_517 = arith.constant 16 : i32
      %mul3A_518 = arith.muli %scan3A_505, %mul3A_517 : i32
      %add3A_519 = arith.constant 1920 : i32
      %add3A_520 = arith.addi %add3A_519, %mul3A_518 : i32
      %get3A_521 = arith.index_cast %add3A_520 : i32 to index
      %get3A_522 = tpu.vector_load %arg10[%get3A_521] {strides = array<i32>} : memref<16384xi32, #tpu.memory_space<vmem>>, vector<16xi32>,
      %mul3A_523 = arith.constant 16 : i32
      %mul3A_524 = arith.muli %scan3A_505, %mul3A_523 : i32
      %add3A_525 = arith.constant 2880 : i32
      %add3A_526 = arith.addi %add3A_525, %mul3A_524 : i32
      %get3A_527 = arith.index_cast %add3A_526 : i32 to index
      %get3A_528 = tpu.vector_load %arg10[%get3A_527] {strides = array<i32>} : memref<16384xi32, #tpu.memory_space<vmem>>, vector<16xi32>,
      %mul3A_529 = arith.constant 16 : i32
      %mul3A_530 = arith.muli %scan3A_505, %mul3A_529 : i32
      %add3A_531 = arith.constant 0 : i32
      %add3A_532 = arith.addi %add3A_531, %mul3A_530 : i32
      %get3A_533 = arith.index_cast %add3A_532 : i32 to index
      %get3A_534 = tpu.vector_load %arg11[%get3A_533] {strides = array<i32>} : memref<16384xi32, #tpu.memory_space<vmem>>, vector<16xi32>,
      %mul3A_535 = arith.constant 16 : i32
      %mul3A_536 = arith.muli %scan3A_505, %mul3A_535 : i32
      %add3A_537 = arith.constant 960 : i32
      %add3A_538 = arith.addi %add3A_537, %mul3A_536 : i32
      %get3A_539 = arith.index_cast %add3A_538 : i32 to index
      %get3A_540 = tpu.vector_load %arg11[%get3A_539] {strides = array<i32>} : memref<16384xi32, #tpu.memory_space<vmem>>, vector<16xi32>,
      %mul3A_541 = arith.constant 16 : i32
      %mul3A_542 = arith.muli %scan3A_505, %mul3A_541 : i32
      %add3A_543 = arith.constant 1920 : i32
      %add3A_544 = arith.addi %add3A_543, %mul3A_542 : i32
      %get3A_545 = arith.index_cast %add3A_544 : i32 to index
      %get3A_546 = tpu.vector_load %arg11[%get3A_545] {strides = array<i32>} : memref<16384xi32, #tpu.memory_space<vmem>>, vector<16xi32>,
      %mul3A_547 = arith.constant 16 : i32
      %mul3A_548 = arith.muli %scan3A_505, %mul3A_547 : i32
      %add3A_549 = arith.constant 2880 : i32
      %add3A_550 = arith.addi %add3A_549, %mul3A_548 : i32
      %get3A_551 = arith.index_cast %add3A_550 : i32 to index
      %get3A_552 = tpu.vector_load %arg11[%get3A_551] {strides = array<i32>} : memref<16384xi32, #tpu.memory_space<vmem>>, vector<16xi32>,
      %min3A = arith.minsi %get3A_510, %get3A_516 : vector<16xi32>
      %le3A = arith.cmpi sle, %get3A_510, %get3A_516 : vector<16xi32>
      %select_n3A_553 = arith.select %le3A, %get3A_534, %get3A_540 : vector<16xi1>, vector<16xi32>
      %min3A_554 = arith.minsi %get3A_522, %get3A_528 : vector<16xi32>
      %le3A_555 = arith.cmpi sle, %get3A_522, %get3A_528 : vector<16xi32>
      %select_n3A_556 = arith.select %le3A_555, %get3A_546, %get3A_552 : vector<16xi1>, vector<16xi32>
      %le3A_557 = arith.cmpi sle, %min3A, %min3A_554 : vector<16xi32>
      %select_n3A_558 = arith.select %le3A_557, %select_n3A_553, %select_n3A_556 : vector<16xi1>, vector<16xi32>
      %mul3A_559 = arith.constant 16 : i32
      %mul3A_560 = arith.muli %scan3A_505, %mul3A_559 : i32
      %swap3A = arith.index_cast %mul3A_560 : i32 to index
      %swap3A_561 = tpu.vector_load %arg12[%swap3A] {strides = array<i32>} : memref<16384xi32, #tpu.memory_space<vmem>>, vector<16xi32>,
      tpu.vector_store %arg12[%swap3A], %select_n3A_558 {strides = array<i32>} : memref<16384xi32, #tpu.memory_space<vmem>>, vector<16xi32>,
    }
    %scan3A_416 = arith.constant 60 : i32
    %add3A_417 = arith.addi %mul3A_32, %mul3A_84 : i32
    %add3A_418 = arith.constant 6720 : i32
    %add3A_419 = arith.addi %add3A_417, %add3A_418 : i32
    %multiple_of3A_420 = tpu.assume_multiple %add3A_419, 960 : i32
    "tpu.region"() ({
      %run_scoped3A = tpu.sem_alloc : memref<!tpu.dma_semaphore, #tpu.memory_space<semaphore_mem>>
      %dma_start3A = arith.constant 0 : i32
      %dma_start3A_505 = tpu.memref_slice %arg12[%dma_start3A] : memref<16384xi32, #tpu.memory_space<vmem>> -> memref<960xi32, #tpu.memory_space<vmem>>
      %dma_start3A_506 = tpu.memref_slice %arg5[%multiple_of3A_420] : memref<307200xi32, #tpu.memory_space<hbm>> -> memref<960xi32, #tpu.memory_space<hbm>>
      %dma_start3A_507 = tpu.memref_slice %arg5[%multiple_of3A_420] : memref<307200xi32, #tpu.memory_space<hbm>> -> memref<960xi32, #tpu.memory_space<hbm>>
      %dma_start3A_508 = arith.constant 0 : i32
      %dma_start3A_509 = tpu.memref_slice %arg12[%dma_start3A_508] : memref<16384xi32, #tpu.memory_space<vmem>> -> memref<960xi32, #tpu.memory_space<vmem>>
      tpu.enqueue_dma source(%dma_start3A_509 : memref<960xi32, #tpu.memory_space<vmem>>) target(%dma_start3A_507 : memref<960xi32, #tpu.memory_space<hbm>>) target_semaphore(%run_scoped3A : memref<!tpu.dma_semaphore, #tpu.memory_space<semaphore_mem>>)
      %dma_wait3A = arith.constant 0 : i32
      %dma_wait3A_510 = tpu.memref_slice %arg12[%dma_wait3A] : memref<16384xi32, #tpu.memory_space<vmem>> -> memref<960xi32, #tpu.memory_space<vmem>>
      %dma_wait3A_511 = tpu.memref_slice %arg5[%multiple_of3A_420] : memref<307200xi32, #tpu.memory_space<hbm>> -> memref<960xi32, #tpu.memory_space<hbm>>
      %dma_wait3A_512 = tpu.memref_slice %arg5[%multiple_of3A_420] : memref<307200xi32, #tpu.memory_space<hbm>> -> memref<960xi32, #tpu.memory_space<hbm>>
      %dma_wait3A_513 = arith.constant 0 : i32
      %dma_wait3A_514 = tpu.memref_slice %arg12[%dma_wait3A_513] : memref<16384xi32, #tpu.memory_space<vmem>> -> memref<960xi32, #tpu.memory_space<vmem>>
      tpu.wait_dma2 semaphore(%run_scoped3A : memref<!tpu.dma_semaphore, #tpu.memory_space<semaphore_mem>>) src(%dma_wait3A_514 : memref<960xi32, #tpu.memory_space<vmem>>) dst(%dma_wait3A_512 : memref<960xi32, #tpu.memory_space<hbm>>)
      tpu.yield
    }) : () -> ()
    %add3A_421 = arith.constant 0 : i32
    %add3A_422 = arith.addi %add3A_66, %add3A_421 : i32
    %mul3A_423 = arith.constant 38400 : i32
    %mul3A_424 = arith.muli %add3A_422, %mul3A_423 : i32
    %add3A_425 = arith.addi %mul3A_424, %mul3A_84 : i32
    %add3A_426 = arith.constant 7680 : i32
    %add3A_427 = arith.addi %add3A_425, %add3A_426 : i32
    %multiple_of3A_428 = tpu.assume_multiple %add3A_427, 960 : i32
    "tpu.region"() ({
      %run_scoped3A = tpu.sem_alloc : memref<!tpu.dma_semaphore, #tpu.memory_space<semaphore_mem>>
      %dma_start3A = arith.constant 0 : i32
      %dma_start3A_505 = tpu.memref_slice %arg10[%dma_start3A] : memref<16384xi32, #tpu.memory_space<vmem>> -> memref<960xi32, #tpu.memory_space<vmem>>
      %dma_start3A_506 = tpu.memref_slice %arg6[%multiple_of3A_428] : memref<1228800xi32, #tpu.memory_space<hbm>> -> memref<960xi32, #tpu.memory_space<hbm>>
      %dma_start3A_507 = arith.constant 0 : i32
      %dma_start3A_508 = tpu.memref_slice %arg10[%dma_start3A_507] : memref<16384xi32, #tpu.memory_space<vmem>> -> memref<960xi32, #tpu.memory_space<vmem>>
      %dma_start3A_509 = tpu.memref_slice %arg6[%multiple_of3A_428] : memref<1228800xi32, #tpu.memory_space<hbm>> -> memref<960xi32, #tpu.memory_space<hbm>>
      tpu.enqueue_dma source(%dma_start3A_509 : memref<960xi32, #tpu.memory_space<hbm>>) target(%dma_start3A_508 : memref<960xi32, #tpu.memory_space<vmem>>) target_semaphore(%run_scoped3A : memref<!tpu.dma_semaphore, #tpu.memory_space<semaphore_mem>>)
      %dma_wait3A = arith.constant 0 : i32
      %dma_wait3A_510 = tpu.memref_slice %arg10[%dma_wait3A] : memref<16384xi32, #tpu.memory_space<vmem>> -> memref<960xi32, #tpu.memory_space<vmem>>
      %dma_wait3A_511 = tpu.memref_slice %arg6[%multiple_of3A_428] : memref<1228800xi32, #tpu.memory_space<hbm>> -> memref<960xi32, #tpu.memory_space<hbm>>
      %dma_wait3A_512 = arith.constant 0 : i32
      %dma_wait3A_513 = tpu.memref_slice %arg10[%dma_wait3A_512] : memref<16384xi32, #tpu.memory_space<vmem>> -> memref<960xi32, #tpu.memory_space<vmem>>
      %dma_wait3A_514 = tpu.memref_slice %arg6[%multiple_of3A_428] : memref<1228800xi32, #tpu.memory_space<hbm>> -> memref<960xi32, #tpu.memory_space<hbm>>
      tpu.wait_dma2 semaphore(%run_scoped3A : memref<!tpu.dma_semaphore, #tpu.memory_space<semaphore_mem>>) src(%dma_wait3A_514 : memref<960xi32, #tpu.memory_space<hbm>>) dst(%dma_wait3A_513 : memref<960xi32, #tpu.memory_space<vmem>>)
      tpu.yield
    }) : () -> ()
    "tpu.region"() ({
      %run_scoped3A = tpu.sem_alloc : memref<!tpu.dma_semaphore, #tpu.memory_space<semaphore_mem>>
      %dma_start3A = arith.constant 0 : i32
      %dma_start3A_505 = tpu.memref_slice %arg11[%dma_start3A] : memref<16384xi32, #tpu.memory_space<vmem>> -> memref<960xi32, #tpu.memory_space<vmem>>
      %dma_start3A_506 = tpu.memref_slice %arg7[%multiple_of3A_428] : memref<1228800xi32, #tpu.memory_space<hbm>> -> memref<960xi32, #tpu.memory_space<hbm>>
      %dma_start3A_507 = arith.constant 0 : i32
      %dma_start3A_508 = tpu.memref_slice %arg11[%dma_start3A_507] : memref<16384xi32, #tpu.memory_space<vmem>> -> memref<960xi32, #tpu.memory_space<vmem>>
      %dma_start3A_509 = tpu.memref_slice %arg7[%multiple_of3A_428] : memref<1228800xi32, #tpu.memory_space<hbm>> -> memref<960xi32, #tpu.memory_space<hbm>>
      tpu.enqueue_dma source(%dma_start3A_509 : memref<960xi32, #tpu.memory_space<hbm>>) target(%dma_start3A_508 : memref<960xi32, #tpu.memory_space<vmem>>) target_semaphore(%run_scoped3A : memref<!tpu.dma_semaphore, #tpu.memory_space<semaphore_mem>>)
      %dma_wait3A = arith.constant 0 : i32
      %dma_wait3A_510 = tpu.memref_slice %arg11[%dma_wait3A] : memref<16384xi32, #tpu.memory_space<vmem>> -> memref<960xi32, #tpu.memory_space<vmem>>
      %dma_wait3A_511 = tpu.memref_slice %arg7[%multiple_of3A_428] : memref<1228800xi32, #tpu.memory_space<hbm>> -> memref<960xi32, #tpu.memory_space<hbm>>
      %dma_wait3A_512 = arith.constant 0 : i32
      %dma_wait3A_513 = tpu.memref_slice %arg11[%dma_wait3A_512] : memref<16384xi32, #tpu.memory_space<vmem>> -> memref<960xi32, #tpu.memory_space<vmem>>
      %dma_wait3A_514 = tpu.memref_slice %arg7[%multiple_of3A_428] : memref<1228800xi32, #tpu.memory_space<hbm>> -> memref<960xi32, #tpu.memory_space<hbm>>
      tpu.wait_dma2 semaphore(%run_scoped3A : memref<!tpu.dma_semaphore, #tpu.memory_space<semaphore_mem>>) src(%dma_wait3A_514 : memref<960xi32, #tpu.memory_space<hbm>>) dst(%dma_wait3A_513 : memref<960xi32, #tpu.memory_space<vmem>>)
      tpu.yield
    }) : () -> ()
    %add3A_429 = arith.constant 1 : i32
    %add3A_430 = arith.addi %add3A_66, %add3A_429 : i32
    %mul3A_431 = arith.constant 38400 : i32
    %mul3A_432 = arith.muli %add3A_430, %mul3A_431 : i32
    %add3A_433 = arith.addi %mul3A_432, %mul3A_84 : i32
    %add3A_434 = arith.constant 7680 : i32
    %add3A_435 = arith.addi %add3A_433, %add3A_434 : i32
    %multiple_of3A_436 = tpu.assume_multiple %add3A_435, 960 : i32
    "tpu.region"() ({
      %run_scoped3A = tpu.sem_alloc : memref<!tpu.dma_semaphore, #tpu.memory_space<semaphore_mem>>
      %dma_start3A = arith.constant 960 : i32
      %dma_start3A_505 = tpu.memref_slice %arg10[%dma_start3A] : memref<16384xi32, #tpu.memory_space<vmem>> -> memref<960xi32, #tpu.memory_space<vmem>>
      %dma_start3A_506 = tpu.memref_slice %arg6[%multiple_of3A_436] : memref<1228800xi32, #tpu.memory_space<hbm>> -> memref<960xi32, #tpu.memory_space<hbm>>
      %dma_start3A_507 = arith.constant 960 : i32
      %dma_start3A_508 = tpu.memref_slice %arg10[%dma_start3A_507] : memref<16384xi32, #tpu.memory_space<vmem>> -> memref<960xi32, #tpu.memory_space<vmem>>
      %dma_start3A_509 = tpu.memref_slice %arg6[%multiple_of3A_436] : memref<1228800xi32, #tpu.memory_space<hbm>> -> memref<960xi32, #tpu.memory_space<hbm>>
      tpu.enqueue_dma source(%dma_start3A_509 : memref<960xi32, #tpu.memory_space<hbm>>) target(%dma_start3A_508 : memref<960xi32, #tpu.memory_space<vmem>>) target_semaphore(%run_scoped3A : memref<!tpu.dma_semaphore, #tpu.memory_space<semaphore_mem>>)
      %dma_wait3A = arith.constant 960 : i32
      %dma_wait3A_510 = tpu.memref_slice %arg10[%dma_wait3A] : memref<16384xi32, #tpu.memory_space<vmem>> -> memref<960xi32, #tpu.memory_space<vmem>>
      %dma_wait3A_511 = tpu.memref_slice %arg6[%multiple_of3A_436] : memref<1228800xi32, #tpu.memory_space<hbm>> -> memref<960xi32, #tpu.memory_space<hbm>>
      %dma_wait3A_512 = arith.constant 960 : i32
      %dma_wait3A_513 = tpu.memref_slice %arg10[%dma_wait3A_512] : memref<16384xi32, #tpu.memory_space<vmem>> -> memref<960xi32, #tpu.memory_space<vmem>>
      %dma_wait3A_514 = tpu.memref_slice %arg6[%multiple_of3A_436] : memref<1228800xi32, #tpu.memory_space<hbm>> -> memref<960xi32, #tpu.memory_space<hbm>>
      tpu.wait_dma2 semaphore(%run_scoped3A : memref<!tpu.dma_semaphore, #tpu.memory_space<semaphore_mem>>) src(%dma_wait3A_514 : memref<960xi32, #tpu.memory_space<hbm>>) dst(%dma_wait3A_513 : memref<960xi32, #tpu.memory_space<vmem>>)
      tpu.yield
    }) : () -> ()
    "tpu.region"() ({
      %run_scoped3A = tpu.sem_alloc : memref<!tpu.dma_semaphore, #tpu.memory_space<semaphore_mem>>
      %dma_start3A = arith.constant 960 : i32
      %dma_start3A_505 = tpu.memref_slice %arg11[%dma_start3A] : memref<16384xi32, #tpu.memory_space<vmem>> -> memref<960xi32, #tpu.memory_space<vmem>>
      %dma_start3A_506 = tpu.memref_slice %arg7[%multiple_of3A_436] : memref<1228800xi32, #tpu.memory_space<hbm>> -> memref<960xi32, #tpu.memory_space<hbm>>
      %dma_start3A_507 = arith.constant 960 : i32
      %dma_start3A_508 = tpu.memref_slice %arg11[%dma_start3A_507] : memref<16384xi32, #tpu.memory_space<vmem>> -> memref<960xi32, #tpu.memory_space<vmem>>
      %dma_start3A_509 = tpu.memref_slice %arg7[%multiple_of3A_436] : memref<1228800xi32, #tpu.memory_space<hbm>> -> memref<960xi32, #tpu.memory_space<hbm>>
      tpu.enqueue_dma source(%dma_start3A_509 : memref<960xi32, #tpu.memory_space<hbm>>) target(%dma_start3A_508 : memref<960xi32, #tpu.memory_space<vmem>>) target_semaphore(%run_scoped3A : memref<!tpu.dma_semaphore, #tpu.memory_space<semaphore_mem>>)
      %dma_wait3A = arith.constant 960 : i32
      %dma_wait3A_510 = tpu.memref_slice %arg11[%dma_wait3A] : memref<16384xi32, #tpu.memory_space<vmem>> -> memref<960xi32, #tpu.memory_space<vmem>>
      %dma_wait3A_511 = tpu.memref_slice %arg7[%multiple_of3A_436] : memref<1228800xi32, #tpu.memory_space<hbm>> -> memref<960xi32, #tpu.memory_space<hbm>>
      %dma_wait3A_512 = arith.constant 960 : i32
      %dma_wait3A_513 = tpu.memref_slice %arg11[%dma_wait3A_512] : memref<16384xi32, #tpu.memory_space<vmem>> -> memref<960xi32, #tpu.memory_space<vmem>>
      %dma_wait3A_514 = tpu.memref_slice %arg7[%multiple_of3A_436] : memref<1228800xi32, #tpu.memory_space<hbm>> -> memref<960xi32, #tpu.memory_space<hbm>>
      tpu.wait_dma2 semaphore(%run_scoped3A : memref<!tpu.dma_semaphore, #tpu.memory_space<semaphore_mem>>) src(%dma_wait3A_514 : memref<960xi32, #tpu.memory_space<hbm>>) dst(%dma_wait3A_513 : memref<960xi32, #tpu.memory_space<vmem>>)
      tpu.yield
    }) : () -> ()
    %add3A_437 = arith.constant 2 : i32
    %add3A_438 = arith.addi %add3A_66, %add3A_437 : i32
    %mul3A_439 = arith.constant 38400 : i32
    %mul3A_440 = arith.muli %add3A_438, %mul3A_439 : i32
    %add3A_441 = arith.addi %mul3A_440, %mul3A_84 : i32
    %add3A_442 = arith.constant 7680 : i32
    %add3A_443 = arith.addi %add3A_441, %add3A_442 : i32
    %multiple_of3A_444 = tpu.assume_multiple %add3A_443, 960 : i32
    "tpu.region"() ({
      %run_scoped3A = tpu.sem_alloc : memref<!tpu.dma_semaphore, #tpu.memory_space<semaphore_mem>>
      %dma_start3A = arith.constant 1920 : i32
      %dma_start3A_505 = tpu.memref_slice %arg10[%dma_start3A] : memref<16384xi32, #tpu.memory_space<vmem>> -> memref<960xi32, #tpu.memory_space<vmem>>
      %dma_start3A_506 = tpu.memref_slice %arg6[%multiple_of3A_444] : memref<1228800xi32, #tpu.memory_space<hbm>> -> memref<960xi32, #tpu.memory_space<hbm>>
      %dma_start3A_507 = arith.constant 1920 : i32
      %dma_start3A_508 = tpu.memref_slice %arg10[%dma_start3A_507] : memref<16384xi32, #tpu.memory_space<vmem>> -> memref<960xi32, #tpu.memory_space<vmem>>
      %dma_start3A_509 = tpu.memref_slice %arg6[%multiple_of3A_444] : memref<1228800xi32, #tpu.memory_space<hbm>> -> memref<960xi32, #tpu.memory_space<hbm>>
      tpu.enqueue_dma source(%dma_start3A_509 : memref<960xi32, #tpu.memory_space<hbm>>) target(%dma_start3A_508 : memref<960xi32, #tpu.memory_space<vmem>>) target_semaphore(%run_scoped3A : memref<!tpu.dma_semaphore, #tpu.memory_space<semaphore_mem>>)
      %dma_wait3A = arith.constant 1920 : i32
      %dma_wait3A_510 = tpu.memref_slice %arg10[%dma_wait3A] : memref<16384xi32, #tpu.memory_space<vmem>> -> memref<960xi32, #tpu.memory_space<vmem>>
      %dma_wait3A_511 = tpu.memref_slice %arg6[%multiple_of3A_444] : memref<1228800xi32, #tpu.memory_space<hbm>> -> memref<960xi32, #tpu.memory_space<hbm>>
      %dma_wait3A_512 = arith.constant 1920 : i32
      %dma_wait3A_513 = tpu.memref_slice %arg10[%dma_wait3A_512] : memref<16384xi32, #tpu.memory_space<vmem>> -> memref<960xi32, #tpu.memory_space<vmem>>
      %dma_wait3A_514 = tpu.memref_slice %arg6[%multiple_of3A_444] : memref<1228800xi32, #tpu.memory_space<hbm>> -> memref<960xi32, #tpu.memory_space<hbm>>
      tpu.wait_dma2 semaphore(%run_scoped3A : memref<!tpu.dma_semaphore, #tpu.memory_space<semaphore_mem>>) src(%dma_wait3A_514 : memref<960xi32, #tpu.memory_space<hbm>>) dst(%dma_wait3A_513 : memref<960xi32, #tpu.memory_space<vmem>>)
      tpu.yield
    }) : () -> ()
    "tpu.region"() ({
      %run_scoped3A = tpu.sem_alloc : memref<!tpu.dma_semaphore, #tpu.memory_space<semaphore_mem>>
      %dma_start3A = arith.constant 1920 : i32
      %dma_start3A_505 = tpu.memref_slice %arg11[%dma_start3A] : memref<16384xi32, #tpu.memory_space<vmem>> -> memref<960xi32, #tpu.memory_space<vmem>>
      %dma_start3A_506 = tpu.memref_slice %arg7[%multiple_of3A_444] : memref<1228800xi32, #tpu.memory_space<hbm>> -> memref<960xi32, #tpu.memory_space<hbm>>
      %dma_start3A_507 = arith.constant 1920 : i32
      %dma_start3A_508 = tpu.memref_slice %arg11[%dma_start3A_507] : memref<16384xi32, #tpu.memory_space<vmem>> -> memref<960xi32, #tpu.memory_space<vmem>>
      %dma_start3A_509 = tpu.memref_slice %arg7[%multiple_of3A_444] : memref<1228800xi32, #tpu.memory_space<hbm>> -> memref<960xi32, #tpu.memory_space<hbm>>
      tpu.enqueue_dma source(%dma_start3A_509 : memref<960xi32, #tpu.memory_space<hbm>>) target(%dma_start3A_508 : memref<960xi32, #tpu.memory_space<vmem>>) target_semaphore(%run_scoped3A : memref<!tpu.dma_semaphore, #tpu.memory_space<semaphore_mem>>)
      %dma_wait3A = arith.constant 1920 : i32
      %dma_wait3A_510 = tpu.memref_slice %arg11[%dma_wait3A] : memref<16384xi32, #tpu.memory_space<vmem>> -> memref<960xi32, #tpu.memory_space<vmem>>
      %dma_wait3A_511 = tpu.memref_slice %arg7[%multiple_of3A_444] : memref<1228800xi32, #tpu.memory_space<hbm>> -> memref<960xi32, #tpu.memory_space<hbm>>
      %dma_wait3A_512 = arith.constant 1920 : i32
      %dma_wait3A_513 = tpu.memref_slice %arg11[%dma_wait3A_512] : memref<16384xi32, #tpu.memory_space<vmem>> -> memref<960xi32, #tpu.memory_space<vmem>>
      %dma_wait3A_514 = tpu.memref_slice %arg7[%multiple_of3A_444] : memref<1228800xi32, #tpu.memory_space<hbm>> -> memref<960xi32, #tpu.memory_space<hbm>>
      tpu.wait_dma2 semaphore(%run_scoped3A : memref<!tpu.dma_semaphore, #tpu.memory_space<semaphore_mem>>) src(%dma_wait3A_514 : memref<960xi32, #tpu.memory_space<hbm>>) dst(%dma_wait3A_513 : memref<960xi32, #tpu.memory_space<vmem>>)
      tpu.yield
    }) : () -> ()
    %add3A_445 = arith.constant 3 : i32
    %add3A_446 = arith.addi %add3A_66, %add3A_445 : i32
    %mul3A_447 = arith.constant 38400 : i32
    %mul3A_448 = arith.muli %add3A_446, %mul3A_447 : i32
    %add3A_449 = arith.addi %mul3A_448, %mul3A_84 : i32
    %add3A_450 = arith.constant 7680 : i32
    %add3A_451 = arith.addi %add3A_449, %add3A_450 : i32
    %multiple_of3A_452 = tpu.assume_multiple %add3A_451, 960 : i32
    "tpu.region"() ({
      %run_scoped3A = tpu.sem_alloc : memref<!tpu.dma_semaphore, #tpu.memory_space<semaphore_mem>>
      %dma_start3A = arith.constant 2880 : i32
      %dma_start3A_505 = tpu.memref_slice %arg10[%dma_start3A] : memref<16384xi32, #tpu.memory_space<vmem>> -> memref<960xi32, #tpu.memory_space<vmem>>
      %dma_start3A_506 = tpu.memref_slice %arg6[%multiple_of3A_452] : memref<1228800xi32, #tpu.memory_space<hbm>> -> memref<960xi32, #tpu.memory_space<hbm>>
      %dma_start3A_507 = arith.constant 2880 : i32
      %dma_start3A_508 = tpu.memref_slice %arg10[%dma_start3A_507] : memref<16384xi32, #tpu.memory_space<vmem>> -> memref<960xi32, #tpu.memory_space<vmem>>
      %dma_start3A_509 = tpu.memref_slice %arg6[%multiple_of3A_452] : memref<1228800xi32, #tpu.memory_space<hbm>> -> memref<960xi32, #tpu.memory_space<hbm>>
      tpu.enqueue_dma source(%dma_start3A_509 : memref<960xi32, #tpu.memory_space<hbm>>) target(%dma_start3A_508 : memref<960xi32, #tpu.memory_space<vmem>>) target_semaphore(%run_scoped3A : memref<!tpu.dma_semaphore, #tpu.memory_space<semaphore_mem>>)
      %dma_wait3A = arith.constant 2880 : i32
      %dma_wait3A_510 = tpu.memref_slice %arg10[%dma_wait3A] : memref<16384xi32, #tpu.memory_space<vmem>> -> memref<960xi32, #tpu.memory_space<vmem>>
      %dma_wait3A_511 = tpu.memref_slice %arg6[%multiple_of3A_452] : memref<1228800xi32, #tpu.memory_space<hbm>> -> memref<960xi32, #tpu.memory_space<hbm>>
      %dma_wait3A_512 = arith.constant 2880 : i32
      %dma_wait3A_513 = tpu.memref_slice %arg10[%dma_wait3A_512] : memref<16384xi32, #tpu.memory_space<vmem>> -> memref<960xi32, #tpu.memory_space<vmem>>
      %dma_wait3A_514 = tpu.memref_slice %arg6[%multiple_of3A_452] : memref<1228800xi32, #tpu.memory_space<hbm>> -> memref<960xi32, #tpu.memory_space<hbm>>
      tpu.wait_dma2 semaphore(%run_scoped3A : memref<!tpu.dma_semaphore, #tpu.memory_space<semaphore_mem>>) src(%dma_wait3A_514 : memref<960xi32, #tpu.memory_space<hbm>>) dst(%dma_wait3A_513 : memref<960xi32, #tpu.memory_space<vmem>>)
      tpu.yield
    }) : () -> ()
    "tpu.region"() ({
      %run_scoped3A = tpu.sem_alloc : memref<!tpu.dma_semaphore, #tpu.memory_space<semaphore_mem>>
      %dma_start3A = arith.constant 2880 : i32
      %dma_start3A_505 = tpu.memref_slice %arg11[%dma_start3A] : memref<16384xi32, #tpu.memory_space<vmem>> -> memref<960xi32, #tpu.memory_space<vmem>>
      %dma_start3A_506 = tpu.memref_slice %arg7[%multiple_of3A_452] : memref<1228800xi32, #tpu.memory_space<hbm>> -> memref<960xi32, #tpu.memory_space<hbm>>
      %dma_start3A_507 = arith.constant 2880 : i32
      %dma_start3A_508 = tpu.memref_slice %arg11[%dma_start3A_507] : memref<16384xi32, #tpu.memory_space<vmem>> -> memref<960xi32, #tpu.memory_space<vmem>>
      %dma_start3A_509 = tpu.memref_slice %arg7[%multiple_of3A_452] : memref<1228800xi32, #tpu.memory_space<hbm>> -> memref<960xi32, #tpu.memory_space<hbm>>
      tpu.enqueue_dma source(%dma_start3A_509 : memref<960xi32, #tpu.memory_space<hbm>>) target(%dma_start3A_508 : memref<960xi32, #tpu.memory_space<vmem>>) target_semaphore(%run_scoped3A : memref<!tpu.dma_semaphore, #tpu.memory_space<semaphore_mem>>)
      %dma_wait3A = arith.constant 2880 : i32
      %dma_wait3A_510 = tpu.memref_slice %arg11[%dma_wait3A] : memref<16384xi32, #tpu.memory_space<vmem>> -> memref<960xi32, #tpu.memory_space<vmem>>
      %dma_wait3A_511 = tpu.memref_slice %arg7[%multiple_of3A_452] : memref<1228800xi32, #tpu.memory_space<hbm>> -> memref<960xi32, #tpu.memory_space<hbm>>
      %dma_wait3A_512 = arith.constant 2880 : i32
      %dma_wait3A_513 = tpu.memref_slice %arg11[%dma_wait3A_512] : memref<16384xi32, #tpu.memory_space<vmem>> -> memref<960xi32, #tpu.memory_space<vmem>>
      %dma_wait3A_514 = tpu.memref_slice %arg7[%multiple_of3A_452] : memref<1228800xi32, #tpu.memory_space<hbm>> -> memref<960xi32, #tpu.memory_space<hbm>>
      tpu.wait_dma2 semaphore(%run_scoped3A : memref<!tpu.dma_semaphore, #tpu.memory_space<semaphore_mem>>) src(%dma_wait3A_514 : memref<960xi32, #tpu.memory_space<hbm>>) dst(%dma_wait3A_513 : memref<960xi32, #tpu.memory_space<vmem>>)
      tpu.yield
    }) : () -> ()
    %scan3A_453 = arith.constant 0 : i32
    %scan3A_454 = arith.constant 0 : i32
    %scan3A_455 = arith.constant 60 : i32
    %scan3A_456 = arith.addi %scan3A_454, %scan3A_455 : i32
    %scan3A_457 = arith.constant 1 : i32
    scf.for %scan3A_505 = %scan3A_454 to %scan3A_456 step %scan3A_457  : i32 {
      %mul3A_506 = arith.constant 16 : i32
      %mul3A_507 = arith.muli %scan3A_505, %mul3A_506 : i32
      %add3A_508 = arith.constant 0 : i32
      %add3A_509 = arith.addi %add3A_508, %mul3A_507 : i32
      %get3A = arith.index_cast %add3A_509 : i32 to index
      %get3A_510 = tpu.vector_load %arg10[%get3A] {strides = array<i32>} : memref<16384xi32, #tpu.memory_space<vmem>>, vector<16xi32>,
      %mul3A_511 = arith.constant 16 : i32
      %mul3A_512 = arith.muli %scan3A_505, %mul3A_511 : i32
      %add3A_513 = arith.constant 960 : i32
      %add3A_514 = arith.addi %add3A_513, %mul3A_512 : i32
      %get3A_515 = arith.index_cast %add3A_514 : i32 to index
      %get3A_516 = tpu.vector_load %arg10[%get3A_515] {strides = array<i32>} : memref<16384xi32, #tpu.memory_space<vmem>>, vector<16xi32>,
      %mul3A_517 = arith.constant 16 : i32
      %mul3A_518 = arith.muli %scan3A_505, %mul3A_517 : i32
      %add3A_519 = arith.constant 1920 : i32
      %add3A_520 = arith.addi %add3A_519, %mul3A_518 : i32
      %get3A_521 = arith.index_cast %add3A_520 : i32 to index
      %get3A_522 = tpu.vector_load %arg10[%get3A_521] {strides = array<i32>} : memref<16384xi32, #tpu.memory_space<vmem>>, vector<16xi32>,
      %mul3A_523 = arith.constant 16 : i32
      %mul3A_524 = arith.muli %scan3A_505, %mul3A_523 : i32
      %add3A_525 = arith.constant 2880 : i32
      %add3A_526 = arith.addi %add3A_525, %mul3A_524 : i32
      %get3A_527 = arith.index_cast %add3A_526 : i32 to index
      %get3A_528 = tpu.vector_load %arg10[%get3A_527] {strides = array<i32>} : memref<16384xi32, #tpu.memory_space<vmem>>, vector<16xi32>,
      %mul3A_529 = arith.constant 16 : i32
      %mul3A_530 = arith.muli %scan3A_505, %mul3A_529 : i32
      %add3A_531 = arith.constant 0 : i32
      %add3A_532 = arith.addi %add3A_531, %mul3A_530 : i32
      %get3A_533 = arith.index_cast %add3A_532 : i32 to index
      %get3A_534 = tpu.vector_load %arg11[%get3A_533] {strides = array<i32>} : memref<16384xi32, #tpu.memory_space<vmem>>, vector<16xi32>,
      %mul3A_535 = arith.constant 16 : i32
      %mul3A_536 = arith.muli %scan3A_505, %mul3A_535 : i32
      %add3A_537 = arith.constant 960 : i32
      %add3A_538 = arith.addi %add3A_537, %mul3A_536 : i32
      %get3A_539 = arith.index_cast %add3A_538 : i32 to index
      %get3A_540 = tpu.vector_load %arg11[%get3A_539] {strides = array<i32>} : memref<16384xi32, #tpu.memory_space<vmem>>, vector<16xi32>,
      %mul3A_541 = arith.constant 16 : i32
      %mul3A_542 = arith.muli %scan3A_505, %mul3A_541 : i32
      %add3A_543 = arith.constant 1920 : i32
      %add3A_544 = arith.addi %add3A_543, %mul3A_542 : i32
      %get3A_545 = arith.index_cast %add3A_544 : i32 to index
      %get3A_546 = tpu.vector_load %arg11[%get3A_545] {strides = array<i32>} : memref<16384xi32, #tpu.memory_space<vmem>>, vector<16xi32>,
      %mul3A_547 = arith.constant 16 : i32
      %mul3A_548 = arith.muli %scan3A_505, %mul3A_547 : i32
      %add3A_549 = arith.constant 2880 : i32
      %add3A_550 = arith.addi %add3A_549, %mul3A_548 : i32
      %get3A_551 = arith.index_cast %add3A_550 : i32 to index
      %get3A_552 = tpu.vector_load %arg11[%get3A_551] {strides = array<i32>} : memref<16384xi32, #tpu.memory_space<vmem>>, vector<16xi32>,
      %min3A = arith.minsi %get3A_510, %get3A_516 : vector<16xi32>
      %le3A = arith.cmpi sle, %get3A_510, %get3A_516 : vector<16xi32>
      %select_n3A_553 = arith.select %le3A, %get3A_534, %get3A_540 : vector<16xi1>, vector<16xi32>
      %min3A_554 = arith.minsi %get3A_522, %get3A_528 : vector<16xi32>
      %le3A_555 = arith.cmpi sle, %get3A_522, %get3A_528 : vector<16xi32>
      %select_n3A_556 = arith.select %le3A_555, %get3A_546, %get3A_552 : vector<16xi1>, vector<16xi32>
      %le3A_557 = arith.cmpi sle, %min3A, %min3A_554 : vector<16xi32>
      %select_n3A_558 = arith.select %le3A_557, %select_n3A_553, %select_n3A_556 : vector<16xi1>, vector<16xi32>
      %mul3A_559 = arith.constant 16 : i32
      %mul3A_560 = arith.muli %scan3A_505, %mul3A_559 : i32
      %swap3A = arith.index_cast %mul3A_560 : i32 to index
      %swap3A_561 = tpu.vector_load %arg12[%swap3A] {strides = array<i32>} : memref<16384xi32, #tpu.memory_space<vmem>>, vector<16xi32>,
      tpu.vector_store %arg12[%swap3A], %select_n3A_558 {strides = array<i32>} : memref<16384xi32, #tpu.memory_space<vmem>>, vector<16xi32>,
    }
    %scan3A_458 = arith.constant 60 : i32
    %add3A_459 = arith.addi %mul3A_32, %mul3A_84 : i32
    %add3A_460 = arith.constant 7680 : i32
    %add3A_461 = arith.addi %add3A_459, %add3A_460 : i32
    %multiple_of3A_462 = tpu.assume_multiple %add3A_461, 960 : i32
    "tpu.region"() ({
      %run_scoped3A = tpu.sem_alloc : memref<!tpu.dma_semaphore, #tpu.memory_space<semaphore_mem>>
      %dma_start3A = arith.constant 0 : i32
      %dma_start3A_505 = tpu.memref_slice %arg12[%dma_start3A] : memref<16384xi32, #tpu.memory_space<vmem>> -> memref<960xi32, #tpu.memory_space<vmem>>
      %dma_start3A_506 = tpu.memref_slice %arg5[%multiple_of3A_462] : memref<307200xi32, #tpu.memory_space<hbm>> -> memref<960xi32, #tpu.memory_space<hbm>>
      %dma_start3A_507 = tpu.memref_slice %arg5[%multiple_of3A_462] : memref<307200xi32, #tpu.memory_space<hbm>> -> memref<960xi32, #tpu.memory_space<hbm>>
      %dma_start3A_508 = arith.constant 0 : i32
      %dma_start3A_509 = tpu.memref_slice %arg12[%dma_start3A_508] : memref<16384xi32, #tpu.memory_space<vmem>> -> memref<960xi32, #tpu.memory_space<vmem>>
      tpu.enqueue_dma source(%dma_start3A_509 : memref<960xi32, #tpu.memory_space<vmem>>) target(%dma_start3A_507 : memref<960xi32, #tpu.memory_space<hbm>>) target_semaphore(%run_scoped3A : memref<!tpu.dma_semaphore, #tpu.memory_space<semaphore_mem>>)
      %dma_wait3A = arith.constant 0 : i32
      %dma_wait3A_510 = tpu.memref_slice %arg12[%dma_wait3A] : memref<16384xi32, #tpu.memory_space<vmem>> -> memref<960xi32, #tpu.memory_space<vmem>>
      %dma_wait3A_511 = tpu.memref_slice %arg5[%multiple_of3A_462] : memref<307200xi32, #tpu.memory_space<hbm>> -> memref<960xi32, #tpu.memory_space<hbm>>
      %dma_wait3A_512 = tpu.memref_slice %arg5[%multiple_of3A_462] : memref<307200xi32, #tpu.memory_space<hbm>> -> memref<960xi32, #tpu.memory_space<hbm>>
      %dma_wait3A_513 = arith.constant 0 : i32
      %dma_wait3A_514 = tpu.memref_slice %arg12[%dma_wait3A_513] : memref<16384xi32, #tpu.memory_space<vmem>> -> memref<960xi32, #tpu.memory_space<vmem>>
      tpu.wait_dma2 semaphore(%run_scoped3A : memref<!tpu.dma_semaphore, #tpu.memory_space<semaphore_mem>>) src(%dma_wait3A_514 : memref<960xi32, #tpu.memory_space<vmem>>) dst(%dma_wait3A_512 : memref<960xi32, #tpu.memory_space<hbm>>)
      tpu.yield
    }) : () -> ()
    %add3A_463 = arith.constant 0 : i32
    %add3A_464 = arith.addi %add3A_66, %add3A_463 : i32
    %mul3A_465 = arith.constant 38400 : i32
    %mul3A_466 = arith.muli %add3A_464, %mul3A_465 : i32
    %add3A_467 = arith.addi %mul3A_466, %mul3A_84 : i32
    %add3A_468 = arith.constant 8640 : i32
    %add3A_469 = arith.addi %add3A_467, %add3A_468 : i32
    %multiple_of3A_470 = tpu.assume_multiple %add3A_469, 960 : i32
    "tpu.region"() ({
      %run_scoped3A = tpu.sem_alloc : memref<!tpu.dma_semaphore, #tpu.memory_space<semaphore_mem>>
      %dma_start3A = arith.constant 0 : i32
      %dma_start3A_505 = tpu.memref_slice %arg10[%dma_start3A] : memref<16384xi32, #tpu.memory_space<vmem>> -> memref<960xi32, #tpu.memory_space<vmem>>
      %dma_start3A_506 = tpu.memref_slice %arg6[%multiple_of3A_470] : memref<1228800xi32, #tpu.memory_space<hbm>> -> memref<960xi32, #tpu.memory_space<hbm>>
      %dma_start3A_507 = arith.constant 0 : i32
      %dma_start3A_508 = tpu.memref_slice %arg10[%dma_start3A_507] : memref<16384xi32, #tpu.memory_space<vmem>> -> memref<960xi32, #tpu.memory_space<vmem>>
      %dma_start3A_509 = tpu.memref_slice %arg6[%multiple_of3A_470] : memref<1228800xi32, #tpu.memory_space<hbm>> -> memref<960xi32, #tpu.memory_space<hbm>>
      tpu.enqueue_dma source(%dma_start3A_509 : memref<960xi32, #tpu.memory_space<hbm>>) target(%dma_start3A_508 : memref<960xi32, #tpu.memory_space<vmem>>) target_semaphore(%run_scoped3A : memref<!tpu.dma_semaphore, #tpu.memory_space<semaphore_mem>>)
      %dma_wait3A = arith.constant 0 : i32
      %dma_wait3A_510 = tpu.memref_slice %arg10[%dma_wait3A] : memref<16384xi32, #tpu.memory_space<vmem>> -> memref<960xi32, #tpu.memory_space<vmem>>
      %dma_wait3A_511 = tpu.memref_slice %arg6[%multiple_of3A_470] : memref<1228800xi32, #tpu.memory_space<hbm>> -> memref<960xi32, #tpu.memory_space<hbm>>
      %dma_wait3A_512 = arith.constant 0 : i32
      %dma_wait3A_513 = tpu.memref_slice %arg10[%dma_wait3A_512] : memref<16384xi32, #tpu.memory_space<vmem>> -> memref<960xi32, #tpu.memory_space<vmem>>
      %dma_wait3A_514 = tpu.memref_slice %arg6[%multiple_of3A_470] : memref<1228800xi32, #tpu.memory_space<hbm>> -> memref<960xi32, #tpu.memory_space<hbm>>
      tpu.wait_dma2 semaphore(%run_scoped3A : memref<!tpu.dma_semaphore, #tpu.memory_space<semaphore_mem>>) src(%dma_wait3A_514 : memref<960xi32, #tpu.memory_space<hbm>>) dst(%dma_wait3A_513 : memref<960xi32, #tpu.memory_space<vmem>>)
      tpu.yield
    }) : () -> ()
    "tpu.region"() ({
      %run_scoped3A = tpu.sem_alloc : memref<!tpu.dma_semaphore, #tpu.memory_space<semaphore_mem>>
      %dma_start3A = arith.constant 0 : i32
      %dma_start3A_505 = tpu.memref_slice %arg11[%dma_start3A] : memref<16384xi32, #tpu.memory_space<vmem>> -> memref<960xi32, #tpu.memory_space<vmem>>
      %dma_start3A_506 = tpu.memref_slice %arg7[%multiple_of3A_470] : memref<1228800xi32, #tpu.memory_space<hbm>> -> memref<960xi32, #tpu.memory_space<hbm>>
      %dma_start3A_507 = arith.constant 0 : i32
      %dma_start3A_508 = tpu.memref_slice %arg11[%dma_start3A_507] : memref<16384xi32, #tpu.memory_space<vmem>> -> memref<960xi32, #tpu.memory_space<vmem>>
      %dma_start3A_509 = tpu.memref_slice %arg7[%multiple_of3A_470] : memref<1228800xi32, #tpu.memory_space<hbm>> -> memref<960xi32, #tpu.memory_space<hbm>>
      tpu.enqueue_dma source(%dma_start3A_509 : memref<960xi32, #tpu.memory_space<hbm>>) target(%dma_start3A_508 : memref<960xi32, #tpu.memory_space<vmem>>) target_semaphore(%run_scoped3A : memref<!tpu.dma_semaphore, #tpu.memory_space<semaphore_mem>>)
      %dma_wait3A = arith.constant 0 : i32
      %dma_wait3A_510 = tpu.memref_slice %arg11[%dma_wait3A] : memref<16384xi32, #tpu.memory_space<vmem>> -> memref<960xi32, #tpu.memory_space<vmem>>
      %dma_wait3A_511 = tpu.memref_slice %arg7[%multiple_of3A_470] : memref<1228800xi32, #tpu.memory_space<hbm>> -> memref<960xi32, #tpu.memory_space<hbm>>
      %dma_wait3A_512 = arith.constant 0 : i32
      %dma_wait3A_513 = tpu.memref_slice %arg11[%dma_wait3A_512] : memref<16384xi32, #tpu.memory_space<vmem>> -> memref<960xi32, #tpu.memory_space<vmem>>
      %dma_wait3A_514 = tpu.memref_slice %arg7[%multiple_of3A_470] : memref<1228800xi32, #tpu.memory_space<hbm>> -> memref<960xi32, #tpu.memory_space<hbm>>
      tpu.wait_dma2 semaphore(%run_scoped3A : memref<!tpu.dma_semaphore, #tpu.memory_space<semaphore_mem>>) src(%dma_wait3A_514 : memref<960xi32, #tpu.memory_space<hbm>>) dst(%dma_wait3A_513 : memref<960xi32, #tpu.memory_space<vmem>>)
      tpu.yield
    }) : () -> ()
    %add3A_471 = arith.constant 1 : i32
    %add3A_472 = arith.addi %add3A_66, %add3A_471 : i32
    %mul3A_473 = arith.constant 38400 : i32
    %mul3A_474 = arith.muli %add3A_472, %mul3A_473 : i32
    %add3A_475 = arith.addi %mul3A_474, %mul3A_84 : i32
    %add3A_476 = arith.constant 8640 : i32
    %add3A_477 = arith.addi %add3A_475, %add3A_476 : i32
    %multiple_of3A_478 = tpu.assume_multiple %add3A_477, 960 : i32
    "tpu.region"() ({
      %run_scoped3A = tpu.sem_alloc : memref<!tpu.dma_semaphore, #tpu.memory_space<semaphore_mem>>
      %dma_start3A = arith.constant 960 : i32
      %dma_start3A_505 = tpu.memref_slice %arg10[%dma_start3A] : memref<16384xi32, #tpu.memory_space<vmem>> -> memref<960xi32, #tpu.memory_space<vmem>>
      %dma_start3A_506 = tpu.memref_slice %arg6[%multiple_of3A_478] : memref<1228800xi32, #tpu.memory_space<hbm>> -> memref<960xi32, #tpu.memory_space<hbm>>
      %dma_start3A_507 = arith.constant 960 : i32
      %dma_start3A_508 = tpu.memref_slice %arg10[%dma_start3A_507] : memref<16384xi32, #tpu.memory_space<vmem>> -> memref<960xi32, #tpu.memory_space<vmem>>
      %dma_start3A_509 = tpu.memref_slice %arg6[%multiple_of3A_478] : memref<1228800xi32, #tpu.memory_space<hbm>> -> memref<960xi32, #tpu.memory_space<hbm>>
      tpu.enqueue_dma source(%dma_start3A_509 : memref<960xi32, #tpu.memory_space<hbm>>) target(%dma_start3A_508 : memref<960xi32, #tpu.memory_space<vmem>>) target_semaphore(%run_scoped3A : memref<!tpu.dma_semaphore, #tpu.memory_space<semaphore_mem>>)
      %dma_wait3A = arith.constant 960 : i32
      %dma_wait3A_510 = tpu.memref_slice %arg10[%dma_wait3A] : memref<16384xi32, #tpu.memory_space<vmem>> -> memref<960xi32, #tpu.memory_space<vmem>>
      %dma_wait3A_511 = tpu.memref_slice %arg6[%multiple_of3A_478] : memref<1228800xi32, #tpu.memory_space<hbm>> -> memref<960xi32, #tpu.memory_space<hbm>>
      %dma_wait3A_512 = arith.constant 960 : i32
      %dma_wait3A_513 = tpu.memref_slice %arg10[%dma_wait3A_512] : memref<16384xi32, #tpu.memory_space<vmem>> -> memref<960xi32, #tpu.memory_space<vmem>>
      %dma_wait3A_514 = tpu.memref_slice %arg6[%multiple_of3A_478] : memref<1228800xi32, #tpu.memory_space<hbm>> -> memref<960xi32, #tpu.memory_space<hbm>>
      tpu.wait_dma2 semaphore(%run_scoped3A : memref<!tpu.dma_semaphore, #tpu.memory_space<semaphore_mem>>) src(%dma_wait3A_514 : memref<960xi32, #tpu.memory_space<hbm>>) dst(%dma_wait3A_513 : memref<960xi32, #tpu.memory_space<vmem>>)
      tpu.yield
    }) : () -> ()
    "tpu.region"() ({
      %run_scoped3A = tpu.sem_alloc : memref<!tpu.dma_semaphore, #tpu.memory_space<semaphore_mem>>
      %dma_start3A = arith.constant 960 : i32
      %dma_start3A_505 = tpu.memref_slice %arg11[%dma_start3A] : memref<16384xi32, #tpu.memory_space<vmem>> -> memref<960xi32, #tpu.memory_space<vmem>>
      %dma_start3A_506 = tpu.memref_slice %arg7[%multiple_of3A_478] : memref<1228800xi32, #tpu.memory_space<hbm>> -> memref<960xi32, #tpu.memory_space<hbm>>
      %dma_start3A_507 = arith.constant 960 : i32
      %dma_start3A_508 = tpu.memref_slice %arg11[%dma_start3A_507] : memref<16384xi32, #tpu.memory_space<vmem>> -> memref<960xi32, #tpu.memory_space<vmem>>
      %dma_start3A_509 = tpu.memref_slice %arg7[%multiple_of3A_478] : memref<1228800xi32, #tpu.memory_space<hbm>> -> memref<960xi32, #tpu.memory_space<hbm>>
      tpu.enqueue_dma source(%dma_start3A_509 : memref<960xi32, #tpu.memory_space<hbm>>) target(%dma_start3A_508 : memref<960xi32, #tpu.memory_space<vmem>>) target_semaphore(%run_scoped3A : memref<!tpu.dma_semaphore, #tpu.memory_space<semaphore_mem>>)
      %dma_wait3A = arith.constant 960 : i32
      %dma_wait3A_510 = tpu.memref_slice %arg11[%dma_wait3A] : memref<16384xi32, #tpu.memory_space<vmem>> -> memref<960xi32, #tpu.memory_space<vmem>>
      %dma_wait3A_511 = tpu.memref_slice %arg7[%multiple_of3A_478] : memref<1228800xi32, #tpu.memory_space<hbm>> -> memref<960xi32, #tpu.memory_space<hbm>>
      %dma_wait3A_512 = arith.constant 960 : i32
      %dma_wait3A_513 = tpu.memref_slice %arg11[%dma_wait3A_512] : memref<16384xi32, #tpu.memory_space<vmem>> -> memref<960xi32, #tpu.memory_space<vmem>>
      %dma_wait3A_514 = tpu.memref_slice %arg7[%multiple_of3A_478] : memref<1228800xi32, #tpu.memory_space<hbm>> -> memref<960xi32, #tpu.memory_space<hbm>>
      tpu.wait_dma2 semaphore(%run_scoped3A : memref<!tpu.dma_semaphore, #tpu.memory_space<semaphore_mem>>) src(%dma_wait3A_514 : memref<960xi32, #tpu.memory_space<hbm>>) dst(%dma_wait3A_513 : memref<960xi32, #tpu.memory_space<vmem>>)
      tpu.yield
    }) : () -> ()
    %add3A_479 = arith.constant 2 : i32
    %add3A_480 = arith.addi %add3A_66, %add3A_479 : i32
    %mul3A_481 = arith.constant 38400 : i32
    %mul3A_482 = arith.muli %add3A_480, %mul3A_481 : i32
    %add3A_483 = arith.addi %mul3A_482, %mul3A_84 : i32
    %add3A_484 = arith.constant 8640 : i32
    %add3A_485 = arith.addi %add3A_483, %add3A_484 : i32
    %multiple_of3A_486 = tpu.assume_multiple %add3A_485, 960 : i32
    "tpu.region"() ({
      %run_scoped3A = tpu.sem_alloc : memref<!tpu.dma_semaphore, #tpu.memory_space<semaphore_mem>>
      %dma_start3A = arith.constant 1920 : i32
      %dma_start3A_505 = tpu.memref_slice %arg10[%dma_start3A] : memref<16384xi32, #tpu.memory_space<vmem>> -> memref<960xi32, #tpu.memory_space<vmem>>
      %dma_start3A_506 = tpu.memref_slice %arg6[%multiple_of3A_486] : memref<1228800xi32, #tpu.memory_space<hbm>> -> memref<960xi32, #tpu.memory_space<hbm>>
      %dma_start3A_507 = arith.constant 1920 : i32
      %dma_start3A_508 = tpu.memref_slice %arg10[%dma_start3A_507] : memref<16384xi32, #tpu.memory_space<vmem>> -> memref<960xi32, #tpu.memory_space<vmem>>
      %dma_start3A_509 = tpu.memref_slice %arg6[%multiple_of3A_486] : memref<1228800xi32, #tpu.memory_space<hbm>> -> memref<960xi32, #tpu.memory_space<hbm>>
      tpu.enqueue_dma source(%dma_start3A_509 : memref<960xi32, #tpu.memory_space<hbm>>) target(%dma_start3A_508 : memref<960xi32, #tpu.memory_space<vmem>>) target_semaphore(%run_scoped3A : memref<!tpu.dma_semaphore, #tpu.memory_space<semaphore_mem>>)
      %dma_wait3A = arith.constant 1920 : i32
      %dma_wait3A_510 = tpu.memref_slice %arg10[%dma_wait3A] : memref<16384xi32, #tpu.memory_space<vmem>> -> memref<960xi32, #tpu.memory_space<vmem>>
      %dma_wait3A_511 = tpu.memref_slice %arg6[%multiple_of3A_486] : memref<1228800xi32, #tpu.memory_space<hbm>> -> memref<960xi32, #tpu.memory_space<hbm>>
      %dma_wait3A_512 = arith.constant 1920 : i32
      %dma_wait3A_513 = tpu.memref_slice %arg10[%dma_wait3A_512] : memref<16384xi32, #tpu.memory_space<vmem>> -> memref<960xi32, #tpu.memory_space<vmem>>
      %dma_wait3A_514 = tpu.memref_slice %arg6[%multiple_of3A_486] : memref<1228800xi32, #tpu.memory_space<hbm>> -> memref<960xi32, #tpu.memory_space<hbm>>
      tpu.wait_dma2 semaphore(%run_scoped3A : memref<!tpu.dma_semaphore, #tpu.memory_space<semaphore_mem>>) src(%dma_wait3A_514 : memref<960xi32, #tpu.memory_space<hbm>>) dst(%dma_wait3A_513 : memref<960xi32, #tpu.memory_space<vmem>>)
      tpu.yield
    }) : () -> ()
    "tpu.region"() ({
      %run_scoped3A = tpu.sem_alloc : memref<!tpu.dma_semaphore, #tpu.memory_space<semaphore_mem>>
      %dma_start3A = arith.constant 1920 : i32
      %dma_start3A_505 = tpu.memref_slice %arg11[%dma_start3A] : memref<16384xi32, #tpu.memory_space<vmem>> -> memref<960xi32, #tpu.memory_space<vmem>>
      %dma_start3A_506 = tpu.memref_slice %arg7[%multiple_of3A_486] : memref<1228800xi32, #tpu.memory_space<hbm>> -> memref<960xi32, #tpu.memory_space<hbm>>
      %dma_start3A_507 = arith.constant 1920 : i32
      %dma_start3A_508 = tpu.memref_slice %arg11[%dma_start3A_507] : memref<16384xi32, #tpu.memory_space<vmem>> -> memref<960xi32, #tpu.memory_space<vmem>>
      %dma_start3A_509 = tpu.memref_slice %arg7[%multiple_of3A_486] : memref<1228800xi32, #tpu.memory_space<hbm>> -> memref<960xi32, #tpu.memory_space<hbm>>
      tpu.enqueue_dma source(%dma_start3A_509 : memref<960xi32, #tpu.memory_space<hbm>>) target(%dma_start3A_508 : memref<960xi32, #tpu.memory_space<vmem>>) target_semaphore(%run_scoped3A : memref<!tpu.dma_semaphore, #tpu.memory_space<semaphore_mem>>)
      %dma_wait3A = arith.constant 1920 : i32
      %dma_wait3A_510 = tpu.memref_slice %arg11[%dma_wait3A] : memref<16384xi32, #tpu.memory_space<vmem>> -> memref<960xi32, #tpu.memory_space<vmem>>
      %dma_wait3A_511 = tpu.memref_slice %arg7[%multiple_of3A_486] : memref<1228800xi32, #tpu.memory_space<hbm>> -> memref<960xi32, #tpu.memory_space<hbm>>
      %dma_wait3A_512 = arith.constant 1920 : i32
      %dma_wait3A_513 = tpu.memref_slice %arg11[%dma_wait3A_512] : memref<16384xi32, #tpu.memory_space<vmem>> -> memref<960xi32, #tpu.memory_space<vmem>>
      %dma_wait3A_514 = tpu.memref_slice %arg7[%multiple_of3A_486] : memref<1228800xi32, #tpu.memory_space<hbm>> -> memref<960xi32, #tpu.memory_space<hbm>>
      tpu.wait_dma2 semaphore(%run_scoped3A : memref<!tpu.dma_semaphore, #tpu.memory_space<semaphore_mem>>) src(%dma_wait3A_514 : memref<960xi32, #tpu.memory_space<hbm>>) dst(%dma_wait3A_513 : memref<960xi32, #tpu.memory_space<vmem>>)
      tpu.yield
    }) : () -> ()
    %add3A_487 = arith.constant 3 : i32
    %add3A_488 = arith.addi %add3A_66, %add3A_487 : i32
    %mul3A_489 = arith.constant 38400 : i32
    %mul3A_490 = arith.muli %add3A_488, %mul3A_489 : i32
    %add3A_491 = arith.addi %mul3A_490, %mul3A_84 : i32
    %add3A_492 = arith.constant 8640 : i32
    %add3A_493 = arith.addi %add3A_491, %add3A_492 : i32
    %multiple_of3A_494 = tpu.assume_multiple %add3A_493, 960 : i32
    "tpu.region"() ({
      %run_scoped3A = tpu.sem_alloc : memref<!tpu.dma_semaphore, #tpu.memory_space<semaphore_mem>>
      %dma_start3A = arith.constant 2880 : i32
      %dma_start3A_505 = tpu.memref_slice %arg10[%dma_start3A] : memref<16384xi32, #tpu.memory_space<vmem>> -> memref<960xi32, #tpu.memory_space<vmem>>
      %dma_start3A_506 = tpu.memref_slice %arg6[%multiple_of3A_494] : memref<1228800xi32, #tpu.memory_space<hbm>> -> memref<960xi32, #tpu.memory_space<hbm>>
      %dma_start3A_507 = arith.constant 2880 : i32
      %dma_start3A_508 = tpu.memref_slice %arg10[%dma_start3A_507] : memref<16384xi32, #tpu.memory_space<vmem>> -> memref<960xi32, #tpu.memory_space<vmem>>
      %dma_start3A_509 = tpu.memref_slice %arg6[%multiple_of3A_494] : memref<1228800xi32, #tpu.memory_space<hbm>> -> memref<960xi32, #tpu.memory_space<hbm>>
      tpu.enqueue_dma source(%dma_start3A_509 : memref<960xi32, #tpu.memory_space<hbm>>) target(%dma_start3A_508 : memref<960xi32, #tpu.memory_space<vmem>>) target_semaphore(%run_scoped3A : memref<!tpu.dma_semaphore, #tpu.memory_space<semaphore_mem>>)
      %dma_wait3A = arith.constant 2880 : i32
      %dma_wait3A_510 = tpu.memref_slice %arg10[%dma_wait3A] : memref<16384xi32, #tpu.memory_space<vmem>> -> memref<960xi32, #tpu.memory_space<vmem>>
      %dma_wait3A_511 = tpu.memref_slice %arg6[%multiple_of3A_494] : memref<1228800xi32, #tpu.memory_space<hbm>> -> memref<960xi32, #tpu.memory_space<hbm>>
      %dma_wait3A_512 = arith.constant 2880 : i32
      %dma_wait3A_513 = tpu.memref_slice %arg10[%dma_wait3A_512] : memref<16384xi32, #tpu.memory_space<vmem>> -> memref<960xi32, #tpu.memory_space<vmem>>
      %dma_wait3A_514 = tpu.memref_slice %arg6[%multiple_of3A_494] : memref<1228800xi32, #tpu.memory_space<hbm>> -> memref<960xi32, #tpu.memory_space<hbm>>
      tpu.wait_dma2 semaphore(%run_scoped3A : memref<!tpu.dma_semaphore, #tpu.memory_space<semaphore_mem>>) src(%dma_wait3A_514 : memref<960xi32, #tpu.memory_space<hbm>>) dst(%dma_wait3A_513 : memref<960xi32, #tpu.memory_space<vmem>>)
      tpu.yield
    }) : () -> ()
    "tpu.region"() ({
      %run_scoped3A = tpu.sem_alloc : memref<!tpu.dma_semaphore, #tpu.memory_space<semaphore_mem>>
      %dma_start3A = arith.constant 2880 : i32
      %dma_start3A_505 = tpu.memref_slice %arg11[%dma_start3A] : memref<16384xi32, #tpu.memory_space<vmem>> -> memref<960xi32, #tpu.memory_space<vmem>>
      %dma_start3A_506 = tpu.memref_slice %arg7[%multiple_of3A_494] : memref<1228800xi32, #tpu.memory_space<hbm>> -> memref<960xi32, #tpu.memory_space<hbm>>
      %dma_start3A_507 = arith.constant 2880 : i32
      %dma_start3A_508 = tpu.memref_slice %arg11[%dma_start3A_507] : memref<16384xi32, #tpu.memory_space<vmem>> -> memref<960xi32, #tpu.memory_space<vmem>>
      %dma_start3A_509 = tpu.memref_slice %arg7[%multiple_of3A_494] : memref<1228800xi32, #tpu.memory_space<hbm>> -> memref<960xi32, #tpu.memory_space<hbm>>
      tpu.enqueue_dma source(%dma_start3A_509 : memref<960xi32, #tpu.memory_space<hbm>>) target(%dma_start3A_508 : memref<960xi32, #tpu.memory_space<vmem>>) target_semaphore(%run_scoped3A : memref<!tpu.dma_semaphore, #tpu.memory_space<semaphore_mem>>)
      %dma_wait3A = arith.constant 2880 : i32
      %dma_wait3A_510 = tpu.memref_slice %arg11[%dma_wait3A] : memref<16384xi32, #tpu.memory_space<vmem>> -> memref<960xi32, #tpu.memory_space<vmem>>
      %dma_wait3A_511 = tpu.memref_slice %arg7[%multiple_of3A_494] : memref<1228800xi32, #tpu.memory_space<hbm>> -> memref<960xi32, #tpu.memory_space<hbm>>
      %dma_wait3A_512 = arith.constant 2880 : i32
      %dma_wait3A_513 = tpu.memref_slice %arg11[%dma_wait3A_512] : memref<16384xi32, #tpu.memory_space<vmem>> -> memref<960xi32, #tpu.memory_space<vmem>>
      %dma_wait3A_514 = tpu.memref_slice %arg7[%multiple_of3A_494] : memref<1228800xi32, #tpu.memory_space<hbm>> -> memref<960xi32, #tpu.memory_space<hbm>>
      tpu.wait_dma2 semaphore(%run_scoped3A : memref<!tpu.dma_semaphore, #tpu.memory_space<semaphore_mem>>) src(%dma_wait3A_514 : memref<960xi32, #tpu.memory_space<hbm>>) dst(%dma_wait3A_513 : memref<960xi32, #tpu.memory_space<vmem>>)
      tpu.yield
    }) : () -> ()
    %scan3A_495 = arith.constant 0 : i32
    %scan3A_496 = arith.constant 0 : i32
    %scan3A_497 = arith.constant 60 : i32
    %scan3A_498 = arith.addi %scan3A_496, %scan3A_497 : i32
    %scan3A_499 = arith.constant 1 : i32
    scf.for %scan3A_505 = %scan3A_496 to %scan3A_498 step %scan3A_499  : i32 {
      %mul3A_506 = arith.constant 16 : i32
      %mul3A_507 = arith.muli %scan3A_505, %mul3A_506 : i32
      %add3A_508 = arith.constant 0 : i32
      %add3A_509 = arith.addi %add3A_508, %mul3A_507 : i32
      %get3A = arith.index_cast %add3A_509 : i32 to index
      %get3A_510 = tpu.vector_load %arg10[%get3A] {strides = array<i32>} : memref<16384xi32, #tpu.memory_space<vmem>>, vector<16xi32>,
      %mul3A_511 = arith.constant 16 : i32
      %mul3A_512 = arith.muli %scan3A_505, %mul3A_511 : i32
      %add3A_513 = arith.constant 960 : i32
      %add3A_514 = arith.addi %add3A_513, %mul3A_512 : i32
      %get3A_515 = arith.index_cast %add3A_514 : i32 to index
      %get3A_516 = tpu.vector_load %arg10[%get3A_515] {strides = array<i32>} : memref<16384xi32, #tpu.memory_space<vmem>>, vector<16xi32>,
      %mul3A_517 = arith.constant 16 : i32
      %mul3A_518 = arith.muli %scan3A_505, %mul3A_517 : i32
      %add3A_519 = arith.constant 1920 : i32
      %add3A_520 = arith.addi %add3A_519, %mul3A_518 : i32
      %get3A_521 = arith.index_cast %add3A_520 : i32 to index
      %get3A_522 = tpu.vector_load %arg10[%get3A_521] {strides = array<i32>} : memref<16384xi32, #tpu.memory_space<vmem>>, vector<16xi32>,
      %mul3A_523 = arith.constant 16 : i32
      %mul3A_524 = arith.muli %scan3A_505, %mul3A_523 : i32
      %add3A_525 = arith.constant 2880 : i32
      %add3A_526 = arith.addi %add3A_525, %mul3A_524 : i32
      %get3A_527 = arith.index_cast %add3A_526 : i32 to index
      %get3A_528 = tpu.vector_load %arg10[%get3A_527] {strides = array<i32>} : memref<16384xi32, #tpu.memory_space<vmem>>, vector<16xi32>,
      %mul3A_529 = arith.constant 16 : i32
      %mul3A_530 = arith.muli %scan3A_505, %mul3A_529 : i32
      %add3A_531 = arith.constant 0 : i32
      %add3A_532 = arith.addi %add3A_531, %mul3A_530 : i32
      %get3A_533 = arith.index_cast %add3A_532 : i32 to index
      %get3A_534 = tpu.vector_load %arg11[%get3A_533] {strides = array<i32>} : memref<16384xi32, #tpu.memory_space<vmem>>, vector<16xi32>,
      %mul3A_535 = arith.constant 16 : i32
      %mul3A_536 = arith.muli %scan3A_505, %mul3A_535 : i32
      %add3A_537 = arith.constant 960 : i32
      %add3A_538 = arith.addi %add3A_537, %mul3A_536 : i32
      %get3A_539 = arith.index_cast %add3A_538 : i32 to index
      %get3A_540 = tpu.vector_load %arg11[%get3A_539] {strides = array<i32>} : memref<16384xi32, #tpu.memory_space<vmem>>, vector<16xi32>,
      %mul3A_541 = arith.constant 16 : i32
      %mul3A_542 = arith.muli %scan3A_505, %mul3A_541 : i32
      %add3A_543 = arith.constant 1920 : i32
      %add3A_544 = arith.addi %add3A_543, %mul3A_542 : i32
      %get3A_545 = arith.index_cast %add3A_544 : i32 to index
      %get3A_546 = tpu.vector_load %arg11[%get3A_545] {strides = array<i32>} : memref<16384xi32, #tpu.memory_space<vmem>>, vector<16xi32>,
      %mul3A_547 = arith.constant 16 : i32
      %mul3A_548 = arith.muli %scan3A_505, %mul3A_547 : i32
      %add3A_549 = arith.constant 2880 : i32
      %add3A_550 = arith.addi %add3A_549, %mul3A_548 : i32
      %get3A_551 = arith.index_cast %add3A_550 : i32 to index
      %get3A_552 = tpu.vector_load %arg11[%get3A_551] {strides = array<i32>} : memref<16384xi32, #tpu.memory_space<vmem>>, vector<16xi32>,
      %min3A = arith.minsi %get3A_510, %get3A_516 : vector<16xi32>
      %le3A = arith.cmpi sle, %get3A_510, %get3A_516 : vector<16xi32>
      %select_n3A_553 = arith.select %le3A, %get3A_534, %get3A_540 : vector<16xi1>, vector<16xi32>
      %min3A_554 = arith.minsi %get3A_522, %get3A_528 : vector<16xi32>
      %le3A_555 = arith.cmpi sle, %get3A_522, %get3A_528 : vector<16xi32>
      %select_n3A_556 = arith.select %le3A_555, %get3A_546, %get3A_552 : vector<16xi1>, vector<16xi32>
      %le3A_557 = arith.cmpi sle, %min3A, %min3A_554 : vector<16xi32>
      %select_n3A_558 = arith.select %le3A_557, %select_n3A_553, %select_n3A_556 : vector<16xi1>, vector<16xi32>
      %mul3A_559 = arith.constant 16 : i32
      %mul3A_560 = arith.muli %scan3A_505, %mul3A_559 : i32
      %swap3A = arith.index_cast %mul3A_560 : i32 to index
      %swap3A_561 = tpu.vector_load %arg12[%swap3A] {strides = array<i32>} : memref<16384xi32, #tpu.memory_space<vmem>>, vector<16xi32>,
      tpu.vector_store %arg12[%swap3A], %select_n3A_558 {strides = array<i32>} : memref<16384xi32, #tpu.memory_space<vmem>>, vector<16xi32>,
    }
    %scan3A_500 = arith.constant 60 : i32
    %add3A_501 = arith.addi %mul3A_32, %mul3A_84 : i32
    %add3A_502 = arith.constant 8640 : i32
    %add3A_503 = arith.addi %add3A_501, %add3A_502 : i32
    %multiple_of3A_504 = tpu.assume_multiple %add3A_503, 960 : i32
    "tpu.region"() ({
      %run_scoped3A = tpu.sem_alloc : memref<!tpu.dma_semaphore, #tpu.memory_space<semaphore_mem>>
      %dma_start3A = arith.constant 0 : i32
      %dma_start3A_505 = tpu.memref_slice %arg12[%dma_start3A] : memref<16384xi32, #tpu.memory_space<vmem>> -> memref<960xi32, #tpu.memory_space<vmem>>
      %dma_start3A_506 = tpu.memref_slice %arg5[%multiple_of3A_504] : memref<307200xi32, #tpu.memory_space<hbm>> -> memref<960xi32, #tpu.memory_space<hbm>>
      %dma_start3A_507 = tpu.memref_slice %arg5[%multiple_of3A_504] : memref<307200xi32, #tpu.memory_space<hbm>> -> memref<960xi32, #tpu.memory_space<hbm>>
      %dma_start3A_508 = arith.constant 0 : i32
      %dma_start3A_509 = tpu.memref_slice %arg12[%dma_start3A_508] : memref<16384xi32, #tpu.memory_space<vmem>> -> memref<960xi32, #tpu.memory_space<vmem>>
      tpu.enqueue_dma source(%dma_start3A_509 : memref<960xi32, #tpu.memory_space<vmem>>) target(%dma_start3A_507 : memref<960xi32, #tpu.memory_space<hbm>>) target_semaphore(%run_scoped3A : memref<!tpu.dma_semaphore, #tpu.memory_space<semaphore_mem>>)
      %dma_wait3A = arith.constant 0 : i32
      %dma_wait3A_510 = tpu.memref_slice %arg12[%dma_wait3A] : memref<16384xi32, #tpu.memory_space<vmem>> -> memref<960xi32, #tpu.memory_space<vmem>>
      %dma_wait3A_511 = tpu.memref_slice %arg5[%multiple_of3A_504] : memref<307200xi32, #tpu.memory_space<hbm>> -> memref<960xi32, #tpu.memory_space<hbm>>
      %dma_wait3A_512 = tpu.memref_slice %arg5[%multiple_of3A_504] : memref<307200xi32, #tpu.memory_space<hbm>> -> memref<960xi32, #tpu.memory_space<hbm>>
      %dma_wait3A_513 = arith.constant 0 : i32
      %dma_wait3A_514 = tpu.memref_slice %arg12[%dma_wait3A_513] : memref<16384xi32, #tpu.memory_space<vmem>> -> memref<960xi32, #tpu.memory_space<vmem>>
      tpu.wait_dma2 semaphore(%run_scoped3A : memref<!tpu.dma_semaphore, #tpu.memory_space<semaphore_mem>>) src(%dma_wait3A_514 : memref<960xi32, #tpu.memory_space<vmem>>) dst(%dma_wait3A_512 : memref<960xi32, #tpu.memory_space<hbm>>)
      tpu.yield
    }) : () -> ()
    return
  }
}

module attributes {stable_mosaic.version = 14 : i64} {
  func.func @_prep_body(%arg0: i32, %arg1: memref<1024x128xf32, #tpu.memory_space<vmem>>, %arg2: memref<1024x128xf32, #tpu.memory_space<vmem>>, %arg3: memref<1024x128xf32, #tpu.memory_space<vmem>>, %arg4: memref<1024x128xf32, #tpu.memory_space<vmem>>, %arg5: memref<1024x128xf32, #tpu.memory_space<vmem>>, %arg6: memref<1024x128xf32, #tpu.memory_space<vmem>>, %arg7: memref<1024x128xi32, #tpu.memory_space<vmem>>, %arg8: memref<1024x128xi32, #tpu.memory_space<vmem>>, %arg9: memref<1024x128xi32, #tpu.memory_space<vmem>>) attributes {dimension_semantics = [#tpu.dimension_semantics<arbitrary>], iteration_bounds = array<i64: 16>, scalar_prefetch = 0 : i64, scratch_operands = 0 : i64, tpu.core_type = #tpu.core_type<tc>, window_params = [{transform_indices = @transform_0, window_bounds = array<i64: 1024, 128>}, {transform_indices = @transform_1, window_bounds = array<i64: 1024, 128>}, {transform_indices = @transform_2, window_bounds = array<i64: 1024, 128>}, {transform_indices = @transform_3, window_bounds = array<i64: 1024, 128>}, {transform_indices = @transform_4, window_bounds = array<i64: 1024, 128>}, {transform_indices = @transform_5, window_bounds = array<i64: 1024, 128>}, {transform_indices = @transform_6, window_bounds = array<i64: 1024, 128>}, {transform_indices = @transform_7, window_bounds = array<i64: 1024, 128>}, {transform_indices = @transform_8, window_bounds = array<i64: 1024, 128>}]} {
    %get3A = arith.constant 0 : index
    %get3A_0 = arith.constant 0 : index
    %get3A_1 = vector.load %arg3[%get3A, %get3A_0] : memref<1024x128xf32, #tpu.memory_space<vmem>>, vector<1024x128xf32>
    %add3A = arith.constant 3.000000e+00 : f32
    %add3A_2 = vector.broadcast %add3A : f32 to vector<1024x128xf32>
    %add3A_3 = arith.addf %get3A_1, %add3A_2 : vector<1024x128xf32>
    %get3A_4 = arith.constant 0 : index
    %get3A_5 = arith.constant 0 : index
    %get3A_6 = vector.load %arg1[%get3A_4, %get3A_5] : memref<1024x128xf32, #tpu.memory_space<vmem>>, vector<1024x128xf32>
    %mul3A = arith.constant 5.000000e+02 : f32
    %mul3A_7 = vector.broadcast %mul3A : f32 to vector<1024x128xf32>
    %mul3A_8 = arith.mulf %mul3A_7, %get3A_6 : vector<1024x128xf32>
    %div3A = arith.divf %mul3A_8, %add3A_3 : vector<1024x128xf32>
    %add3A_9 = arith.constant 3.200000e+02 : f32
    %add3A_10 = vector.broadcast %add3A_9 : f32 to vector<1024x128xf32>
    %add3A_11 = arith.addf %div3A, %add3A_10 : vector<1024x128xf32>
    %round3A = math.roundeven %add3A_11 : vector<1024x128xf32>
    %convert_element_type3A = arith.fptosi %round3A : vector<1024x128xf32> to vector<1024x128xi32>
    %get3A_12 = arith.constant 0 : index
    %get3A_13 = arith.constant 0 : index
    %get3A_14 = vector.load %arg2[%get3A_12, %get3A_13] : memref<1024x128xf32, #tpu.memory_space<vmem>>, vector<1024x128xf32>
    %mul3A_15 = arith.constant 5.000000e+02 : f32
    %mul3A_16 = vector.broadcast %mul3A_15 : f32 to vector<1024x128xf32>
    %mul3A_17 = arith.mulf %mul3A_16, %get3A_14 : vector<1024x128xf32>
    %div3A_18 = arith.divf %mul3A_17, %add3A_3 : vector<1024x128xf32>
    %add3A_19 = arith.constant 2.400000e+02 : f32
    %add3A_20 = vector.broadcast %add3A_19 : f32 to vector<1024x128xf32>
    %add3A_21 = arith.addf %div3A_18, %add3A_20 : vector<1024x128xf32>
    %round3A_22 = math.roundeven %add3A_21 : vector<1024x128xf32>
    %convert_element_type3A_23 = arith.fptosi %round3A_22 : vector<1024x128xf32> to vector<1024x128xi32>
    %gt3A = arith.constant 9.99999997E-7 : f32
    %gt3A_24 = vector.broadcast %gt3A : f32 to vector<1024x128xf32>
    %gt3A_25 = arith.cmpf ogt, %add3A_3, %gt3A_24 : vector<1024x128xf32>
    %ge3A = arith.constant 0 : i32
    %ge3A_26 = vector.broadcast %ge3A : i32 to vector<1024x128xi32>
    %ge3A_27 = arith.cmpi sge, %convert_element_type3A, %ge3A_26 : vector<1024x128xi32>
    %and3A = arith.andi %gt3A_25, %ge3A_27 : vector<1024x128xi1>
    %lt3A = arith.constant 640 : i32
    %lt3A_28 = vector.broadcast %lt3A : i32 to vector<1024x128xi32>
    %lt3A_29 = arith.cmpi slt, %convert_element_type3A, %lt3A_28 : vector<1024x128xi32>
    %and3A_30 = arith.andi %and3A, %lt3A_29 : vector<1024x128xi1>
    %ge3A_31 = arith.constant 0 : i32
    %ge3A_32 = vector.broadcast %ge3A_31 : i32 to vector<1024x128xi32>
    %ge3A_33 = arith.cmpi sge, %convert_element_type3A_23, %ge3A_32 : vector<1024x128xi32>
    %and3A_34 = arith.andi %and3A_30, %ge3A_33 : vector<1024x128xi1>
    %lt3A_35 = arith.constant 480 : i32
    %lt3A_36 = vector.broadcast %lt3A_35 : i32 to vector<1024x128xi32>
    %lt3A_37 = arith.cmpi slt, %convert_element_type3A_23, %lt3A_36 : vector<1024x128xi32>
    %and3A_38 = arith.andi %and3A_34, %lt3A_37 : vector<1024x128xi1>
    %mul3A_39 = arith.constant 640 : i32
    %mul3A_40 = vector.broadcast %mul3A_39 : i32 to vector<1024x128xi32>
    %mul3A_41 = arith.muli %convert_element_type3A_23, %mul3A_40 : vector<1024x128xi32>
    %add3A_42 = arith.addi %mul3A_41, %convert_element_type3A : vector<1024x128xi32>
    %jit3A = arith.constant 2147483647 : i32
    %broadcast_in_dim3A = vector.broadcast %jit3A : i32 to vector<1024x128xi32>
    %select_n3A = arith.select %and3A_38, %add3A_42, %broadcast_in_dim3A : vector<1024x128xi1>, vector<1024x128xi32>
    %swap3A = arith.constant 0 : index
    %swap3A_43 = arith.constant 0 : index
    %swap3A_44 = vector.load %arg7[%swap3A, %swap3A_43] : memref<1024x128xi32, #tpu.memory_space<vmem>>, vector<1024x128xi32>
    tpu.vector_store %arg7[%swap3A, %swap3A_43], %select_n3A {strides = array<i32>} : memref<1024x128xi32, #tpu.memory_space<vmem>>, vector<1024x128xi32>,
    %bitcast_convert_type3A = tpu.bitcast %add3A_3 : vector<1024x128xf32> -> vector<1024x128xi32>
    %jit3A_45 = arith.constant 2147483647 : i32
    %broadcast_in_dim3A_46 = vector.broadcast %jit3A_45 : i32 to vector<1024x128xi32>
    %select_n3A_47 = arith.select %and3A_38, %bitcast_convert_type3A, %broadcast_in_dim3A_46 : vector<1024x128xi1>, vector<1024x128xi32>
    %swap3A_48 = arith.constant 0 : index
    %swap3A_49 = arith.constant 0 : index
    %swap3A_50 = vector.load %arg8[%swap3A_48, %swap3A_49] : memref<1024x128xi32, #tpu.memory_space<vmem>>, vector<1024x128xi32>
    tpu.vector_store %arg8[%swap3A_48, %swap3A_49], %select_n3A_47 {strides = array<i32>} : memref<1024x128xi32, #tpu.memory_space<vmem>>, vector<1024x128xi32>,
    %get3A_51 = arith.constant 0 : index
    %get3A_52 = arith.constant 0 : index
    %get3A_53 = vector.load %arg4[%get3A_51, %get3A_52] : memref<1024x128xf32, #tpu.memory_space<vmem>>, vector<1024x128xf32>
    %mul3A_54 = arith.constant 1.024000e+03 : f32
    %mul3A_55 = vector.broadcast %mul3A_54 : f32 to vector<1024x128xf32>
    %mul3A_56 = arith.mulf %get3A_53, %mul3A_55 : vector<1024x128xf32>
    %convert_element_type3A_57 = arith.fptosi %mul3A_56 : vector<1024x128xf32> to vector<1024x128xi32>
    %jit3A_58 = arith.constant 0 : i32
    %jit3A_59 = arith.constant 1023 : i32
    %max3A = vector.broadcast %jit3A_58 : i32 to vector<1024x128xi32>
    %max3A_60 = arith.maxsi %max3A, %convert_element_type3A_57 : vector<1024x128xi32>
    %min3A = vector.broadcast %jit3A_59 : i32 to vector<1024x128xi32>
    %min3A_61 = arith.minsi %min3A, %max3A_60 : vector<1024x128xi32>
    %shift_left3A = arith.constant 20 : i32
    %shift_left3A_62 = vector.broadcast %shift_left3A : i32 to vector<1024x128xi32>
    %shift_left3A_63 = arith.shli %min3A_61, %shift_left3A_62 : vector<1024x128xi32>
    %get3A_64 = arith.constant 0 : index
    %get3A_65 = arith.constant 0 : index
    %get3A_66 = vector.load %arg5[%get3A_64, %get3A_65] : memref<1024x128xf32, #tpu.memory_space<vmem>>, vector<1024x128xf32>
    %mul3A_67 = arith.constant 1.024000e+03 : f32
    %mul3A_68 = vector.broadcast %mul3A_67 : f32 to vector<1024x128xf32>
    %mul3A_69 = arith.mulf %get3A_66, %mul3A_68 : vector<1024x128xf32>
    %convert_element_type3A_70 = arith.fptosi %mul3A_69 : vector<1024x128xf32> to vector<1024x128xi32>
    %jit3A_71 = arith.constant 0 : i32
    %jit3A_72 = arith.constant 1023 : i32
    %max3A_73 = vector.broadcast %jit3A_71 : i32 to vector<1024x128xi32>
    %max3A_74 = arith.maxsi %max3A_73, %convert_element_type3A_70 : vector<1024x128xi32>
    %min3A_75 = vector.broadcast %jit3A_72 : i32 to vector<1024x128xi32>
    %min3A_76 = arith.minsi %min3A_75, %max3A_74 : vector<1024x128xi32>
    %shift_left3A_77 = arith.constant 10 : i32
    %shift_left3A_78 = vector.broadcast %shift_left3A_77 : i32 to vector<1024x128xi32>
    %shift_left3A_79 = arith.shli %min3A_76, %shift_left3A_78 : vector<1024x128xi32>
    %or3A = arith.ori %shift_left3A_63, %shift_left3A_79 : vector<1024x128xi32>
    %get3A_80 = arith.constant 0 : index
    %get3A_81 = arith.constant 0 : index
    %get3A_82 = vector.load %arg6[%get3A_80, %get3A_81] : memref<1024x128xf32, #tpu.memory_space<vmem>>, vector<1024x128xf32>
    %mul3A_83 = arith.constant 1.024000e+03 : f32
    %mul3A_84 = vector.broadcast %mul3A_83 : f32 to vector<1024x128xf32>
    %mul3A_85 = arith.mulf %get3A_82, %mul3A_84 : vector<1024x128xf32>
    %convert_element_type3A_86 = arith.fptosi %mul3A_85 : vector<1024x128xf32> to vector<1024x128xi32>
    %jit3A_87 = arith.constant 0 : i32
    %jit3A_88 = arith.constant 1023 : i32
    %max3A_89 = vector.broadcast %jit3A_87 : i32 to vector<1024x128xi32>
    %max3A_90 = arith.maxsi %max3A_89, %convert_element_type3A_86 : vector<1024x128xi32>
    %min3A_91 = vector.broadcast %jit3A_88 : i32 to vector<1024x128xi32>
    %min3A_92 = arith.minsi %min3A_91, %max3A_90 : vector<1024x128xi32>
    %or3A_93 = arith.ori %or3A, %min3A_92 : vector<1024x128xi32>
    %swap3A_94 = arith.constant 0 : index
    %swap3A_95 = arith.constant 0 : index
    %swap3A_96 = vector.load %arg9[%swap3A_94, %swap3A_95] : memref<1024x128xi32, #tpu.memory_space<vmem>>, vector<1024x128xi32>
    tpu.vector_store %arg9[%swap3A_94, %swap3A_95], %or3A_93 {strides = array<i32>} : memref<1024x128xi32, #tpu.memory_space<vmem>>, vector<1024x128xi32>,
    return
  }
  func.func @transform_0(%arg0: i32) -> (i32, i32) {
    %c0_i32 = arith.constant 0 : i32
    %c0_i32_0 = arith.constant 0 : i32
    return %arg0, %c0_i32 : i32, i32
  }
  func.func @transform_1(%arg0: i32) -> (i32, i32) {
    %c0_i32 = arith.constant 0 : i32
    %c0_i32_0 = arith.constant 0 : i32
    return %arg0, %c0_i32 : i32, i32
  }
  func.func @transform_2(%arg0: i32) -> (i32, i32) {
    %c0_i32 = arith.constant 0 : i32
    %c0_i32_0 = arith.constant 0 : i32
    return %arg0, %c0_i32 : i32, i32
  }
  func.func @transform_3(%arg0: i32) -> (i32, i32) {
    %c0_i32 = arith.constant 0 : i32
    %c0_i32_0 = arith.constant 0 : i32
    return %arg0, %c0_i32 : i32, i32
  }
  func.func @transform_4(%arg0: i32) -> (i32, i32) {
    %c0_i32 = arith.constant 0 : i32
    %c0_i32_0 = arith.constant 0 : i32
    return %arg0, %c0_i32 : i32, i32
  }
  func.func @transform_5(%arg0: i32) -> (i32, i32) {
    %c0_i32 = arith.constant 0 : i32
    %c0_i32_0 = arith.constant 0 : i32
    return %arg0, %c0_i32 : i32, i32
  }
  func.func @transform_6(%arg0: i32) -> (i32, i32) {
    %c0_i32 = arith.constant 0 : i32
    %c0_i32_0 = arith.constant 0 : i32
    return %arg0, %c0_i32 : i32, i32
  }
  func.func @transform_7(%arg0: i32) -> (i32, i32) {
    %c0_i32 = arith.constant 0 : i32
    %c0_i32_0 = arith.constant 0 : i32
    return %arg0, %c0_i32 : i32, i32
  }
  func.func @transform_8(%arg0: i32) -> (i32, i32) {
    %c0_i32 = arith.constant 0 : i32
    %c0_i32_0 = arith.constant 0 : i32
    return %arg0, %c0_i32 : i32, i32
  }
}

module attributes {stable_mosaic.version = 14 : i64} {
  func.func @_unpack_body(%arg0: memref<2400x128xi32, #tpu.memory_space<vmem>>, %arg1: memref<2400x128xf32, #tpu.memory_space<vmem>>, %arg2: memref<2400x128xf32, #tpu.memory_space<vmem>>, %arg3: memref<2400x128xf32, #tpu.memory_space<vmem>>) attributes {dimension_semantics = [], scalar_prefetch = 0 : i64, scratch_operands = 0 : i64, tpu.core_type = #tpu.core_type<tc>} {
    %get3A = arith.constant 0 : index
    %get3A_0 = arith.constant 0 : index
    %get3A_1 = vector.load %arg0[%get3A, %get3A_0] : memref<2400x128xi32, #tpu.memory_space<vmem>>, vector<2400x128xi32>
    %ge3A = arith.constant 0 : i32
    %ge3A_2 = vector.broadcast %ge3A : i32 to vector<2400x128xi32>
    %ge3A_3 = arith.cmpi sge, %get3A_1, %ge3A_2 : vector<2400x128xi32>
    %shift_right_arithmetic3A = arith.constant 20 : i32
    %shift_right_arithmetic3A_4 = vector.broadcast %shift_right_arithmetic3A : i32 to vector<2400x128xi32>
    %shift_right_arithmetic3A_5 = arith.shrsi %get3A_1, %shift_right_arithmetic3A_4 : vector<2400x128xi32>
    %and3A = arith.constant 1023 : i32
    %and3A_6 = vector.broadcast %and3A : i32 to vector<2400x128xi32>
    %and3A_7 = arith.andi %shift_right_arithmetic3A_5, %and3A_6 : vector<2400x128xi32>
    %convert_element_type3A = arith.sitofp %and3A_7 : vector<2400x128xi32> to vector<2400x128xf32>
    %add3A = arith.constant 5.000000e-01 : f32
    %add3A_8 = vector.broadcast %add3A : f32 to vector<2400x128xf32>
    %add3A_9 = arith.addf %convert_element_type3A, %add3A_8 : vector<2400x128xf32>
    %mul3A = arith.constant 9.765625E-4 : f32
    %mul3A_10 = vector.broadcast %mul3A : f32 to vector<2400x128xf32>
    %mul3A_11 = arith.mulf %add3A_9, %mul3A_10 : vector<2400x128xf32>
    %jit3A = arith.constant 0.000000e+00 : f32
    %broadcast_in_dim3A = vector.broadcast %jit3A : f32 to vector<2400x128xf32>
    %select_n3A = arith.select %ge3A_3, %mul3A_11, %broadcast_in_dim3A : vector<2400x128xi1>, vector<2400x128xf32>
    %swap3A = arith.constant 0 : index
    %swap3A_12 = arith.constant 0 : index
    %swap3A_13 = vector.load %arg1[%swap3A, %swap3A_12] : memref<2400x128xf32, #tpu.memory_space<vmem>>, vector<2400x128xf32>
    tpu.vector_store %arg1[%swap3A, %swap3A_12], %select_n3A {strides = array<i32>} : memref<2400x128xf32, #tpu.memory_space<vmem>>, vector<2400x128xf32>,
    %shift_right_arithmetic3A_14 = arith.constant 10 : i32
    %shift_right_arithmetic3A_15 = vector.broadcast %shift_right_arithmetic3A_14 : i32 to vector<2400x128xi32>
    %shift_right_arithmetic3A_16 = arith.shrsi %get3A_1, %shift_right_arithmetic3A_15 : vector<2400x128xi32>
    %and3A_17 = arith.constant 1023 : i32
    %and3A_18 = vector.broadcast %and3A_17 : i32 to vector<2400x128xi32>
    %and3A_19 = arith.andi %shift_right_arithmetic3A_16, %and3A_18 : vector<2400x128xi32>
    %convert_element_type3A_20 = arith.sitofp %and3A_19 : vector<2400x128xi32> to vector<2400x128xf32>
    %add3A_21 = arith.constant 5.000000e-01 : f32
    %add3A_22 = vector.broadcast %add3A_21 : f32 to vector<2400x128xf32>
    %add3A_23 = arith.addf %convert_element_type3A_20, %add3A_22 : vector<2400x128xf32>
    %mul3A_24 = arith.constant 9.765625E-4 : f32
    %mul3A_25 = vector.broadcast %mul3A_24 : f32 to vector<2400x128xf32>
    %mul3A_26 = arith.mulf %add3A_23, %mul3A_25 : vector<2400x128xf32>
    %jit3A_27 = arith.constant 0.000000e+00 : f32
    %broadcast_in_dim3A_28 = vector.broadcast %jit3A_27 : f32 to vector<2400x128xf32>
    %select_n3A_29 = arith.select %ge3A_3, %mul3A_26, %broadcast_in_dim3A_28 : vector<2400x128xi1>, vector<2400x128xf32>
    %swap3A_30 = arith.constant 0 : index
    %swap3A_31 = arith.constant 0 : index
    %swap3A_32 = vector.load %arg2[%swap3A_30, %swap3A_31] : memref<2400x128xf32, #tpu.memory_space<vmem>>, vector<2400x128xf32>
    tpu.vector_store %arg2[%swap3A_30, %swap3A_31], %select_n3A_29 {strides = array<i32>} : memref<2400x128xf32, #tpu.memory_space<vmem>>, vector<2400x128xf32>,
    %shift_right_arithmetic3A_33 = arith.constant 0 : i32
    %shift_right_arithmetic3A_34 = vector.broadcast %shift_right_arithmetic3A_33 : i32 to vector<2400x128xi32>
    %shift_right_arithmetic3A_35 = arith.shrsi %get3A_1, %shift_right_arithmetic3A_34 : vector<2400x128xi32>
    %and3A_36 = arith.constant 1023 : i32
    %and3A_37 = vector.broadcast %and3A_36 : i32 to vector<2400x128xi32>
    %and3A_38 = arith.andi %shift_right_arithmetic3A_35, %and3A_37 : vector<2400x128xi32>
    %convert_element_type3A_39 = arith.sitofp %and3A_38 : vector<2400x128xi32> to vector<2400x128xf32>
    %add3A_40 = arith.constant 5.000000e-01 : f32
    %add3A_41 = vector.broadcast %add3A_40 : f32 to vector<2400x128xf32>
    %add3A_42 = arith.addf %convert_element_type3A_39, %add3A_41 : vector<2400x128xf32>
    %mul3A_43 = arith.constant 9.765625E-4 : f32
    %mul3A_44 = vector.broadcast %mul3A_43 : f32 to vector<2400x128xf32>
    %mul3A_45 = arith.mulf %add3A_42, %mul3A_44 : vector<2400x128xf32>
    %jit3A_46 = arith.constant 0.000000e+00 : f32
    %broadcast_in_dim3A_47 = vector.broadcast %jit3A_46 : f32 to vector<2400x128xf32>
    %select_n3A_48 = arith.select %ge3A_3, %mul3A_45, %broadcast_in_dim3A_47 : vector<2400x128xi1>, vector<2400x128xf32>
    %swap3A_49 = arith.constant 0 : index
    %swap3A_50 = arith.constant 0 : index
    %swap3A_51 = vector.load %arg3[%swap3A_49, %swap3A_50] : memref<2400x128xf32, #tpu.memory_space<vmem>>, vector<2400x128xf32>
    tpu.vector_store %arg3[%swap3A_49, %swap3A_50], %select_n3A_48 {strides = array<i32>} : memref<2400x128xf32, #tpu.memory_space<vmem>>, vector<2400x128xf32>,
    return
  }
}

</mosaic_0001>

<sc_bundles>
// kernel: kernel.5.cloned.1.call-start
scs
__scs_entry_jumppad:
0x0: {  	(pc) =	sbr.rel $0x88, $3  }
0x1: {  	(tag) =	ssettag $0x0;
	lr =	simm.s32 $0x1  }
0x2: {  	[smem:$0x3F9F] =	sst lr;
	_ =	strace $0xD0000000  }
0x3: {  	_ = 	snop  }
0x4: {  	_ = 	snop  }
0x5: {  	_ = 	snop  }
0x6: {  	_ = 	snop  }
0x7: {  	_ = 	snop  }
__scs_overlays_trampoline_lowered:
0x8: {  	[smem:$0x3FAE] =	sst s0  }
0x9: {  	[smem:$0x3FAF] =	sst s1  }
0xa: {  	[smem:$0x3FB0] =	sst s2  }
0xb: {  	[smem:$0x3FB1] =	sst s3  }
0xc: {  	[smem:$0x3FB2] =	sst s4  }
0xd: {  	[smem:$0x3FB3] =	sst s5  }
0xe: {  	[smem:$0x3FB4] =	sst s6  }
0xf: {  	[smem:$0x3FB5] =	sst s7  }
0x10: {  	[smem:$0x3FB6] =	sst s8  }
0x11: {  	[smem:$0x3FB7] =	sst s9;
	s0 =	simm.s32 @!p0 $0x0  }
0x12: {  	s1 =	sld [smem:$0x3F9D];
	s0 =	simm.s32 @p0 $0x1  }
0x13: {  	[smem:$0x3FB8] =	sst s0;
	s0 =	simm.s32 @!p1 $0x0  }
0x14: {  	s2 =	sld [smem:$0x3F9C];
	s0 =	simm.s32 @p1 $0x1  }
0x15: {  	[smem:$0x3FB9] =	sst s0;
	s0 =	simm.s32 @!p2 $0x0  }
0x16: {  	s3 =	sld [smem:$0x3FDB];
	s0 =	simm.s32 @p2 $0x1  }
0x17: {  	s4 =	simm.s32 $0x1BF5;
	[smem:$0x3FBB] =	sst s0  }
0x18: {  	s0 =	sld [smem:$0x3F9E];
	_ =	swait.ge [sflag:s4], $0x0  }
0x19: {  	s7 =	sld [smem:$0x3F9F]  }
0x1a: {  	s8 =	sadd.s32 $0xFFFFE003, lr  }
0x1b: {  	s9 =	sadd.s32 $0xFFFFFEF7, lr;
	s5 =	simm.s32 $0xFFFFFFFF;
	p2 =	slt.u32 s8, $0xFFFFF086  }
0x1c: {  	p1 =	slt.u32 s9, $0xF7A;
	s5 =	simm.s32 @!p2 $0x0  }
0x1d: {  	s5 =	simm.s32 @p1 $0x1;
	p0 =	seq.s32 s7, s2  }
0x1e: {  	s7 =	smul.u32 @!p0 $0xF7A, s2;
	p2 =	seq.s32 @!p0 s5, $0x0  }
0x1f: {  	s9 =	smul.u32 $0xF7A, s1;
	s8 =	simm.s32 @!p0 $0x1BF5;
	p2 =	por !p2, p0  }
0x20: {  	[sflag:s8] =	ssyncset.s32 @!p0 $0xFFFFF086;
	s6 =	sadd.s32 @!p0 s3, s7;
	s7 =	simm.s32 @!p0 $0x108  }
0x21: {  	s3 =	sadd.s32 s3, s9;
	s6 =	sadd.s32 @!p0 $0x88, s6;
	s7 =	simm.s32 @p2 $0x1082  }
0x22: {  	[simem:s7], [sflag:s8] =	dma.local @!p0 [hbm:s6], $0xF7A  }
0x23: {  	s9 =	sor.u32 $0xD0000000, s2;
	s6 =	simm.s32 $0x108;
	_ =	swait.ge @!p0 [sflag:s8], $0x0  }
0x24: {  	s3 =	sadd.s32 $0x88, s3;
	s6 =	simm.s32 @!p1 $0x1082;
	[sflag:s4] =	ssyncset.s32 $0xFFFFF086  }
0x25: {  	[simem:s6], [sflag:s4] =	dma.local [hbm:s3], $0xF7A  }
0x26: {  	[smem:$0x3F9F] =	sst s1;
	(tag) =	ssettag s2;
	_ =	strace s9  }
0x27: {  	s1 =	sld [smem:$0x3FAF]  }
0x28: {  	s2 =	sld [smem:$0x3FB0]  }
0x29: {  	s4 =	sld [smem:$0x3FB2]  }
0x2a: {  	p0 =	seq.s32 s5, $0x0;
	s5 =	sld [smem:$0x3FB3]  }
0x2b: {  	s6 =	sld [smem:$0x3FB4]  }
0x2c: {  	s7 =	sld [smem:$0x3FB5]  }
0x2d: {  	s3 =	simm.s32 $0x108;
	s8 =	sld [smem:$0x3FB6]  }
0x2e: {  	s3 =	simm.s32 @!p0 $0x1082;
	s9 =	sld [smem:$0x3FB7]  }
0x2f: {  	lr =	sadd.s32 s0, s3;
	s0 =	sld [smem:$0x3FAE]  }
0x30: {  	s3 =	sld [smem:$0x3FB1]  }
0x31: {  	[smem:$0x3FBA] =	sst s10  }
0x32: {  	s10 =	sld [smem:$0x3FB8];
	_ =	sdelay $0x3  }
0x33: {  	p0 =	seq.s32 s10, $0x1;
	s10 =	sld [smem:$0x3FBA];
	_ =	sdelay $0x3  }
0x34: {  	[smem:$0x3FBA] =	sst s10  }
0x35: {  	s10 =	sld [smem:$0x3FB9];
	_ =	sdelay $0x3  }
0x36: {  	p1 =	seq.s32 s10, $0x1;
	s10 =	sld [smem:$0x3FBA];
	_ =	sdelay $0x3  }
0x37: {  	[smem:$0x3FBA] =	sst s10  }
0x38: {  	s10 =	sld [smem:$0x3FBB]  }
0x39: {  	_ = 	snop;
	(pc) =	sbr.ind lr, $3  }
0x3a: {  	_ = 	snop  }
0x3b: {  	_ = 	snop  }
0x3c: {  	p2 =	seq.s32 s10, $0x1;
	s10 =	sld [smem:$0x3FBA]  }
0x3d: {  	_ =	shalt  }
0x3e: {  	_ =	shalt  }
0x3f: {  	_ =	shalt  }
0x40: {  	_ =	shalt  }
0x41: {  	_ =	shalt  }
0x42: {  	_ =	shalt  }
0x43: {  	_ =	shalt  }
0x44: {  	_ =	shalt  }
0x45: {  	_ =	shalt  }
0x46: {  	_ =	shalt  }
0x47: {  	_ =	shalt  }
0x48: {  	_ =	shalt  }
0x49: {  	_ =	shalt  }
0x4a: {  	_ =	shalt  }
0x4b: {  	_ =	shalt  }
0x4c: {  	_ =	shalt  }
0x4d: {  	_ =	shalt  }
0x4e: {  	_ =	shalt  }
0x4f: {  	_ =	shalt  }
0x50: {  	_ =	shalt  }
0x51: {  	_ =	shalt  }
0x52: {  	_ =	shalt  }
0x53: {  	_ =	shalt  }
0x54: {  	_ =	shalt  }
0x55: {  	_ =	shalt  }
0x56: {  	_ =	shalt  }
0x57: {  	_ =	shalt  }
0x58: {  	_ =	shalt  }
0x59: {  	_ =	shalt  }
0x5a: {  	_ =	shalt  }
0x5b: {  	_ =	shalt  }
0x5c: {  	_ =	shalt  }
0x5d: {  	_ =	shalt  }
0x5e: {  	_ =	shalt  }
0x5f: {  	_ =	shalt  }
0x60: {  	_ =	shalt  }
0x61: {  	_ =	shalt  }
0x62: {  	_ =	shalt  }
0x63: {  	_ =	shalt  }
0x64: {  	_ =	shalt  }
0x65: {  	_ =	shalt  }
0x66: {  	_ =	shalt  }
0x67: {  	_ =	shalt  }
0x68: {  	_ =	shalt  }
0x69: {  	_ =	shalt  }
0x6a: {  	_ =	shalt  }
0x6b: {  	_ =	shalt  }
0x6c: {  	_ =	shalt  }
0x6d: {  	_ =	shalt  }
0x6e: {  	_ =	shalt  }
0x6f: {  	_ =	shalt  }
0x70: {  	_ =	shalt  }
0x71: {  	_ =	shalt  }
0x72: {  	_ =	shalt  }
0x73: {  	_ =	shalt  }
0x74: {  	_ =	shalt  }
0x75: {  	_ =	shalt  }
0x76: {  	_ =	shalt  }
0x77: {  	_ =	shalt  }
0x78: {  	_ =	shalt  }
0x79: {  	_ =	shalt  }
0x7a: {  	_ =	shalt  }
0x7b: {  	_ =	shalt  }
0x7c: {  	_ =	shalt  }
0x7d: {  	_ =	shalt  }
0x7e: {  	_ =	shalt  }
0x7f: {  	_ =	shalt  }
0x80: {  	_ =	shalt  }
0x81: {  	_ =	shalt  }
0x82: {  	_ =	shalt  }
0x83: {  	_ =	shalt  }
0x84: {  	_ =	shalt  }
0x85: {  	_ =	shalt  }
0x86: {  	_ =	shalt  }
0x87: {  	_ =	shalt  }
.Lfunc_end0:
.L_simem_size_0:
called_computation_lowered:
.L_overlay_start_0:
0x88: {  	s2 =	sld [smem:$0x3FD9]  }
0x89: {  	s3 =	sld [smem:$0x3FFE];
	_ =	sdelay $0x1  }
0x8a: {  	s1 =	srdreg.scid  }
0x8b: {  	s0 =	sand.u32 $0x1, s1  }
0x8c: {  	s17 =	sshll.u32 s0, $0xA;
	s2 =	sadd.s32 s3, s2  }
0x8d: {  	s2 =	sadd.s32 s2, s17  }
0x8e: {  	[smem:$0x3FC6] =	sst s2  }
0x8f: {  	_ = 	snop  }
0x90: {  	s2 =	sld [smem:$0x3FD0];
	(tm) =	ssettm $0x1  }
0x91: {  	s18 =	sld [smem:$0x3FFB];
	_ =	sdelay $0x3  }
0x92: {  	_ =	strace s18  }
0x93: {  	s3 =	sld [smem:$0x3FFC];
	_ =	sdelay $0x3  }
0x94: {  	_ =	strace s3  }
0x95: {  	s3 =	sld [smem:$0x3FFD];
	_ =	sdelay $0x3  }
0x96: {  	_ =	strace s3  }
0x97: {  	_ =	strace $0x8FFFFFFF  }
0x98: {  	s19 =	sld [smem:$0x3FDB];
	_ =	sdelay $0x1  }
0x99: {  	s4 =	simm.s32 $_scs_section_size  }
0x9a: {  	s5 =	simm.s32 $_size__tile_overlayer_lowered;
	s6 =	simm.s32 $_tile_overlayer_lowered  }
0x9b: {  	s22 =	simm.s32 $0x1BFF;
	s21 =	sshll.u32 s6, $0x1;
	s3 =	sadd.s32 s4, s19  }
0x9c: {  	s7 =	simm.s32 $0x0;
	s20 =	sshll.u32 s5, $0x1;
	s5 =	sadd.s32 s21, s3  }
0x9d: {  	[timem:s7], [sflag:s22] =	dma.local [hbm:s5], s20  }
0x9e: {  	_ =	swait.ge [sflag:s22], s20  }
0x9f: {  	s4 =	ssub.s32 $0x0, s20;
	[sflag:s22] =	ssyncset.done $0x0  }
0xa0: {  	[sflag:s22] =	ssyncadd.s32 s4;
	_ =	sdelay $0x1  }
0xa1: {  	s23 =	simm.s32 $0x1B8B  }
0xa2: {  	_ =	swait.ge [sflag:s23], $0x1  }
0xa3: {  	[sflag:s23] =	ssyncset.done $0x0  }
0xa4: {  	s25 =	simm.s32 $0x1B8E;
	s24 =	sld [smem:$0x3FFE];
	[sflag:s23] =	ssyncadd.s32 $0xFFFFFFFF  }
0xa5: {  	s26 =	simm.s32 $execute0_lowered;
	[smem:$0x3FD2] =	sst s25  }
0xa6: {  	s5 =	sshll.u32 s26, $0x1;
	_ =	strace $0x80000046;
	[dreg:$0x1] =	wrdreg $0xFFFFFFFF  }
0xa7: {  	s28 =	simm.s32 $_size_execute0_lowered;
	s3 =	sadd.s32 s3, s5;
	[dreg:$0x0] =	wrdreg $0x0  }
0xa8: {  	s5 =	sshll.u32 s28, $0x1;
	[dreg:$0x2] =	wrdreg s3  }
0xa9: {  	[dreg:$0x3] =	wrdreg s5  }
0xaa: {  	[dreg:$0x4] =	wrdreg $0xC0  }
0xab: {  	_ =	task [dreg:s7], $0x5FFFF  }
0xac: {  	[dreg:$0x1] =	wrdreg $0xFFFFFFFF  }
0xad: {  	[dreg:$0x0] =	wrdreg $0x60  }
0xae: {  	[dreg:$0x2] =	wrdreg s24  }
0xaf: {  	[dreg:$0x3] =	wrdreg s2  }
0xb0: {  	[dreg:$0x4] =	wrdreg $0x9  }
0xb1: {  	_ =	task.clear_ibuf [dreg:s7], $0x5FFFF;
	_ =	strace $0x90000046  }
0xb2: {  	s29 =	simm.s32 $0x9;
	_ =	strace $0x80000048  }
0xb3: {  	_ =	swait.ge [sflag:s29], $0x1  }
0xb4: {  	[sflag:s29] =	ssyncadd.s32 $0xFFFFFFFF  }
0xb5: {  	_ =	strace $0x90000048  }
0xb6: {  	_ =	sfence  }
0xb7: {  	s30 =	sld [smem:$0x0];
	_ =	sdelay $0x2  }
0xb8: {  	s31 =	sshll.u32 s1, $0xD;
	s1 =	sshrl.u32 s1, $0x2  }
0xb9: {  	s3 =	sand.u32 $0x4000, s31;
	s1 =	sadd.s32 s1, s30  }
0xba: {  	s0 =	sor.u32 s3, s0;
	s1 =	sshll.u32 s1, $0x11  }
0xbb: {  	s0 =	sor.u32 s1, s0  }
0xbc: {  	s0 =	sadd.s32 $0x8F2B, s0  }
0xbd: {  	[sflag:s0] =	ssyncadd.remote.s32 $0x1  }
0xbe: {  	_ =	sfence.sel $0xFFFF  }
0xbf: {  	[dreg:$0x0] =	wrdreg $0xFFFFFFFF;
	(pc) =	sbr.abs _section_cstart, $3  }
0xc0: {  	[dreg:$0x1] =	wrdreg $0xFFFFFFFF  }
0xc1: {  	_ =	task.clear_ibuf [dreg:s7], $0x2FFFF;
	_ =	strace $0x9FFFFFFF  }
0xc2: {  	(tm) =	ssettm $0x7FFFFFFF  }
0xc3: {  	_ =	shalt  }
tec
execute0_lowered:
.L_overlay_start_1:
0x0: {  	(tag) =	ssettag $0x1  }
0x1: {  	s0 =	rddreg [dreg:$0x0]  }
0x2: {  	s7 =	rddreg [dreg:$0x1];
	s2 =	simm.s32 $0x0;
	s3 =	srdreg.scid  }
0x3: {  	s13 =	stileid.u32;
	[smem:$0x7FF] =	sst s2  }
0x4: {  	s1 =	sadd.s32 $0x80000, s0;
	s5 =	sand.u32 $0x1, s3;
	s3 =	sand.u32 $0x3, s13  }
0x5: {  	s4 =	sand.u32 $0xC, s13;
	s12 =	sshrl.u32 s13, $0x2;
	s6 =	sshll.u32 s5, $0x4  }
0x6: {  	s8 =	ssub.s32 $0x2, s5;
	s10 =	smul.u32 $0x2580, s3;
	s9 =	sor.u32 s4, s6  }
0x7: {  	s5 =	sshll.u32 s5, $0x2;
	s6 =	sor.u32 s13, s6;
	s9 =	smul.u32 $0x9600, s9  }
0x8: {  	s4 =	sadd.s32 $0xA5800, s0;
	s11 =	sshrl.u32 s8, $0x1;
	s13 =	smul.u32 $0x12C0, s6  }
0x9: {  	s12 =	sor.u32 s12, s5;
	s5 =	ssub.s32 s8, s11;
	s20 =	sadd.s32 s10, s9  }
0xa: {  	s23 =	smul.u32 $0x9600, s12;
	s21 =	sadd.s32 s1, s13;
	s6 =	sshrl.u32 s20, $0x3  }
0xb: {  	s22 =	sadd.s32 s4, s13;
	[dreg:$0x3] =	wrdreg s21;
	s24 =	sadd.s32 $0x12C0, s6  }
0xc: {  	s10 =	sadd.s32 s10, s23;
	[dreg:$0x4] =	wrdreg s22;
	s25 =	sadd.s32 s1, s24  }
0xd: {  	s26 =	sadd.s32 $0x2580, s6;
	s8 =	sadd.s32 s4, s24;
	[dreg:$0x5] =	wrdreg s25  }
0xe: {  	s29 =	sadd.s32 $0x3840, s6;
	s28 =	sadd.s32 s1, s26;
	[dreg:$0x6] =	wrdreg s8  }
0xf: {  	s11 =	sshrl.u32 s10, $0x3;
	s30 =	sadd.s32 s1, s29;
	[dreg:$0x7] =	wrdreg s28  }
0x10: {  	s12 =	sadd.s32 $0x78, s6;
	s9 =	sadd.s32 s4, s29;
	[dreg:$0x9] =	wrdreg s30  }
0x11: {  	s11 =	sadd.s32 s7, s11;
	s13 =	sadd.s32 s1, s12;
	[dreg:$0xa] =	wrdreg s9  }
0x12: {  	s14 =	sadd.s32 $0x1338, s6;
	s7 =	sadd.s32 s4, s12;
	[dreg:$0xb] =	wrdreg s13  }
0x13: {  	s16 =	sadd.s32 $0x25F8, s6;
	s15 =	sadd.s32 s1, s14;
	[dreg:$0xc] =	wrdreg s7  }
0x14: {  	s18 =	sadd.s32 $0x38B8, s6;
	s17 =	sadd.s32 s1, s16;
	[dreg:$0xd] =	wrdreg s15  }
0x15: {  	s20 =	sadd.s32 $0xF0, s6;
	s19 =	sadd.s32 s1, s18;
	[dreg:$0xf] =	wrdreg s17  }
0x16: {  	s22 =	sadd.s32 $0x13B0, s6;
	s21 =	sadd.s32 s1, s20;
	[dreg:$0x11] =	wrdreg s19  }
0x17: {  	s10 =	sadd.s32 $0x1428, s6;
	s24 =	sadd.s32 s1, s22;
	[dreg:$0x13] =	wrdreg s21  }
0x18: {  	s12 =	sadd.s32 s1, s10;
	[dreg:$0x15] =	wrdreg s24  }
0x19: {  	s8 =	sadd.s32 s4, s26;
	[dreg:$0x1d] =	wrdreg s12  }
0x1a: {  	s7 =	sadd.s32 s4, s14;
	[dreg:$0x8] =	wrdreg s8  }
0x1b: {  	s25 =	sadd.s32 $0x2670, s6;
	[dreg:$0xe] =	wrdreg s7;
	s7 =	sadd.s32 s4, s16  }
0x1c: {  	s28 =	sadd.s32 $0x3930, s6;
	s26 =	sadd.s32 s1, s25;
	[dreg:$0x10] =	wrdreg s7  }
0x1d: {  	s30 =	sadd.s32 $0x168, s6;
	s29 =	sadd.s32 s1, s28;
	[dreg:$0x17] =	wrdreg s26  }
0x1e: {  	s13 =	sadd.s32 $0x26E8, s6;
	s9 =	sadd.s32 s1, s30;
	[dreg:$0x19] =	wrdreg s29  }
0x1f: {  	s15 =	sadd.s32 $0x39A8, s6;
	s14 =	sadd.s32 s1, s13;
	[dreg:$0x1b] =	wrdreg s9  }
0x20: {  	s16 =	sadd.s32 s1, s15;
	[dreg:$0x1f] =	wrdreg s14  }
0x21: {  	s17 =	sadd.s32 $0x1E0, s6;
	s7 =	sadd.s32 s4, s18;
	[smem:$0x7C9] =	sst s16  }
0x22: {  	s18 =	sadd.s32 s1, s17;
	[dreg:$0x12] =	wrdreg s7  }
0x23: {  	s19 =	sadd.s32 $0x14A0, s6;
	s7 =	sadd.s32 s4, s20;
	[smem:$0x7CB] =	sst s18  }
0x24: {  	s20 =	sadd.s32 s1, s19;
	[dreg:$0x14] =	wrdreg s7  }
0x25: {  	s21 =	sadd.s32 $0x2760, s6;
	s7 =	sadd.s32 s4, s22;
	[smem:$0x7CD] =	sst s20  }
0x26: {  	s22 =	sadd.s32 s1, s21;
	[dreg:$0x16] =	wrdreg s7  }
0x27: {  	s24 =	sadd.s32 $0x3A20, s6;
	s7 =	sadd.s32 s4, s25;
	[smem:$0x7CF] =	sst s22  }
0x28: {  	s25 =	sadd.s32 s1, s24;
	[dreg:$0x18] =	wrdreg s7  }
0x29: {  	s26 =	sadd.s32 $0x258, s6;
	s7 =	sadd.s32 s4, s28;
	[smem:$0x7D1] =	sst s25  }
0x2a: {  	s28 =	sadd.s32 s1, s26;
	[dreg:$0x1a] =	wrdreg s7  }
0x2b: {  	s29 =	sadd.s32 $0x1518, s6;
	s7 =	sadd.s32 s4, s30;
	[smem:$0x7D3] =	sst s28  }
0x2c: {  	s30 =	sadd.s32 s1, s29;
	[dreg:$0x1c] =	wrdreg s7  }
0x2d: {  	s9 =	sadd.s32 $0x27D8, s6;
	s7 =	sadd.s32 s4, s10;
	[smem:$0x7D5] =	sst s30  }
0x2e: {  	s10 =	sadd.s32 s1, s9;
	[dreg:$0x1e] =	wrdreg s7  }
0x2f: {  	s12 =	sadd.s32 $0x3A98, s6;
	s7 =	sadd.s32 s4, s13;
	[smem:$0x7D7] =	sst s10  }
0x30: {  	s13 =	sadd.s32 s1, s12;
	[smem:$0x7C8] =	sst s7  }
0x31: {  	s14 =	sadd.s32 $0x2D0, s6;
	s7 =	sadd.s32 s4, s15;
	[smem:$0x7D9] =	sst s13  }
0x32: {  	s15 =	sadd.s32 s1, s14;
	[smem:$0x7CA] =	sst s7  }
0x33: {  	s16 =	sadd.s32 $0x1590, s6;
	s7 =	sadd.s32 s4, s17;
	[smem:$0x7DB] =	sst s15  }
0x34: {  	s17 =	sadd.s32 s1, s16;
	[smem:$0x7CC] =	sst s7  }
0x35: {  	s18 =	sadd.s32 $0x2850, s6;
	s7 =	sadd.s32 s4, s19;
	[smem:$0x7DD] =	sst s17  }
0x36: {  	s19 =	sadd.s32 s1, s18;
	[smem:$0x7CE] =	sst s7  }
0x37: {  	s20 =	sadd.s32 $0x3B10, s6;
	s7 =	sadd.s32 s4, s21;
	[smem:$0x7DF] =	sst s19  }
0x38: {  	s21 =	sadd.s32 s1, s20;
	[smem:$0x7D0] =	sst s7  }
0x39: {  	s22 =	sadd.s32 $0x348, s6;
	s7 =	sadd.s32 s4, s24;
	[smem:$0x7E1] =	sst s21  }
0x3a: {  	s24 =	sadd.s32 s1, s22;
	[smem:$0x7D2] =	sst s7  }
0x3b: {  	s25 =	sadd.s32 $0x1608, s6;
	s7 =	sadd.s32 s4, s26;
	[smem:$0x7E3] =	sst s24  }
0x3c: {  	s26 =	sadd.s32 s1, s25;
	[smem:$0x7D4] =	sst s7  }
0x3d: {  	s28 =	sadd.s32 $0x28C8, s6;
	s7 =	sadd.s32 s4, s29;
	[smem:$0x7E5] =	sst s26  }
0x3e: {  	s31 =	sshll.u32 s3, $0x10;
	s29 =	sadd.s32 s1, s28;
	[smem:$0x7D6] =	sst s7  }
0x3f: {  	s3 =	sadd.s32 $0x40000, s0;
	s26 =	sadd.s32 s1, s6;
	[smem:$0x7E7] =	sst s29  }
0x40: {  	s30 =	sadd.s32 $0x3B88, s6;
	s7 =	sadd.s32 s4, s9;
	[smem:$0x7F9] =	sst s26  }
0x41: {  	v0 =	vmov s23;
	s23 =	simm.s32 $0x13740;
	s9 =	sadd.s32 s1, s30;
	[smem:$0x7D8] =	sst s7  }
0x42: {  	s10 =	sadd.s32 $0x3C0, s6;
	s7 =	sadd.s32 s4, s12;
	[smem:$0x7E9] =	sst s9  }
0x43: {  	s8 =	sadd.s32 $0x1E0, s11;
	s12 =	sadd.s32 s1, s10;
	[smem:$0x7DA] =	sst s7  }
0x44: {  	s13 =	sadd.s32 $0x1680, s6;
	s7 =	sadd.s32 s4, s14;
	[smem:$0x7EB] =	sst s12  }
0x45: {  	s15 =	sadd.s32 $0x2940, s6;
	s14 =	sadd.s32 s1, s13;
	[smem:$0x7DC] =	sst s7  }
0x46: {  	s17 =	sadd.s32 $0x3C00, s6;
	s7 =	sadd.s32 s4, s16;
	[smem:$0x7ED] =	sst s14  }
0x47: {  	s19 =	sadd.s32 $0x438, s6;
	s16 =	sadd.s32 s1, s15;
	[smem:$0x7DE] =	sst s7  }
0x48: {  	s21 =	sadd.s32 $0x16F8, s6;
	s7 =	sadd.s32 s4, s18;
	[smem:$0x7EF] =	sst s16  }
0x49: {  	s24 =	sadd.s32 $0x29B8, s6;
	s18 =	sadd.s32 s1, s17;
	[smem:$0x7E0] =	sst s7  }
0x4a: {  	s9 =	sadd.s32 $0x258, s11;
	s7 =	sadd.s32 s4, s20;
	[smem:$0x7F1] =	sst s18  }
0x4b: {  	s12 =	sadd.s32 $0x348, s11;
	s20 =	sadd.s32 s1, s19;
	[smem:$0x7E2] =	sst s7  }
0x4c: {  	s14 =	sadd.s32 $0x438, s11;
	s7 =	sadd.s32 s4, s22;
	[smem:$0x7F3] =	sst s20  }
0x4d: {  	s16 =	simm.s32 $0x1;
	s22 =	sadd.s32 s1, s21;
	[smem:$0x7E4] =	sst s7  }
0x4e: {  	s18 =	simm.s32 $0x1AC00;
	s7 =	sadd.s32 s4, s25;
	[smem:$0x7F5] =	sst s22  }
0x4f: {  	s20 =	simm.s32 $0x12FC0;
	s25 =	sadd.s32 s1, s24;
	[smem:$0x7E6] =	sst s7  }
0x50: {  	s22 =	simm.s32 $0x17380;
	s7 =	sadd.s32 s4, s28;
	[smem:$0x7F7] =	sst s25  }
0x51: {  	s28 =	sadd.s32 s4, s6;
	s6 =	sadd.s32 $0x3C78, s6;
	[smem:$0x7E8] =	sst s7  }
0x52: {  	s25 =	simm.s32 $0x0;
	s7 =	sadd.s32 s4, s30;
	[smem:$0x7FA] =	sst s28  }
0x53: {  	s1 =	sadd.s32 s1, s6;
	s29 =	sadd.s32 s4, s6;
	[smem:$0x7EA] =	sst s7  }
0x54: {  	s30 =	smax.u32 s5, $0x1;
	s5 =	sadd.s32 $0x78, s11;
	[smem:$0x7FB] =	sst s1  }
0x55: {  	s6 =	sadd.s32 $0xF0, s11;
	s7 =	sadd.s32 s4, s10;
	[smem:$0x7FC] =	sst s29  }
0x56: {  	s10 =	sadd.s32 $0x2D0, s11;
	[smem:$0x7EC] =	sst s7;
	s7 =	sadd.s32 s4, s13  }
0x57: {  	s13 =	sadd.s32 $0x3C0, s11;
	[smem:$0x7EE] =	sst s7;
	s7 =	sadd.s32 s4, s15  }
0x58: {  	s15 =	simm.s32 $0x12C00;
	[smem:$0x7F0] =	sst s7;
	s7 =	sadd.s32 s4, s17  }
0x59: {  	s17 =	simm.s32 $0x16C00;
	[smem:$0x7F2] =	sst s7;
	s7 =	sadd.s32 s4, s19  }
0x5a: {  	s19 =	simm.s32 $0x9600;
	[smem:$0x7F4] =	sst s7;
	s7 =	sadd.s32 s4, s21  }
0x5b: {  	s21 =	simm.s32 $0x13380;
	[smem:$0x7F6] =	sst s7;
	s7 =	sadd.s32 s4, s24  }
0x5c: {  	s4 =	sadd.s32 $0x1BA400, s0;
	s24 =	simm.s32 $0x17740;
	[smem:$0x7F8] =	sst s7  }
0x5d: {  	v1 =	vimm.s32 $0x7FFFFFFF;
	v2 =	vimm.s32 $0xFFFFFFFF;
	s7 =	sadd.s32 $0x168, s11;
	_ =	strace $0x80000047;
	[smem:$0x7FD] =	sst s30  }
.LBB2_1:
0x5e: {  	s26 =	simm.s32 $0x40;
	s1 =	simm.s32 $0x0  }
.LBB2_2:
0x5f: {  	p0 =	sne.s32 s26, $0x257C0;
	[tilespmem:s1+$0x0] =	vst v1;
	s28 =	smov.u32 s26;
	s26 =	sadd.s32 $0x40, s26  }
.Ltmp0:
0x60: {  	[tilespmem:s1+$0x9600] =	vst v2;
	(pc) =	sbr.rel @p0 .LBB2_2-.Ltmp0, $2  }
0x61: {  	_ =	sdelay $0x2  }
0x62: {  	s1 =	sshra.s32 s28, $0x2  }
.Ltmp1:
0x63: {  	(pc) =	sbr.rel .LBB2_4-.Ltmp1, $3  }
0x64: {  	_ =	sdelay $0x1  }
0x65: {  	[tilespmem:s1+$0x0] =	vst v1  }
0x66: {  	s26 =	simm.s32 $0x0;
	[tilespmem:s1+$0x9600] =	vst v2;
	s28 =	simm.s32 $0x0  }
.LBB2_10:
0x67: {  	s28 =	sadd.s32 $0x1, s28  }
0x68: {  	p0 =	sne.s32 s28, $0x20  }
.Ltmp2:
0x69: {  	_ = 	snop;
	(pc) =	sbr.rel @!p0 .LBB2_11-.Ltmp2, $1  }
0x6a: {  	_ =	sdelay $0x3  }
.LBB2_4:
0x6b: {  	s1 =	sshll.u32 s28, $0xB  }
0x6c: {  	s1 =	sadd.s32 s31, s1  }
0x6d: {  	s29 =	sadd.s32 s0, s1  }
0x6e: {  	[tilespmem:s15], [sflag:$0x1] =	stream.linear.gather [hbm4b:s29+s26], $0x4000, $0x38;
	[tilespmem:$0x1EC00] =	vst v63  }
0x6f: {  	_ =	swait.ge [sflag:s16], $0x4000  }
0x70: {  	[sflag:s16] =	ssyncset.done $0x0  }
0x71: {  	s29 =	sadd.s32 s3, s1;
	[sflag:s16] =	ssyncadd.s32 $0xFFFFC000  }
0x72: {  	[tilespmem:s17], [sflag:$0x1] =	stream.linear.gather [hbm4b:s29+s26], $0x4000, $0x38;
	[tilespmem:$0x1EC00] =	vst v63  }
0x73: {  	_ =	swait.ge [sflag:s16], $0x4000  }
0x74: {  	[sflag:s16] =	ssyncset.done $0x0  }
.Ltmp3:
0x75: {  	s1 =	sadd.s32 s4, s1;
	[sflag:s16] =	ssyncadd.s32 $0xFFFFC000;
	(pc) =	sbr.rel .LBB2_5-.Ltmp3, $4  }
0x76: {  	[tilespmem:s18], [sflag:$0x1] =	stream.linear.gather [hbm4b:s1+s26], $0x4000, $0x38;
	[tilespmem:$0x1EC00] =	vst v63  }
0x77: {  	_ =	swait.ge [sflag:s16], $0x4000  }
0x78: {  	[sflag:s16] =	ssyncset.done $0x0  }
0x79: {  	s29 =	simm.s32 $0x0;
	[sflag:s16] =	ssyncadd.s32 $0xFFFFC000  }
.LBB2_9:
0x7a: {  	s29 =	sadd.s32 $0x1, s29  }
0x7b: {  	p0 =	sne.s32 s29, $0x200  }
.Ltmp4:
0x7c: {  	_ = 	snop;
	(pc) =	sbr.rel @!p0 .LBB2_10-.Ltmp4, $1  }
0x7d: {  	_ =	sdelay $0x3  }
.LBB2_5:
0x7e: {  	s30 =	sshll.u32 s29, $0x5  }
0x7f: {  	v3 =	vld [tilespmem:s30+$0x12C00];
	_ =	sdelay $0x4  }
0x80: {  	v3 =	vsub.s32 v3, v0  }
0x81: {  	vm0 =	vlt.u32 v3, $0x9600  }
0x82: {  	v3 =	vnsel vm0, $0x0, v3;
	_ =	sdelay $0x3  }
0x83: {  	v4 =	vld [tilespmem:s30+$0x16C00]  }
0x84: {  	v5 =	vld.idx.msk [tilespmem:v3+s2+$0x0], $0xffff;
	_ =	sdelay $0x4  }
0x85: {  	vm1 =	vlt.s32 v4, v5  }
0x86: {  	vm1 =	vmand vm0, vm1  }
0x87: {  	v5 =	vmpcnt.ones.xlane vm1;
	_ =	sdelay $0x1  }
0x88: {  	(v2sf) =	vpush v5, $0x0;
	_ =	sdelay $0xe  }
0x89: {  	s1 =	spop (v2sf)  }
0x8a: {  	p0 =	slt.s32 s1, $0x1  }
0x8b: {  	s1 =	simm.s32 @!p0 $0x0  }
0x8c: {  	v5 =	vld @!p0 [tilespmem:s30+$0x1AC00];
	[tilespmem:v3+s1+$0x0] =	vst.idx.msk @!p0 vm1, v4  }
0x8d: {  	v6 =	vld.idx.msk @!p0 [tilespmem:v3+s1+$0x0], $0xffff;
	_ =	sdelay $0x4  }
0x8e: {  	vm0 =	vlt.s32 @!p0 v4, v6  }
0x8f: {  	vm0 =	vmand @!p0 vm1, vm0  }
0x90: {  	v7 =	vmpcnt.ones.xlane @!p0 vm0;
	_ =	sdelay $0x1  }
0x91: {  	(v2sf) =	vpush @!p0 v7, $0x0;
	_ =	sdelay $0xe  }
0x92: {  	vm2 =	veq.s32 @!p0 v4, v6;
	s1 =	spop @!p0 (v2sf)  }
0x93: {  	vm1 =	vmand @!p0 vm1, vm2;
	p1 =	slt.s32 @!p0 s1, $0x1  }
0x94: {  	p1 =	por p0, p1  }
.Ltmp5:
0x95: {  	_ = 	snop;
	(pc) =	sbr.rel @p1 .LBB2_7-.Ltmp5, $3  }
0x96: {  	_ =	sdelay $0x1  }
0x97: {  	s1 =	simm.s32 @!p0 $0x9600  }
0x98: {  	[tilespmem:v3+s1+$0x0] =	vst.idx.msk @!p0 vm1, v5  }
.LBB2_6:
0x99: {  	[tilespmem:v3+s2+$0x0] =	vst.idx.msk vm0, v4  }
0x9a: {  	v6 =	vld.idx.msk [tilespmem:v3+s2+$0x0], $0xffff;
	_ =	sdelay $0x4  }
0x9b: {  	vm1 =	veq.s32 v4, v6;
	vm2 =	vlt.s32 v4, v6  }
0x9c: {  	vm1 =	vmand vm0, vm1;
	vm0 =	vmand vm0, vm2  }
0x9d: {  	v6 =	vmpcnt.ones.xlane vm0;
	_ =	sdelay $0x1  }
0x9e: {  	(v2sf) =	vpush v6, $0x0;
	_ =	sdelay $0xe  }
0x9f: {  	s1 =	spop (v2sf)  }
0xa0: {  	p0 =	sgt.s32 s1, $0x0  }
.Ltmp6:
0xa1: {  	_ = 	snop;
	(pc) =	sbr.rel @p0 .LBB2_6-.Ltmp6, $2  }
0xa2: {  	_ =	sdelay $0x2  }
0xa3: {  	[tilespmem:v3+s19+$0x0] =	vst.idx.msk vm1, v5  }
.LBB2_7:
0xa4: {  	v3 =	vld [tilespmem:s30+$0x12C10];
	_ =	sdelay $0x4  }
0xa5: {  	v3 =	vsub.s32 v3, v0  }
0xa6: {  	vm0 =	vlt.u32 v3, $0x9600  }
0xa7: {  	v3 =	vnsel vm0, $0x0, v3;
	_ =	sdelay $0x3  }
0xa8: {  	v4 =	vld [tilespmem:s30+$0x16C10]  }
0xa9: {  	v5 =	vld.idx.msk [tilespmem:v3+s2+$0x0], $0xffff;
	_ =	sdelay $0x4  }
0xaa: {  	vm1 =	vlt.s32 v4, v5  }
0xab: {  	vm1 =	vmand vm0, vm1  }
0xac: {  	v5 =	vmpcnt.ones.xlane vm1;
	_ =	sdelay $0x1  }
0xad: {  	(v2sf) =	vpush v5, $0x0;
	_ =	sdelay $0xe  }
0xae: {  	s1 =	spop (v2sf)  }
0xaf: {  	p0 =	slt.s32 s1, $0x1  }
0xb0: {  	s30 =	sor.u32 $0x10, s30;
	s1 =	simm.s32 @!p0 $0x0  }
0xb1: {  	v5 =	vld @!p0 [tilespmem:s30+$0x1AC00];
	[tilespmem:v3+s1+$0x0] =	vst.idx.msk @!p0 vm1, v4  }
0xb2: {  	v6 =	vld.idx.msk @!p0 [tilespmem:v3+s1+$0x0], $0xffff;
	_ =	sdelay $0x4  }
0xb3: {  	vm0 =	vlt.s32 @!p0 v4, v6  }
0xb4: {  	vm0 =	vmand @!p0 vm1, vm0  }
0xb5: {  	v7 =	vmpcnt.ones.xlane @!p0 vm0;
	_ =	sdelay $0x1  }
0xb6: {  	(v2sf) =	vpush @!p0 v7, $0x0;
	_ =	sdelay $0xe  }
0xb7: {  	vm2 =	veq.s32 @!p0 v4, v6;
	s1 =	spop @!p0 (v2sf)  }
0xb8: {  	vm1 =	vmand @!p0 vm1, vm2;
	p1 =	slt.s32 @!p0 s1, $0x1  }
0xb9: {  	p1 =	por p0, p1  }
.Ltmp7:
0xba: {  	_ = 	snop;
	(pc) =	sbr.rel @p1 .LBB2_9-.Ltmp7, $3  }
0xbb: {  	_ =	sdelay $0x1  }
0xbc: {  	s1 =	simm.s32 @!p0 $0x9600  }
0xbd: {  	[tilespmem:v3+s1+$0x0] =	vst.idx.msk @!p0 vm1, v5  }
.LBB2_8:
0xbe: {  	[tilespmem:v3+s2+$0x0] =	vst.idx.msk vm0, v4  }
0xbf: {  	v6 =	vld.idx.msk [tilespmem:v3+s2+$0x0], $0xffff;
	_ =	sdelay $0x4  }
0xc0: {  	vm1 =	veq.s32 v4, v6;
	vm2 =	vlt.s32 v4, v6  }
0xc1: {  	vm1 =	vmand vm0, vm1;
	vm0 =	vmand vm0, vm2  }
0xc2: {  	v6 =	vmpcnt.ones.xlane vm0;
	_ =	sdelay $0x1  }
0xc3: {  	(v2sf) =	vpush v6, $0x0;
	_ =	sdelay $0xe  }
0xc4: {  	s1 =	spop (v2sf)  }
0xc5: {  	p0 =	sgt.s32 s1, $0x0  }
.Ltmp8:
0xc6: {  	_ = 	snop;
	(pc) =	sbr.rel @p0 .LBB2_8-.Ltmp8, $2  }
0xc7: {  	_ =	sdelay $0x2  }
0xc8: {  	[tilespmem:v3+s19+$0x0] =	vst.idx.msk vm1, v5  }
.Ltmp9:
0xc9: {  	_ = 	snop;
	(pc) =	sbr.rel .LBB2_9-.Ltmp9, $1  }
0xca: {  	_ =	sdelay $0x3  }
.LBB2_11:
0xcb: {  	s1 =	simm.s32 $0x0;
	s26 =	rddreg [dreg:$0x3]  }
0xcc: {  	[hbm4b:s26+s1] =	stream.linear.scatter [tilespmem:s1], [sflag:$0x1], $0x9600, $0x38;
	[tilespmem:$0x1EC00] =	vst v63  }
0xcd: {  	_ =	swait.ge [sflag:s16], $0x9600  }
0xce: {  	[sflag:s16] =	ssyncset.done $0x0  }
0xcf: {  	s26 =	rddreg [dreg:$0x4];
	[sflag:s16] =	ssyncadd.s32 $0xFFFF6A00  }
0xd0: {  	[hbm4b:s26+s1] =	stream.linear.scatter [tilespmem:s19], [sflag:$0x1], $0x9600, $0x38;
	[tilespmem:$0x1EC00] =	vst v63  }
0xd1: {  	_ =	swait.ge [sflag:s16], $0x9600  }
0xd2: {  	[sflag:s16] =	ssyncset.done $0x0  }
0xd3: {  	[sflag:s16] =	ssyncadd.s32 $0xFFFF6A00  }
0xd4: {  	[bflag:$0x0] =	sbarrier.arrive $0xFFFF  }
0xd5: {  	s28 =	sld [smem:$0x7F9];
	_ =	sdelay $0x1  }
0xd6: {  	s26 =	simm.s32 $0x12C00  }
0xd7: {  	[tilespmem:s26], [sflag:$0x1] =	stream.linear.gather [hbm4b:s28+s1], $0x3C0, $0x38;
	[tilespmem:$0x1EC00] =	vst v63  }
0xd8: {  	_ =	swait.ge [sflag:s16], $0x3C0  }
0xd9: {  	s28 =	sld [smem:$0x7FA]  }
0xda: {  	[sflag:s16] =	ssyncset.done $0x0  }
0xdb: {  	[sflag:s16] =	ssyncadd.s32 $0xFFFFFC40  }
0xdc: {  	[tilespmem:s17], [sflag:$0x1] =	stream.linear.gather [hbm4b:s28+s1], $0x3C0, $0x38;
	[tilespmem:$0x1EC00] =	vst v63  }
0xdd: {  	_ =	swait.ge [sflag:s16], $0x3C0  }
0xde: {  	[sflag:s16] =	ssyncset.done $0x0  }
0xdf: {  	s28 =	rddreg [dreg:$0x5];
	[sflag:s16] =	ssyncadd.s32 $0xFFFFFC40  }
0xe0: {  	[tilespmem:s20], [sflag:$0x1] =	stream.linear.gather [hbm4b:s28+s1], $0x3C0, $0x38;
	[tilespmem:$0x1EC00] =	vst v63  }
0xe1: {  	_ =	swait.ge [sflag:s16], $0x3C0  }
0xe2: {  	[sflag:s16] =	ssyncset.done $0x0  }
0xe3: {  	s28 =	simm.s32 $0x16FC0;
	s29 =	rddreg [dreg:$0x6];
	[sflag:s16] =	ssyncadd.s32 $0xFFFFFC40  }
0xe4: {  	[tilespmem:s28], [sflag:$0x1] =	stream.linear.gather [hbm4b:s29+s1], $0x3C0, $0x38;
	[tilespmem:$0x1EC00] =	vst v63  }
0xe5: {  	_ =	swait.ge [sflag:s16], $0x3C0  }
0xe6: {  	[sflag:s16] =	ssyncset.done $0x0  }
0xe7: {  	s29 =	rddreg [dreg:$0x7];
	[sflag:s16] =	ssyncadd.s32 $0xFFFFFC40  }
0xe8: {  	[tilespmem:s21], [sflag:$0x1] =	stream.linear.gather [hbm4b:s29+s1], $0x3C0, $0x38;
	[tilespmem:$0x1EC00] =	vst v63  }
0xe9: {  	_ =	swait.ge [sflag:s16], $0x3C0  }
0xea: {  	[sflag:s16] =	ssyncset.done $0x0  }
0xeb: {  	s29 =	rddreg [dreg:$0x8];
	[sflag:s16] =	ssyncadd.s32 $0xFFFFFC40  }
0xec: {  	[tilespmem:s22], [sflag:$0x1] =	stream.linear.gather [hbm4b:s29+s1], $0x3C0, $0x38;
	[tilespmem:$0x1EC00] =	vst v63  }
0xed: {  	_ =	swait.ge [sflag:s16], $0x3C0  }
0xee: {  	[sflag:s16] =	ssyncset.done $0x0  }
0xef: {  	s29 =	rddreg [dreg:$0x9];
	[sflag:s16] =	ssyncadd.s32 $0xFFFFFC40  }
0xf0: {  	[tilespmem:s23], [sflag:$0x1] =	stream.linear.gather [hbm4b:s29+s1], $0x3C0, $0x38;
	[tilespmem:$0x1EC00] =	vst v63  }
0xf1: {  	_ =	swait.ge [sflag:s16], $0x3C0  }
0xf2: {  	[sflag:s16] =	ssyncset.done $0x0  }
0xf3: {  	s29 =	rddreg [dreg:$0xa];
	[sflag:s16] =	ssyncadd.s32 $0xFFFFFC40  }
0xf4: {  	[tilespmem:s24], [sflag:$0x1] =	stream.linear.gather [hbm4b:s29+s1], $0x3C0, $0x38;
	[tilespmem:$0x1EC00] =	vst v63  }
0xf5: {  	_ =	swait.ge [sflag:s16], $0x3C0  }
0xf6: {  	[sflag:s16] =	ssyncset.done $0x0  }
0xf7: {  	[sflag:s16] =	ssyncadd.s32 $0xFFFFFC40  }
0xf8: {  	v3 =	vld [tilespmem:s28+$0xFFFFFC40]  }
0xf9: {  	v4 =	vld [tilespmem:s28+$0x0]  }
0xfa: {  	v5 =	vld [tilespmem:s26+$0x3C0]  }
0xfb: {  	v6 =	vld [tilespmem:s26+$0x0]  }
0xfc: {  	s1 =	sand.u32 $0x3F0, s1;
	v7 =	vld [tilespmem:s26+$0xB40]  }
0xfd: {  	v8 =	vld [tilespmem:s1+$0x13380]  }
0xfe: {  	v9 =	vld [tilespmem:s1+$0x17380]  }
0xff: {  	v10 =	vld [tilespmem:s28+$0x780];
	_ =	sdelay $0x2  }
0x100: {  	vm0 =	vgt.s32 v6, v5;
	vm1 =	vgt.s32 v8, v7  }
0x101: {  	v5 =	vsel vm0, v5, v6;
	v6 =	vsel vm1, v7, v8  }
0x102: {  	v3 =	vsel vm0, v4, v3;
	v4 =	vsel vm1, v10, v9;
	vm15 =	vgt.s32 v5, v6  }
0x103: {  	s26 =	simm.s32 $0x1AC00;
	v3 =	vsel vm15, v4, v3  }
0x104: {  	s28 =	simm.s32 $0x16FD0;
	[tilespmem:s26+$0x0] =	vst v3  }
0x105: {  	v3 =	vld [tilespmem:s28+$0xFFFFFC40]  }
0x106: {  	s29 =	simm.s32 $0x12C10;
	v4 =	vld [tilespmem:s28+$0x0]  }
0x107: {  	v5 =	vld [tilespmem:s29+$0x3C0]  }
0x108: {  	s1 =	simm.s32 $0x10;
	v6 =	vld [tilespmem:s29+$0x0]  }
0x109: {  	s30 =	simm.s32 $0x20;
	s1 =	sand.u32 $0x3F0, s1;
	v7 =	vld [tilespmem:s29+$0xB40]  }
.LBB2_12:
0x10a: {  	p0 =	sne.s32 s30, $0x3B0;
	v8 =	vld [tilespmem:s1+$0x13380]  }
0x10b: {  	v9 =	vld [tilespmem:s1+$0x17380]  }
0x10c: {  	v10 =	vld [tilespmem:s28+$0x780];
	_ =	sdelay $0x2  }
0x10d: {  	vm0 =	vgt.s32 v6, v5;
	vm1 =	vgt.s32 v8, v7  }
0x10e: {  	v5 =	vsel vm0, v5, v6;
	v6 =	vsel vm1, v7, v8  }
0x10f: {  	v3 =	vsel vm0, v4, v3;
	v4 =	vsel vm1, v10, v9;
	vm0 =	vgt.s32 v5, v6  }
0x110: {  	s26 =	sadd.s32 $0x10, s26;
	v3 =	vsel vm0, v4, v3  }
0x111: {  	s28 =	sadd.s32 $0x10, s28;
	[tilespmem:s26+$0x0] =	vst v3  }
.Ltmp10:
0x112: {  	v3 =	vld [tilespmem:s28+$0xFFFFFC40];
	(pc) =	sbr.rel @p0 .LBB2_12-.Ltmp10, $4  }
0x113: {  	s29 =	sadd.s32 $0x10, s29;
	v4 =	vld [tilespmem:s28+$0x0]  }
0x114: {  	v5 =	vld [tilespmem:s29+$0x3C0]  }
0x115: {  	v6 =	vld [tilespmem:s29+$0x0]  }
0x116: {  	s1 =	sand.u32 $0x3F0, s30;
	s30 =	sadd.s32 $0x10, s30;
	v7 =	vld [tilespmem:s29+$0xB40]  }
0x117: {  	v8 =	vld [tilespmem:s1+$0x13380]  }
0x118: {  	v9 =	vld [tilespmem:s1+$0x17380]  }
0x119: {  	v10 =	vld [tilespmem:s28+$0x780];
	_ =	sdelay $0x2  }
0x11a: {  	vm0 =	vgt.s32 v6, v5;
	vm1 =	vgt.s32 v8, v7  }
0x11b: {  	v5 =	vsel vm0, v5, v6;
	v6 =	vsel vm1, v7, v8  }
0x11c: {  	v3 =	vsel vm0, v4, v3;
	v4 =	vsel vm1, v10, v9;
	vm12 =	vgt.s32 v5, v6  }
0x11d: {  	s26 =	sadd.s32 $0x10, s26;
	v3 =	vsel vm12, v4, v3  }
0x11e: {  	s1 =	simm.s32 $0x0;
	[tilespmem:s26+$0x0] =	vst v3;
	s26 =	simm.s32 $0x1AC00  }
0x11f: {  	[hbm4b:s11+s1] =	stream.linear.scatter [tilespmem:s26], [sflag:$0x1], $0x3C0, $0x38;
	[tilespmem:$0x1EC00] =	vst v63  }
0x120: {  	_ =	swait.ge [sflag:s16], $0x3C0  }
0x121: {  	[sflag:s16] =	ssyncset.done $0x0  }
0x122: {  	s28 =	simm.s32 $0x12C00;
	s29 =	rddreg [dreg:$0xb];
	[sflag:s16] =	ssyncadd.s32 $0xFFFFFC40  }
0x123: {  	[tilespmem:s28], [sflag:$0x1] =	stream.linear.gather [hbm4b:s29+s1], $0x3C0, $0x38;
	[tilespmem:$0x1EC00] =	vst v63  }
0x124: {  	_ =	swait.ge [sflag:s16], $0x3C0  }
0x125: {  	[sflag:s16] =	ssyncset.done $0x0  }
0x126: {  	s29 =	rddreg [dreg:$0xc];
	[sflag:s16] =	ssyncadd.s32 $0xFFFFFC40  }
0x127: {  	[tilespmem:s17], [sflag:$0x1] =	stream.linear.gather [hbm4b:s29+s1], $0x3C0, $0x38;
	[tilespmem:$0x1EC00] =	vst v63  }
0x128: {  	_ =	swait.ge [sflag:s16], $0x3C0  }
0x129: {  	[sflag:s16] =	ssyncset.done $0x0  }
0x12a: {  	s29 =	rddreg [dreg:$0xd];
	[sflag:s16] =	ssyncadd.s32 $0xFFFFFC40  }
0x12b: {  	[tilespmem:s20], [sflag:$0x1] =	stream.linear.gather [hbm4b:s29+s1], $0x3C0, $0x38;
	[tilespmem:$0x1EC00] =	vst v63  }
0x12c: {  	_ =	swait.ge [sflag:s16], $0x3C0  }
0x12d: {  	[sflag:s16] =	ssyncset.done $0x0  }
0x12e: {  	s29 =	simm.s32 $0x16FC0;
	s30 =	rddreg [dreg:$0xe];
	[sflag:s16] =	ssyncadd.s32 $0xFFFFFC40  }
0x12f: {  	[tilespmem:s29], [sflag:$0x1] =	stream.linear.gather [hbm4b:s30+s1], $0x3C0, $0x38;
	[tilespmem:$0x1EC00] =	vst v63  }
0x130: {  	_ =	swait.ge [sflag:s16], $0x3C0  }
0x131: {  	[sflag:s16] =	ssyncset.done $0x0  }
0x132: {  	s30 =	rddreg [dreg:$0xf];
	[sflag:s16] =	ssyncadd.s32 $0xFFFFFC40  }
0x133: {  	[tilespmem:s21], [sflag:$0x1] =	stream.linear.gather [hbm4b:s30+s1], $0x3C0, $0x38;
	[tilespmem:$0x1EC00] =	vst v63  }
0x134: {  	_ =	swait.ge [sflag:s16], $0x3C0  }
0x135: {  	[sflag:s16] =	ssyncset.done $0x0  }
0x136: {  	s30 =	rddreg [dreg:$0x10];
	[sflag:s16] =	ssyncadd.s32 $0xFFFFFC40  }
0x137: {  	[tilespmem:s22], [sflag:$0x1] =	stream.linear.gather [hbm4b:s30+s1], $0x3C0, $0x38;
	[tilespmem:$0x1EC00] =	vst v63  }
0x138: {  	_ =	swait.ge [sflag:s16], $0x3C0  }
0x139: {  	[sflag:s16] =	ssyncset.done $0x0  }
0x13a: {  	s30 =	rddreg [dreg:$0x11];
	[sflag:s16] =	ssyncadd.s32 $0xFFFFFC40  }
0x13b: {  	[tilespmem:s23], [sflag:$0x1] =	stream.linear.gather [hbm4b:s30+s1], $0x3C0, $0x38;
	[tilespmem:$0x1EC00] =	vst v63  }
0x13c: {  	_ =	swait.ge [sflag:s16], $0x3C0  }
0x13d: {  	[sflag:s16] =	ssyncset.done $0x0  }
0x13e: {  	s30 =	rddreg [dreg:$0x12];
	[sflag:s16] =	ssyncadd.s32 $0xFFFFFC40  }
0x13f: {  	[tilespmem:s24], [sflag:$0x1] =	stream.linear.gather [hbm4b:s30+s1], $0x3C0, $0x38;
	[tilespmem:$0x1EC00] =	vst v63  }
0x140: {  	_ =	swait.ge [sflag:s16], $0x3C0  }
0x141: {  	[sflag:s16] =	ssyncset.done $0x0  }
0x142: {  	[sflag:s16] =	ssyncadd.s32 $0xFFFFFC40  }
0x143: {  	v3 =	vld [tilespmem:s29+$0xFFFFFC40]  }
0x144: {  	v4 =	vld [tilespmem:s29+$0x0]  }
0x145: {  	v5 =	vld [tilespmem:s28+$0x3C0]  }
0x146: {  	v6 =	vld [tilespmem:s28+$0x0]  }
0x147: {  	s1 =	sand.u32 $0x3F0, s1;
	v7 =	vld [tilespmem:s28+$0xB40]  }
0x148: {  	v8 =	vld [tilespmem:s1+$0x13380]  }
0x149: {  	v62 =	vld [tilespmem:s1+$0x17380]  }
0x14a: {  	v63 =	vld [tilespmem:s29+$0x780];
	_ =	sdelay $0x2  }
0x14b: {  	vm13 =	vgt.s32 v6, v5;
	vm14 =	vgt.s32 v8, v7  }
0x14c: {  	v5 =	vsel vm13, v5, v6;
	v6 =	vsel vm14, v7, v8  }
0x14d: {  	v3 =	vsel vm13, v4, v3;
	v4 =	vsel vm14, v63, v62;
	vm15 =	vgt.s32 v5, v6  }
0x14e: {  	v3 =	vsel vm15, v4, v3  }
0x14f: {  	s28 =	simm.s32 $0x16FD0;
	[tilespmem:s26+$0x0] =	vst v3  }
0x150: {  	v3 =	vld [tilespmem:s28+$0xFFFFFC40]  }
0x151: {  	s29 =	simm.s32 $0x12C10;
	v4 =	vld [tilespmem:s28+$0x0]  }
0x152: {  	v5 =	vld [tilespmem:s29+$0x3C0]  }
0x153: {  	s1 =	simm.s32 $0x10;
	v6 =	vld [tilespmem:s29+$0x0]  }
0x154: {  	s30 =	simm.s32 $0x20;
	s1 =	sand.u32 $0x3F0, s1;
	v7 =	vld [tilespmem:s29+$0xB40]  }
.LBB2_14:
0x155: {  	p0 =	sne.s32 s30, $0x3B0;
	v8 =	vld [tilespmem:s1+$0x13380]  }
0x156: {  	v9 =	vld [tilespmem:s1+$0x17380]  }
0x157: {  	v10 =	vld [tilespmem:s28+$0x780];
	_ =	sdelay $0x2  }
0x158: {  	vm0 =	vgt.s32 v6, v5;
	vm1 =	vgt.s32 v8, v7  }
0x159: {  	v5 =	vsel vm0, v5, v6;
	v6 =	vsel vm1, v7, v8  }
0x15a: {  	v3 =	vsel vm0, v4, v3;
	v4 =	vsel vm1, v10, v9;
	vm0 =	vgt.s32 v5, v6  }
0x15b: {  	s26 =	sadd.s32 $0x10, s26;
	v3 =	vsel vm0, v4, v3  }
0x15c: {  	s28 =	sadd.s32 $0x10, s28;
	[tilespmem:s26+$0x0] =	vst v3  }
.Ltmp11:
0x15d: {  	v3 =	vld [tilespmem:s28+$0xFFFFFC40];
	(pc) =	sbr.rel @p0 .LBB2_14-.Ltmp11, $4  }
0x15e: {  	s29 =	sadd.s32 $0x10, s29;
	v4 =	vld [tilespmem:s28+$0x0]  }
0x15f: {  	v5 =	vld [tilespmem:s29+$0x3C0]  }
0x160: {  	v6 =	vld [tilespmem:s29+$0x0]  }
0x161: {  	s1 =	sand.u32 $0x3F0, s30;
	s30 =	sadd.s32 $0x10, s30;
	v7 =	vld [tilespmem:s29+$0xB40]  }
0x162: {  	v8 =	vld [tilespmem:s1+$0x13380]  }
0x163: {  	v9 =	vld [tilespmem:s1+$0x17380]  }
0x164: {  	v10 =	vld [tilespmem:s28+$0x780];
	_ =	sdelay $0x2  }
0x165: {  	vm0 =	vgt.s32 v6, v5;
	vm1 =	vgt.s32 v8, v7  }
0x166: {  	v5 =	vsel vm0, v5, v6;
	v6 =	vsel vm1, v7, v8  }
0x167: {  	v3 =	vsel vm0, v4, v3;
	v4 =	vsel vm1, v10, v9;
	vm12 =	vgt.s32 v5, v6  }
0x168: {  	s26 =	sadd.s32 $0x10, s26;
	v3 =	vsel vm12, v4, v3  }
0x169: {  	s1 =	simm.s32 $0x0;
	[tilespmem:s26+$0x0] =	vst v3;
	s26 =	simm.s32 $0x1AC00  }
0x16a: {  	[hbm4b:s5+s1] =	stream.linear.scatter [tilespmem:s26], [sflag:$0x1], $0x3C0, $0x38;
	[tilespmem:$0x1EC00] =	vst v63  }
0x16b: {  	_ =	swait.ge [sflag:s16], $0x3C0  }
0x16c: {  	[sflag:s16] =	ssyncset.done $0x0  }
0x16d: {  	s28 =	simm.s32 $0x12C00;
	s29 =	rddreg [dreg:$0x13];
	[sflag:s16] =	ssyncadd.s32 $0xFFFFFC40  }
0x16e: {  	[tilespmem:s28], [sflag:$0x1] =	stream.linear.gather [hbm4b:s29+s1], $0x3C0, $0x38;
	[tilespmem:$0x1EC00] =	vst v63  }
0x16f: {  	_ =	swait.ge [sflag:s16], $0x3C0  }
0x170: {  	[sflag:s16] =	ssyncset.done $0x0  }
0x171: {  	s29 =	rddreg [dreg:$0x14];
	[sflag:s16] =	ssyncadd.s32 $0xFFFFFC40  }
0x172: {  	[tilespmem:s17], [sflag:$0x1] =	stream.linear.gather [hbm4b:s29+s1], $0x3C0, $0x38;
	[tilespmem:$0x1EC00] =	vst v63  }
0x173: {  	_ =	swait.ge [sflag:s16], $0x3C0  }
0x174: {  	[sflag:s16] =	ssyncset.done $0x0  }
0x175: {  	s29 =	rddreg [dreg:$0x15];
	[sflag:s16] =	ssyncadd.s32 $0xFFFFFC40  }
0x176: {  	[tilespmem:s20], [sflag:$0x1] =	stream.linear.gather [hbm4b:s29+s1], $0x3C0, $0x38;
	[tilespmem:$0x1EC00] =	vst v63  }
0x177: {  	_ =	swait.ge [sflag:s16], $0x3C0  }
0x178: {  	[sflag:s16] =	ssyncset.done $0x0  }
0x179: {  	s29 =	simm.s32 $0x16FC0;
	s30 =	rddreg [dreg:$0x16];
	[sflag:s16] =	ssyncadd.s32 $0xFFFFFC40  }
0x17a: {  	[tilespmem:s29], [sflag:$0x1] =	stream.linear.gather [hbm4b:s30+s1], $0x3C0, $0x38;
	[tilespmem:$0x1EC00] =	vst v63  }
0x17b: {  	_ =	swait.ge [sflag:s16], $0x3C0  }
0x17c: {  	[sflag:s16] =	ssyncset.done $0x0  }
0x17d: {  	s30 =	rddreg [dreg:$0x17];
	[sflag:s16] =	ssyncadd.s32 $0xFFFFFC40  }
0x17e: {  	[tilespmem:s21], [sflag:$0x1] =	stream.linear.gather [hbm4b:s30+s1], $0x3C0, $0x38;
	[tilespmem:$0x1EC00] =	vst v63  }
0x17f: {  	_ =	swait.ge [sflag:s16], $0x3C0  }
0x180: {  	[sflag:s16] =	ssyncset.done $0x0  }
0x181: {  	s30 =	rddreg [dreg:$0x18];
	[sflag:s16] =	ssyncadd.s32 $0xFFFFFC40  }
0x182: {  	[tilespmem:s22], [sflag:$0x1] =	stream.linear.gather [hbm4b:s30+s1], $0x3C0, $0x38;
	[tilespmem:$0x1EC00] =	vst v63  }
0x183: {  	_ =	swait.ge [sflag:s16], $0x3C0  }
0x184: {  	[sflag:s16] =	ssyncset.done $0x0  }
0x185: {  	s30 =	rddreg [dreg:$0x19];
	[sflag:s16] =	ssyncadd.s32 $0xFFFFFC40  }
0x186: {  	[tilespmem:s23], [sflag:$0x1] =	stream.linear.gather [hbm4b:s30+s1], $0x3C0, $0x38;
	[tilespmem:$0x1EC00] =	vst v63  }
0x187: {  	_ =	swait.ge [sflag:s16], $0x3C0  }
0x188: {  	[sflag:s16] =	ssyncset.done $0x0  }
0x189: {  	s30 =	rddreg [dreg:$0x1a];
	[sflag:s16] =	ssyncadd.s32 $0xFFFFFC40  }
0x18a: {  	[tilespmem:s24], [sflag:$0x1] =	stream.linear.gather [hbm4b:s30+s1], $0x3C0, $0x38;
	[tilespmem:$0x1EC00] =	vst v63  }
0x18b: {  	_ =	swait.ge [sflag:s16], $0x3C0  }
0x18c: {  	[sflag:s16] =	ssyncset.done $0x0  }
0x18d: {  	[sflag:s16] =	ssyncadd.s32 $0xFFFFFC40  }
0x18e: {  	v3 =	vld [tilespmem:s29+$0xFFFFFC40]  }
0x18f: {  	v4 =	vld [tilespmem:s29+$0x0]  }
0x190: {  	v5 =	vld [tilespmem:s28+$0x3C0]  }
0x191: {  	v6 =	vld [tilespmem:s28+$0x0]  }
0x192: {  	s1 =	sand.u32 $0x3F0, s1;
	v7 =	vld [tilespmem:s28+$0xB40]  }
0x193: {  	v8 =	vld [tilespmem:s1+$0x13380]  }
0x194: {  	v62 =	vld [tilespmem:s1+$0x17380]  }
0x195: {  	v63 =	vld [tilespmem:s29+$0x780];
	_ =	sdelay $0x2  }
0x196: {  	vm13 =	vgt.s32 v6, v5;
	vm14 =	vgt.s32 v8, v7  }
0x197: {  	v5 =	vsel vm13, v5, v6;
	v6 =	vsel vm14, v7, v8  }
0x198: {  	v3 =	vsel vm13, v4, v3;
	v4 =	vsel vm14, v63, v62;
	vm15 =	vgt.s32 v5, v6  }
0x199: {  	v3 =	vsel vm15, v4, v3  }
0x19a: {  	s28 =	simm.s32 $0x16FD0;
	[tilespmem:s26+$0x0] =	vst v3  }
0x19b: {  	v3 =	vld [tilespmem:s28+$0xFFFFFC40]  }
0x19c: {  	s29 =	simm.s32 $0x12C10;
	v4 =	vld [tilespmem:s28+$0x0]  }
0x19d: {  	v5 =	vld [tilespmem:s29+$0x3C0]  }
0x19e: {  	s1 =	simm.s32 $0x10;
	v6 =	vld [tilespmem:s29+$0x0]  }
0x19f: {  	s30 =	simm.s32 $0x20;
	s1 =	sand.u32 $0x3F0, s1;
	v7 =	vld [tilespmem:s29+$0xB40]  }
.LBB2_16:
0x1a0: {  	p0 =	sne.s32 s30, $0x3B0;
	v8 =	vld [tilespmem:s1+$0x13380]  }
0x1a1: {  	v9 =	vld [tilespmem:s1+$0x17380]  }
0x1a2: {  	v10 =	vld [tilespmem:s28+$0x780];
	_ =	sdelay $0x2  }
0x1a3: {  	vm0 =	vgt.s32 v6, v5;
	vm1 =	vgt.s32 v8, v7  }
0x1a4: {  	v5 =	vsel vm0, v5, v6;
	v6 =	vsel vm1, v7, v8  }
0x1a5: {  	v3 =	vsel vm0, v4, v3;
	v4 =	vsel vm1, v10, v9;
	vm0 =	vgt.s32 v5, v6  }
0x1a6: {  	s26 =	sadd.s32 $0x10, s26;
	v3 =	vsel vm0, v4, v3  }
0x1a7: {  	s28 =	sadd.s32 $0x10, s28;
	[tilespmem:s26+$0x0] =	vst v3  }
.Ltmp12:
0x1a8: {  	v3 =	vld [tilespmem:s28+$0xFFFFFC40];
	(pc) =	sbr.rel @p0 .LBB2_16-.Ltmp12, $4  }
0x1a9: {  	s29 =	sadd.s32 $0x10, s29;
	v4 =	vld [tilespmem:s28+$0x0]  }
0x1aa: {  	v5 =	vld [tilespmem:s29+$0x3C0]  }
0x1ab: {  	v6 =	vld [tilespmem:s29+$0x0]  }
0x1ac: {  	s1 =	sand.u32 $0x3F0, s30;
	s30 =	sadd.s32 $0x10, s30;
	v7 =	vld [tilespmem:s29+$0xB40]  }
0x1ad: {  	v8 =	vld [tilespmem:s1+$0x13380]  }
0x1ae: {  	v9 =	vld [tilespmem:s1+$0x17380]  }
0x1af: {  	v10 =	vld [tilespmem:s28+$0x780];
	_ =	sdelay $0x2  }
0x1b0: {  	vm0 =	vgt.s32 v6, v5;
	vm1 =	vgt.s32 v8, v7  }
0x1b1: {  	v5 =	vsel vm0, v5, v6;
	v6 =	vsel vm1, v7, v8  }
0x1b2: {  	v3 =	vsel vm0, v4, v3;
	v4 =	vsel vm1, v10, v9;
	vm12 =	vgt.s32 v5, v6  }
0x1b3: {  	s26 =	sadd.s32 $0x10, s26;
	v3 =	vsel vm12, v4, v3  }
0x1b4: {  	s1 =	simm.s32 $0x0;
	[tilespmem:s26+$0x0] =	vst v3;
	s26 =	simm.s32 $0x1AC00  }
0x1b5: {  	[hbm4b:s6+s1] =	stream.linear.scatter [tilespmem:s26], [sflag:$0x1], $0x3C0, $0x38;
	[tilespmem:$0x1EC00] =	vst v63  }
0x1b6: {  	_ =	swait.ge [sflag:s16], $0x3C0  }
0x1b7: {  	[sflag:s16] =	ssyncset.done $0x0  }
0x1b8: {  	s28 =	simm.s32 $0x12C00;
	s29 =	rddreg [dreg:$0x1b];
	[sflag:s16] =	ssyncadd.s32 $0xFFFFFC40  }
0x1b9: {  	[tilespmem:s28], [sflag:$0x1] =	stream.linear.gather [hbm4b:s29+s1], $0x3C0, $0x38;
	[tilespmem:$0x1EC00] =	vst v63  }
0x1ba: {  	_ =	swait.ge [sflag:s16], $0x3C0  }
0x1bb: {  	[sflag:s16] =	ssyncset.done $0x0  }
0x1bc: {  	s29 =	rddreg [dreg:$0x1c];
	[sflag:s16] =	ssyncadd.s32 $0xFFFFFC40  }
0x1bd: {  	[tilespmem:s17], [sflag:$0x1] =	stream.linear.gather [hbm4b:s29+s1], $0x3C0, $0x38;
	[tilespmem:$0x1EC00] =	vst v63  }
0x1be: {  	_ =	swait.ge [sflag:s16], $0x3C0  }
0x1bf: {  	[sflag:s16] =	ssyncset.done $0x0  }
0x1c0: {  	s29 =	rddreg [dreg:$0x1d];
	[sflag:s16] =	ssyncadd.s32 $0xFFFFFC40  }
0x1c1: {  	[tilespmem:s20], [sflag:$0x1] =	stream.linear.gather [hbm4b:s29+s1], $0x3C0, $0x38;
	[tilespmem:$0x1EC00] =	vst v63  }
0x1c2: {  	_ =	swait.ge [sflag:s16], $0x3C0  }
0x1c3: {  	[sflag:s16] =	ssyncset.done $0x0  }
0x1c4: {  	s29 =	simm.s32 $0x16FC0;
	s30 =	rddreg [dreg:$0x1e];
	[sflag:s16] =	ssyncadd.s32 $0xFFFFFC40  }
0x1c5: {  	[tilespmem:s29], [sflag:$0x1] =	stream.linear.gather [hbm4b:s30+s1], $0x3C0, $0x38;
	[tilespmem:$0x1EC00] =	vst v63  }
0x1c6: {  	_ =	swait.ge [sflag:s16], $0x3C0  }
0x1c7: {  	[sflag:s16] =	ssyncset.done $0x0  }
0x1c8: {  	s30 =	rddreg [dreg:$0x1f];
	[sflag:s16] =	ssyncadd.s32 $0xFFFFFC40  }
0x1c9: {  	[tilespmem:s21], [sflag:$0x1] =	stream.linear.gather [hbm4b:s30+s1], $0x3C0, $0x38;
	[tilespmem:$0x1EC00] =	vst v63  }
0x1ca: {  	_ =	swait.ge [sflag:s16], $0x3C0  }
0x1cb: {  	s30 =	sld [smem:$0x7C8]  }
0x1cc: {  	[sflag:s16] =	ssyncset.done $0x0  }
0x1cd: {  	[sflag:s16] =	ssyncadd.s32 $0xFFFFFC40  }
0x1ce: {  	[tilespmem:s22], [sflag:$0x1] =	stream.linear.gather [hbm4b:s30+s1], $0x3C0, $0x38;
	[tilespmem:$0x1EC00] =	vst v63  }
0x1cf: {  	_ =	swait.ge [sflag:s16], $0x3C0  }
0x1d0: {  	s30 =	sld [smem:$0x7C9]  }
0x1d1: {  	[sflag:s16] =	ssyncset.done $0x0  }
0x1d2: {  	[sflag:s16] =	ssyncadd.s32 $0xFFFFFC40  }
0x1d3: {  	[tilespmem:s23], [sflag:$0x1] =	stream.linear.gather [hbm4b:s30+s1], $0x3C0, $0x38;
	[tilespmem:$0x1EC00] =	vst v63  }
0x1d4: {  	_ =	swait.ge [sflag:s16], $0x3C0  }
0x1d5: {  	s30 =	sld [smem:$0x7CA]  }
0x1d6: {  	[sflag:s16] =	ssyncset.done $0x0  }
0x1d7: {  	[sflag:s16] =	ssyncadd.s32 $0xFFFFFC40  }
0x1d8: {  	[tilespmem:s24], [sflag:$0x1] =	stream.linear.gather [hbm4b:s30+s1], $0x3C0, $0x38;
	[tilespmem:$0x1EC00] =	vst v63  }
0x1d9: {  	_ =	swait.ge [sflag:s16], $0x3C0  }
0x1da: {  	[sflag:s16] =	ssyncset.done $0x0  }
0x1db: {  	[sflag:s16] =	ssyncadd.s32 $0xFFFFFC40  }
0x1dc: {  	v3 =	vld [tilespmem:s29+$0xFFFFFC40]  }
0x1dd: {  	v4 =	vld [tilespmem:s29+$0x0]  }
0x1de: {  	v5 =	vld [tilespmem:s28+$0x3C0]  }
0x1df: {  	v6 =	vld [tilespmem:s28+$0x0]  }
0x1e0: {  	s1 =	sand.u32 $0x3F0, s1;
	v7 =	vld [tilespmem:s28+$0xB40]  }
0x1e1: {  	v8 =	vld [tilespmem:s1+$0x13380]  }
0x1e2: {  	v62 =	vld [tilespmem:s1+$0x17380]  }
0x1e3: {  	v63 =	vld [tilespmem:s29+$0x780];
	_ =	sdelay $0x2  }
0x1e4: {  	vm13 =	vgt.s32 v6, v5;
	vm14 =	vgt.s32 v8, v7  }
0x1e5: {  	v5 =	vsel vm13, v5, v6;
	v6 =	vsel vm14, v7, v8  }
0x1e6: {  	v3 =	vsel vm13, v4, v3;
	v4 =	vsel vm14, v63, v62;
	vm15 =	vgt.s32 v5, v6  }
0x1e7: {  	v3 =	vsel vm15, v4, v3  }
0x1e8: {  	s28 =	simm.s32 $0x16FD0;
	[tilespmem:s26+$0x0] =	vst v3  }
0x1e9: {  	v3 =	vld [tilespmem:s28+$0xFFFFFC40]  }
0x1ea: {  	s29 =	simm.s32 $0x12C10;
	v4 =	vld [tilespmem:s28+$0x0]  }
0x1eb: {  	v5 =	vld [tilespmem:s29+$0x3C0]  }
0x1ec: {  	s1 =	simm.s32 $0x10;
	v6 =	vld [tilespmem:s29+$0x0]  }
0x1ed: {  	s30 =	simm.s32 $0x20;
	s1 =	sand.u32 $0x3F0, s1;
	v7 =	vld [tilespmem:s29+$0xB40]  }
.LBB2_18:
0x1ee: {  	p0 =	sne.s32 s30, $0x3B0;
	v8 =	vld [tilespmem:s1+$0x13380]  }
0x1ef: {  	v9 =	vld [tilespmem:s1+$0x17380]  }
0x1f0: {  	v10 =	vld [tilespmem:s28+$0x780];
	_ =	sdelay $0x2  }
0x1f1: {  	vm0 =	vgt.s32 v6, v5;
	vm1 =	vgt.s32 v8, v7  }
0x1f2: {  	v5 =	vsel vm0, v5, v6;
	v6 =	vsel vm1, v7, v8  }
0x1f3: {  	v3 =	vsel vm0, v4, v3;
	v4 =	vsel vm1, v10, v9;
	vm0 =	vgt.s32 v5, v6  }
0x1f4: {  	s26 =	sadd.s32 $0x10, s26;
	v3 =	vsel vm0, v4, v3  }
0x1f5: {  	s28 =	sadd.s32 $0x10, s28;
	[tilespmem:s26+$0x0] =	vst v3  }
.Ltmp13:
0x1f6: {  	v3 =	vld [tilespmem:s28+$0xFFFFFC40];
	(pc) =	sbr.rel @p0 .LBB2_18-.Ltmp13, $4  }
0x1f7: {  	s29 =	sadd.s32 $0x10, s29;
	v4 =	vld [tilespmem:s28+$0x0]  }
0x1f8: {  	v5 =	vld [tilespmem:s29+$0x3C0]  }
0x1f9: {  	v6 =	vld [tilespmem:s29+$0x0]  }
0x1fa: {  	s1 =	sand.u32 $0x3F0, s30;
	s30 =	sadd.s32 $0x10, s30;
	v7 =	vld [tilespmem:s29+$0xB40]  }
0x1fb: {  	v8 =	vld [tilespmem:s1+$0x13380]  }
0x1fc: {  	v9 =	vld [tilespmem:s1+$0x17380]  }
0x1fd: {  	v10 =	vld [tilespmem:s28+$0x780];
	_ =	sdelay $0x2  }
0x1fe: {  	vm0 =	vgt.s32 v6, v5;
	vm1 =	vgt.s32 v8, v7  }
0x1ff: {  	v5 =	vsel vm0, v5, v6;
	v6 =	vsel vm1, v7, v8  }
0x200: {  	v3 =	vsel vm0, v4, v3;
	v4 =	vsel vm1, v10, v9;
	vm12 =	vgt.s32 v5, v6  }
0x201: {  	s26 =	sadd.s32 $0x10, s26;
	v3 =	vsel vm12, v4, v3  }
0x202: {  	s1 =	simm.s32 $0x0;
	[tilespmem:s26+$0x0] =	vst v3;
	s26 =	simm.s32 $0x1AC00  }
0x203: {  	[hbm4b:s7+s1] =	stream.linear.scatter [tilespmem:s26], [sflag:$0x1], $0x3C0, $0x38;
	[tilespmem:$0x1EC00] =	vst v63  }
0x204: {  	_ =	swait.ge [sflag:s16], $0x3C0  }
0x205: {  	s29 =	sld [smem:$0x7CB]  }
0x206: {  	[sflag:s16] =	ssyncset.done $0x0  }
0x207: {  	s28 =	simm.s32 $0x12C00;
	[sflag:s16] =	ssyncadd.s32 $0xFFFFFC40  }
0x208: {  	[tilespmem:s28], [sflag:$0x1] =	stream.linear.gather [hbm4b:s29+s1], $0x3C0, $0x38;
	[tilespmem:$0x1EC00] =	vst v63  }
0x209: {  	_ =	swait.ge [sflag:s16], $0x3C0  }
0x20a: {  	s29 =	sld [smem:$0x7CC]  }
0x20b: {  	[sflag:s16] =	ssyncset.done $0x0  }
0x20c: {  	[sflag:s16] =	ssyncadd.s32 $0xFFFFFC40  }
0x20d: {  	[tilespmem:s17], [sflag:$0x1] =	stream.linear.gather [hbm4b:s29+s1], $0x3C0, $0x38;
	[tilespmem:$0x1EC00] =	vst v63  }
0x20e: {  	_ =	swait.ge [sflag:s16], $0x3C0  }
0x20f: {  	s29 =	sld [smem:$0x7CD]  }
0x210: {  	[sflag:s16] =	ssyncset.done $0x0  }
0x211: {  	[sflag:s16] =	ssyncadd.s32 $0xFFFFFC40  }
0x212: {  	[tilespmem:s20], [sflag:$0x1] =	stream.linear.gather [hbm4b:s29+s1], $0x3C0, $0x38;
	[tilespmem:$0x1EC00] =	vst v63  }
0x213: {  	_ =	swait.ge [sflag:s16], $0x3C0  }
0x214: {  	s30 =	sld [smem:$0x7CE]  }
0x215: {  	[sflag:s16] =	ssyncset.done $0x0  }
0x216: {  	s29 =	simm.s32 $0x16FC0;
	[sflag:s16] =	ssyncadd.s32 $0xFFFFFC40  }
0x217: {  	[tilespmem:s29], [sflag:$0x1] =	stream.linear.gather [hbm4b:s30+s1], $0x3C0, $0x38;
	[tilespmem:$0x1EC00] =	vst v63  }
0x218: {  	_ =	swait.ge [sflag:s16], $0x3C0  }
0x219: {  	s30 =	sld [smem:$0x7CF]  }
0x21a: {  	[sflag:s16] =	ssyncset.done $0x0  }
0x21b: {  	[sflag:s16] =	ssyncadd.s32 $0xFFFFFC40  }
0x21c: {  	[tilespmem:s21], [sflag:$0x1] =	stream.linear.gather [hbm4b:s30+s1], $0x3C0, $0x38;
	[tilespmem:$0x1EC00] =	vst v63  }
0x21d: {  	_ =	swait.ge [sflag:s16], $0x3C0  }
0x21e: {  	s30 =	sld [smem:$0x7D0]  }
0x21f: {  	[sflag:s16] =	ssyncset.done $0x0  }
0x220: {  	[sflag:s16] =	ssyncadd.s32 $0xFFFFFC40  }
0x221: {  	[tilespmem:s22], [sflag:$0x1] =	stream.linear.gather [hbm4b:s30+s1], $0x3C0, $0x38;
	[tilespmem:$0x1EC00] =	vst v63  }
0x222: {  	_ =	swait.ge [sflag:s16], $0x3C0  }
0x223: {  	s30 =	sld [smem:$0x7D1]  }
0x224: {  	[sflag:s16] =	ssyncset.done $0x0  }
0x225: {  	[sflag:s16] =	ssyncadd.s32 $0xFFFFFC40  }
0x226: {  	[tilespmem:s23], [sflag:$0x1] =	stream.linear.gather [hbm4b:s30+s1], $0x3C0, $0x38;
	[tilespmem:$0x1EC00] =	vst v63  }
0x227: {  	_ =	swait.ge [sflag:s16], $0x3C0  }
0x228: {  	s30 =	sld [smem:$0x7D2]  }
0x229: {  	[sflag:s16] =	ssyncset.done $0x0  }
0x22a: {  	[sflag:s16] =	ssyncadd.s32 $0xFFFFFC40  }
0x22b: {  	[tilespmem:s24], [sflag:$0x1] =	stream.linear.gather [hbm4b:s30+s1], $0x3C0, $0x38;
	[tilespmem:$0x1EC00] =	vst v63  }
0x22c: {  	_ =	swait.ge [sflag:s16], $0x3C0  }
0x22d: {  	[sflag:s16] =	ssyncset.done $0x0  }
0x22e: {  	[sflag:s16] =	ssyncadd.s32 $0xFFFFFC40  }
0x22f: {  	v3 =	vld [tilespmem:s29+$0xFFFFFC40]  }
0x230: {  	v4 =	vld [tilespmem:s29+$0x0]  }
0x231: {  	v5 =	vld [tilespmem:s28+$0x3C0]  }
0x232: {  	v6 =	vld [tilespmem:s28+$0x0]  }
0x233: {  	s1 =	sand.u32 $0x3F0, s1;
	v7 =	vld [tilespmem:s28+$0xB40]  }
0x234: {  	v8 =	vld [tilespmem:s1+$0x13380]  }
0x235: {  	v62 =	vld [tilespmem:s1+$0x17380]  }
0x236: {  	v63 =	vld [tilespmem:s29+$0x780];
	_ =	sdelay $0x2  }
0x237: {  	vm13 =	vgt.s32 v6, v5;
	vm14 =	vgt.s32 v8, v7  }
0x238: {  	v5 =	vsel vm13, v5, v6;
	v6 =	vsel vm14, v7, v8  }
0x239: {  	v3 =	vsel vm13, v4, v3;
	v4 =	vsel vm14, v63, v62;
	vm15 =	vgt.s32 v5, v6  }
0x23a: {  	v3 =	vsel vm15, v4, v3  }
0x23b: {  	s28 =	simm.s32 $0x16FD0;
	[tilespmem:s26+$0x0] =	vst v3  }
0x23c: {  	v3 =	vld [tilespmem:s28+$0xFFFFFC40]  }
0x23d: {  	s29 =	simm.s32 $0x12C10;
	v4 =	vld [tilespmem:s28+$0x0]  }
0x23e: {  	v5 =	vld [tilespmem:s29+$0x3C0]  }
0x23f: {  	s1 =	simm.s32 $0x10;
	v6 =	vld [tilespmem:s29+$0x0]  }
0x240: {  	s30 =	simm.s32 $0x20;
	s1 =	sand.u32 $0x3F0, s1;
	v7 =	vld [tilespmem:s29+$0xB40]  }
.LBB2_20:
0x241: {  	p0 =	sne.s32 s30, $0x3B0;
	v8 =	vld [tilespmem:s1+$0x13380]  }
0x242: {  	v9 =	vld [tilespmem:s1+$0x17380]  }
0x243: {  	v10 =	vld [tilespmem:s28+$0x780];
	_ =	sdelay $0x2  }
0x244: {  	vm0 =	vgt.s32 v6, v5;
	vm1 =	vgt.s32 v8, v7  }
0x245: {  	v5 =	vsel vm0, v5, v6;
	v6 =	vsel vm1, v7, v8  }
0x246: {  	v3 =	vsel vm0, v4, v3;
	v4 =	vsel vm1, v10, v9;
	vm0 =	vgt.s32 v5, v6  }
0x247: {  	s26 =	sadd.s32 $0x10, s26;
	v3 =	vsel vm0, v4, v3  }
0x248: {  	s28 =	sadd.s32 $0x10, s28;
	[tilespmem:s26+$0x0] =	vst v3  }
.Ltmp14:
0x249: {  	v3 =	vld [tilespmem:s28+$0xFFFFFC40];
	(pc) =	sbr.rel @p0 .LBB2_20-.Ltmp14, $4  }
0x24a: {  	s29 =	sadd.s32 $0x10, s29;
	v4 =	vld [tilespmem:s28+$0x0]  }
0x24b: {  	v5 =	vld [tilespmem:s29+$0x3C0]  }
0x24c: {  	v6 =	vld [tilespmem:s29+$0x0]  }
0x24d: {  	s1 =	sand.u32 $0x3F0, s30;
	s30 =	sadd.s32 $0x10, s30;
	v7 =	vld [tilespmem:s29+$0xB40]  }
0x24e: {  	v8 =	vld [tilespmem:s1+$0x13380]  }
0x24f: {  	v9 =	vld [tilespmem:s1+$0x17380]  }
0x250: {  	v10 =	vld [tilespmem:s28+$0x780];
	_ =	sdelay $0x2  }
0x251: {  	vm0 =	vgt.s32 v6, v5;
	vm1 =	vgt.s32 v8, v7  }
0x252: {  	v5 =	vsel vm0, v5, v6;
	v6 =	vsel vm1, v7, v8  }
0x253: {  	v3 =	vsel vm0, v4, v3;
	v4 =	vsel vm1, v10, v9;
	vm12 =	vgt.s32 v5, v6  }
0x254: {  	s26 =	sadd.s32 $0x10, s26;
	v3 =	vsel vm12, v4, v3  }
0x255: {  	s1 =	simm.s32 $0x0;
	[tilespmem:s26+$0x0] =	vst v3;
	s26 =	simm.s32 $0x1AC00  }
0x256: {  	[hbm4b:s8+s1] =	stream.linear.scatter [tilespmem:s26], [sflag:$0x1], $0x3C0, $0x38;
	[tilespmem:$0x1EC00] =	vst v63  }
0x257: {  	_ =	swait.ge [sflag:s16], $0x3C0  }
0x258: {  	s29 =	sld [smem:$0x7D3]  }
0x259: {  	[sflag:s16] =	ssyncset.done $0x0  }
0x25a: {  	s28 =	simm.s32 $0x12C00;
	[sflag:s16] =	ssyncadd.s32 $0xFFFFFC40  }
0x25b: {  	[tilespmem:s28], [sflag:$0x1] =	stream.linear.gather [hbm4b:s29+s1], $0x3C0, $0x38;
	[tilespmem:$0x1EC00] =	vst v63  }
0x25c: {  	_ =	swait.ge [sflag:s16], $0x3C0  }
0x25d: {  	s29 =	sld [smem:$0x7D4]  }
0x25e: {  	[sflag:s16] =	ssyncset.done $0x0  }
0x25f: {  	[sflag:s16] =	ssyncadd.s32 $0xFFFFFC40  }
0x260: {  	[tilespmem:s17], [sflag:$0x1] =	stream.linear.gather [hbm4b:s29+s1], $0x3C0, $0x38;
	[tilespmem:$0x1EC00] =	vst v63  }
0x261: {  	_ =	swait.ge [sflag:s16], $0x3C0  }
0x262: {  	s29 =	sld [smem:$0x7D5]  }
0x263: {  	[sflag:s16] =	ssyncset.done $0x0  }
0x264: {  	[sflag:s16] =	ssyncadd.s32 $0xFFFFFC40  }
0x265: {  	[tilespmem:s20], [sflag:$0x1] =	stream.linear.gather [hbm4b:s29+s1], $0x3C0, $0x38;
	[tilespmem:$0x1EC00] =	vst v63  }
0x266: {  	_ =	swait.ge [sflag:s16], $0x3C0  }
0x267: {  	s30 =	sld [smem:$0x7D6]  }
0x268: {  	[sflag:s16] =	ssyncset.done $0x0  }
0x269: {  	s29 =	simm.s32 $0x16FC0;
	[sflag:s16] =	ssyncadd.s32 $0xFFFFFC40  }
0x26a: {  	[tilespmem:s29], [sflag:$0x1] =	stream.linear.gather [hbm4b:s30+s1], $0x3C0, $0x38;
	[tilespmem:$0x1EC00] =	vst v63  }
0x26b: {  	_ =	swait.ge [sflag:s16], $0x3C0  }
0x26c: {  	s30 =	sld [smem:$0x7D7]  }
0x26d: {  	[sflag:s16] =	ssyncset.done $0x0  }
0x26e: {  	[sflag:s16] =	ssyncadd.s32 $0xFFFFFC40  }
0x26f: {  	[tilespmem:s21], [sflag:$0x1] =	stream.linear.gather [hbm4b:s30+s1], $0x3C0, $0x38;
	[tilespmem:$0x1EC00] =	vst v63  }
0x270: {  	_ =	swait.ge [sflag:s16], $0x3C0  }
0x271: {  	s30 =	sld [smem:$0x7D8]  }
0x272: {  	[sflag:s16] =	ssyncset.done $0x0  }
0x273: {  	[sflag:s16] =	ssyncadd.s32 $0xFFFFFC40  }
0x274: {  	[tilespmem:s22], [sflag:$0x1] =	stream.linear.gather [hbm4b:s30+s1], $0x3C0, $0x38;
	[tilespmem:$0x1EC00] =	vst v63  }
0x275: {  	_ =	swait.ge [sflag:s16], $0x3C0  }
0x276: {  	s30 =	sld [smem:$0x7D9]  }
0x277: {  	[sflag:s16] =	ssyncset.done $0x0  }
0x278: {  	[sflag:s16] =	ssyncadd.s32 $0xFFFFFC40  }
0x279: {  	[tilespmem:s23], [sflag:$0x1] =	stream.linear.gather [hbm4b:s30+s1], $0x3C0, $0x38;
	[tilespmem:$0x1EC00] =	vst v63  }
0x27a: {  	_ =	swait.ge [sflag:s16], $0x3C0  }
0x27b: {  	s30 =	sld [smem:$0x7DA]  }
0x27c: {  	[sflag:s16] =	ssyncset.done $0x0  }
0x27d: {  	[sflag:s16] =	ssyncadd.s32 $0xFFFFFC40  }
0x27e: {  	[tilespmem:s24], [sflag:$0x1] =	stream.linear.gather [hbm4b:s30+s1], $0x3C0, $0x38;
	[tilespmem:$0x1EC00] =	vst v63  }
0x27f: {  	_ =	swait.ge [sflag:s16], $0x3C0  }
0x280: {  	[sflag:s16] =	ssyncset.done $0x0  }
0x281: {  	[sflag:s16] =	ssyncadd.s32 $0xFFFFFC40  }
0x282: {  	v3 =	vld [tilespmem:s29+$0xFFFFFC40]  }
0x283: {  	v4 =	vld [tilespmem:s29+$0x0]  }
0x284: {  	v5 =	vld [tilespmem:s28+$0x3C0]  }
0x285: {  	v6 =	vld [tilespmem:s28+$0x0]  }
0x286: {  	s1 =	sand.u32 $0x3F0, s1;
	v7 =	vld [tilespmem:s28+$0xB40]  }
0x287: {  	v8 =	vld [tilespmem:s1+$0x13380]  }
0x288: {  	v62 =	vld [tilespmem:s1+$0x17380]  }
0x289: {  	v63 =	vld [tilespmem:s29+$0x780];
	_ =	sdelay $0x2  }
0x28a: {  	vm13 =	vgt.s32 v6, v5;
	vm14 =	vgt.s32 v8, v7  }
0x28b: {  	v5 =	vsel vm13, v5, v6;
	v6 =	vsel vm14, v7, v8  }
0x28c: {  	v3 =	vsel vm13, v4, v3;
	v4 =	vsel vm14, v63, v62;
	vm15 =	vgt.s32 v5, v6  }
0x28d: {  	v3 =	vsel vm15, v4, v3  }
0x28e: {  	s28 =	simm.s32 $0x16FD0;
	[tilespmem:s26+$0x0] =	vst v3  }
0x28f: {  	v3 =	vld [tilespmem:s28+$0xFFFFFC40]  }
0x290: {  	s29 =	simm.s32 $0x12C10;
	v4 =	vld [tilespmem:s28+$0x0]  }
0x291: {  	v5 =	vld [tilespmem:s29+$0x3C0]  }
0x292: {  	s1 =	simm.s32 $0x10;
	v6 =	vld [tilespmem:s29+$0x0]  }
0x293: {  	s30 =	simm.s32 $0x20;
	s1 =	sand.u32 $0x3F0, s1;
	v7 =	vld [tilespmem:s29+$0xB40]  }
.LBB2_22:
0x294: {  	p0 =	sne.s32 s30, $0x3B0;
	v8 =	vld [tilespmem:s1+$0x13380]  }
0x295: {  	v9 =	vld [tilespmem:s1+$0x17380]  }
0x296: {  	v10 =	vld [tilespmem:s28+$0x780];
	_ =	sdelay $0x2  }
0x297: {  	vm0 =	vgt.s32 v6, v5;
	vm1 =	vgt.s32 v8, v7  }
0x298: {  	v5 =	vsel vm0, v5, v6;
	v6 =	vsel vm1, v7, v8  }
0x299: {  	v3 =	vsel vm0, v4, v3;
	v4 =	vsel vm1, v10, v9;
	vm0 =	vgt.s32 v5, v6  }
0x29a: {  	s26 =	sadd.s32 $0x10, s26;
	v3 =	vsel vm0, v4, v3  }
0x29b: {  	s28 =	sadd.s32 $0x10, s28;
	[tilespmem:s26+$0x0] =	vst v3  }
.Ltmp15:
0x29c: {  	v3 =	vld [tilespmem:s28+$0xFFFFFC40];
	(pc) =	sbr.rel @p0 .LBB2_22-.Ltmp15, $4  }
0x29d: {  	s29 =	sadd.s32 $0x10, s29;
	v4 =	vld [tilespmem:s28+$0x0]  }
0x29e: {  	v5 =	vld [tilespmem:s29+$0x3C0]  }
0x29f: {  	v6 =	vld [tilespmem:s29+$0x0]  }
0x2a0: {  	s1 =	sand.u32 $0x3F0, s30;
	s30 =	sadd.s32 $0x10, s30;
	v7 =	vld [tilespmem:s29+$0xB40]  }
0x2a1: {  	v8 =	vld [tilespmem:s1+$0x13380]  }
0x2a2: {  	v9 =	vld [tilespmem:s1+$0x17380]  }
0x2a3: {  	v10 =	vld [tilespmem:s28+$0x780];
	_ =	sdelay $0x2  }
0x2a4: {  	vm0 =	vgt.s32 v6, v5;
	vm1 =	vgt.s32 v8, v7  }
0x2a5: {  	v5 =	vsel vm0, v5, v6;
	v6 =	vsel vm1, v7, v8  }
0x2a6: {  	v3 =	vsel vm0, v4, v3;
	v4 =	vsel vm1, v10, v9;
	vm12 =	vgt.s32 v5, v6  }
0x2a7: {  	s26 =	sadd.s32 $0x10, s26;
	v3 =	vsel vm12, v4, v3  }
0x2a8: {  	s1 =	simm.s32 $0x0;
	[tilespmem:s26+$0x0] =	vst v3;
	s26 =	simm.s32 $0x1AC00  }
0x2a9: {  	[hbm4b:s9+s1] =	stream.linear.scatter [tilespmem:s26], [sflag:$0x1], $0x3C0, $0x38;
	[tilespmem:$0x1EC00] =	vst v63  }
0x2aa: {  	_ =	swait.ge [sflag:s16], $0x3C0  }
0x2ab: {  	s29 =	sld [smem:$0x7DB]  }
0x2ac: {  	[sflag:s16] =	ssyncset.done $0x0  }
0x2ad: {  	s28 =	simm.s32 $0x12C00;
	[sflag:s16] =	ssyncadd.s32 $0xFFFFFC40  }
0x2ae: {  	[tilespmem:s28], [sflag:$0x1] =	stream.linear.gather [hbm4b:s29+s1], $0x3C0, $0x38;
	[tilespmem:$0x1EC00] =	vst v63  }
0x2af: {  	_ =	swait.ge [sflag:s16], $0x3C0  }
0x2b0: {  	s29 =	sld [smem:$0x7DC]  }
0x2b1: {  	[sflag:s16] =	ssyncset.done $0x0  }
0x2b2: {  	[sflag:s16] =	ssyncadd.s32 $0xFFFFFC40  }
0x2b3: {  	[tilespmem:s17], [sflag:$0x1] =	stream.linear.gather [hbm4b:s29+s1], $0x3C0, $0x38;
	[tilespmem:$0x1EC00] =	vst v63  }
0x2b4: {  	_ =	swait.ge [sflag:s16], $0x3C0  }
0x2b5: {  	s29 =	sld [smem:$0x7DD]  }
0x2b6: {  	[sflag:s16] =	ssyncset.done $0x0  }
0x2b7: {  	[sflag:s16] =	ssyncadd.s32 $0xFFFFFC40  }
0x2b8: {  	[tilespmem:s20], [sflag:$0x1] =	stream.linear.gather [hbm4b:s29+s1], $0x3C0, $0x38;
	[tilespmem:$0x1EC00] =	vst v63  }
0x2b9: {  	_ =	swait.ge [sflag:s16], $0x3C0  }
0x2ba: {  	s30 =	sld [smem:$0x7DE]  }
0x2bb: {  	[sflag:s16] =	ssyncset.done $0x0  }
0x2bc: {  	s29 =	simm.s32 $0x16FC0;
	[sflag:s16] =	ssyncadd.s32 $0xFFFFFC40  }
0x2bd: {  	[tilespmem:s29], [sflag:$0x1] =	stream.linear.gather [hbm4b:s30+s1], $0x3C0, $0x38;
	[tilespmem:$0x1EC00] =	vst v63  }
0x2be: {  	_ =	swait.ge [sflag:s16], $0x3C0  }
0x2bf: {  	s30 =	sld [smem:$0x7DF]  }
0x2c0: {  	[sflag:s16] =	ssyncset.done $0x0  }
0x2c1: {  	[sflag:s16] =	ssyncadd.s32 $0xFFFFFC40  }
0x2c2: {  	[tilespmem:s21], [sflag:$0x1] =	stream.linear.gather [hbm4b:s30+s1], $0x3C0, $0x38;
	[tilespmem:$0x1EC00] =	vst v63  }
0x2c3: {  	_ =	swait.ge [sflag:s16], $0x3C0  }
0x2c4: {  	s30 =	sld [smem:$0x7E0]  }
0x2c5: {  	[sflag:s16] =	ssyncset.done $0x0  }
0x2c6: {  	[sflag:s16] =	ssyncadd.s32 $0xFFFFFC40  }
0x2c7: {  	[tilespmem:s22], [sflag:$0x1] =	stream.linear.gather [hbm4b:s30+s1], $0x3C0, $0x38;
	[tilespmem:$0x1EC00] =	vst v63  }
0x2c8: {  	_ =	swait.ge [sflag:s16], $0x3C0  }
0x2c9: {  	s30 =	sld [smem:$0x7E1]  }
0x2ca: {  	[sflag:s16] =	ssyncset.done $0x0  }
0x2cb: {  	[sflag:s16] =	ssyncadd.s32 $0xFFFFFC40  }
0x2cc: {  	[tilespmem:s23], [sflag:$0x1] =	stream.linear.gather [hbm4b:s30+s1], $0x3C0, $0x38;
	[tilespmem:$0x1EC00] =	vst v63  }
0x2cd: {  	_ =	swait.ge [sflag:s16], $0x3C0  }
0x2ce: {  	s30 =	sld [smem:$0x7E2]  }
0x2cf: {  	[sflag:s16] =	ssyncset.done $0x0  }
0x2d0: {  	[sflag:s16] =	ssyncadd.s32 $0xFFFFFC40  }
0x2d1: {  	[tilespmem:s24], [sflag:$0x1] =	stream.linear.gather [hbm4b:s30+s1], $0x3C0, $0x38;
	[tilespmem:$0x1EC00] =	vst v63  }
0x2d2: {  	_ =	swait.ge [sflag:s16], $0x3C0  }
0x2d3: {  	[sflag:s16] =	ssyncset.done $0x0  }
0x2d4: {  	[sflag:s16] =	ssyncadd.s32 $0xFFFFFC40  }
0x2d5: {  	v3 =	vld [tilespmem:s29+$0xFFFFFC40]  }
0x2d6: {  	v4 =	vld [tilespmem:s29+$0x0]  }
0x2d7: {  	v5 =	vld [tilespmem:s28+$0x3C0]  }
0x2d8: {  	v6 =	vld [tilespmem:s28+$0x0]  }
0x2d9: {  	s1 =	sand.u32 $0x3F0, s1;
	v7 =	vld [tilespmem:s28+$0xB40]  }
0x2da: {  	v8 =	vld [tilespmem:s1+$0x13380]  }
0x2db: {  	v62 =	vld [tilespmem:s1+$0x17380]  }
0x2dc: {  	v63 =	vld [tilespmem:s29+$0x780];
	_ =	sdelay $0x2  }
0x2dd: {  	vm13 =	vgt.s32 v6, v5;
	vm14 =	vgt.s32 v8, v7  }
0x2de: {  	v5 =	vsel vm13, v5, v6;
	v6 =	vsel vm14, v7, v8  }
0x2df: {  	v3 =	vsel vm13, v4, v3;
	v4 =	vsel vm14, v63, v62;
	vm15 =	vgt.s32 v5, v6  }
0x2e0: {  	v3 =	vsel vm15, v4, v3  }
0x2e1: {  	s28 =	simm.s32 $0x16FD0;
	[tilespmem:s26+$0x0] =	vst v3  }
0x2e2: {  	v3 =	vld [tilespmem:s28+$0xFFFFFC40]  }
0x2e3: {  	s29 =	simm.s32 $0x12C10;
	v4 =	vld [tilespmem:s28+$0x0]  }
0x2e4: {  	v5 =	vld [tilespmem:s29+$0x3C0]  }
0x2e5: {  	s1 =	simm.s32 $0x10;
	v6 =	vld [tilespmem:s29+$0x0]  }
0x2e6: {  	s30 =	simm.s32 $0x20;
	s1 =	sand.u32 $0x3F0, s1;
	v7 =	vld [tilespmem:s29+$0xB40]  }
.LBB2_24:
0x2e7: {  	p0 =	sne.s32 s30, $0x3B0;
	v8 =	vld [tilespmem:s1+$0x13380]  }
0x2e8: {  	v9 =	vld [tilespmem:s1+$0x17380]  }
0x2e9: {  	v10 =	vld [tilespmem:s28+$0x780];
	_ =	sdelay $0x2  }
0x2ea: {  	vm0 =	vgt.s32 v6, v5;
	vm1 =	vgt.s32 v8, v7  }
0x2eb: {  	v5 =	vsel vm0, v5, v6;
	v6 =	vsel vm1, v7, v8  }
0x2ec: {  	v3 =	vsel vm0, v4, v3;
	v4 =	vsel vm1, v10, v9;
	vm0 =	vgt.s32 v5, v6  }
0x2ed: {  	s26 =	sadd.s32 $0x10, s26;
	v3 =	vsel vm0, v4, v3  }
0x2ee: {  	s28 =	sadd.s32 $0x10, s28;
	[tilespmem:s26+$0x0] =	vst v3  }
.Ltmp16:
0x2ef: {  	v3 =	vld [tilespmem:s28+$0xFFFFFC40];
	(pc) =	sbr.rel @p0 .LBB2_24-.Ltmp16, $4  }
0x2f0: {  	s29 =	sadd.s32 $0x10, s29;
	v4 =	vld [tilespmem:s28+$0x0]  }
0x2f1: {  	v5 =	vld [tilespmem:s29+$0x3C0]  }
0x2f2: {  	v6 =	vld [tilespmem:s29+$0x0]  }
0x2f3: {  	s1 =	sand.u32 $0x3F0, s30;
	s30 =	sadd.s32 $0x10, s30;
	v7 =	vld [tilespmem:s29+$0xB40]  }
0x2f4: {  	v8 =	vld [tilespmem:s1+$0x13380]  }
0x2f5: {  	v9 =	vld [tilespmem:s1+$0x17380]  }
0x2f6: {  	v10 =	vld [tilespmem:s28+$0x780];
	_ =	sdelay $0x2  }
0x2f7: {  	vm0 =	vgt.s32 v6, v5;
	vm1 =	vgt.s32 v8, v7  }
0x2f8: {  	v5 =	vsel vm0, v5, v6;
	v6 =	vsel vm1, v7, v8  }
0x2f9: {  	v3 =	vsel vm0, v4, v3;
	v4 =	vsel vm1, v10, v9;
	vm12 =	vgt.s32 v5, v6  }
0x2fa: {  	s26 =	sadd.s32 $0x10, s26;
	v3 =	vsel vm12, v4, v3  }
0x2fb: {  	s1 =	simm.s32 $0x0;
	[tilespmem:s26+$0x0] =	vst v3;
	s26 =	simm.s32 $0x1AC00  }
0x2fc: {  	[hbm4b:s10+s1] =	stream.linear.scatter [tilespmem:s26], [sflag:$0x1], $0x3C0, $0x38;
	[tilespmem:$0x1EC00] =	vst v63  }
0x2fd: {  	_ =	swait.ge [sflag:s16], $0x3C0  }
0x2fe: {  	s29 =	sld [smem:$0x7E3]  }
0x2ff: {  	[sflag:s16] =	ssyncset.done $0x0  }
0x300: {  	s28 =	simm.s32 $0x12C00;
	[sflag:s16] =	ssyncadd.s32 $0xFFFFFC40  }
0x301: {  	[tilespmem:s28], [sflag:$0x1] =	stream.linear.gather [hbm4b:s29+s1], $0x3C0, $0x38;
	[tilespmem:$0x1EC00] =	vst v63  }
0x302: {  	_ =	swait.ge [sflag:s16], $0x3C0  }
0x303: {  	s29 =	sld [smem:$0x7E4]  }
0x304: {  	[sflag:s16] =	ssyncset.done $0x0  }
0x305: {  	[sflag:s16] =	ssyncadd.s32 $0xFFFFFC40  }
0x306: {  	[tilespmem:s17], [sflag:$0x1] =	stream.linear.gather [hbm4b:s29+s1], $0x3C0, $0x38;
	[tilespmem:$0x1EC00] =	vst v63  }
0x307: {  	_ =	swait.ge [sflag:s16], $0x3C0  }
0x308: {  	s29 =	sld [smem:$0x7E5]  }
0x309: {  	[sflag:s16] =	ssyncset.done $0x0  }
0x30a: {  	[sflag:s16] =	ssyncadd.s32 $0xFFFFFC40  }
0x30b: {  	[tilespmem:s20], [sflag:$0x1] =	stream.linear.gather [hbm4b:s29+s1], $0x3C0, $0x38;
	[tilespmem:$0x1EC00] =	vst v63  }
0x30c: {  	_ =	swait.ge [sflag:s16], $0x3C0  }
0x30d: {  	s30 =	sld [smem:$0x7E6]  }
0x30e: {  	[sflag:s16] =	ssyncset.done $0x0  }
0x30f: {  	s29 =	simm.s32 $0x16FC0;
	[sflag:s16] =	ssyncadd.s32 $0xFFFFFC40  }
0x310: {  	[tilespmem:s29], [sflag:$0x1] =	stream.linear.gather [hbm4b:s30+s1], $0x3C0, $0x38;
	[tilespmem:$0x1EC00] =	vst v63  }
0x311: {  	_ =	swait.ge [sflag:s16], $0x3C0  }
0x312: {  	s30 =	sld [smem:$0x7E7]  }
0x313: {  	[sflag:s16] =	ssyncset.done $0x0  }
0x314: {  	[sflag:s16] =	ssyncadd.s32 $0xFFFFFC40  }
0x315: {  	[tilespmem:s21], [sflag:$0x1] =	stream.linear.gather [hbm4b:s30+s1], $0x3C0, $0x38;
	[tilespmem:$0x1EC00] =	vst v63  }
0x316: {  	_ =	swait.ge [sflag:s16], $0x3C0  }
0x317: {  	s30 =	sld [smem:$0x7E8]  }
0x318: {  	[sflag:s16] =	ssyncset.done $0x0  }
0x319: {  	[sflag:s16] =	ssyncadd.s32 $0xFFFFFC40  }
0x31a: {  	[tilespmem:s22], [sflag:$0x1] =	stream.linear.gather [hbm4b:s30+s1], $0x3C0, $0x38;
	[tilespmem:$0x1EC00] =	vst v63  }
0x31b: {  	_ =	swait.ge [sflag:s16], $0x3C0  }
0x31c: {  	s30 =	sld [smem:$0x7E9]  }
0x31d: {  	[sflag:s16] =	ssyncset.done $0x0  }
0x31e: {  	[sflag:s16] =	ssyncadd.s32 $0xFFFFFC40  }
0x31f: {  	[tilespmem:s23], [sflag:$0x1] =	stream.linear.gather [hbm4b:s30+s1], $0x3C0, $0x38;
	[tilespmem:$0x1EC00] =	vst v63  }
0x320: {  	_ =	swait.ge [sflag:s16], $0x3C0  }
0x321: {  	s30 =	sld [smem:$0x7EA]  }
0x322: {  	[sflag:s16] =	ssyncset.done $0x0  }
0x323: {  	[sflag:s16] =	ssyncadd.s32 $0xFFFFFC40  }
0x324: {  	[tilespmem:s24], [sflag:$0x1] =	stream.linear.gather [hbm4b:s30+s1], $0x3C0, $0x38;
	[tilespmem:$0x1EC00] =	vst v63  }
0x325: {  	_ =	swait.ge [sflag:s16], $0x3C0  }
0x326: {  	[sflag:s16] =	ssyncset.done $0x0  }
0x327: {  	[sflag:s16] =	ssyncadd.s32 $0xFFFFFC40  }
0x328: {  	v3 =	vld [tilespmem:s29+$0xFFFFFC40]  }
0x329: {  	v4 =	vld [tilespmem:s29+$0x0]  }
0x32a: {  	v5 =	vld [tilespmem:s28+$0x3C0]  }
0x32b: {  	v6 =	vld [tilespmem:s28+$0x0]  }
0x32c: {  	s1 =	sand.u32 $0x3F0, s1;
	v7 =	vld [tilespmem:s28+$0xB40]  }
0x32d: {  	v8 =	vld [tilespmem:s1+$0x13380]  }
0x32e: {  	v62 =	vld [tilespmem:s1+$0x17380]  }
0x32f: {  	v63 =	vld [tilespmem:s29+$0x780];
	_ =	sdelay $0x2  }
0x330: {  	vm13 =	vgt.s32 v6, v5;
	vm14 =	vgt.s32 v8, v7  }
0x331: {  	v5 =	vsel vm13, v5, v6;
	v6 =	vsel vm14, v7, v8  }
0x332: {  	v3 =	vsel vm13, v4, v3;
	v4 =	vsel vm14, v63, v62;
	vm15 =	vgt.s32 v5, v6  }
0x333: {  	v3 =	vsel vm15, v4, v3  }
0x334: {  	s28 =	simm.s32 $0x16FD0;
	[tilespmem:s26+$0x0] =	vst v3  }
0x335: {  	v3 =	vld [tilespmem:s28+$0xFFFFFC40]  }
0x336: {  	s29 =	simm.s32 $0x12C10;
	v4 =	vld [tilespmem:s28+$0x0]  }
0x337: {  	v5 =	vld [tilespmem:s29+$0x3C0]  }
0x338: {  	s1 =	simm.s32 $0x10;
	v6 =	vld [tilespmem:s29+$0x0]  }
0x339: {  	s30 =	simm.s32 $0x20;
	s1 =	sand.u32 $0x3F0, s1;
	v7 =	vld [tilespmem:s29+$0xB40]  }
.LBB2_26:
0x33a: {  	p0 =	sne.s32 s30, $0x3B0;
	v8 =	vld [tilespmem:s1+$0x13380]  }
0x33b: {  	v9 =	vld [tilespmem:s1+$0x17380]  }
0x33c: {  	v10 =	vld [tilespmem:s28+$0x780];
	_ =	sdelay $0x2  }
0x33d: {  	vm0 =	vgt.s32 v6, v5;
	vm1 =	vgt.s32 v8, v7  }
0x33e: {  	v5 =	vsel vm0, v5, v6;
	v6 =	vsel vm1, v7, v8  }
0x33f: {  	v3 =	vsel vm0, v4, v3;
	v4 =	vsel vm1, v10, v9;
	vm0 =	vgt.s32 v5, v6  }
0x340: {  	s26 =	sadd.s32 $0x10, s26;
	v3 =	vsel vm0, v4, v3  }
0x341: {  	s28 =	sadd.s32 $0x10, s28;
	[tilespmem:s26+$0x0] =	vst v3  }
.Ltmp17:
0x342: {  	v3 =	vld [tilespmem:s28+$0xFFFFFC40];
	(pc) =	sbr.rel @p0 .LBB2_26-.Ltmp17, $4  }
0x343: {  	s29 =	sadd.s32 $0x10, s29;
	v4 =	vld [tilespmem:s28+$0x0]  }
0x344: {  	v5 =	vld [tilespmem:s29+$0x3C0]  }
0x345: {  	v6 =	vld [tilespmem:s29+$0x0]  }
0x346: {  	s1 =	sand.u32 $0x3F0, s30;
	s30 =	sadd.s32 $0x10, s30;
	v7 =	vld [tilespmem:s29+$0xB40]  }
0x347: {  	v8 =	vld [tilespmem:s1+$0x13380]  }
0x348: {  	v9 =	vld [tilespmem:s1+$0x17380]  }
0x349: {  	v10 =	vld [tilespmem:s28+$0x780];
	_ =	sdelay $0x2  }
0x34a: {  	vm0 =	vgt.s32 v6, v5;
	vm1 =	vgt.s32 v8, v7  }
0x34b: {  	v5 =	vsel vm0, v5, v6;
	v6 =	vsel vm1, v7, v8  }
0x34c: {  	v3 =	vsel vm0, v4, v3;
	v4 =	vsel vm1, v10, v9;
	vm12 =	vgt.s32 v5, v6  }
0x34d: {  	s26 =	sadd.s32 $0x10, s26;
	v3 =	vsel vm12, v4, v3  }
0x34e: {  	s1 =	simm.s32 $0x0;
	[tilespmem:s26+$0x0] =	vst v3;
	s26 =	simm.s32 $0x1AC00  }
0x34f: {  	[hbm4b:s12+s1] =	stream.linear.scatter [tilespmem:s26], [sflag:$0x1], $0x3C0, $0x38;
	[tilespmem:$0x1EC00] =	vst v63  }
0x350: {  	_ =	swait.ge [sflag:s16], $0x3C0  }
0x351: {  	s29 =	sld [smem:$0x7EB]  }
0x352: {  	[sflag:s16] =	ssyncset.done $0x0  }
0x353: {  	s28 =	simm.s32 $0x12C00;
	[sflag:s16] =	ssyncadd.s32 $0xFFFFFC40  }
0x354: {  	[tilespmem:s28], [sflag:$0x1] =	stream.linear.gather [hbm4b:s29+s1], $0x3C0, $0x38;
	[tilespmem:$0x1EC00] =	vst v63  }
0x355: {  	_ =	swait.ge [sflag:s16], $0x3C0  }
0x356: {  	s29 =	sld [smem:$0x7EC]  }
0x357: {  	[sflag:s16] =	ssyncset.done $0x0  }
0x358: {  	[sflag:s16] =	ssyncadd.s32 $0xFFFFFC40  }
0x359: {  	[tilespmem:s17], [sflag:$0x1] =	stream.linear.gather [hbm4b:s29+s1], $0x3C0, $0x38;
	[tilespmem:$0x1EC00] =	vst v63  }
0x35a: {  	_ =	swait.ge [sflag:s16], $0x3C0  }
0x35b: {  	s29 =	sld [smem:$0x7ED]  }
0x35c: {  	[sflag:s16] =	ssyncset.done $0x0  }
0x35d: {  	[sflag:s16] =	ssyncadd.s32 $0xFFFFFC40  }
0x35e: {  	[tilespmem:s20], [sflag:$0x1] =	stream.linear.gather [hbm4b:s29+s1], $0x3C0, $0x38;
	[tilespmem:$0x1EC00] =	vst v63  }
0x35f: {  	_ =	swait.ge [sflag:s16], $0x3C0  }
0x360: {  	s30 =	sld [smem:$0x7EE]  }
0x361: {  	[sflag:s16] =	ssyncset.done $0x0  }
0x362: {  	s29 =	simm.s32 $0x16FC0;
	[sflag:s16] =	ssyncadd.s32 $0xFFFFFC40  }
0x363: {  	[tilespmem:s29], [sflag:$0x1] =	stream.linear.gather [hbm4b:s30+s1], $0x3C0, $0x38;
	[tilespmem:$0x1EC00] =	vst v63  }
0x364: {  	_ =	swait.ge [sflag:s16], $0x3C0  }
0x365: {  	s30 =	sld [smem:$0x7EF]  }
0x366: {  	[sflag:s16] =	ssyncset.done $0x0  }
0x367: {  	[sflag:s16] =	ssyncadd.s32 $0xFFFFFC40  }
0x368: {  	[tilespmem:s21], [sflag:$0x1] =	stream.linear.gather [hbm4b:s30+s1], $0x3C0, $0x38;
	[tilespmem:$0x1EC00] =	vst v63  }
0x369: {  	_ =	swait.ge [sflag:s16], $0x3C0  }
0x36a: {  	s30 =	sld [smem:$0x7F0]  }
0x36b: {  	[sflag:s16] =	ssyncset.done $0x0  }
0x36c: {  	[sflag:s16] =	ssyncadd.s32 $0xFFFFFC40  }
0x36d: {  	[tilespmem:s22], [sflag:$0x1] =	stream.linear.gather [hbm4b:s30+s1], $0x3C0, $0x38;
	[tilespmem:$0x1EC00] =	vst v63  }
0x36e: {  	_ =	swait.ge [sflag:s16], $0x3C0  }
0x36f: {  	s30 =	sld [smem:$0x7F1]  }
0x370: {  	[sflag:s16] =	ssyncset.done $0x0  }
0x371: {  	[sflag:s16] =	ssyncadd.s32 $0xFFFFFC40  }
0x372: {  	[tilespmem:s23], [sflag:$0x1] =	stream.linear.gather [hbm4b:s30+s1], $0x3C0, $0x38;
	[tilespmem:$0x1EC00] =	vst v63  }
0x373: {  	_ =	swait.ge [sflag:s16], $0x3C0  }
0x374: {  	s30 =	sld [smem:$0x7F2]  }
0x375: {  	[sflag:s16] =	ssyncset.done $0x0  }
0x376: {  	[sflag:s16] =	ssyncadd.s32 $0xFFFFFC40  }
0x377: {  	[tilespmem:s24], [sflag:$0x1] =	stream.linear.gather [hbm4b:s30+s1], $0x3C0, $0x38;
	[tilespmem:$0x1EC00] =	vst v63  }
0x378: {  	_ =	swait.ge [sflag:s16], $0x3C0  }
0x379: {  	[sflag:s16] =	ssyncset.done $0x0  }
0x37a: {  	[sflag:s16] =	ssyncadd.s32 $0xFFFFFC40  }
0x37b: {  	v3 =	vld [tilespmem:s29+$0xFFFFFC40]  }
0x37c: {  	v4 =	vld [tilespmem:s29+$0x0]  }
0x37d: {  	v5 =	vld [tilespmem:s28+$0x3C0]  }
0x37e: {  	v6 =	vld [tilespmem:s28+$0x0]  }
0x37f: {  	s1 =	sand.u32 $0x3F0, s1;
	v7 =	vld [tilespmem:s28+$0xB40]  }
0x380: {  	v8 =	vld [tilespmem:s1+$0x13380]  }
0x381: {  	v62 =	vld [tilespmem:s1+$0x17380]  }
0x382: {  	v63 =	vld [tilespmem:s29+$0x780];
	_ =	sdelay $0x2  }
0x383: {  	vm13 =	vgt.s32 v6, v5;
	vm14 =	vgt.s32 v8, v7  }
0x384: {  	v5 =	vsel vm13, v5, v6;
	v6 =	vsel vm14, v7, v8  }
0x385: {  	v3 =	vsel vm13, v4, v3;
	v4 =	vsel vm14, v63, v62;
	vm15 =	vgt.s32 v5, v6  }
0x386: {  	v3 =	vsel vm15, v4, v3  }
0x387: {  	s28 =	simm.s32 $0x16FD0;
	[tilespmem:s26+$0x0] =	vst v3  }
0x388: {  	v3 =	vld [tilespmem:s28+$0xFFFFFC40]  }
0x389: {  	s29 =	simm.s32 $0x12C10;
	v4 =	vld [tilespmem:s28+$0x0]  }
0x38a: {  	v5 =	vld [tilespmem:s29+$0x3C0]  }
0x38b: {  	s1 =	simm.s32 $0x10;
	v6 =	vld [tilespmem:s29+$0x0]  }
0x38c: {  	s30 =	simm.s32 $0x20;
	s1 =	sand.u32 $0x3F0, s1;
	v7 =	vld [tilespmem:s29+$0xB40]  }
.LBB2_28:
0x38d: {  	p0 =	sne.s32 s30, $0x3B0;
	v8 =	vld [tilespmem:s1+$0x13380]  }
0x38e: {  	v9 =	vld [tilespmem:s1+$0x17380]  }
0x38f: {  	v10 =	vld [tilespmem:s28+$0x780];
	_ =	sdelay $0x2  }
0x390: {  	vm0 =	vgt.s32 v6, v5;
	vm1 =	vgt.s32 v8, v7  }
0x391: {  	v5 =	vsel vm0, v5, v6;
	v6 =	vsel vm1, v7, v8  }
0x392: {  	v3 =	vsel vm0, v4, v3;
	v4 =	vsel vm1, v10, v9;
	vm0 =	vgt.s32 v5, v6  }
0x393: {  	s26 =	sadd.s32 $0x10, s26;
	v3 =	vsel vm0, v4, v3  }
0x394: {  	s28 =	sadd.s32 $0x10, s28;
	[tilespmem:s26+$0x0] =	vst v3  }
.Ltmp18:
0x395: {  	v3 =	vld [tilespmem:s28+$0xFFFFFC40];
	(pc) =	sbr.rel @p0 .LBB2_28-.Ltmp18, $4  }
0x396: {  	s29 =	sadd.s32 $0x10, s29;
	v4 =	vld [tilespmem:s28+$0x0]  }
0x397: {  	v5 =	vld [tilespmem:s29+$0x3C0]  }
0x398: {  	v6 =	vld [tilespmem:s29+$0x0]  }
0x399: {  	s1 =	sand.u32 $0x3F0, s30;
	s30 =	sadd.s32 $0x10, s30;
	v7 =	vld [tilespmem:s29+$0xB40]  }
0x39a: {  	v8 =	vld [tilespmem:s1+$0x13380]  }
0x39b: {  	v9 =	vld [tilespmem:s1+$0x17380]  }
0x39c: {  	v10 =	vld [tilespmem:s28+$0x780];
	_ =	sdelay $0x2  }
0x39d: {  	vm0 =	vgt.s32 v6, v5;
	vm1 =	vgt.s32 v8, v7  }
0x39e: {  	v5 =	vsel vm0, v5, v6;
	v6 =	vsel vm1, v7, v8  }
0x39f: {  	v3 =	vsel vm0, v4, v3;
	v4 =	vsel vm1, v10, v9;
	vm12 =	vgt.s32 v5, v6  }
0x3a0: {  	s26 =	sadd.s32 $0x10, s26;
	v3 =	vsel vm12, v4, v3  }
0x3a1: {  	s1 =	simm.s32 $0x0;
	[tilespmem:s26+$0x0] =	vst v3;
	s26 =	simm.s32 $0x1AC00  }
0x3a2: {  	[hbm4b:s13+s1] =	stream.linear.scatter [tilespmem:s26], [sflag:$0x1], $0x3C0, $0x38;
	[tilespmem:$0x1EC00] =	vst v63  }
0x3a3: {  	_ =	swait.ge [sflag:s16], $0x3C0  }
0x3a4: {  	s29 =	sld [smem:$0x7F3]  }
0x3a5: {  	[sflag:s16] =	ssyncset.done $0x0  }
0x3a6: {  	s28 =	simm.s32 $0x12C00;
	[sflag:s16] =	ssyncadd.s32 $0xFFFFFC40  }
0x3a7: {  	[tilespmem:s28], [sflag:$0x1] =	stream.linear.gather [hbm4b:s29+s1], $0x3C0, $0x38;
	[tilespmem:$0x1EC00] =	vst v63  }
0x3a8: {  	_ =	swait.ge [sflag:s16], $0x3C0  }
0x3a9: {  	s29 =	sld [smem:$0x7F4]  }
0x3aa: {  	[sflag:s16] =	ssyncset.done $0x0  }
0x3ab: {  	[sflag:s16] =	ssyncadd.s32 $0xFFFFFC40  }
0x3ac: {  	[tilespmem:s17], [sflag:$0x1] =	stream.linear.gather [hbm4b:s29+s1], $0x3C0, $0x38;
	[tilespmem:$0x1EC00] =	vst v63  }
0x3ad: {  	_ =	swait.ge [sflag:s16], $0x3C0  }
0x3ae: {  	s29 =	sld [smem:$0x7F5]  }
0x3af: {  	[sflag:s16] =	ssyncset.done $0x0  }
0x3b0: {  	[sflag:s16] =	ssyncadd.s32 $0xFFFFFC40  }
0x3b1: {  	[tilespmem:s20], [sflag:$0x1] =	stream.linear.gather [hbm4b:s29+s1], $0x3C0, $0x38;
	[tilespmem:$0x1EC00] =	vst v63  }
0x3b2: {  	_ =	swait.ge [sflag:s16], $0x3C0  }
0x3b3: {  	s30 =	sld [smem:$0x7F6]  }
0x3b4: {  	[sflag:s16] =	ssyncset.done $0x0  }
0x3b5: {  	s29 =	simm.s32 $0x16FC0;
	[sflag:s16] =	ssyncadd.s32 $0xFFFFFC40  }
0x3b6: {  	[tilespmem:s29], [sflag:$0x1] =	stream.linear.gather [hbm4b:s30+s1], $0x3C0, $0x38;
	[tilespmem:$0x1EC00] =	vst v63  }
0x3b7: {  	_ =	swait.ge [sflag:s16], $0x3C0  }
0x3b8: {  	s30 =	sld [smem:$0x7F7]  }
0x3b9: {  	[sflag:s16] =	ssyncset.done $0x0  }
0x3ba: {  	[sflag:s16] =	ssyncadd.s32 $0xFFFFFC40  }
0x3bb: {  	[tilespmem:s21], [sflag:$0x1] =	stream.linear.gather [hbm4b:s30+s1], $0x3C0, $0x38;
	[tilespmem:$0x1EC00] =	vst v63  }
0x3bc: {  	_ =	swait.ge [sflag:s16], $0x3C0  }
0x3bd: {  	s30 =	sld [smem:$0x7F8]  }
0x3be: {  	[sflag:s16] =	ssyncset.done $0x0  }
0x3bf: {  	[sflag:s16] =	ssyncadd.s32 $0xFFFFFC40  }
0x3c0: {  	[tilespmem:s22], [sflag:$0x1] =	stream.linear.gather [hbm4b:s30+s1], $0x3C0, $0x38;
	[tilespmem:$0x1EC00] =	vst v63  }
0x3c1: {  	_ =	swait.ge [sflag:s16], $0x3C0  }
0x3c2: {  	s30 =	sld [smem:$0x7FB]  }
0x3c3: {  	[sflag:s16] =	ssyncset.done $0x0  }
0x3c4: {  	[sflag:s16] =	ssyncadd.s32 $0xFFFFFC40  }
0x3c5: {  	[tilespmem:s23], [sflag:$0x1] =	stream.linear.gather [hbm4b:s30+s1], $0x3C0, $0x38;
	[tilespmem:$0x1EC00] =	vst v63  }
0x3c6: {  	_ =	swait.ge [sflag:s16], $0x3C0  }
0x3c7: {  	s30 =	sld [smem:$0x7FC]  }
0x3c8: {  	[sflag:s16] =	ssyncset.done $0x0  }
0x3c9: {  	[sflag:s16] =	ssyncadd.s32 $0xFFFFFC40  }
0x3ca: {  	[tilespmem:s24], [sflag:$0x1] =	stream.linear.gather [hbm4b:s30+s1], $0x3C0, $0x38;
	[tilespmem:$0x1EC00] =	vst v63  }
0x3cb: {  	_ =	swait.ge [sflag:s16], $0x3C0  }
0x3cc: {  	[sflag:s16] =	ssyncset.done $0x0  }
0x3cd: {  	[sflag:s16] =	ssyncadd.s32 $0xFFFFFC40  }
0x3ce: {  	v3 =	vld [tilespmem:s29+$0xFFFFFC40]  }
0x3cf: {  	v4 =	vld [tilespmem:s29+$0x0]  }
0x3d0: {  	v5 =	vld [tilespmem:s28+$0x3C0]  }
0x3d1: {  	v6 =	vld [tilespmem:s28+$0x0]  }
0x3d2: {  	s1 =	sand.u32 $0x3F0, s1;
	v7 =	vld [tilespmem:s28+$0xB40]  }
0x3d3: {  	v8 =	vld [tilespmem:s1+$0x13380]  }
0x3d4: {  	v62 =	vld [tilespmem:s1+$0x17380]  }
0x3d5: {  	v63 =	vld [tilespmem:s29+$0x780];
	_ =	sdelay $0x2  }
0x3d6: {  	vm13 =	vgt.s32 v6, v5;
	vm14 =	vgt.s32 v8, v7  }
0x3d7: {  	v5 =	vsel vm13, v5, v6;
	v6 =	vsel vm14, v7, v8  }
0x3d8: {  	v3 =	vsel vm13, v4, v3;
	v4 =	vsel vm14, v63, v62;
	vm15 =	vgt.s32 v5, v6  }
0x3d9: {  	v3 =	vsel vm15, v4, v3  }
0x3da: {  	s28 =	simm.s32 $0x16FD0;
	[tilespmem:s26+$0x0] =	vst v3  }
0x3db: {  	v3 =	vld [tilespmem:s28+$0xFFFFFC40]  }
0x3dc: {  	s29 =	simm.s32 $0x12C10;
	v4 =	vld [tilespmem:s28+$0x0]  }
0x3dd: {  	v5 =	vld [tilespmem:s29+$0x3C0]  }
0x3de: {  	s1 =	simm.s32 $0x10;
	v6 =	vld [tilespmem:s29+$0x0]  }
0x3df: {  	s30 =	simm.s32 $0x20;
	s1 =	sand.u32 $0x3F0, s1;
	v7 =	vld [tilespmem:s29+$0xB40]  }
.LBB2_30:
0x3e0: {  	p0 =	sne.s32 s30, $0x3B0;
	v8 =	vld [tilespmem:s1+$0x13380]  }
0x3e1: {  	v9 =	vld [tilespmem:s1+$0x17380]  }
0x3e2: {  	v10 =	vld [tilespmem:s28+$0x780];
	_ =	sdelay $0x2  }
0x3e3: {  	vm0 =	vgt.s32 v6, v5;
	vm1 =	vgt.s32 v8, v7  }
0x3e4: {  	v5 =	vsel vm0, v5, v6;
	v6 =	vsel vm1, v7, v8  }
0x3e5: {  	v3 =	vsel vm0, v4, v3;
	v4 =	vsel vm1, v10, v9;
	vm0 =	vgt.s32 v5, v6  }
0x3e6: {  	s26 =	sadd.s32 $0x10, s26;
	v3 =	vsel vm0, v4, v3  }
0x3e7: {  	s28 =	sadd.s32 $0x10, s28;
	[tilespmem:s26+$0x0] =	vst v3  }
.Ltmp19:
0x3e8: {  	v3 =	vld [tilespmem:s28+$0xFFFFFC40];
	(pc) =	sbr.rel @p0 .LBB2_30-.Ltmp19, $4  }
0x3e9: {  	s29 =	sadd.s32 $0x10, s29;
	v4 =	vld [tilespmem:s28+$0x0]  }
0x3ea: {  	v5 =	vld [tilespmem:s29+$0x3C0]  }
0x3eb: {  	v6 =	vld [tilespmem:s29+$0x0]  }
0x3ec: {  	s1 =	sand.u32 $0x3F0, s30;
	s30 =	sadd.s32 $0x10, s30;
	v7 =	vld [tilespmem:s29+$0xB40]  }
0x3ed: {  	v8 =	vld [tilespmem:s1+$0x13380]  }
0x3ee: {  	v9 =	vld [tilespmem:s1+$0x17380]  }
0x3ef: {  	v10 =	vld [tilespmem:s28+$0x780];
	_ =	sdelay $0x2  }
0x3f0: {  	vm0 =	vgt.s32 v6, v5;
	vm1 =	vgt.s32 v8, v7  }
0x3f1: {  	v5 =	vsel vm0, v5, v6;
	v62 =	vsel vm1, v7, v8  }
0x3f2: {  	v3 =	vsel vm0, v4, v3;
	v63 =	vsel vm1, v10, v9;
	vm15 =	vgt.s32 v5, v62  }
0x3f3: {  	s29 =	sadd.s32 $0x10, s26;
	v3 =	vsel vm15, v63, v3  }
0x3f4: {  	[tilespmem:s29+$0x0] =	vst v3  }
0x3f5: {  	[hbm4b:s14+s2] =	stream.linear.scatter [tilespmem:s18], [sflag:$0x1], $0x3C0, $0x38;
	[tilespmem:$0x1EC00] =	vst v63  }
0x3f6: {  	_ =	swait.ge [sflag:s16], $0x3C0  }
0x3f7: {  	s30 =	sld [smem:$0x7FD];
	_ =	sdelay $0x1  }
0x3f8: {  	s25 =	sadd.s32 $0x1, s25  }
0x3f9: {  	p0 =	sne.s32 s25, s30  }
.Ltmp20:
0x3fa: {  	_ = 	snop;
	(pc) =	sbr.rel @p0 .LBB2_1-.Ltmp20, $3  }
0x3fb: {  	_ =	sdelay $0x1  }
0x3fc: {  	[sflag:s16] =	ssyncset.done $0x0  }
0x3fd: {  	[sflag:s16] =	ssyncadd.s32 $0xFFFFFC40  }
0x3fe: {  	_ =	sfence.sel $0x180000  }
0x3ff: {  	[bflag:$0x0] =	sbarrier.arrive $0xFFFF  }
0x400: {  	_ =	strace $0x90000047  }
0x401: {  	s0 =	stileid.u32;
	[bflag:$0x2] =	sbarrier.arrive $0xFFFF  }
0x402: {  	p0 =	sne.s32 s0, $0x0;
	s0 =	rddreg [dreg:$0x2]  }
0x403: {  	s0 =	sadd.s32 @!p0 $0x100000, s0  }
0x404: {  	[sflag:s0] =	ssyncadd.tile.s32 @!p0 $0x1;
	_ =	shalt  }
.Lfunc_end2:
_tile_overlayer_lowered:
.L_overlay_start_2:
0x405: {  	(tag) =	ssettag $0x2  }
0x406: {  	s0 =	rddreg [dreg:$0x0];
	s2 =	stileid.u32  }
0x407: {  	s1 =	rddreg [dreg:$0x1];
	p0 =	sne.s32 s2, $0x0  }
0x408: {  	s3 =	rddreg [dreg:$0x2];
	[bflag:$0x3] =	sbarrier.arrive $0xFFFF;
	s2 =	simm.s32 @!p0 $0x1C01  }
0x409: {  	[timem:s3], [sflag:s2] =	dma.local @!p0 [hbm:s0], s1  }
0x40a: {  	s0 =	simm.s32 @!p0 $0x1  }
0x40b: {  	_ =	swait.ge @!p0 [sflag:s0], s1  }
0x40c: {  	s1 =	ssub.s32 @!p0 $0x0, s1;
	[sflag:s0] =	ssyncset.done @!p0 $0x0  }
0x40d: {  	[sflag:s0] =	ssyncadd.s32 @!p0 s1  }
0x40e: {  	[bflag:$0x3] =	sbarrier.arrive $0xFFFF  }
0x40f: {  	_ =	shalt  }

</sc_bundles>
